<compile_context>
chip_gen: v7x
topology: tpu7x:2x2x1
jax: 0.10.2.dev20260603
libtpu: 0.0.44.dev20260713+nightly
codegen_flags: <defaults>
</compile_context>

<pallas_src>
import functools

import jax
import jax.numpy as jnp
from jax import lax
from jax.experimental import pallas as pl
from jax.experimental.pallas import tpu as pltpu
from jax.experimental.pallas import tpu_sc as plsc

H = 1024
W = 1024
HW = H * W
B = 524288

NC = 2
NS = 16
NW = NC * NS
NPW = B // NW
NV = NPW // 16
NR = NPW // 128
NSLOT = 4


def _ones_image():
    def body(o_ref):
        o_ref[...] = jnp.ones_like(o_ref)

    return pl.pallas_call(
        body,
        out_shape=jax.ShapeDtypeStruct((HW * 3 // 1024, 1024), jnp.float32),
        grid=(24,),
        out_specs=pl.BlockSpec((HW * 3 // 1024 // 24, 1024), lambda i: (i, 0)),
    )()


_mesh = plsc.VectorSubcoreMesh(core_axis_name="c", subcore_axis_name="s")


@functools.partial(
    pl.kernel,
    out_type=(),
    mesh=_mesh,
    compiler_params=pltpu.CompilerParams(
        needs_layout_passes=False, use_tc_tiling_on_sc=False),
    scratch_types=(
        [
            pltpu.VMEM((NPW + 16,), jnp.int32),
            pltpu.VMEM((NPW,), jnp.int32),
        ]
        + [pltpu.VMEM((128,), jnp.int32) for _ in range(3 * NSLOT)]
        + [pltpu.VMEM((128,), jnp.int32) for _ in range(3 * NSLOT)]
        + [pltpu.VMEM((128,), jnp.float32) for _ in range(3 * NSLOT)]
        + [pltpu.SemaphoreType.DMA, pltpu.SemaphoreType.DMA]
    ),
)
def _sc_scatter(img1, kdks1, vi, ei, c1, *rest):
    nsl = 3 * NSLOT
    sidx = rest[0:nsl]
    didx = rest[nsl:2 * nsl]
    vals = rest[2 * nsl:3 * nsl]
    gsem = rest[3 * nsl]
    ssem = rest[3 * nsl + 1]
    wid = lax.axis_index("s") * NC + lax.axis_index("c")
    base = wid * NPW

    pltpu.sync_copy(vi.at[pl.ds(base, NPW)], ei.at[pl.ds(0, NPW)])

    @pl.when(wid == NW - 1)
    def _():
        ei[pl.ds(NPW, 16)] = jnp.full((16,), -1, jnp.int32)

    @pl.when(wid < NW - 1)
    def _():
        pltpu.sync_copy(vi.at[pl.ds(base + NPW, 16)], ei.at[pl.ds(NPW, 16)])

    iota16 = lax.iota(jnp.int32, 16)

    def cbody(j, carry):
        cnt, pos = carry
        a = ei[pl.ds(j * 16, 16)]
        b = plsc.load_gather(ei, [pos + 1])
        m = a != b
        mi = jnp.where(m, 1, 0).astype(jnp.int32)
        ranks = cnt + jnp.cumsum(mi) - mi
        plsc.store_scatter(c1, [ranks], pos, mask=m)
        cnt = cnt + jnp.max(plsc.all_reduce_population_count(m))
        return cnt, pos + 16

    ucnt, _ = lax.fori_loop(0, NV, cbody, (jnp.int32(0), iota16))

    t = jnp.maximum(ucnt, 1)

    @pl.when(ucnt > 0)
    def _():
        def dbody(g0, carry):
            for k in range(NSLOT):
                g = g0 * NSLOT + k
                for v in range(8):
                    j = g * 8 + v
                    pos = j * 16 + iota16
                    wrap = lax.rem(pos, t)
                    sel = jnp.where(pos >= ucnt, wrap, pos)
                    cpos = plsc.load_gather(c1, [sel])
                    dest = plsc.load_gather(ei, [cpos])
                    s0 = (cpos + base) * 6
                    d0 = dest * 3
                    for c in range(3):
                        sidx[3 * k + c][pl.ds(v * 16, 16)] = s0 + c
                        didx[3 * k + c][pl.ds(v * 16, 16)] = d0 + c
            gws = [
                pltpu.async_copy(kdks1.at[sidx[i]], vals[i], gsem)
                for i in range(nsl)
            ]
            for w_ in gws:
                w_.wait()
            sws = [
                pltpu.async_copy(vals[i], img1.at[didx[i]], ssem)
                for i in range(nsl)
            ]
            for w_ in sws:
                w_.wait()
            return carry

        lax.fori_loop(0, NR // NSLOT, dbody, 0)


def kernel(kdks, valid_indices):
    kdks1 = kdks.reshape(6 * B)
    img1 = jax.new_ref(_ones_image().reshape(3 * HW))
    _sc_scatter(img1, kdks1, valid_indices)
    return img1[...].reshape(1, H, W, 3)

# --- scband reference (transcript-rebuilt; emitter-appended) ---
"""Pipeline reference for scband-d-texture-88837103551017 (READ-ONLY COPY).

The authoritative reference and input builder live on the scoring server;
editing this copy changes nothing except your own understanding.
"""

import jax, jax.numpy as jnp
import numpy as np

H = 1024
W = 1024
B = 524288

def setup_inputs(seed: int = 0) -> dict:
    key = jax.random.key(seed)
    k1, k2 = jax.random.split(key)
    # kdks: per-fragment texture outputs from the dynamic texture MLP (sigmoid activation -> [0,1])
    kdks = jax.random.uniform(k1, (B, 6), dtype=jnp.float32)
    # valid_indices: flat pixel indices where alpha mask > 0.5 (sorted, as torch.where returns sorted)
    valid_indices = jnp.sort(jax.random.randint(k2, (B,), 0, H * W))
    return {"kdks": kdks, "valid_indices": valid_indices}

def reference(kdks, valid_indices):
    # kd_colormap_flattened = torch.ones(H*W, 3); kd_colormap_flattened[valid_indices] = kdks[..., :3]
    kd_flat = jnp.ones((H * W, 3), dtype=kdks.dtype)
    kd_flat = kd_flat.at[valid_indices].set(kdks[:, :3])
    # kd = kd_colormap_flattened.view(1, H, W, 3); colors = kd (direct shader path)
    kd = kd_flat.reshape(1, H, W, 3)
    return kd

if __name__ == "__main__":
    import jax
    _d = setup_inputs()
    print(jax.jit(kernel)(*tuple(_d.values())))

</pallas_src>

<mosaic_0001>
#map = affine_map<(d0, d1) -> (0)>
module attributes {stable_mosaic.version = 14 : i64} {
  func.func @new_body(%arg0: i32, %arg1: i32, %arg2: memref<3145728xf32, #tpu.memory_space<hbm>>, %arg3: memref<3145728xf32, #tpu.memory_space<hbm>>, %arg4: memref<524288xi32, #tpu.memory_space<hbm>>, %arg5: memref<3145728xf32, #tpu.memory_space<hbm>>, %arg6: memref<16400xi32, #tpu.memory_space<vmem>>, %arg7: memref<16384xi32, #tpu.memory_space<vmem>>, %arg8: memref<128xi32, #tpu.memory_space<vmem>>, %arg9: memref<128xi32, #tpu.memory_space<vmem>>, %arg10: memref<128xi32, #tpu.memory_space<vmem>>, %arg11: memref<128xi32, #tpu.memory_space<vmem>>, %arg12: memref<128xi32, #tpu.memory_space<vmem>>, %arg13: memref<128xi32, #tpu.memory_space<vmem>>, %arg14: memref<128xi32, #tpu.memory_space<vmem>>, %arg15: memref<128xi32, #tpu.memory_space<vmem>>, %arg16: memref<128xi32, #tpu.memory_space<vmem>>, %arg17: memref<128xi32, #tpu.memory_space<vmem>>, %arg18: memref<128xi32, #tpu.memory_space<vmem>>, %arg19: memref<128xi32, #tpu.memory_space<vmem>>, %arg20: memref<128xi32, #tpu.memory_space<vmem>>, %arg21: memref<128xi32, #tpu.memory_space<vmem>>, %arg22: memref<128xi32, #tpu.memory_space<vmem>>, %arg23: memref<128xi32, #tpu.memory_space<vmem>>, %arg24: memref<128xi32, #tpu.memory_space<vmem>>, %arg25: memref<128xi32, #tpu.memory_space<vmem>>, %arg26: memref<128xi32, #tpu.memory_space<vmem>>, %arg27: memref<128xi32, #tpu.memory_space<vmem>>, %arg28: memref<128xi32, #tpu.memory_space<vmem>>, %arg29: memref<128xi32, #tpu.memory_space<vmem>>, %arg30: memref<128xi32, #tpu.memory_space<vmem>>, %arg31: memref<128xi32, #tpu.memory_space<vmem>>, %arg32: memref<128xf32, #tpu.memory_space<vmem>>, %arg33: memref<128xf32, #tpu.memory_space<vmem>>, %arg34: memref<128xf32, #tpu.memory_space<vmem>>, %arg35: memref<128xf32, #tpu.memory_space<vmem>>, %arg36: memref<128xf32, #tpu.memory_space<vmem>>, %arg37: memref<128xf32, #tpu.memory_space<vmem>>, %arg38: memref<128xf32, #tpu.memory_space<vmem>>, %arg39: memref<128xf32, #tpu.memory_space<vmem>>, %arg40: memref<128xf32, #tpu.memory_space<vmem>>, %arg41: memref<128xf32, #tpu.memory_space<vmem>>, %arg42: memref<128xf32, #tpu.memory_space<vmem>>, %arg43: memref<128xf32, #tpu.memory_space<vmem>>, %arg44: memref<!tpu.dma_semaphore, #tpu.memory_space<semaphore_mem>>, %arg45: memref<!tpu.dma_semaphore, #tpu.memory_space<semaphore_mem>>) attributes {dimension_semantics = [#tpu.dimension_semantics<core_parallel>, #tpu.dimension_semantics<subcore_parallel>], iteration_bounds = array<i64: 2, 16>, scalar_prefetch = 0 : i64, scratch_operands = 40 : i64, tpu.core_type = #tpu.core_type<sc_vector_subcore>, window_params = [{transform_indices = #map}, {transform_indices = #map}, {transform_indices = #map}, {transform_indices = #map}]} {
    %mul3A = arith.constant 2 : i32
    %mul3A_0 = arith.muli %arg1, %mul3A : i32
    %add3A = arith.addi %mul3A_0, %arg0 : i32
    %mul3A_1 = arith.constant 16384 : i32
    %mul3A_2 = arith.muli %add3A, %mul3A_1 : i32
    "tpu.region"() ({
      %run_scoped3A = tpu.sem_alloc : memref<!tpu.dma_semaphore, #tpu.memory_space<semaphore_mem>>
      %dma_start3A = arith.constant 0 : i32
      %dma_start3A_20 = tpu.memref_slice %arg6[%dma_start3A] : memref<16400xi32, #tpu.memory_space<vmem>> -> memref<16384xi32, #tpu.memory_space<vmem>>
      %dma_start3A_21 = tpu.memref_slice %arg4[%mul3A_2] : memref<524288xi32, #tpu.memory_space<hbm>> -> memref<16384xi32, #tpu.memory_space<hbm>>
      %dma_start3A_22 = arith.constant 0 : i32
      %dma_start3A_23 = tpu.memref_slice %arg6[%dma_start3A_22] : memref<16400xi32, #tpu.memory_space<vmem>> -> memref<16384xi32, #tpu.memory_space<vmem>>
      %dma_start3A_24 = tpu.memref_slice %arg4[%mul3A_2] : memref<524288xi32, #tpu.memory_space<hbm>> -> memref<16384xi32, #tpu.memory_space<hbm>>
      tpu.enqueue_dma source(%dma_start3A_24 : memref<16384xi32, #tpu.memory_space<hbm>>) target(%dma_start3A_23 : memref<16384xi32, #tpu.memory_space<vmem>>) target_semaphore(%run_scoped3A : memref<!tpu.dma_semaphore, #tpu.memory_space<semaphore_mem>>)
      %dma_wait3A = arith.constant 0 : i32
      %dma_wait3A_25 = tpu.memref_slice %arg6[%dma_wait3A] : memref<16400xi32, #tpu.memory_space<vmem>> -> memref<16384xi32, #tpu.memory_space<vmem>>
      %dma_wait3A_26 = tpu.memref_slice %arg4[%mul3A_2] : memref<524288xi32, #tpu.memory_space<hbm>> -> memref<16384xi32, #tpu.memory_space<hbm>>
      %dma_wait3A_27 = arith.constant 0 : i32
      %dma_wait3A_28 = tpu.memref_slice %arg6[%dma_wait3A_27] : memref<16400xi32, #tpu.memory_space<vmem>> -> memref<16384xi32, #tpu.memory_space<vmem>>
      %dma_wait3A_29 = tpu.memref_slice %arg4[%mul3A_2] : memref<524288xi32, #tpu.memory_space<hbm>> -> memref<16384xi32, #tpu.memory_space<hbm>>
      tpu.wait_dma2 semaphore(%run_scoped3A : memref<!tpu.dma_semaphore, #tpu.memory_space<semaphore_mem>>) src(%dma_wait3A_29 : memref<16384xi32, #tpu.memory_space<hbm>>) dst(%dma_wait3A_28 : memref<16384xi32, #tpu.memory_space<vmem>>)
      tpu.yield
    }) : () -> ()
    %eq3A = arith.constant 31 : i32
    %eq3A_3 = arith.cmpi eq, %add3A, %eq3A : i32
    %convert_element_type3A = arith.extui %eq3A_3 : i1 to i32
    %cond3A = arith.constant 0 : i32
    %cond3A_4 = arith.cmpi ne, %convert_element_type3A, %cond3A : i32
    scf.if %cond3A_4 {
      %broadcast_in_dim3A = arith.constant -1 : i32
      %broadcast_in_dim3A_20 = vector.broadcast %broadcast_in_dim3A : i32 to vector<16xi32>
      %swap3A = arith.constant 16384 : index
      %swap3A_21 = tpu.vector_load %arg6[%swap3A] {strides = array<i32>} : memref<16400xi32, #tpu.memory_space<vmem>>, vector<16xi32>,
      tpu.vector_store %arg6[%swap3A], %broadcast_in_dim3A_20 {strides = array<i32>} : memref<16400xi32, #tpu.memory_space<vmem>>, vector<16xi32>,
    } else {
    }
    %lt3A = arith.constant 31 : i32
    %lt3A_5 = arith.cmpi slt, %add3A, %lt3A : i32
    %convert_element_type3A_6 = arith.extui %lt3A_5 : i1 to i32
    %cond3A_7 = arith.constant 0 : i32
    %cond3A_8 = arith.cmpi ne, %convert_element_type3A_6, %cond3A_7 : i32
    scf.if %cond3A_8 {
      %add3A_20 = arith.constant 16384 : i32
      %add3A_21 = arith.addi %mul3A_2, %add3A_20 : i32
      "tpu.region"() ({
        %run_scoped3A = tpu.sem_alloc : memref<!tpu.dma_semaphore, #tpu.memory_space<semaphore_mem>>
        %dma_start3A = arith.constant 16384 : i32
        %dma_start3A_22 = tpu.memref_slice %arg6[%dma_start3A] : memref<16400xi32, #tpu.memory_space<vmem>> -> memref<16xi32, #tpu.memory_space<vmem>>
        %dma_start3A_23 = tpu.memref_slice %arg4[%add3A_21] : memref<524288xi32, #tpu.memory_space<hbm>> -> memref<16xi32, #tpu.memory_space<hbm>>
        %dma_start3A_24 = arith.constant 16384 : i32
        %dma_start3A_25 = tpu.memref_slice %arg6[%dma_start3A_24] : memref<16400xi32, #tpu.memory_space<vmem>> -> memref<16xi32, #tpu.memory_space<vmem>>
        %dma_start3A_26 = tpu.memref_slice %arg4[%add3A_21] : memref<524288xi32, #tpu.memory_space<hbm>> -> memref<16xi32, #tpu.memory_space<hbm>>
        tpu.enqueue_dma source(%dma_start3A_26 : memref<16xi32, #tpu.memory_space<hbm>>) target(%dma_start3A_25 : memref<16xi32, #tpu.memory_space<vmem>>) target_semaphore(%run_scoped3A : memref<!tpu.dma_semaphore, #tpu.memory_space<semaphore_mem>>)
        %dma_wait3A = arith.constant 16384 : i32
        %dma_wait3A_27 = tpu.memref_slice %arg6[%dma_wait3A] : memref<16400xi32, #tpu.memory_space<vmem>> -> memref<16xi32, #tpu.memory_space<vmem>>
        %dma_wait3A_28 = tpu.memref_slice %arg4[%add3A_21] : memref<524288xi32, #tpu.memory_space<hbm>> -> memref<16xi32, #tpu.memory_space<hbm>>
        %dma_wait3A_29 = arith.constant 16384 : i32
        %dma_wait3A_30 = tpu.memref_slice %arg6[%dma_wait3A_29] : memref<16400xi32, #tpu.memory_space<vmem>> -> memref<16xi32, #tpu.memory_space<vmem>>
        %dma_wait3A_31 = tpu.memref_slice %arg4[%add3A_21] : memref<524288xi32, #tpu.memory_space<hbm>> -> memref<16xi32, #tpu.memory_space<hbm>>
        tpu.wait_dma2 semaphore(%run_scoped3A : memref<!tpu.dma_semaphore, #tpu.memory_space<semaphore_mem>>) src(%dma_wait3A_31 : memref<16xi32, #tpu.memory_space<hbm>>) dst(%dma_wait3A_30 : memref<16xi32, #tpu.memory_space<vmem>>)
        tpu.yield
      }) : () -> ()
    } else {
    }
    %iota3A = tpu.iota {dimensions = array<i32: 0>} : vector<16xi32>
    %scan3A = arith.constant 0 : i32
    %scan3A_9 = arith.constant 0 : i32
    %scan3A_10 = arith.constant 1024 : i32
    %scan3A_11 = arith.addi %scan3A_9, %scan3A_10 : i32
    %scan3A_12 = arith.constant 1 : i32
    %scan3A_13:2 = scf.for %scan3A_20 = %scan3A_9 to %scan3A_11 step %scan3A_12 iter_args(%scan3A_21 = %scan3A, %scan3A_22 = %iota3A) -> (i32, vector<16xi32>)  : i32 {
      %mul3A_23 = arith.constant 16 : i32
      %mul3A_24 = arith.muli %scan3A_20, %mul3A_23 : i32
      %get3A = arith.index_cast %mul3A_24 : i32 to index
      %get3A_25 = tpu.vector_load %arg6[%get3A] {strides = array<i32>} : memref<16400xi32, #tpu.memory_space<vmem>>, vector<16xi32>,
      %add3A_26 = arith.constant 1 : i32
      %add3A_27 = vector.broadcast %add3A_26 : i32 to vector<16xi32>
      %add3A_28 = arith.addi %scan3A_22, %add3A_27 : vector<16xi32>
      %gather3A = tpu.vector_load_idx %arg6[%add3A_28] : memref<16400xi32, #tpu.memory_space<vmem>>[vector<16xi32>], vector<16xi32>,
      %ne3A = arith.cmpi ne, %get3A_25, %gather3A : vector<16xi32>
      %jit3A = arith.constant 1 : i32
      %jit3A_29 = arith.constant 0 : i32
      %broadcast_in_dim3A = vector.broadcast %jit3A : i32 to vector<16xi32>
      %broadcast_in_dim3A_30 = vector.broadcast %jit3A_29 : i32 to vector<16xi32>
      %select_n3A = arith.select %ne3A, %broadcast_in_dim3A, %broadcast_in_dim3A_30 : vector<16xi1>, vector<16xi32>
      %cumsum3A = arith.constant true
      %cumsum3A_31 = vector.broadcast %cumsum3A : i1 to vector<16xi1>
      %cumsum3A_32 = tpu.scan <sum>, %select_n3A masked %cumsum3A_31 : vector<16xi32>, vector<16xi1> -> vector<16xi32>
      %add3A_33 = vector.broadcast %scan3A_21 : i32 to vector<16xi32>
      %add3A_34 = arith.addi %add3A_33, %cumsum3A_32 : vector<16xi32>
      %sub3A = arith.subi %add3A_34, %select_n3A : vector<16xi32>
      tpu.vector_store_idx %arg7[%sub3A], %scan3A_22 masked %ne3A : memref<16384xi32, #tpu.memory_space<vmem>>[vector<16xi32>], vector<16xi32>, vector<16xi1>
      %all_reduce_population_count3A = tpu.all_reduce %ne3A {dim = 0 : i64, kind = #tpu.reduction_kind<sum>} : vector<16xi1> -> vector<16xi32>
      %reduce_max3A = arith.constant true
      %reduce_max3A_35 = vector.broadcast %reduce_max3A : i1 to vector<16xi1>
      %reduce_max3A_36 = arith.constant -2147483648 : i32
      %reduce_max3A_37 = vector.broadcast %reduce_max3A_36 : i32 to vector<16xi32>
      %reduce_max3A_38 = arith.xori %all_reduce_population_count3A, %reduce_max3A_37 : vector<16xi32>
      %reduce_max3A_39 = tpu.scan <max>, %reduce_max3A_38 masked %reduce_max3A_35 : vector<16xi32>, vector<16xi1> -> vector<16xi32>
      %reduce_max3A_40 = arith.xori %reduce_max3A_39, %reduce_max3A_37 : vector<16xi32>
      %reduce_max3A_41 = vector.extract %reduce_max3A_40[15] : i32 from vector<16xi32>
      %add3A_42 = arith.addi %scan3A_21, %reduce_max3A_41 : i32
      %add3A_43 = arith.constant 16 : i32
      %add3A_44 = vector.broadcast %add3A_43 : i32 to vector<16xi32>
      %add3A_45 = arith.addi %scan3A_22, %add3A_44 : vector<16xi32>
      scf.yield %add3A_42, %add3A_45 : i32, vector<16xi32>
    }
    %scan3A_14 = arith.constant 1024 : i32
    %max3A = arith.constant 1 : i32
    %max3A_15 = arith.maxsi %scan3A_13#0, %max3A : i32
    %gt3A = arith.constant 0 : i32
    %gt3A_16 = arith.cmpi sgt, %scan3A_13#0, %gt3A : i32
    %convert_element_type3A_17 = arith.extui %gt3A_16 : i1 to i32
    %cond3A_18 = arith.constant 0 : i32
    %cond3A_19 = arith.cmpi ne, %convert_element_type3A_17, %cond3A_18 : i32
    scf.if %cond3A_19 {
      %scan3A_20 = arith.constant 0 : i32
      %scan3A_21 = arith.constant 0 : i32
      %scan3A_22 = arith.constant 32 : i32
      %scan3A_23 = arith.addi %scan3A_21, %scan3A_22 : i32
      %scan3A_24 = arith.constant 1 : i32
      scf.for %scan3A_26 = %scan3A_21 to %scan3A_23 step %scan3A_24  : i32 {
        %mul3A_27 = arith.constant 4 : i32
        %mul3A_28 = arith.muli %scan3A_26, %mul3A_27 : i32
        %add3A_29 = arith.constant 0 : i32
        %add3A_30 = arith.addi %mul3A_28, %add3A_29 : i32
        %mul3A_31 = arith.constant 8 : i32
        %mul3A_32 = arith.muli %add3A_30, %mul3A_31 : i32
        %add3A_33 = arith.constant 0 : i32
        %add3A_34 = arith.addi %mul3A_32, %add3A_33 : i32
        %mul3A_35 = arith.constant 16 : i32
        %mul3A_36 = arith.muli %add3A_34, %mul3A_35 : i32
        %add3A_37 = vector.broadcast %mul3A_36 : i32 to vector<16xi32>
        %add3A_38 = arith.addi %add3A_37, %iota3A : vector<16xi32>
        %rem3A = vector.broadcast %max3A_15 : i32 to vector<16xi32>
        %rem3A_39 = arith.remsi %add3A_38, %rem3A : vector<16xi32>
        %ge3A = vector.broadcast %scan3A_13#0 : i32 to vector<16xi32>
        %ge3A_40 = arith.cmpi sge, %add3A_38, %ge3A : vector<16xi32>
        %select_n3A = arith.select %ge3A_40, %rem3A_39, %add3A_38 : vector<16xi1>, vector<16xi32>
        %gather3A = tpu.vector_load_idx %arg7[%select_n3A] : memref<16384xi32, #tpu.memory_space<vmem>>[vector<16xi32>], vector<16xi32>,
        %gather3A_41 = tpu.vector_load_idx %arg6[%gather3A] : memref<16400xi32, #tpu.memory_space<vmem>>[vector<16xi32>], vector<16xi32>,
        %add3A_42 = vector.broadcast %mul3A_2 : i32 to vector<16xi32>
        %add3A_43 = arith.addi %gather3A, %add3A_42 : vector<16xi32>
        %mul3A_44 = arith.constant 6 : i32
        %mul3A_45 = vector.broadcast %mul3A_44 : i32 to vector<16xi32>
        %mul3A_46 = arith.muli %add3A_43, %mul3A_45 : vector<16xi32>
        %mul3A_47 = arith.constant 3 : i32
        %mul3A_48 = vector.broadcast %mul3A_47 : i32 to vector<16xi32>
        %mul3A_49 = arith.muli %gather3A_41, %mul3A_48 : vector<16xi32>
        %add3A_50 = arith.constant 0 : i32
        %add3A_51 = vector.broadcast %add3A_50 : i32 to vector<16xi32>
        %add3A_52 = arith.addi %mul3A_46, %add3A_51 : vector<16xi32>
        %swap3A = arith.constant 0 : index
        %swap3A_53 = tpu.vector_load %arg8[%swap3A] {strides = array<i32>} : memref<128xi32, #tpu.memory_space<vmem>>, vector<16xi32>,
        tpu.vector_store %arg8[%swap3A], %add3A_52 {strides = array<i32>} : memref<128xi32, #tpu.memory_space<vmem>>, vector<16xi32>,
        %add3A_54 = arith.constant 0 : i32
        %add3A_55 = vector.broadcast %add3A_54 : i32 to vector<16xi32>
        %add3A_56 = arith.addi %mul3A_49, %add3A_55 : vector<16xi32>
        %swap3A_57 = arith.constant 0 : index
        %swap3A_58 = tpu.vector_load %arg20[%swap3A_57] {strides = array<i32>} : memref<128xi32, #tpu.memory_space<vmem>>, vector<16xi32>,
        tpu.vector_store %arg20[%swap3A_57], %add3A_56 {strides = array<i32>} : memref<128xi32, #tpu.memory_space<vmem>>, vector<16xi32>,
        %add3A_59 = arith.constant 1 : i32
        %add3A_60 = vector.broadcast %add3A_59 : i32 to vector<16xi32>
        %add3A_61 = arith.addi %mul3A_46, %add3A_60 : vector<16xi32>
        %swap3A_62 = arith.constant 0 : index
        %swap3A_63 = tpu.vector_load %arg9[%swap3A_62] {strides = array<i32>} : memref<128xi32, #tpu.memory_space<vmem>>, vector<16xi32>,
        tpu.vector_store %arg9[%swap3A_62], %add3A_61 {strides = array<i32>} : memref<128xi32, #tpu.memory_space<vmem>>, vector<16xi32>,
        %add3A_64 = arith.constant 1 : i32
        %add3A_65 = vector.broadcast %add3A_64 : i32 to vector<16xi32>
        %add3A_66 = arith.addi %mul3A_49, %add3A_65 : vector<16xi32>
        %swap3A_67 = arith.constant 0 : index
        %swap3A_68 = tpu.vector_load %arg21[%swap3A_67] {strides = array<i32>} : memref<128xi32, #tpu.memory_space<vmem>>, vector<16xi32>,
        tpu.vector_store %arg21[%swap3A_67], %add3A_66 {strides = array<i32>} : memref<128xi32, #tpu.memory_space<vmem>>, vector<16xi32>,
        %add3A_69 = arith.constant 2 : i32
        %add3A_70 = vector.broadcast %add3A_69 : i32 to vector<16xi32>
        %add3A_71 = arith.addi %mul3A_46, %add3A_70 : vector<16xi32>
        %swap3A_72 = arith.constant 0 : index
        %swap3A_73 = tpu.vector_load %arg10[%swap3A_72] {strides = array<i32>} : memref<128xi32, #tpu.memory_space<vmem>>, vector<16xi32>,
        tpu.vector_store %arg10[%swap3A_72], %add3A_71 {strides = array<i32>} : memref<128xi32, #tpu.memory_space<vmem>>, vector<16xi32>,
        %add3A_74 = arith.constant 2 : i32
        %add3A_75 = vector.broadcast %add3A_74 : i32 to vector<16xi32>
        %add3A_76 = arith.addi %mul3A_49, %add3A_75 : vector<16xi32>
        %swap3A_77 = arith.constant 0 : index
        %swap3A_78 = tpu.vector_load %arg22[%swap3A_77] {strides = array<i32>} : memref<128xi32, #tpu.memory_space<vmem>>, vector<16xi32>,
        tpu.vector_store %arg22[%swap3A_77], %add3A_76 {strides = array<i32>} : memref<128xi32, #tpu.memory_space<vmem>>, vector<16xi32>,
        %mul3A_79 = arith.constant 8 : i32
        %mul3A_80 = arith.muli %add3A_30, %mul3A_79 : i32
        %add3A_81 = arith.constant 1 : i32
        %add3A_82 = arith.addi %mul3A_80, %add3A_81 : i32
        %mul3A_83 = arith.constant 16 : i32
        %mul3A_84 = arith.muli %add3A_82, %mul3A_83 : i32
        %add3A_85 = vector.broadcast %mul3A_84 : i32 to vector<16xi32>
        %add3A_86 = arith.addi %add3A_85, %iota3A : vector<16xi32>
        %rem3A_87 = vector.broadcast %max3A_15 : i32 to vector<16xi32>
        %rem3A_88 = arith.remsi %add3A_86, %rem3A_87 : vector<16xi32>
        %ge3A_89 = vector.broadcast %scan3A_13#0 : i32 to vector<16xi32>
        %ge3A_90 = arith.cmpi sge, %add3A_86, %ge3A_89 : vector<16xi32>
        %select_n3A_91 = arith.select %ge3A_90, %rem3A_88, %add3A_86 : vector<16xi1>, vector<16xi32>
        %gather3A_92 = tpu.vector_load_idx %arg7[%select_n3A_91] : memref<16384xi32, #tpu.memory_space<vmem>>[vector<16xi32>], vector<16xi32>,
        %gather3A_93 = tpu.vector_load_idx %arg6[%gather3A_92] : memref<16400xi32, #tpu.memory_space<vmem>>[vector<16xi32>], vector<16xi32>,
        %add3A_94 = vector.broadcast %mul3A_2 : i32 to vector<16xi32>
        %add3A_95 = arith.addi %gather3A_92, %add3A_94 : vector<16xi32>
        %mul3A_96 = arith.constant 6 : i32
        %mul3A_97 = vector.broadcast %mul3A_96 : i32 to vector<16xi32>
        %mul3A_98 = arith.muli %add3A_95, %mul3A_97 : vector<16xi32>
        %mul3A_99 = arith.constant 3 : i32
        %mul3A_100 = vector.broadcast %mul3A_99 : i32 to vector<16xi32>
        %mul3A_101 = arith.muli %gather3A_93, %mul3A_100 : vector<16xi32>
        %add3A_102 = arith.constant 0 : i32
        %add3A_103 = vector.broadcast %add3A_102 : i32 to vector<16xi32>
        %add3A_104 = arith.addi %mul3A_98, %add3A_103 : vector<16xi32>
        %swap3A_105 = arith.constant 16 : index
        %swap3A_106 = tpu.vector_load %arg8[%swap3A_105] {strides = array<i32>} : memref<128xi32, #tpu.memory_space<vmem>>, vector<16xi32>,
        tpu.vector_store %arg8[%swap3A_105], %add3A_104 {strides = array<i32>} : memref<128xi32, #tpu.memory_space<vmem>>, vector<16xi32>,
        %add3A_107 = arith.constant 0 : i32
        %add3A_108 = vector.broadcast %add3A_107 : i32 to vector<16xi32>
        %add3A_109 = arith.addi %mul3A_101, %add3A_108 : vector<16xi32>
        %swap3A_110 = arith.constant 16 : index
        %swap3A_111 = tpu.vector_load %arg20[%swap3A_110] {strides = array<i32>} : memref<128xi32, #tpu.memory_space<vmem>>, vector<16xi32>,
        tpu.vector_store %arg20[%swap3A_110], %add3A_109 {strides = array<i32>} : memref<128xi32, #tpu.memory_space<vmem>>, vector<16xi32>,
        %add3A_112 = arith.constant 1 : i32
        %add3A_113 = vector.broadcast %add3A_112 : i32 to vector<16xi32>
        %add3A_114 = arith.addi %mul3A_98, %add3A_113 : vector<16xi32>
        %swap3A_115 = arith.constant 16 : index
        %swap3A_116 = tpu.vector_load %arg9[%swap3A_115] {strides = array<i32>} : memref<128xi32, #tpu.memory_space<vmem>>, vector<16xi32>,
        tpu.vector_store %arg9[%swap3A_115], %add3A_114 {strides = array<i32>} : memref<128xi32, #tpu.memory_space<vmem>>, vector<16xi32>,
        %add3A_117 = arith.constant 1 : i32
        %add3A_118 = vector.broadcast %add3A_117 : i32 to vector<16xi32>
        %add3A_119 = arith.addi %mul3A_101, %add3A_118 : vector<16xi32>
        %swap3A_120 = arith.constant 16 : index
        %swap3A_121 = tpu.vector_load %arg21[%swap3A_120] {strides = array<i32>} : memref<128xi32, #tpu.memory_space<vmem>>, vector<16xi32>,
        tpu.vector_store %arg21[%swap3A_120], %add3A_119 {strides = array<i32>} : memref<128xi32, #tpu.memory_space<vmem>>, vector<16xi32>,
        %add3A_122 = arith.constant 2 : i32
        %add3A_123 = vector.broadcast %add3A_122 : i32 to vector<16xi32>
        %add3A_124 = arith.addi %mul3A_98, %add3A_123 : vector<16xi32>
        %swap3A_125 = arith.constant 16 : index
        %swap3A_126 = tpu.vector_load %arg10[%swap3A_125] {strides = array<i32>} : memref<128xi32, #tpu.memory_space<vmem>>, vector<16xi32>,
        tpu.vector_store %arg10[%swap3A_125], %add3A_124 {strides = array<i32>} : memref<128xi32, #tpu.memory_space<vmem>>, vector<16xi32>,
        %add3A_127 = arith.constant 2 : i32
        %add3A_128 = vector.broadcast %add3A_127 : i32 to vector<16xi32>
        %add3A_129 = arith.addi %mul3A_101, %add3A_128 : vector<16xi32>
        %swap3A_130 = arith.constant 16 : index
        %swap3A_131 = tpu.vector_load %arg22[%swap3A_130] {strides = array<i32>} : memref<128xi32, #tpu.memory_space<vmem>>, vector<16xi32>,
        tpu.vector_store %arg22[%swap3A_130], %add3A_129 {strides = array<i32>} : memref<128xi32, #tpu.memory_space<vmem>>, vector<16xi32>,
        %mul3A_132 = arith.constant 8 : i32
        %mul3A_133 = arith.muli %add3A_30, %mul3A_132 : i32
        %add3A_134 = arith.constant 2 : i32
        %add3A_135 = arith.addi %mul3A_133, %add3A_134 : i32
        %mul3A_136 = arith.constant 16 : i32
        %mul3A_137 = arith.muli %add3A_135, %mul3A_136 : i32
        %add3A_138 = vector.broadcast %mul3A_137 : i32 to vector<16xi32>
        %add3A_139 = arith.addi %add3A_138, %iota3A : vector<16xi32>
        %rem3A_140 = vector.broadcast %max3A_15 : i32 to vector<16xi32>
        %rem3A_141 = arith.remsi %add3A_139, %rem3A_140 : vector<16xi32>
        %ge3A_142 = vector.broadcast %scan3A_13#0 : i32 to vector<16xi32>
        %ge3A_143 = arith.cmpi sge, %add3A_139, %ge3A_142 : vector<16xi32>
        %select_n3A_144 = arith.select %ge3A_143, %rem3A_141, %add3A_139 : vector<16xi1>, vector<16xi32>
        %gather3A_145 = tpu.vector_load_idx %arg7[%select_n3A_144] : memref<16384xi32, #tpu.memory_space<vmem>>[vector<16xi32>], vector<16xi32>,
        %gather3A_146 = tpu.vector_load_idx %arg6[%gather3A_145] : memref<16400xi32, #tpu.memory_space<vmem>>[vector<16xi32>], vector<16xi32>,
        %add3A_147 = vector.broadcast %mul3A_2 : i32 to vector<16xi32>
        %add3A_148 = arith.addi %gather3A_145, %add3A_147 : vector<16xi32>
        %mul3A_149 = arith.constant 6 : i32
        %mul3A_150 = vector.broadcast %mul3A_149 : i32 to vector<16xi32>
        %mul3A_151 = arith.muli %add3A_148, %mul3A_150 : vector<16xi32>
        %mul3A_152 = arith.constant 3 : i32
        %mul3A_153 = vector.broadcast %mul3A_152 : i32 to vector<16xi32>
        %mul3A_154 = arith.muli %gather3A_146, %mul3A_153 : vector<16xi32>
        %add3A_155 = arith.constant 0 : i32
        %add3A_156 = vector.broadcast %add3A_155 : i32 to vector<16xi32>
        %add3A_157 = arith.addi %mul3A_151, %add3A_156 : vector<16xi32>
        %swap3A_158 = arith.constant 32 : index
        %swap3A_159 = tpu.vector_load %arg8[%swap3A_158] {strides = array<i32>} : memref<128xi32, #tpu.memory_space<vmem>>, vector<16xi32>,
        tpu.vector_store %arg8[%swap3A_158], %add3A_157 {strides = array<i32>} : memref<128xi32, #tpu.memory_space<vmem>>, vector<16xi32>,
        %add3A_160 = arith.constant 0 : i32
        %add3A_161 = vector.broadcast %add3A_160 : i32 to vector<16xi32>
        %add3A_162 = arith.addi %mul3A_154, %add3A_161 : vector<16xi32>
        %swap3A_163 = arith.constant 32 : index
        %swap3A_164 = tpu.vector_load %arg20[%swap3A_163] {strides = array<i32>} : memref<128xi32, #tpu.memory_space<vmem>>, vector<16xi32>,
        tpu.vector_store %arg20[%swap3A_163], %add3A_162 {strides = array<i32>} : memref<128xi32, #tpu.memory_space<vmem>>, vector<16xi32>,
        %add3A_165 = arith.constant 1 : i32
        %add3A_166 = vector.broadcast %add3A_165 : i32 to vector<16xi32>
        %add3A_167 = arith.addi %mul3A_151, %add3A_166 : vector<16xi32>
        %swap3A_168 = arith.constant 32 : index
        %swap3A_169 = tpu.vector_load %arg9[%swap3A_168] {strides = array<i32>} : memref<128xi32, #tpu.memory_space<vmem>>, vector<16xi32>,
        tpu.vector_store %arg9[%swap3A_168], %add3A_167 {strides = array<i32>} : memref<128xi32, #tpu.memory_space<vmem>>, vector<16xi32>,
        %add3A_170 = arith.constant 1 : i32
        %add3A_171 = vector.broadcast %add3A_170 : i32 to vector<16xi32>
        %add3A_172 = arith.addi %mul3A_154, %add3A_171 : vector<16xi32>
        %swap3A_173 = arith.constant 32 : index
        %swap3A_174 = tpu.vector_load %arg21[%swap3A_173] {strides = array<i32>} : memref<128xi32, #tpu.memory_space<vmem>>, vector<16xi32>,
        tpu.vector_store %arg21[%swap3A_173], %add3A_172 {strides = array<i32>} : memref<128xi32, #tpu.memory_space<vmem>>, vector<16xi32>,
        %add3A_175 = arith.constant 2 : i32
        %add3A_176 = vector.broadcast %add3A_175 : i32 to vector<16xi32>
        %add3A_177 = arith.addi %mul3A_151, %add3A_176 : vector<16xi32>
        %swap3A_178 = arith.constant 32 : index
        %swap3A_179 = tpu.vector_load %arg10[%swap3A_178] {strides = array<i32>} : memref<128xi32, #tpu.memory_space<vmem>>, vector<16xi32>,
        tpu.vector_store %arg10[%swap3A_178], %add3A_177 {strides = array<i32>} : memref<128xi32, #tpu.memory_space<vmem>>, vector<16xi32>,
        %add3A_180 = arith.constant 2 : i32
        %add3A_181 = vector.broadcast %add3A_180 : i32 to vector<16xi32>
        %add3A_182 = arith.addi %mul3A_154, %add3A_181 : vector<16xi32>
        %swap3A_183 = arith.constant 32 : index
        %swap3A_184 = tpu.vector_load %arg22[%swap3A_183] {strides = array<i32>} : memref<128xi32, #tpu.memory_space<vmem>>, vector<16xi32>,
        tpu.vector_store %arg22[%swap3A_183], %add3A_182 {strides = array<i32>} : memref<128xi32, #tpu.memory_space<vmem>>, vector<16xi32>,
        %mul3A_185 = arith.constant 8 : i32
        %mul3A_186 = arith.muli %add3A_30, %mul3A_185 : i32
        %add3A_187 = arith.constant 3 : i32
        %add3A_188 = arith.addi %mul3A_186, %add3A_187 : i32
        %mul3A_189 = arith.constant 16 : i32
        %mul3A_190 = arith.muli %add3A_188, %mul3A_189 : i32
        %add3A_191 = vector.broadcast %mul3A_190 : i32 to vector<16xi32>
        %add3A_192 = arith.addi %add3A_191, %iota3A : vector<16xi32>
        %rem3A_193 = vector.broadcast %max3A_15 : i32 to vector<16xi32>
        %rem3A_194 = arith.remsi %add3A_192, %rem3A_193 : vector<16xi32>
        %ge3A_195 = vector.broadcast %scan3A_13#0 : i32 to vector<16xi32>
        %ge3A_196 = arith.cmpi sge, %add3A_192, %ge3A_195 : vector<16xi32>
        %select_n3A_197 = arith.select %ge3A_196, %rem3A_194, %add3A_192 : vector<16xi1>, vector<16xi32>
        %gather3A_198 = tpu.vector_load_idx %arg7[%select_n3A_197] : memref<16384xi32, #tpu.memory_space<vmem>>[vector<16xi32>], vector<16xi32>,
        %gather3A_199 = tpu.vector_load_idx %arg6[%gather3A_198] : memref<16400xi32, #tpu.memory_space<vmem>>[vector<16xi32>], vector<16xi32>,
        %add3A_200 = vector.broadcast %mul3A_2 : i32 to vector<16xi32>
        %add3A_201 = arith.addi %gather3A_198, %add3A_200 : vector<16xi32>
        %mul3A_202 = arith.constant 6 : i32
        %mul3A_203 = vector.broadcast %mul3A_202 : i32 to vector<16xi32>
        %mul3A_204 = arith.muli %add3A_201, %mul3A_203 : vector<16xi32>
        %mul3A_205 = arith.constant 3 : i32
        %mul3A_206 = vector.broadcast %mul3A_205 : i32 to vector<16xi32>
        %mul3A_207 = arith.muli %gather3A_199, %mul3A_206 : vector<16xi32>
        %add3A_208 = arith.constant 0 : i32
        %add3A_209 = vector.broadcast %add3A_208 : i32 to vector<16xi32>
        %add3A_210 = arith.addi %mul3A_204, %add3A_209 : vector<16xi32>
        %swap3A_211 = arith.constant 48 : index
        %swap3A_212 = tpu.vector_load %arg8[%swap3A_211] {strides = array<i32>} : memref<128xi32, #tpu.memory_space<vmem>>, vector<16xi32>,
        tpu.vector_store %arg8[%swap3A_211], %add3A_210 {strides = array<i32>} : memref<128xi32, #tpu.memory_space<vmem>>, vector<16xi32>,
        %add3A_213 = arith.constant 0 : i32
        %add3A_214 = vector.broadcast %add3A_213 : i32 to vector<16xi32>
        %add3A_215 = arith.addi %mul3A_207, %add3A_214 : vector<16xi32>
        %swap3A_216 = arith.constant 48 : index
        %swap3A_217 = tpu.vector_load %arg20[%swap3A_216] {strides = array<i32>} : memref<128xi32, #tpu.memory_space<vmem>>, vector<16xi32>,
        tpu.vector_store %arg20[%swap3A_216], %add3A_215 {strides = array<i32>} : memref<128xi32, #tpu.memory_space<vmem>>, vector<16xi32>,
        %add3A_218 = arith.constant 1 : i32
        %add3A_219 = vector.broadcast %add3A_218 : i32 to vector<16xi32>
        %add3A_220 = arith.addi %mul3A_204, %add3A_219 : vector<16xi32>
        %swap3A_221 = arith.constant 48 : index
        %swap3A_222 = tpu.vector_load %arg9[%swap3A_221] {strides = array<i32>} : memref<128xi32, #tpu.memory_space<vmem>>, vector<16xi32>,
        tpu.vector_store %arg9[%swap3A_221], %add3A_220 {strides = array<i32>} : memref<128xi32, #tpu.memory_space<vmem>>, vector<16xi32>,
        %add3A_223 = arith.constant 1 : i32
        %add3A_224 = vector.broadcast %add3A_223 : i32 to vector<16xi32>
        %add3A_225 = arith.addi %mul3A_207, %add3A_224 : vector<16xi32>
        %swap3A_226 = arith.constant 48 : index
        %swap3A_227 = tpu.vector_load %arg21[%swap3A_226] {strides = array<i32>} : memref<128xi32, #tpu.memory_space<vmem>>, vector<16xi32>,
        tpu.vector_store %arg21[%swap3A_226], %add3A_225 {strides = array<i32>} : memref<128xi32, #tpu.memory_space<vmem>>, vector<16xi32>,
        %add3A_228 = arith.constant 2 : i32
        %add3A_229 = vector.broadcast %add3A_228 : i32 to vector<16xi32>
        %add3A_230 = arith.addi %mul3A_204, %add3A_229 : vector<16xi32>
        %swap3A_231 = arith.constant 48 : index
        %swap3A_232 = tpu.vector_load %arg10[%swap3A_231] {strides = array<i32>} : memref<128xi32, #tpu.memory_space<vmem>>, vector<16xi32>,
        tpu.vector_store %arg10[%swap3A_231], %add3A_230 {strides = array<i32>} : memref<128xi32, #tpu.memory_space<vmem>>, vector<16xi32>,
        %add3A_233 = arith.constant 2 : i32
        %add3A_234 = vector.broadcast %add3A_233 : i32 to vector<16xi32>
        %add3A_235 = arith.addi %mul3A_207, %add3A_234 : vector<16xi32>
        %swap3A_236 = arith.constant 48 : index
        %swap3A_237 = tpu.vector_load %arg22[%swap3A_236] {strides = array<i32>} : memref<128xi32, #tpu.memory_space<vmem>>, vector<16xi32>,
        tpu.vector_store %arg22[%swap3A_236], %add3A_235 {strides = array<i32>} : memref<128xi32, #tpu.memory_space<vmem>>, vector<16xi32>,
        %mul3A_238 = arith.constant 8 : i32
        %mul3A_239 = arith.muli %add3A_30, %mul3A_238 : i32
        %add3A_240 = arith.constant 4 : i32
        %add3A_241 = arith.addi %mul3A_239, %add3A_240 : i32
        %mul3A_242 = arith.constant 16 : i32
        %mul3A_243 = arith.muli %add3A_241, %mul3A_242 : i32
        %add3A_244 = vector.broadcast %mul3A_243 : i32 to vector<16xi32>
        %add3A_245 = arith.addi %add3A_244, %iota3A : vector<16xi32>
        %rem3A_246 = vector.broadcast %max3A_15 : i32 to vector<16xi32>
        %rem3A_247 = arith.remsi %add3A_245, %rem3A_246 : vector<16xi32>
        %ge3A_248 = vector.broadcast %scan3A_13#0 : i32 to vector<16xi32>
        %ge3A_249 = arith.cmpi sge, %add3A_245, %ge3A_248 : vector<16xi32>
        %select_n3A_250 = arith.select %ge3A_249, %rem3A_247, %add3A_245 : vector<16xi1>, vector<16xi32>
        %gather3A_251 = tpu.vector_load_idx %arg7[%select_n3A_250] : memref<16384xi32, #tpu.memory_space<vmem>>[vector<16xi32>], vector<16xi32>,
        %gather3A_252 = tpu.vector_load_idx %arg6[%gather3A_251] : memref<16400xi32, #tpu.memory_space<vmem>>[vector<16xi32>], vector<16xi32>,
        %add3A_253 = vector.broadcast %mul3A_2 : i32 to vector<16xi32>
        %add3A_254 = arith.addi %gather3A_251, %add3A_253 : vector<16xi32>
        %mul3A_255 = arith.constant 6 : i32
        %mul3A_256 = vector.broadcast %mul3A_255 : i32 to vector<16xi32>
        %mul3A_257 = arith.muli %add3A_254, %mul3A_256 : vector<16xi32>
        %mul3A_258 = arith.constant 3 : i32
        %mul3A_259 = vector.broadcast %mul3A_258 : i32 to vector<16xi32>
        %mul3A_260 = arith.muli %gather3A_252, %mul3A_259 : vector<16xi32>
        %add3A_261 = arith.constant 0 : i32
        %add3A_262 = vector.broadcast %add3A_261 : i32 to vector<16xi32>
        %add3A_263 = arith.addi %mul3A_257, %add3A_262 : vector<16xi32>
        %swap3A_264 = arith.constant 64 : index
        %swap3A_265 = tpu.vector_load %arg8[%swap3A_264] {strides = array<i32>} : memref<128xi32, #tpu.memory_space<vmem>>, vector<16xi32>,
        tpu.vector_store %arg8[%swap3A_264], %add3A_263 {strides = array<i32>} : memref<128xi32, #tpu.memory_space<vmem>>, vector<16xi32>,
        %add3A_266 = arith.constant 0 : i32
        %add3A_267 = vector.broadcast %add3A_266 : i32 to vector<16xi32>
        %add3A_268 = arith.addi %mul3A_260, %add3A_267 : vector<16xi32>
        %swap3A_269 = arith.constant 64 : index
        %swap3A_270 = tpu.vector_load %arg20[%swap3A_269] {strides = array<i32>} : memref<128xi32, #tpu.memory_space<vmem>>, vector<16xi32>,
        tpu.vector_store %arg20[%swap3A_269], %add3A_268 {strides = array<i32>} : memref<128xi32, #tpu.memory_space<vmem>>, vector<16xi32>,
        %add3A_271 = arith.constant 1 : i32
        %add3A_272 = vector.broadcast %add3A_271 : i32 to vector<16xi32>
        %add3A_273 = arith.addi %mul3A_257, %add3A_272 : vector<16xi32>
        %swap3A_274 = arith.constant 64 : index
        %swap3A_275 = tpu.vector_load %arg9[%swap3A_274] {strides = array<i32>} : memref<128xi32, #tpu.memory_space<vmem>>, vector<16xi32>,
        tpu.vector_store %arg9[%swap3A_274], %add3A_273 {strides = array<i32>} : memref<128xi32, #tpu.memory_space<vmem>>, vector<16xi32>,
        %add3A_276 = arith.constant 1 : i32
        %add3A_277 = vector.broadcast %add3A_276 : i32 to vector<16xi32>
        %add3A_278 = arith.addi %mul3A_260, %add3A_277 : vector<16xi32>
        %swap3A_279 = arith.constant 64 : index
        %swap3A_280 = tpu.vector_load %arg21[%swap3A_279] {strides = array<i32>} : memref<128xi32, #tpu.memory_space<vmem>>, vector<16xi32>,
        tpu.vector_store %arg21[%swap3A_279], %add3A_278 {strides = array<i32>} : memref<128xi32, #tpu.memory_space<vmem>>, vector<16xi32>,
        %add3A_281 = arith.constant 2 : i32
        %add3A_282 = vector.broadcast %add3A_281 : i32 to vector<16xi32>
        %add3A_283 = arith.addi %mul3A_257, %add3A_282 : vector<16xi32>
        %swap3A_284 = arith.constant 64 : index
        %swap3A_285 = tpu.vector_load %arg10[%swap3A_284] {strides = array<i32>} : memref<128xi32, #tpu.memory_space<vmem>>, vector<16xi32>,
        tpu.vector_store %arg10[%swap3A_284], %add3A_283 {strides = array<i32>} : memref<128xi32, #tpu.memory_space<vmem>>, vector<16xi32>,
        %add3A_286 = arith.constant 2 : i32
        %add3A_287 = vector.broadcast %add3A_286 : i32 to vector<16xi32>
        %add3A_288 = arith.addi %mul3A_260, %add3A_287 : vector<16xi32>
        %swap3A_289 = arith.constant 64 : index
        %swap3A_290 = tpu.vector_load %arg22[%swap3A_289] {strides = array<i32>} : memref<128xi32, #tpu.memory_space<vmem>>, vector<16xi32>,
        tpu.vector_store %arg22[%swap3A_289], %add3A_288 {strides = array<i32>} : memref<128xi32, #tpu.memory_space<vmem>>, vector<16xi32>,
        %mul3A_291 = arith.constant 8 : i32
        %mul3A_292 = arith.muli %add3A_30, %mul3A_291 : i32
        %add3A_293 = arith.constant 5 : i32
        %add3A_294 = arith.addi %mul3A_292, %add3A_293 : i32
        %mul3A_295 = arith.constant 16 : i32
        %mul3A_296 = arith.muli %add3A_294, %mul3A_295 : i32
        %add3A_297 = vector.broadcast %mul3A_296 : i32 to vector<16xi32>
        %add3A_298 = arith.addi %add3A_297, %iota3A : vector<16xi32>
        %rem3A_299 = vector.broadcast %max3A_15 : i32 to vector<16xi32>
        %rem3A_300 = arith.remsi %add3A_298, %rem3A_299 : vector<16xi32>
        %ge3A_301 = vector.broadcast %scan3A_13#0 : i32 to vector<16xi32>
        %ge3A_302 = arith.cmpi sge, %add3A_298, %ge3A_301 : vector<16xi32>
        %select_n3A_303 = arith.select %ge3A_302, %rem3A_300, %add3A_298 : vector<16xi1>, vector<16xi32>
        %gather3A_304 = tpu.vector_load_idx %arg7[%select_n3A_303] : memref<16384xi32, #tpu.memory_space<vmem>>[vector<16xi32>], vector<16xi32>,
        %gather3A_305 = tpu.vector_load_idx %arg6[%gather3A_304] : memref<16400xi32, #tpu.memory_space<vmem>>[vector<16xi32>], vector<16xi32>,
        %add3A_306 = vector.broadcast %mul3A_2 : i32 to vector<16xi32>
        %add3A_307 = arith.addi %gather3A_304, %add3A_306 : vector<16xi32>
        %mul3A_308 = arith.constant 6 : i32
        %mul3A_309 = vector.broadcast %mul3A_308 : i32 to vector<16xi32>
        %mul3A_310 = arith.muli %add3A_307, %mul3A_309 : vector<16xi32>
        %mul3A_311 = arith.constant 3 : i32
        %mul3A_312 = vector.broadcast %mul3A_311 : i32 to vector<16xi32>
        %mul3A_313 = arith.muli %gather3A_305, %mul3A_312 : vector<16xi32>
        %add3A_314 = arith.constant 0 : i32
        %add3A_315 = vector.broadcast %add3A_314 : i32 to vector<16xi32>
        %add3A_316 = arith.addi %mul3A_310, %add3A_315 : vector<16xi32>
        %swap3A_317 = arith.constant 80 : index
        %swap3A_318 = tpu.vector_load %arg8[%swap3A_317] {strides = array<i32>} : memref<128xi32, #tpu.memory_space<vmem>>, vector<16xi32>,
        tpu.vector_store %arg8[%swap3A_317], %add3A_316 {strides = array<i32>} : memref<128xi32, #tpu.memory_space<vmem>>, vector<16xi32>,
        %add3A_319 = arith.constant 0 : i32
        %add3A_320 = vector.broadcast %add3A_319 : i32 to vector<16xi32>
        %add3A_321 = arith.addi %mul3A_313, %add3A_320 : vector<16xi32>
        %swap3A_322 = arith.constant 80 : index
        %swap3A_323 = tpu.vector_load %arg20[%swap3A_322] {strides = array<i32>} : memref<128xi32, #tpu.memory_space<vmem>>, vector<16xi32>,
        tpu.vector_store %arg20[%swap3A_322], %add3A_321 {strides = array<i32>} : memref<128xi32, #tpu.memory_space<vmem>>, vector<16xi32>,
        %add3A_324 = arith.constant 1 : i32
        %add3A_325 = vector.broadcast %add3A_324 : i32 to vector<16xi32>
        %add3A_326 = arith.addi %mul3A_310, %add3A_325 : vector<16xi32>
        %swap3A_327 = arith.constant 80 : index
        %swap3A_328 = tpu.vector_load %arg9[%swap3A_327] {strides = array<i32>} : memref<128xi32, #tpu.memory_space<vmem>>, vector<16xi32>,
        tpu.vector_store %arg9[%swap3A_327], %add3A_326 {strides = array<i32>} : memref<128xi32, #tpu.memory_space<vmem>>, vector<16xi32>,
        %add3A_329 = arith.constant 1 : i32
        %add3A_330 = vector.broadcast %add3A_329 : i32 to vector<16xi32>
        %add3A_331 = arith.addi %mul3A_313, %add3A_330 : vector<16xi32>
        %swap3A_332 = arith.constant 80 : index
        %swap3A_333 = tpu.vector_load %arg21[%swap3A_332] {strides = array<i32>} : memref<128xi32, #tpu.memory_space<vmem>>, vector<16xi32>,
        tpu.vector_store %arg21[%swap3A_332], %add3A_331 {strides = array<i32>} : memref<128xi32, #tpu.memory_space<vmem>>, vector<16xi32>,
        %add3A_334 = arith.constant 2 : i32
        %add3A_335 = vector.broadcast %add3A_334 : i32 to vector<16xi32>
        %add3A_336 = arith.addi %mul3A_310, %add3A_335 : vector<16xi32>
        %swap3A_337 = arith.constant 80 : index
        %swap3A_338 = tpu.vector_load %arg10[%swap3A_337] {strides = array<i32>} : memref<128xi32, #tpu.memory_space<vmem>>, vector<16xi32>,
        tpu.vector_store %arg10[%swap3A_337], %add3A_336 {strides = array<i32>} : memref<128xi32, #tpu.memory_space<vmem>>, vector<16xi32>,
        %add3A_339 = arith.constant 2 : i32
        %add3A_340 = vector.broadcast %add3A_339 : i32 to vector<16xi32>
        %add3A_341 = arith.addi %mul3A_313, %add3A_340 : vector<16xi32>
        %swap3A_342 = arith.constant 80 : index
        %swap3A_343 = tpu.vector_load %arg22[%swap3A_342] {strides = array<i32>} : memref<128xi32, #tpu.memory_space<vmem>>, vector<16xi32>,
        tpu.vector_store %arg22[%swap3A_342], %add3A_341 {strides = array<i32>} : memref<128xi32, #tpu.memory_space<vmem>>, vector<16xi32>,
        %mul3A_344 = arith.constant 8 : i32
        %mul3A_345 = arith.muli %add3A_30, %mul3A_344 : i32
        %add3A_346 = arith.constant 6 : i32
        %add3A_347 = arith.addi %mul3A_345, %add3A_346 : i32
        %mul3A_348 = arith.constant 16 : i32
        %mul3A_349 = arith.muli %add3A_347, %mul3A_348 : i32
        %add3A_350 = vector.broadcast %mul3A_349 : i32 to vector<16xi32>
        %add3A_351 = arith.addi %add3A_350, %iota3A : vector<16xi32>
        %rem3A_352 = vector.broadcast %max3A_15 : i32 to vector<16xi32>
        %rem3A_353 = arith.remsi %add3A_351, %rem3A_352 : vector<16xi32>
        %ge3A_354 = vector.broadcast %scan3A_13#0 : i32 to vector<16xi32>
        %ge3A_355 = arith.cmpi sge, %add3A_351, %ge3A_354 : vector<16xi32>
        %select_n3A_356 = arith.select %ge3A_355, %rem3A_353, %add3A_351 : vector<16xi1>, vector<16xi32>
        %gather3A_357 = tpu.vector_load_idx %arg7[%select_n3A_356] : memref<16384xi32, #tpu.memory_space<vmem>>[vector<16xi32>], vector<16xi32>,
        %gather3A_358 = tpu.vector_load_idx %arg6[%gather3A_357] : memref<16400xi32, #tpu.memory_space<vmem>>[vector<16xi32>], vector<16xi32>,
        %add3A_359 = vector.broadcast %mul3A_2 : i32 to vector<16xi32>
        %add3A_360 = arith.addi %gather3A_357, %add3A_359 : vector<16xi32>
        %mul3A_361 = arith.constant 6 : i32
        %mul3A_362 = vector.broadcast %mul3A_361 : i32 to vector<16xi32>
        %mul3A_363 = arith.muli %add3A_360, %mul3A_362 : vector<16xi32>
        %mul3A_364 = arith.constant 3 : i32
        %mul3A_365 = vector.broadcast %mul3A_364 : i32 to vector<16xi32>
        %mul3A_366 = arith.muli %gather3A_358, %mul3A_365 : vector<16xi32>
        %add3A_367 = arith.constant 0 : i32
        %add3A_368 = vector.broadcast %add3A_367 : i32 to vector<16xi32>
        %add3A_369 = arith.addi %mul3A_363, %add3A_368 : vector<16xi32>
        %swap3A_370 = arith.constant 96 : index
        %swap3A_371 = tpu.vector_load %arg8[%swap3A_370] {strides = array<i32>} : memref<128xi32, #tpu.memory_space<vmem>>, vector<16xi32>,
        tpu.vector_store %arg8[%swap3A_370], %add3A_369 {strides = array<i32>} : memref<128xi32, #tpu.memory_space<vmem>>, vector<16xi32>,
        %add3A_372 = arith.constant 0 : i32
        %add3A_373 = vector.broadcast %add3A_372 : i32 to vector<16xi32>
        %add3A_374 = arith.addi %mul3A_366, %add3A_373 : vector<16xi32>
        %swap3A_375 = arith.constant 96 : index
        %swap3A_376 = tpu.vector_load %arg20[%swap3A_375] {strides = array<i32>} : memref<128xi32, #tpu.memory_space<vmem>>, vector<16xi32>,
        tpu.vector_store %arg20[%swap3A_375], %add3A_374 {strides = array<i32>} : memref<128xi32, #tpu.memory_space<vmem>>, vector<16xi32>,
        %add3A_377 = arith.constant 1 : i32
        %add3A_378 = vector.broadcast %add3A_377 : i32 to vector<16xi32>
        %add3A_379 = arith.addi %mul3A_363, %add3A_378 : vector<16xi32>
        %swap3A_380 = arith.constant 96 : index
        %swap3A_381 = tpu.vector_load %arg9[%swap3A_380] {strides = array<i32>} : memref<128xi32, #tpu.memory_space<vmem>>, vector<16xi32>,
        tpu.vector_store %arg9[%swap3A_380], %add3A_379 {strides = array<i32>} : memref<128xi32, #tpu.memory_space<vmem>>, vector<16xi32>,
        %add3A_382 = arith.constant 1 : i32
        %add3A_383 = vector.broadcast %add3A_382 : i32 to vector<16xi32>
        %add3A_384 = arith.addi %mul3A_366, %add3A_383 : vector<16xi32>
        %swap3A_385 = arith.constant 96 : index
        %swap3A_386 = tpu.vector_load %arg21[%swap3A_385] {strides = array<i32>} : memref<128xi32, #tpu.memory_space<vmem>>, vector<16xi32>,
        tpu.vector_store %arg21[%swap3A_385], %add3A_384 {strides = array<i32>} : memref<128xi32, #tpu.memory_space<vmem>>, vector<16xi32>,
        %add3A_387 = arith.constant 2 : i32
        %add3A_388 = vector.broadcast %add3A_387 : i32 to vector<16xi32>
        %add3A_389 = arith.addi %mul3A_363, %add3A_388 : vector<16xi32>
        %swap3A_390 = arith.constant 96 : index
        %swap3A_391 = tpu.vector_load %arg10[%swap3A_390] {strides = array<i32>} : memref<128xi32, #tpu.memory_space<vmem>>, vector<16xi32>,
        tpu.vector_store %arg10[%swap3A_390], %add3A_389 {strides = array<i32>} : memref<128xi32, #tpu.memory_space<vmem>>, vector<16xi32>,
        %add3A_392 = arith.constant 2 : i32
        %add3A_393 = vector.broadcast %add3A_392 : i32 to vector<16xi32>
        %add3A_394 = arith.addi %mul3A_366, %add3A_393 : vector<16xi32>
        %swap3A_395 = arith.constant 96 : index
        %swap3A_396 = tpu.vector_load %arg22[%swap3A_395] {strides = array<i32>} : memref<128xi32, #tpu.memory_space<vmem>>, vector<16xi32>,
        tpu.vector_store %arg22[%swap3A_395], %add3A_394 {strides = array<i32>} : memref<128xi32, #tpu.memory_space<vmem>>, vector<16xi32>,
        %mul3A_397 = arith.constant 8 : i32
        %mul3A_398 = arith.muli %add3A_30, %mul3A_397 : i32
        %add3A_399 = arith.constant 7 : i32
        %add3A_400 = arith.addi %mul3A_398, %add3A_399 : i32
        %mul3A_401 = arith.constant 16 : i32
        %mul3A_402 = arith.muli %add3A_400, %mul3A_401 : i32
        %add3A_403 = vector.broadcast %mul3A_402 : i32 to vector<16xi32>
        %add3A_404 = arith.addi %add3A_403, %iota3A : vector<16xi32>
        %rem3A_405 = vector.broadcast %max3A_15 : i32 to vector<16xi32>
        %rem3A_406 = arith.remsi %add3A_404, %rem3A_405 : vector<16xi32>
        %ge3A_407 = vector.broadcast %scan3A_13#0 : i32 to vector<16xi32>
        %ge3A_408 = arith.cmpi sge, %add3A_404, %ge3A_407 : vector<16xi32>
        %select_n3A_409 = arith.select %ge3A_408, %rem3A_406, %add3A_404 : vector<16xi1>, vector<16xi32>
        %gather3A_410 = tpu.vector_load_idx %arg7[%select_n3A_409] : memref<16384xi32, #tpu.memory_space<vmem>>[vector<16xi32>], vector<16xi32>,
        %gather3A_411 = tpu.vector_load_idx %arg6[%gather3A_410] : memref<16400xi32, #tpu.memory_space<vmem>>[vector<16xi32>], vector<16xi32>,
        %add3A_412 = vector.broadcast %mul3A_2 : i32 to vector<16xi32>
        %add3A_413 = arith.addi %gather3A_410, %add3A_412 : vector<16xi32>
        %mul3A_414 = arith.constant 6 : i32
        %mul3A_415 = vector.broadcast %mul3A_414 : i32 to vector<16xi32>
        %mul3A_416 = arith.muli %add3A_413, %mul3A_415 : vector<16xi32>
        %mul3A_417 = arith.constant 3 : i32
        %mul3A_418 = vector.broadcast %mul3A_417 : i32 to vector<16xi32>
        %mul3A_419 = arith.muli %gather3A_411, %mul3A_418 : vector<16xi32>
        %add3A_420 = arith.constant 0 : i32
        %add3A_421 = vector.broadcast %add3A_420 : i32 to vector<16xi32>
        %add3A_422 = arith.addi %mul3A_416, %add3A_421 : vector<16xi32>
        %swap3A_423 = arith.constant 112 : index
        %swap3A_424 = tpu.vector_load %arg8[%swap3A_423] {strides = array<i32>} : memref<128xi32, #tpu.memory_space<vmem>>, vector<16xi32>,
        tpu.vector_store %arg8[%swap3A_423], %add3A_422 {strides = array<i32>} : memref<128xi32, #tpu.memory_space<vmem>>, vector<16xi32>,
        %add3A_425 = arith.constant 0 : i32
        %add3A_426 = vector.broadcast %add3A_425 : i32 to vector<16xi32>
        %add3A_427 = arith.addi %mul3A_419, %add3A_426 : vector<16xi32>
        %swap3A_428 = arith.constant 112 : index
        %swap3A_429 = tpu.vector_load %arg20[%swap3A_428] {strides = array<i32>} : memref<128xi32, #tpu.memory_space<vmem>>, vector<16xi32>,
        tpu.vector_store %arg20[%swap3A_428], %add3A_427 {strides = array<i32>} : memref<128xi32, #tpu.memory_space<vmem>>, vector<16xi32>,
        %add3A_430 = arith.constant 1 : i32
        %add3A_431 = vector.broadcast %add3A_430 : i32 to vector<16xi32>
        %add3A_432 = arith.addi %mul3A_416, %add3A_431 : vector<16xi32>
        %swap3A_433 = arith.constant 112 : index
        %swap3A_434 = tpu.vector_load %arg9[%swap3A_433] {strides = array<i32>} : memref<128xi32, #tpu.memory_space<vmem>>, vector<16xi32>,
        tpu.vector_store %arg9[%swap3A_433], %add3A_432 {strides = array<i32>} : memref<128xi32, #tpu.memory_space<vmem>>, vector<16xi32>,
        %add3A_435 = arith.constant 1 : i32
        %add3A_436 = vector.broadcast %add3A_435 : i32 to vector<16xi32>
        %add3A_437 = arith.addi %mul3A_419, %add3A_436 : vector<16xi32>
        %swap3A_438 = arith.constant 112 : index
        %swap3A_439 = tpu.vector_load %arg21[%swap3A_438] {strides = array<i32>} : memref<128xi32, #tpu.memory_space<vmem>>, vector<16xi32>,
        tpu.vector_store %arg21[%swap3A_438], %add3A_437 {strides = array<i32>} : memref<128xi32, #tpu.memory_space<vmem>>, vector<16xi32>,
        %add3A_440 = arith.constant 2 : i32
        %add3A_441 = vector.broadcast %add3A_440 : i32 to vector<16xi32>
        %add3A_442 = arith.addi %mul3A_416, %add3A_441 : vector<16xi32>
        %swap3A_443 = arith.constant 112 : index
        %swap3A_444 = tpu.vector_load %arg10[%swap3A_443] {strides = array<i32>} : memref<128xi32, #tpu.memory_space<vmem>>, vector<16xi32>,
        tpu.vector_store %arg10[%swap3A_443], %add3A_442 {strides = array<i32>} : memref<128xi32, #tpu.memory_space<vmem>>, vector<16xi32>,
        %add3A_445 = arith.constant 2 : i32
        %add3A_446 = vector.broadcast %add3A_445 : i32 to vector<16xi32>
        %add3A_447 = arith.addi %mul3A_419, %add3A_446 : vector<16xi32>
        %swap3A_448 = arith.constant 112 : index
        %swap3A_449 = tpu.vector_load %arg22[%swap3A_448] {strides = array<i32>} : memref<128xi32, #tpu.memory_space<vmem>>, vector<16xi32>,
        tpu.vector_store %arg22[%swap3A_448], %add3A_447 {strides = array<i32>} : memref<128xi32, #tpu.memory_space<vmem>>, vector<16xi32>,
        %mul3A_450 = arith.constant 4 : i32
        %mul3A_451 = arith.muli %scan3A_26, %mul3A_450 : i32
        %add3A_452 = arith.constant 1 : i32
        %add3A_453 = arith.addi %mul3A_451, %add3A_452 : i32
        %mul3A_454 = arith.constant 8 : i32
        %mul3A_455 = arith.muli %add3A_453, %mul3A_454 : i32
        %add3A_456 = arith.constant 0 : i32
        %add3A_457 = arith.addi %mul3A_455, %add3A_456 : i32
        %mul3A_458 = arith.constant 16 : i32
        %mul3A_459 = arith.muli %add3A_457, %mul3A_458 : i32
        %add3A_460 = vector.broadcast %mul3A_459 : i32 to vector<16xi32>
        %add3A_461 = arith.addi %add3A_460, %iota3A : vector<16xi32>
        %rem3A_462 = vector.broadcast %max3A_15 : i32 to vector<16xi32>
        %rem3A_463 = arith.remsi %add3A_461, %rem3A_462 : vector<16xi32>
        %ge3A_464 = vector.broadcast %scan3A_13#0 : i32 to vector<16xi32>
        %ge3A_465 = arith.cmpi sge, %add3A_461, %ge3A_464 : vector<16xi32>
        %select_n3A_466 = arith.select %ge3A_465, %rem3A_463, %add3A_461 : vector<16xi1>, vector<16xi32>
        %gather3A_467 = tpu.vector_load_idx %arg7[%select_n3A_466] : memref<16384xi32, #tpu.memory_space<vmem>>[vector<16xi32>], vector<16xi32>,
        %gather3A_468 = tpu.vector_load_idx %arg6[%gather3A_467] : memref<16400xi32, #tpu.memory_space<vmem>>[vector<16xi32>], vector<16xi32>,
        %add3A_469 = vector.broadcast %mul3A_2 : i32 to vector<16xi32>
        %add3A_470 = arith.addi %gather3A_467, %add3A_469 : vector<16xi32>
        %mul3A_471 = arith.constant 6 : i32
        %mul3A_472 = vector.broadcast %mul3A_471 : i32 to vector<16xi32>
        %mul3A_473 = arith.muli %add3A_470, %mul3A_472 : vector<16xi32>
        %mul3A_474 = arith.constant 3 : i32
        %mul3A_475 = vector.broadcast %mul3A_474 : i32 to vector<16xi32>
        %mul3A_476 = arith.muli %gather3A_468, %mul3A_475 : vector<16xi32>
        %add3A_477 = arith.constant 0 : i32
        %add3A_478 = vector.broadcast %add3A_477 : i32 to vector<16xi32>
        %add3A_479 = arith.addi %mul3A_473, %add3A_478 : vector<16xi32>
        %swap3A_480 = arith.constant 0 : index
        %swap3A_481 = tpu.vector_load %arg11[%swap3A_480] {strides = array<i32>} : memref<128xi32, #tpu.memory_space<vmem>>, vector<16xi32>,
        tpu.vector_store %arg11[%swap3A_480], %add3A_479 {strides = array<i32>} : memref<128xi32, #tpu.memory_space<vmem>>, vector<16xi32>,
        %add3A_482 = arith.constant 0 : i32
        %add3A_483 = vector.broadcast %add3A_482 : i32 to vector<16xi32>
        %add3A_484 = arith.addi %mul3A_476, %add3A_483 : vector<16xi32>
        %swap3A_485 = arith.constant 0 : index
        %swap3A_486 = tpu.vector_load %arg23[%swap3A_485] {strides = array<i32>} : memref<128xi32, #tpu.memory_space<vmem>>, vector<16xi32>,
        tpu.vector_store %arg23[%swap3A_485], %add3A_484 {strides = array<i32>} : memref<128xi32, #tpu.memory_space<vmem>>, vector<16xi32>,
        %add3A_487 = arith.constant 1 : i32
        %add3A_488 = vector.broadcast %add3A_487 : i32 to vector<16xi32>
        %add3A_489 = arith.addi %mul3A_473, %add3A_488 : vector<16xi32>
        %swap3A_490 = arith.constant 0 : index
        %swap3A_491 = tpu.vector_load %arg12[%swap3A_490] {strides = array<i32>} : memref<128xi32, #tpu.memory_space<vmem>>, vector<16xi32>,
        tpu.vector_store %arg12[%swap3A_490], %add3A_489 {strides = array<i32>} : memref<128xi32, #tpu.memory_space<vmem>>, vector<16xi32>,
        %add3A_492 = arith.constant 1 : i32
        %add3A_493 = vector.broadcast %add3A_492 : i32 to vector<16xi32>
        %add3A_494 = arith.addi %mul3A_476, %add3A_493 : vector<16xi32>
        %swap3A_495 = arith.constant 0 : index
        %swap3A_496 = tpu.vector_load %arg24[%swap3A_495] {strides = array<i32>} : memref<128xi32, #tpu.memory_space<vmem>>, vector<16xi32>,
        tpu.vector_store %arg24[%swap3A_495], %add3A_494 {strides = array<i32>} : memref<128xi32, #tpu.memory_space<vmem>>, vector<16xi32>,
        %add3A_497 = arith.constant 2 : i32
        %add3A_498 = vector.broadcast %add3A_497 : i32 to vector<16xi32>
        %add3A_499 = arith.addi %mul3A_473, %add3A_498 : vector<16xi32>
        %swap3A_500 = arith.constant 0 : index
        %swap3A_501 = tpu.vector_load %arg13[%swap3A_500] {strides = array<i32>} : memref<128xi32, #tpu.memory_space<vmem>>, vector<16xi32>,
        tpu.vector_store %arg13[%swap3A_500], %add3A_499 {strides = array<i32>} : memref<128xi32, #tpu.memory_space<vmem>>, vector<16xi32>,
        %add3A_502 = arith.constant 2 : i32
        %add3A_503 = vector.broadcast %add3A_502 : i32 to vector<16xi32>
        %add3A_504 = arith.addi %mul3A_476, %add3A_503 : vector<16xi32>
        %swap3A_505 = arith.constant 0 : index
        %swap3A_506 = tpu.vector_load %arg25[%swap3A_505] {strides = array<i32>} : memref<128xi32, #tpu.memory_space<vmem>>, vector<16xi32>,
        tpu.vector_store %arg25[%swap3A_505], %add3A_504 {strides = array<i32>} : memref<128xi32, #tpu.memory_space<vmem>>, vector<16xi32>,
        %mul3A_507 = arith.constant 8 : i32
        %mul3A_508 = arith.muli %add3A_453, %mul3A_507 : i32
        %add3A_509 = arith.constant 1 : i32
        %add3A_510 = arith.addi %mul3A_508, %add3A_509 : i32
        %mul3A_511 = arith.constant 16 : i32
        %mul3A_512 = arith.muli %add3A_510, %mul3A_511 : i32
        %add3A_513 = vector.broadcast %mul3A_512 : i32 to vector<16xi32>
        %add3A_514 = arith.addi %add3A_513, %iota3A : vector<16xi32>
        %rem3A_515 = vector.broadcast %max3A_15 : i32 to vector<16xi32>
        %rem3A_516 = arith.remsi %add3A_514, %rem3A_515 : vector<16xi32>
        %ge3A_517 = vector.broadcast %scan3A_13#0 : i32 to vector<16xi32>
        %ge3A_518 = arith.cmpi sge, %add3A_514, %ge3A_517 : vector<16xi32>
        %select_n3A_519 = arith.select %ge3A_518, %rem3A_516, %add3A_514 : vector<16xi1>, vector<16xi32>
        %gather3A_520 = tpu.vector_load_idx %arg7[%select_n3A_519] : memref<16384xi32, #tpu.memory_space<vmem>>[vector<16xi32>], vector<16xi32>,
        %gather3A_521 = tpu.vector_load_idx %arg6[%gather3A_520] : memref<16400xi32, #tpu.memory_space<vmem>>[vector<16xi32>], vector<16xi32>,
        %add3A_522 = vector.broadcast %mul3A_2 : i32 to vector<16xi32>
        %add3A_523 = arith.addi %gather3A_520, %add3A_522 : vector<16xi32>
        %mul3A_524 = arith.constant 6 : i32
        %mul3A_525 = vector.broadcast %mul3A_524 : i32 to vector<16xi32>
        %mul3A_526 = arith.muli %add3A_523, %mul3A_525 : vector<16xi32>
        %mul3A_527 = arith.constant 3 : i32
        %mul3A_528 = vector.broadcast %mul3A_527 : i32 to vector<16xi32>
        %mul3A_529 = arith.muli %gather3A_521, %mul3A_528 : vector<16xi32>
        %add3A_530 = arith.constant 0 : i32
        %add3A_531 = vector.broadcast %add3A_530 : i32 to vector<16xi32>
        %add3A_532 = arith.addi %mul3A_526, %add3A_531 : vector<16xi32>
        %swap3A_533 = arith.constant 16 : index
        %swap3A_534 = tpu.vector_load %arg11[%swap3A_533] {strides = array<i32>} : memref<128xi32, #tpu.memory_space<vmem>>, vector<16xi32>,
        tpu.vector_store %arg11[%swap3A_533], %add3A_532 {strides = array<i32>} : memref<128xi32, #tpu.memory_space<vmem>>, vector<16xi32>,
        %add3A_535 = arith.constant 0 : i32
        %add3A_536 = vector.broadcast %add3A_535 : i32 to vector<16xi32>
        %add3A_537 = arith.addi %mul3A_529, %add3A_536 : vector<16xi32>
        %swap3A_538 = arith.constant 16 : index
        %swap3A_539 = tpu.vector_load %arg23[%swap3A_538] {strides = array<i32>} : memref<128xi32, #tpu.memory_space<vmem>>, vector<16xi32>,
        tpu.vector_store %arg23[%swap3A_538], %add3A_537 {strides = array<i32>} : memref<128xi32, #tpu.memory_space<vmem>>, vector<16xi32>,
        %add3A_540 = arith.constant 1 : i32
        %add3A_541 = vector.broadcast %add3A_540 : i32 to vector<16xi32>
        %add3A_542 = arith.addi %mul3A_526, %add3A_541 : vector<16xi32>
        %swap3A_543 = arith.constant 16 : index
        %swap3A_544 = tpu.vector_load %arg12[%swap3A_543] {strides = array<i32>} : memref<128xi32, #tpu.memory_space<vmem>>, vector<16xi32>,
        tpu.vector_store %arg12[%swap3A_543], %add3A_542 {strides = array<i32>} : memref<128xi32, #tpu.memory_space<vmem>>, vector<16xi32>,
        %add3A_545 = arith.constant 1 : i32
        %add3A_546 = vector.broadcast %add3A_545 : i32 to vector<16xi32>
        %add3A_547 = arith.addi %mul3A_529, %add3A_546 : vector<16xi32>
        %swap3A_548 = arith.constant 16 : index
        %swap3A_549 = tpu.vector_load %arg24[%swap3A_548] {strides = array<i32>} : memref<128xi32, #tpu.memory_space<vmem>>, vector<16xi32>,
        tpu.vector_store %arg24[%swap3A_548], %add3A_547 {strides = array<i32>} : memref<128xi32, #tpu.memory_space<vmem>>, vector<16xi32>,
        %add3A_550 = arith.constant 2 : i32
        %add3A_551 = vector.broadcast %add3A_550 : i32 to vector<16xi32>
        %add3A_552 = arith.addi %mul3A_526, %add3A_551 : vector<16xi32>
        %swap3A_553 = arith.constant 16 : index
        %swap3A_554 = tpu.vector_load %arg13[%swap3A_553] {strides = array<i32>} : memref<128xi32, #tpu.memory_space<vmem>>, vector<16xi32>,
        tpu.vector_store %arg13[%swap3A_553], %add3A_552 {strides = array<i32>} : memref<128xi32, #tpu.memory_space<vmem>>, vector<16xi32>,
        %add3A_555 = arith.constant 2 : i32
        %add3A_556 = vector.broadcast %add3A_555 : i32 to vector<16xi32>
        %add3A_557 = arith.addi %mul3A_529, %add3A_556 : vector<16xi32>
        %swap3A_558 = arith.constant 16 : index
        %swap3A_559 = tpu.vector_load %arg25[%swap3A_558] {strides = array<i32>} : memref<128xi32, #tpu.memory_space<vmem>>, vector<16xi32>,
        tpu.vector_store %arg25[%swap3A_558], %add3A_557 {strides = array<i32>} : memref<128xi32, #tpu.memory_space<vmem>>, vector<16xi32>,
        %mul3A_560 = arith.constant 8 : i32
        %mul3A_561 = arith.muli %add3A_453, %mul3A_560 : i32
        %add3A_562 = arith.constant 2 : i32
        %add3A_563 = arith.addi %mul3A_561, %add3A_562 : i32
        %mul3A_564 = arith.constant 16 : i32
        %mul3A_565 = arith.muli %add3A_563, %mul3A_564 : i32
        %add3A_566 = vector.broadcast %mul3A_565 : i32 to vector<16xi32>
        %add3A_567 = arith.addi %add3A_566, %iota3A : vector<16xi32>
        %rem3A_568 = vector.broadcast %max3A_15 : i32 to vector<16xi32>
        %rem3A_569 = arith.remsi %add3A_567, %rem3A_568 : vector<16xi32>
        %ge3A_570 = vector.broadcast %scan3A_13#0 : i32 to vector<16xi32>
        %ge3A_571 = arith.cmpi sge, %add3A_567, %ge3A_570 : vector<16xi32>
        %select_n3A_572 = arith.select %ge3A_571, %rem3A_569, %add3A_567 : vector<16xi1>, vector<16xi32>
        %gather3A_573 = tpu.vector_load_idx %arg7[%select_n3A_572] : memref<16384xi32, #tpu.memory_space<vmem>>[vector<16xi32>], vector<16xi32>,
        %gather3A_574 = tpu.vector_load_idx %arg6[%gather3A_573] : memref<16400xi32, #tpu.memory_space<vmem>>[vector<16xi32>], vector<16xi32>,
        %add3A_575 = vector.broadcast %mul3A_2 : i32 to vector<16xi32>
        %add3A_576 = arith.addi %gather3A_573, %add3A_575 : vector<16xi32>
        %mul3A_577 = arith.constant 6 : i32
        %mul3A_578 = vector.broadcast %mul3A_577 : i32 to vector<16xi32>
        %mul3A_579 = arith.muli %add3A_576, %mul3A_578 : vector<16xi32>
        %mul3A_580 = arith.constant 3 : i32
        %mul3A_581 = vector.broadcast %mul3A_580 : i32 to vector<16xi32>
        %mul3A_582 = arith.muli %gather3A_574, %mul3A_581 : vector<16xi32>
        %add3A_583 = arith.constant 0 : i32
        %add3A_584 = vector.broadcast %add3A_583 : i32 to vector<16xi32>
        %add3A_585 = arith.addi %mul3A_579, %add3A_584 : vector<16xi32>
        %swap3A_586 = arith.constant 32 : index
        %swap3A_587 = tpu.vector_load %arg11[%swap3A_586] {strides = array<i32>} : memref<128xi32, #tpu.memory_space<vmem>>, vector<16xi32>,
        tpu.vector_store %arg11[%swap3A_586], %add3A_585 {strides = array<i32>} : memref<128xi32, #tpu.memory_space<vmem>>, vector<16xi32>,
        %add3A_588 = arith.constant 0 : i32
        %add3A_589 = vector.broadcast %add3A_588 : i32 to vector<16xi32>
        %add3A_590 = arith.addi %mul3A_582, %add3A_589 : vector<16xi32>
        %swap3A_591 = arith.constant 32 : index
        %swap3A_592 = tpu.vector_load %arg23[%swap3A_591] {strides = array<i32>} : memref<128xi32, #tpu.memory_space<vmem>>, vector<16xi32>,
        tpu.vector_store %arg23[%swap3A_591], %add3A_590 {strides = array<i32>} : memref<128xi32, #tpu.memory_space<vmem>>, vector<16xi32>,
        %add3A_593 = arith.constant 1 : i32
        %add3A_594 = vector.broadcast %add3A_593 : i32 to vector<16xi32>
        %add3A_595 = arith.addi %mul3A_579, %add3A_594 : vector<16xi32>
        %swap3A_596 = arith.constant 32 : index
        %swap3A_597 = tpu.vector_load %arg12[%swap3A_596] {strides = array<i32>} : memref<128xi32, #tpu.memory_space<vmem>>, vector<16xi32>,
        tpu.vector_store %arg12[%swap3A_596], %add3A_595 {strides = array<i32>} : memref<128xi32, #tpu.memory_space<vmem>>, vector<16xi32>,
        %add3A_598 = arith.constant 1 : i32
        %add3A_599 = vector.broadcast %add3A_598 : i32 to vector<16xi32>
        %add3A_600 = arith.addi %mul3A_582, %add3A_599 : vector<16xi32>
        %swap3A_601 = arith.constant 32 : index
        %swap3A_602 = tpu.vector_load %arg24[%swap3A_601] {strides = array<i32>} : memref<128xi32, #tpu.memory_space<vmem>>, vector<16xi32>,
        tpu.vector_store %arg24[%swap3A_601], %add3A_600 {strides = array<i32>} : memref<128xi32, #tpu.memory_space<vmem>>, vector<16xi32>,
        %add3A_603 = arith.constant 2 : i32
        %add3A_604 = vector.broadcast %add3A_603 : i32 to vector<16xi32>
        %add3A_605 = arith.addi %mul3A_579, %add3A_604 : vector<16xi32>
        %swap3A_606 = arith.constant 32 : index
        %swap3A_607 = tpu.vector_load %arg13[%swap3A_606] {strides = array<i32>} : memref<128xi32, #tpu.memory_space<vmem>>, vector<16xi32>,
        tpu.vector_store %arg13[%swap3A_606], %add3A_605 {strides = array<i32>} : memref<128xi32, #tpu.memory_space<vmem>>, vector<16xi32>,
        %add3A_608 = arith.constant 2 : i32
        %add3A_609 = vector.broadcast %add3A_608 : i32 to vector<16xi32>
        %add3A_610 = arith.addi %mul3A_582, %add3A_609 : vector<16xi32>
        %swap3A_611 = arith.constant 32 : index
        %swap3A_612 = tpu.vector_load %arg25[%swap3A_611] {strides = array<i32>} : memref<128xi32, #tpu.memory_space<vmem>>, vector<16xi32>,
        tpu.vector_store %arg25[%swap3A_611], %add3A_610 {strides = array<i32>} : memref<128xi32, #tpu.memory_space<vmem>>, vector<16xi32>,
        %mul3A_613 = arith.constant 8 : i32
        %mul3A_614 = arith.muli %add3A_453, %mul3A_613 : i32
        %add3A_615 = arith.constant 3 : i32
        %add3A_616 = arith.addi %mul3A_614, %add3A_615 : i32
        %mul3A_617 = arith.constant 16 : i32
        %mul3A_618 = arith.muli %add3A_616, %mul3A_617 : i32
        %add3A_619 = vector.broadcast %mul3A_618 : i32 to vector<16xi32>
        %add3A_620 = arith.addi %add3A_619, %iota3A : vector<16xi32>
        %rem3A_621 = vector.broadcast %max3A_15 : i32 to vector<16xi32>
        %rem3A_622 = arith.remsi %add3A_620, %rem3A_621 : vector<16xi32>
        %ge3A_623 = vector.broadcast %scan3A_13#0 : i32 to vector<16xi32>
        %ge3A_624 = arith.cmpi sge, %add3A_620, %ge3A_623 : vector<16xi32>
        %select_n3A_625 = arith.select %ge3A_624, %rem3A_622, %add3A_620 : vector<16xi1>, vector<16xi32>
        %gather3A_626 = tpu.vector_load_idx %arg7[%select_n3A_625] : memref<16384xi32, #tpu.memory_space<vmem>>[vector<16xi32>], vector<16xi32>,
        %gather3A_627 = tpu.vector_load_idx %arg6[%gather3A_626] : memref<16400xi32, #tpu.memory_space<vmem>>[vector<16xi32>], vector<16xi32>,
        %add3A_628 = vector.broadcast %mul3A_2 : i32 to vector<16xi32>
        %add3A_629 = arith.addi %gather3A_626, %add3A_628 : vector<16xi32>
        %mul3A_630 = arith.constant 6 : i32
        %mul3A_631 = vector.broadcast %mul3A_630 : i32 to vector<16xi32>
        %mul3A_632 = arith.muli %add3A_629, %mul3A_631 : vector<16xi32>
        %mul3A_633 = arith.constant 3 : i32
        %mul3A_634 = vector.broadcast %mul3A_633 : i32 to vector<16xi32>
        %mul3A_635 = arith.muli %gather3A_627, %mul3A_634 : vector<16xi32>
        %add3A_636 = arith.constant 0 : i32
        %add3A_637 = vector.broadcast %add3A_636 : i32 to vector<16xi32>
        %add3A_638 = arith.addi %mul3A_632, %add3A_637 : vector<16xi32>
        %swap3A_639 = arith.constant 48 : index
        %swap3A_640 = tpu.vector_load %arg11[%swap3A_639] {strides = array<i32>} : memref<128xi32, #tpu.memory_space<vmem>>, vector<16xi32>,
        tpu.vector_store %arg11[%swap3A_639], %add3A_638 {strides = array<i32>} : memref<128xi32, #tpu.memory_space<vmem>>, vector<16xi32>,
        %add3A_641 = arith.constant 0 : i32
        %add3A_642 = vector.broadcast %add3A_641 : i32 to vector<16xi32>
        %add3A_643 = arith.addi %mul3A_635, %add3A_642 : vector<16xi32>
        %swap3A_644 = arith.constant 48 : index
        %swap3A_645 = tpu.vector_load %arg23[%swap3A_644] {strides = array<i32>} : memref<128xi32, #tpu.memory_space<vmem>>, vector<16xi32>,
        tpu.vector_store %arg23[%swap3A_644], %add3A_643 {strides = array<i32>} : memref<128xi32, #tpu.memory_space<vmem>>, vector<16xi32>,
        %add3A_646 = arith.constant 1 : i32
        %add3A_647 = vector.broadcast %add3A_646 : i32 to vector<16xi32>
        %add3A_648 = arith.addi %mul3A_632, %add3A_647 : vector<16xi32>
        %swap3A_649 = arith.constant 48 : index
        %swap3A_650 = tpu.vector_load %arg12[%swap3A_649] {strides = array<i32>} : memref<128xi32, #tpu.memory_space<vmem>>, vector<16xi32>,
        tpu.vector_store %arg12[%swap3A_649], %add3A_648 {strides = array<i32>} : memref<128xi32, #tpu.memory_space<vmem>>, vector<16xi32>,
        %add3A_651 = arith.constant 1 : i32
        %add3A_652 = vector.broadcast %add3A_651 : i32 to vector<16xi32>
        %add3A_653 = arith.addi %mul3A_635, %add3A_652 : vector<16xi32>
        %swap3A_654 = arith.constant 48 : index
        %swap3A_655 = tpu.vector_load %arg24[%swap3A_654] {strides = array<i32>} : memref<128xi32, #tpu.memory_space<vmem>>, vector<16xi32>,
        tpu.vector_store %arg24[%swap3A_654], %add3A_653 {strides = array<i32>} : memref<128xi32, #tpu.memory_space<vmem>>, vector<16xi32>,
        %add3A_656 = arith.constant 2 : i32
        %add3A_657 = vector.broadcast %add3A_656 : i32 to vector<16xi32>
        %add3A_658 = arith.addi %mul3A_632, %add3A_657 : vector<16xi32>
        %swap3A_659 = arith.constant 48 : index
        %swap3A_660 = tpu.vector_load %arg13[%swap3A_659] {strides = array<i32>} : memref<128xi32, #tpu.memory_space<vmem>>, vector<16xi32>,
        tpu.vector_store %arg13[%swap3A_659], %add3A_658 {strides = array<i32>} : memref<128xi32, #tpu.memory_space<vmem>>, vector<16xi32>,
        %add3A_661 = arith.constant 2 : i32
        %add3A_662 = vector.broadcast %add3A_661 : i32 to vector<16xi32>
        %add3A_663 = arith.addi %mul3A_635, %add3A_662 : vector<16xi32>
        %swap3A_664 = arith.constant 48 : index
        %swap3A_665 = tpu.vector_load %arg25[%swap3A_664] {strides = array<i32>} : memref<128xi32, #tpu.memory_space<vmem>>, vector<16xi32>,
        tpu.vector_store %arg25[%swap3A_664], %add3A_663 {strides = array<i32>} : memref<128xi32, #tpu.memory_space<vmem>>, vector<16xi32>,
        %mul3A_666 = arith.constant 8 : i32
        %mul3A_667 = arith.muli %add3A_453, %mul3A_666 : i32
        %add3A_668 = arith.constant 4 : i32
        %add3A_669 = arith.addi %mul3A_667, %add3A_668 : i32
        %mul3A_670 = arith.constant 16 : i32
        %mul3A_671 = arith.muli %add3A_669, %mul3A_670 : i32
        %add3A_672 = vector.broadcast %mul3A_671 : i32 to vector<16xi32>
        %add3A_673 = arith.addi %add3A_672, %iota3A : vector<16xi32>
        %rem3A_674 = vector.broadcast %max3A_15 : i32 to vector<16xi32>
        %rem3A_675 = arith.remsi %add3A_673, %rem3A_674 : vector<16xi32>
        %ge3A_676 = vector.broadcast %scan3A_13#0 : i32 to vector<16xi32>
        %ge3A_677 = arith.cmpi sge, %add3A_673, %ge3A_676 : vector<16xi32>
        %select_n3A_678 = arith.select %ge3A_677, %rem3A_675, %add3A_673 : vector<16xi1>, vector<16xi32>
        %gather3A_679 = tpu.vector_load_idx %arg7[%select_n3A_678] : memref<16384xi32, #tpu.memory_space<vmem>>[vector<16xi32>], vector<16xi32>,
        %gather3A_680 = tpu.vector_load_idx %arg6[%gather3A_679] : memref<16400xi32, #tpu.memory_space<vmem>>[vector<16xi32>], vector<16xi32>,
        %add3A_681 = vector.broadcast %mul3A_2 : i32 to vector<16xi32>
        %add3A_682 = arith.addi %gather3A_679, %add3A_681 : vector<16xi32>
        %mul3A_683 = arith.constant 6 : i32
        %mul3A_684 = vector.broadcast %mul3A_683 : i32 to vector<16xi32>
        %mul3A_685 = arith.muli %add3A_682, %mul3A_684 : vector<16xi32>
        %mul3A_686 = arith.constant 3 : i32
        %mul3A_687 = vector.broadcast %mul3A_686 : i32 to vector<16xi32>
        %mul3A_688 = arith.muli %gather3A_680, %mul3A_687 : vector<16xi32>
        %add3A_689 = arith.constant 0 : i32
        %add3A_690 = vector.broadcast %add3A_689 : i32 to vector<16xi32>
        %add3A_691 = arith.addi %mul3A_685, %add3A_690 : vector<16xi32>
        %swap3A_692 = arith.constant 64 : index
        %swap3A_693 = tpu.vector_load %arg11[%swap3A_692] {strides = array<i32>} : memref<128xi32, #tpu.memory_space<vmem>>, vector<16xi32>,
        tpu.vector_store %arg11[%swap3A_692], %add3A_691 {strides = array<i32>} : memref<128xi32, #tpu.memory_space<vmem>>, vector<16xi32>,
        %add3A_694 = arith.constant 0 : i32
        %add3A_695 = vector.broadcast %add3A_694 : i32 to vector<16xi32>
        %add3A_696 = arith.addi %mul3A_688, %add3A_695 : vector<16xi32>
        %swap3A_697 = arith.constant 64 : index
        %swap3A_698 = tpu.vector_load %arg23[%swap3A_697] {strides = array<i32>} : memref<128xi32, #tpu.memory_space<vmem>>, vector<16xi32>,
        tpu.vector_store %arg23[%swap3A_697], %add3A_696 {strides = array<i32>} : memref<128xi32, #tpu.memory_space<vmem>>, vector<16xi32>,
        %add3A_699 = arith.constant 1 : i32
        %add3A_700 = vector.broadcast %add3A_699 : i32 to vector<16xi32>
        %add3A_701 = arith.addi %mul3A_685, %add3A_700 : vector<16xi32>
        %swap3A_702 = arith.constant 64 : index
        %swap3A_703 = tpu.vector_load %arg12[%swap3A_702] {strides = array<i32>} : memref<128xi32, #tpu.memory_space<vmem>>, vector<16xi32>,
        tpu.vector_store %arg12[%swap3A_702], %add3A_701 {strides = array<i32>} : memref<128xi32, #tpu.memory_space<vmem>>, vector<16xi32>,
        %add3A_704 = arith.constant 1 : i32
        %add3A_705 = vector.broadcast %add3A_704 : i32 to vector<16xi32>
        %add3A_706 = arith.addi %mul3A_688, %add3A_705 : vector<16xi32>
        %swap3A_707 = arith.constant 64 : index
        %swap3A_708 = tpu.vector_load %arg24[%swap3A_707] {strides = array<i32>} : memref<128xi32, #tpu.memory_space<vmem>>, vector<16xi32>,
        tpu.vector_store %arg24[%swap3A_707], %add3A_706 {strides = array<i32>} : memref<128xi32, #tpu.memory_space<vmem>>, vector<16xi32>,
        %add3A_709 = arith.constant 2 : i32
        %add3A_710 = vector.broadcast %add3A_709 : i32 to vector<16xi32>
        %add3A_711 = arith.addi %mul3A_685, %add3A_710 : vector<16xi32>
        %swap3A_712 = arith.constant 64 : index
        %swap3A_713 = tpu.vector_load %arg13[%swap3A_712] {strides = array<i32>} : memref<128xi32, #tpu.memory_space<vmem>>, vector<16xi32>,
        tpu.vector_store %arg13[%swap3A_712], %add3A_711 {strides = array<i32>} : memref<128xi32, #tpu.memory_space<vmem>>, vector<16xi32>,
        %add3A_714 = arith.constant 2 : i32
        %add3A_715 = vector.broadcast %add3A_714 : i32 to vector<16xi32>
        %add3A_716 = arith.addi %mul3A_688, %add3A_715 : vector<16xi32>
        %swap3A_717 = arith.constant 64 : index
        %swap3A_718 = tpu.vector_load %arg25[%swap3A_717] {strides = array<i32>} : memref<128xi32, #tpu.memory_space<vmem>>, vector<16xi32>,
        tpu.vector_store %arg25[%swap3A_717], %add3A_716 {strides = array<i32>} : memref<128xi32, #tpu.memory_space<vmem>>, vector<16xi32>,
        %mul3A_719 = arith.constant 8 : i32
        %mul3A_720 = arith.muli %add3A_453, %mul3A_719 : i32
        %add3A_721 = arith.constant 5 : i32
        %add3A_722 = arith.addi %mul3A_720, %add3A_721 : i32
        %mul3A_723 = arith.constant 16 : i32
        %mul3A_724 = arith.muli %add3A_722, %mul3A_723 : i32
        %add3A_725 = vector.broadcast %mul3A_724 : i32 to vector<16xi32>
        %add3A_726 = arith.addi %add3A_725, %iota3A : vector<16xi32>
        %rem3A_727 = vector.broadcast %max3A_15 : i32 to vector<16xi32>
        %rem3A_728 = arith.remsi %add3A_726, %rem3A_727 : vector<16xi32>
        %ge3A_729 = vector.broadcast %scan3A_13#0 : i32 to vector<16xi32>
        %ge3A_730 = arith.cmpi sge, %add3A_726, %ge3A_729 : vector<16xi32>
        %select_n3A_731 = arith.select %ge3A_730, %rem3A_728, %add3A_726 : vector<16xi1>, vector<16xi32>
        %gather3A_732 = tpu.vector_load_idx %arg7[%select_n3A_731] : memref<16384xi32, #tpu.memory_space<vmem>>[vector<16xi32>], vector<16xi32>,
        %gather3A_733 = tpu.vector_load_idx %arg6[%gather3A_732] : memref<16400xi32, #tpu.memory_space<vmem>>[vector<16xi32>], vector<16xi32>,
        %add3A_734 = vector.broadcast %mul3A_2 : i32 to vector<16xi32>
        %add3A_735 = arith.addi %gather3A_732, %add3A_734 : vector<16xi32>
        %mul3A_736 = arith.constant 6 : i32
        %mul3A_737 = vector.broadcast %mul3A_736 : i32 to vector<16xi32>
        %mul3A_738 = arith.muli %add3A_735, %mul3A_737 : vector<16xi32>
        %mul3A_739 = arith.constant 3 : i32
        %mul3A_740 = vector.broadcast %mul3A_739 : i32 to vector<16xi32>
        %mul3A_741 = arith.muli %gather3A_733, %mul3A_740 : vector<16xi32>
        %add3A_742 = arith.constant 0 : i32
        %add3A_743 = vector.broadcast %add3A_742 : i32 to vector<16xi32>
        %add3A_744 = arith.addi %mul3A_738, %add3A_743 : vector<16xi32>
        %swap3A_745 = arith.constant 80 : index
        %swap3A_746 = tpu.vector_load %arg11[%swap3A_745] {strides = array<i32>} : memref<128xi32, #tpu.memory_space<vmem>>, vector<16xi32>,
        tpu.vector_store %arg11[%swap3A_745], %add3A_744 {strides = array<i32>} : memref<128xi32, #tpu.memory_space<vmem>>, vector<16xi32>,
        %add3A_747 = arith.constant 0 : i32
        %add3A_748 = vector.broadcast %add3A_747 : i32 to vector<16xi32>
        %add3A_749 = arith.addi %mul3A_741, %add3A_748 : vector<16xi32>
        %swap3A_750 = arith.constant 80 : index
        %swap3A_751 = tpu.vector_load %arg23[%swap3A_750] {strides = array<i32>} : memref<128xi32, #tpu.memory_space<vmem>>, vector<16xi32>,
        tpu.vector_store %arg23[%swap3A_750], %add3A_749 {strides = array<i32>} : memref<128xi32, #tpu.memory_space<vmem>>, vector<16xi32>,
        %add3A_752 = arith.constant 1 : i32
        %add3A_753 = vector.broadcast %add3A_752 : i32 to vector<16xi32>
        %add3A_754 = arith.addi %mul3A_738, %add3A_753 : vector<16xi32>
        %swap3A_755 = arith.constant 80 : index
        %swap3A_756 = tpu.vector_load %arg12[%swap3A_755] {strides = array<i32>} : memref<128xi32, #tpu.memory_space<vmem>>, vector<16xi32>,
        tpu.vector_store %arg12[%swap3A_755], %add3A_754 {strides = array<i32>} : memref<128xi32, #tpu.memory_space<vmem>>, vector<16xi32>,
        %add3A_757 = arith.constant 1 : i32
        %add3A_758 = vector.broadcast %add3A_757 : i32 to vector<16xi32>
        %add3A_759 = arith.addi %mul3A_741, %add3A_758 : vector<16xi32>
        %swap3A_760 = arith.constant 80 : index
        %swap3A_761 = tpu.vector_load %arg24[%swap3A_760] {strides = array<i32>} : memref<128xi32, #tpu.memory_space<vmem>>, vector<16xi32>,
        tpu.vector_store %arg24[%swap3A_760], %add3A_759 {strides = array<i32>} : memref<128xi32, #tpu.memory_space<vmem>>, vector<16xi32>,
        %add3A_762 = arith.constant 2 : i32
        %add3A_763 = vector.broadcast %add3A_762 : i32 to vector<16xi32>
        %add3A_764 = arith.addi %mul3A_738, %add3A_763 : vector<16xi32>
        %swap3A_765 = arith.constant 80 : index
        %swap3A_766 = tpu.vector_load %arg13[%swap3A_765] {strides = array<i32>} : memref<128xi32, #tpu.memory_space<vmem>>, vector<16xi32>,
        tpu.vector_store %arg13[%swap3A_765], %add3A_764 {strides = array<i32>} : memref<128xi32, #tpu.memory_space<vmem>>, vector<16xi32>,
        %add3A_767 = arith.constant 2 : i32
        %add3A_768 = vector.broadcast %add3A_767 : i32 to vector<16xi32>
        %add3A_769 = arith.addi %mul3A_741, %add3A_768 : vector<16xi32>
        %swap3A_770 = arith.constant 80 : index
        %swap3A_771 = tpu.vector_load %arg25[%swap3A_770] {strides = array<i32>} : memref<128xi32, #tpu.memory_space<vmem>>, vector<16xi32>,
        tpu.vector_store %arg25[%swap3A_770], %add3A_769 {strides = array<i32>} : memref<128xi32, #tpu.memory_space<vmem>>, vector<16xi32>,
        %mul3A_772 = arith.constant 8 : i32
        %mul3A_773 = arith.muli %add3A_453, %mul3A_772 : i32
        %add3A_774 = arith.constant 6 : i32
        %add3A_775 = arith.addi %mul3A_773, %add3A_774 : i32
        %mul3A_776 = arith.constant 16 : i32
        %mul3A_777 = arith.muli %add3A_775, %mul3A_776 : i32
        %add3A_778 = vector.broadcast %mul3A_777 : i32 to vector<16xi32>
        %add3A_779 = arith.addi %add3A_778, %iota3A : vector<16xi32>
        %rem3A_780 = vector.broadcast %max3A_15 : i32 to vector<16xi32>
        %rem3A_781 = arith.remsi %add3A_779, %rem3A_780 : vector<16xi32>
        %ge3A_782 = vector.broadcast %scan3A_13#0 : i32 to vector<16xi32>
        %ge3A_783 = arith.cmpi sge, %add3A_779, %ge3A_782 : vector<16xi32>
        %select_n3A_784 = arith.select %ge3A_783, %rem3A_781, %add3A_779 : vector<16xi1>, vector<16xi32>
        %gather3A_785 = tpu.vector_load_idx %arg7[%select_n3A_784] : memref<16384xi32, #tpu.memory_space<vmem>>[vector<16xi32>], vector<16xi32>,
        %gather3A_786 = tpu.vector_load_idx %arg6[%gather3A_785] : memref<16400xi32, #tpu.memory_space<vmem>>[vector<16xi32>], vector<16xi32>,
        %add3A_787 = vector.broadcast %mul3A_2 : i32 to vector<16xi32>
        %add3A_788 = arith.addi %gather3A_785, %add3A_787 : vector<16xi32>
        %mul3A_789 = arith.constant 6 : i32
        %mul3A_790 = vector.broadcast %mul3A_789 : i32 to vector<16xi32>
        %mul3A_791 = arith.muli %add3A_788, %mul3A_790 : vector<16xi32>
        %mul3A_792 = arith.constant 3 : i32
        %mul3A_793 = vector.broadcast %mul3A_792 : i32 to vector<16xi32>
        %mul3A_794 = arith.muli %gather3A_786, %mul3A_793 : vector<16xi32>
        %add3A_795 = arith.constant 0 : i32
        %add3A_796 = vector.broadcast %add3A_795 : i32 to vector<16xi32>
        %add3A_797 = arith.addi %mul3A_791, %add3A_796 : vector<16xi32>
        %swap3A_798 = arith.constant 96 : index
        %swap3A_799 = tpu.vector_load %arg11[%swap3A_798] {strides = array<i32>} : memref<128xi32, #tpu.memory_space<vmem>>, vector<16xi32>,
        tpu.vector_store %arg11[%swap3A_798], %add3A_797 {strides = array<i32>} : memref<128xi32, #tpu.memory_space<vmem>>, vector<16xi32>,
        %add3A_800 = arith.constant 0 : i32
        %add3A_801 = vector.broadcast %add3A_800 : i32 to vector<16xi32>
        %add3A_802 = arith.addi %mul3A_794, %add3A_801 : vector<16xi32>
        %swap3A_803 = arith.constant 96 : index
        %swap3A_804 = tpu.vector_load %arg23[%swap3A_803] {strides = array<i32>} : memref<128xi32, #tpu.memory_space<vmem>>, vector<16xi32>,
        tpu.vector_store %arg23[%swap3A_803], %add3A_802 {strides = array<i32>} : memref<128xi32, #tpu.memory_space<vmem>>, vector<16xi32>,
        %add3A_805 = arith.constant 1 : i32
        %add3A_806 = vector.broadcast %add3A_805 : i32 to vector<16xi32>
        %add3A_807 = arith.addi %mul3A_791, %add3A_806 : vector<16xi32>
        %swap3A_808 = arith.constant 96 : index
        %swap3A_809 = tpu.vector_load %arg12[%swap3A_808] {strides = array<i32>} : memref<128xi32, #tpu.memory_space<vmem>>, vector<16xi32>,
        tpu.vector_store %arg12[%swap3A_808], %add3A_807 {strides = array<i32>} : memref<128xi32, #tpu.memory_space<vmem>>, vector<16xi32>,
        %add3A_810 = arith.constant 1 : i32
        %add3A_811 = vector.broadcast %add3A_810 : i32 to vector<16xi32>
        %add3A_812 = arith.addi %mul3A_794, %add3A_811 : vector<16xi32>
        %swap3A_813 = arith.constant 96 : index
        %swap3A_814 = tpu.vector_load %arg24[%swap3A_813] {strides = array<i32>} : memref<128xi32, #tpu.memory_space<vmem>>, vector<16xi32>,
        tpu.vector_store %arg24[%swap3A_813], %add3A_812 {strides = array<i32>} : memref<128xi32, #tpu.memory_space<vmem>>, vector<16xi32>,
        %add3A_815 = arith.constant 2 : i32
        %add3A_816 = vector.broadcast %add3A_815 : i32 to vector<16xi32>
        %add3A_817 = arith.addi %mul3A_791, %add3A_816 : vector<16xi32>
        %swap3A_818 = arith.constant 96 : index
        %swap3A_819 = tpu.vector_load %arg13[%swap3A_818] {strides = array<i32>} : memref<128xi32, #tpu.memory_space<vmem>>, vector<16xi32>,
        tpu.vector_store %arg13[%swap3A_818], %add3A_817 {strides = array<i32>} : memref<128xi32, #tpu.memory_space<vmem>>, vector<16xi32>,
        %add3A_820 = arith.constant 2 : i32
        %add3A_821 = vector.broadcast %add3A_820 : i32 to vector<16xi32>
        %add3A_822 = arith.addi %mul3A_794, %add3A_821 : vector<16xi32>
        %swap3A_823 = arith.constant 96 : index
        %swap3A_824 = tpu.vector_load %arg25[%swap3A_823] {strides = array<i32>} : memref<128xi32, #tpu.memory_space<vmem>>, vector<16xi32>,
        tpu.vector_store %arg25[%swap3A_823], %add3A_822 {strides = array<i32>} : memref<128xi32, #tpu.memory_space<vmem>>, vector<16xi32>,
        %mul3A_825 = arith.constant 8 : i32
        %mul3A_826 = arith.muli %add3A_453, %mul3A_825 : i32
        %add3A_827 = arith.constant 7 : i32
        %add3A_828 = arith.addi %mul3A_826, %add3A_827 : i32
        %mul3A_829 = arith.constant 16 : i32
        %mul3A_830 = arith.muli %add3A_828, %mul3A_829 : i32
        %add3A_831 = vector.broadcast %mul3A_830 : i32 to vector<16xi32>
        %add3A_832 = arith.addi %add3A_831, %iota3A : vector<16xi32>
        %rem3A_833 = vector.broadcast %max3A_15 : i32 to vector<16xi32>
        %rem3A_834 = arith.remsi %add3A_832, %rem3A_833 : vector<16xi32>
        %ge3A_835 = vector.broadcast %scan3A_13#0 : i32 to vector<16xi32>
        %ge3A_836 = arith.cmpi sge, %add3A_832, %ge3A_835 : vector<16xi32>
        %select_n3A_837 = arith.select %ge3A_836, %rem3A_834, %add3A_832 : vector<16xi1>, vector<16xi32>
        %gather3A_838 = tpu.vector_load_idx %arg7[%select_n3A_837] : memref<16384xi32, #tpu.memory_space<vmem>>[vector<16xi32>], vector<16xi32>,
        %gather3A_839 = tpu.vector_load_idx %arg6[%gather3A_838] : memref<16400xi32, #tpu.memory_space<vmem>>[vector<16xi32>], vector<16xi32>,
        %add3A_840 = vector.broadcast %mul3A_2 : i32 to vector<16xi32>
        %add3A_841 = arith.addi %gather3A_838, %add3A_840 : vector<16xi32>
        %mul3A_842 = arith.constant 6 : i32
        %mul3A_843 = vector.broadcast %mul3A_842 : i32 to vector<16xi32>
        %mul3A_844 = arith.muli %add3A_841, %mul3A_843 : vector<16xi32>
        %mul3A_845 = arith.constant 3 : i32
        %mul3A_846 = vector.broadcast %mul3A_845 : i32 to vector<16xi32>
        %mul3A_847 = arith.muli %gather3A_839, %mul3A_846 : vector<16xi32>
        %add3A_848 = arith.constant 0 : i32
        %add3A_849 = vector.broadcast %add3A_848 : i32 to vector<16xi32>
        %add3A_850 = arith.addi %mul3A_844, %add3A_849 : vector<16xi32>
        %swap3A_851 = arith.constant 112 : index
        %swap3A_852 = tpu.vector_load %arg11[%swap3A_851] {strides = array<i32>} : memref<128xi32, #tpu.memory_space<vmem>>, vector<16xi32>,
        tpu.vector_store %arg11[%swap3A_851], %add3A_850 {strides = array<i32>} : memref<128xi32, #tpu.memory_space<vmem>>, vector<16xi32>,
        %add3A_853 = arith.constant 0 : i32
        %add3A_854 = vector.broadcast %add3A_853 : i32 to vector<16xi32>
        %add3A_855 = arith.addi %mul3A_847, %add3A_854 : vector<16xi32>
        %swap3A_856 = arith.constant 112 : index
        %swap3A_857 = tpu.vector_load %arg23[%swap3A_856] {strides = array<i32>} : memref<128xi32, #tpu.memory_space<vmem>>, vector<16xi32>,
        tpu.vector_store %arg23[%swap3A_856], %add3A_855 {strides = array<i32>} : memref<128xi32, #tpu.memory_space<vmem>>, vector<16xi32>,
        %add3A_858 = arith.constant 1 : i32
        %add3A_859 = vector.broadcast %add3A_858 : i32 to vector<16xi32>
        %add3A_860 = arith.addi %mul3A_844, %add3A_859 : vector<16xi32>
        %swap3A_861 = arith.constant 112 : index
        %swap3A_862 = tpu.vector_load %arg12[%swap3A_861] {strides = array<i32>} : memref<128xi32, #tpu.memory_space<vmem>>, vector<16xi32>,
        tpu.vector_store %arg12[%swap3A_861], %add3A_860 {strides = array<i32>} : memref<128xi32, #tpu.memory_space<vmem>>, vector<16xi32>,
        %add3A_863 = arith.constant 1 : i32
        %add3A_864 = vector.broadcast %add3A_863 : i32 to vector<16xi32>
        %add3A_865 = arith.addi %mul3A_847, %add3A_864 : vector<16xi32>
        %swap3A_866 = arith.constant 112 : index
        %swap3A_867 = tpu.vector_load %arg24[%swap3A_866] {strides = array<i32>} : memref<128xi32, #tpu.memory_space<vmem>>, vector<16xi32>,
        tpu.vector_store %arg24[%swap3A_866], %add3A_865 {strides = array<i32>} : memref<128xi32, #tpu.memory_space<vmem>>, vector<16xi32>,
        %add3A_868 = arith.constant 2 : i32
        %add3A_869 = vector.broadcast %add3A_868 : i32 to vector<16xi32>
        %add3A_870 = arith.addi %mul3A_844, %add3A_869 : vector<16xi32>
        %swap3A_871 = arith.constant 112 : index
        %swap3A_872 = tpu.vector_load %arg13[%swap3A_871] {strides = array<i32>} : memref<128xi32, #tpu.memory_space<vmem>>, vector<16xi32>,
        tpu.vector_store %arg13[%swap3A_871], %add3A_870 {strides = array<i32>} : memref<128xi32, #tpu.memory_space<vmem>>, vector<16xi32>,
        %add3A_873 = arith.constant 2 : i32
        %add3A_874 = vector.broadcast %add3A_873 : i32 to vector<16xi32>
        %add3A_875 = arith.addi %mul3A_847, %add3A_874 : vector<16xi32>
        %swap3A_876 = arith.constant 112 : index
        %swap3A_877 = tpu.vector_load %arg25[%swap3A_876] {strides = array<i32>} : memref<128xi32, #tpu.memory_space<vmem>>, vector<16xi32>,
        tpu.vector_store %arg25[%swap3A_876], %add3A_875 {strides = array<i32>} : memref<128xi32, #tpu.memory_space<vmem>>, vector<16xi32>,
        %mul3A_878 = arith.constant 4 : i32
        %mul3A_879 = arith.muli %scan3A_26, %mul3A_878 : i32
        %add3A_880 = arith.constant 2 : i32
        %add3A_881 = arith.addi %mul3A_879, %add3A_880 : i32
        %mul3A_882 = arith.constant 8 : i32
        %mul3A_883 = arith.muli %add3A_881, %mul3A_882 : i32
        %add3A_884 = arith.constant 0 : i32
        %add3A_885 = arith.addi %mul3A_883, %add3A_884 : i32
        %mul3A_886 = arith.constant 16 : i32
        %mul3A_887 = arith.muli %add3A_885, %mul3A_886 : i32
        %add3A_888 = vector.broadcast %mul3A_887 : i32 to vector<16xi32>
        %add3A_889 = arith.addi %add3A_888, %iota3A : vector<16xi32>
        %rem3A_890 = vector.broadcast %max3A_15 : i32 to vector<16xi32>
        %rem3A_891 = arith.remsi %add3A_889, %rem3A_890 : vector<16xi32>
        %ge3A_892 = vector.broadcast %scan3A_13#0 : i32 to vector<16xi32>
        %ge3A_893 = arith.cmpi sge, %add3A_889, %ge3A_892 : vector<16xi32>
        %select_n3A_894 = arith.select %ge3A_893, %rem3A_891, %add3A_889 : vector<16xi1>, vector<16xi32>
        %gather3A_895 = tpu.vector_load_idx %arg7[%select_n3A_894] : memref<16384xi32, #tpu.memory_space<vmem>>[vector<16xi32>], vector<16xi32>,
        %gather3A_896 = tpu.vector_load_idx %arg6[%gather3A_895] : memref<16400xi32, #tpu.memory_space<vmem>>[vector<16xi32>], vector<16xi32>,
        %add3A_897 = vector.broadcast %mul3A_2 : i32 to vector<16xi32>
        %add3A_898 = arith.addi %gather3A_895, %add3A_897 : vector<16xi32>
        %mul3A_899 = arith.constant 6 : i32
        %mul3A_900 = vector.broadcast %mul3A_899 : i32 to vector<16xi32>
        %mul3A_901 = arith.muli %add3A_898, %mul3A_900 : vector<16xi32>
        %mul3A_902 = arith.constant 3 : i32
        %mul3A_903 = vector.broadcast %mul3A_902 : i32 to vector<16xi32>
        %mul3A_904 = arith.muli %gather3A_896, %mul3A_903 : vector<16xi32>
        %add3A_905 = arith.constant 0 : i32
        %add3A_906 = vector.broadcast %add3A_905 : i32 to vector<16xi32>
        %add3A_907 = arith.addi %mul3A_901, %add3A_906 : vector<16xi32>
        %swap3A_908 = arith.constant 0 : index
        %swap3A_909 = tpu.vector_load %arg14[%swap3A_908] {strides = array<i32>} : memref<128xi32, #tpu.memory_space<vmem>>, vector<16xi32>,
        tpu.vector_store %arg14[%swap3A_908], %add3A_907 {strides = array<i32>} : memref<128xi32, #tpu.memory_space<vmem>>, vector<16xi32>,
        %add3A_910 = arith.constant 0 : i32
        %add3A_911 = vector.broadcast %add3A_910 : i32 to vector<16xi32>
        %add3A_912 = arith.addi %mul3A_904, %add3A_911 : vector<16xi32>
        %swap3A_913 = arith.constant 0 : index
        %swap3A_914 = tpu.vector_load %arg26[%swap3A_913] {strides = array<i32>} : memref<128xi32, #tpu.memory_space<vmem>>, vector<16xi32>,
        tpu.vector_store %arg26[%swap3A_913], %add3A_912 {strides = array<i32>} : memref<128xi32, #tpu.memory_space<vmem>>, vector<16xi32>,
        %add3A_915 = arith.constant 1 : i32
        %add3A_916 = vector.broadcast %add3A_915 : i32 to vector<16xi32>
        %add3A_917 = arith.addi %mul3A_901, %add3A_916 : vector<16xi32>
        %swap3A_918 = arith.constant 0 : index
        %swap3A_919 = tpu.vector_load %arg15[%swap3A_918] {strides = array<i32>} : memref<128xi32, #tpu.memory_space<vmem>>, vector<16xi32>,
        tpu.vector_store %arg15[%swap3A_918], %add3A_917 {strides = array<i32>} : memref<128xi32, #tpu.memory_space<vmem>>, vector<16xi32>,
        %add3A_920 = arith.constant 1 : i32
        %add3A_921 = vector.broadcast %add3A_920 : i32 to vector<16xi32>
        %add3A_922 = arith.addi %mul3A_904, %add3A_921 : vector<16xi32>
        %swap3A_923 = arith.constant 0 : index
        %swap3A_924 = tpu.vector_load %arg27[%swap3A_923] {strides = array<i32>} : memref<128xi32, #tpu.memory_space<vmem>>, vector<16xi32>,
        tpu.vector_store %arg27[%swap3A_923], %add3A_922 {strides = array<i32>} : memref<128xi32, #tpu.memory_space<vmem>>, vector<16xi32>,
        %add3A_925 = arith.constant 2 : i32
        %add3A_926 = vector.broadcast %add3A_925 : i32 to vector<16xi32>
        %add3A_927 = arith.addi %mul3A_901, %add3A_926 : vector<16xi32>
        %swap3A_928 = arith.constant 0 : index
        %swap3A_929 = tpu.vector_load %arg16[%swap3A_928] {strides = array<i32>} : memref<128xi32, #tpu.memory_space<vmem>>, vector<16xi32>,
        tpu.vector_store %arg16[%swap3A_928], %add3A_927 {strides = array<i32>} : memref<128xi32, #tpu.memory_space<vmem>>, vector<16xi32>,
        %add3A_930 = arith.constant 2 : i32
        %add3A_931 = vector.broadcast %add3A_930 : i32 to vector<16xi32>
        %add3A_932 = arith.addi %mul3A_904, %add3A_931 : vector<16xi32>
        %swap3A_933 = arith.constant 0 : index
        %swap3A_934 = tpu.vector_load %arg28[%swap3A_933] {strides = array<i32>} : memref<128xi32, #tpu.memory_space<vmem>>, vector<16xi32>,
        tpu.vector_store %arg28[%swap3A_933], %add3A_932 {strides = array<i32>} : memref<128xi32, #tpu.memory_space<vmem>>, vector<16xi32>,
        %mul3A_935 = arith.constant 8 : i32
        %mul3A_936 = arith.muli %add3A_881, %mul3A_935 : i32
        %add3A_937 = arith.constant 1 : i32
        %add3A_938 = arith.addi %mul3A_936, %add3A_937 : i32
        %mul3A_939 = arith.constant 16 : i32
        %mul3A_940 = arith.muli %add3A_938, %mul3A_939 : i32
        %add3A_941 = vector.broadcast %mul3A_940 : i32 to vector<16xi32>
        %add3A_942 = arith.addi %add3A_941, %iota3A : vector<16xi32>
        %rem3A_943 = vector.broadcast %max3A_15 : i32 to vector<16xi32>
        %rem3A_944 = arith.remsi %add3A_942, %rem3A_943 : vector<16xi32>
        %ge3A_945 = vector.broadcast %scan3A_13#0 : i32 to vector<16xi32>
        %ge3A_946 = arith.cmpi sge, %add3A_942, %ge3A_945 : vector<16xi32>
        %select_n3A_947 = arith.select %ge3A_946, %rem3A_944, %add3A_942 : vector<16xi1>, vector<16xi32>
        %gather3A_948 = tpu.vector_load_idx %arg7[%select_n3A_947] : memref<16384xi32, #tpu.memory_space<vmem>>[vector<16xi32>], vector<16xi32>,
        %gather3A_949 = tpu.vector_load_idx %arg6[%gather3A_948] : memref<16400xi32, #tpu.memory_space<vmem>>[vector<16xi32>], vector<16xi32>,
        %add3A_950 = vector.broadcast %mul3A_2 : i32 to vector<16xi32>
        %add3A_951 = arith.addi %gather3A_948, %add3A_950 : vector<16xi32>
        %mul3A_952 = arith.constant 6 : i32
        %mul3A_953 = vector.broadcast %mul3A_952 : i32 to vector<16xi32>
        %mul3A_954 = arith.muli %add3A_951, %mul3A_953 : vector<16xi32>
        %mul3A_955 = arith.constant 3 : i32
        %mul3A_956 = vector.broadcast %mul3A_955 : i32 to vector<16xi32>
        %mul3A_957 = arith.muli %gather3A_949, %mul3A_956 : vector<16xi32>
        %add3A_958 = arith.constant 0 : i32
        %add3A_959 = vector.broadcast %add3A_958 : i32 to vector<16xi32>
        %add3A_960 = arith.addi %mul3A_954, %add3A_959 : vector<16xi32>
        %swap3A_961 = arith.constant 16 : index
        %swap3A_962 = tpu.vector_load %arg14[%swap3A_961] {strides = array<i32>} : memref<128xi32, #tpu.memory_space<vmem>>, vector<16xi32>,
        tpu.vector_store %arg14[%swap3A_961], %add3A_960 {strides = array<i32>} : memref<128xi32, #tpu.memory_space<vmem>>, vector<16xi32>,
        %add3A_963 = arith.constant 0 : i32
        %add3A_964 = vector.broadcast %add3A_963 : i32 to vector<16xi32>
        %add3A_965 = arith.addi %mul3A_957, %add3A_964 : vector<16xi32>
        %swap3A_966 = arith.constant 16 : index
        %swap3A_967 = tpu.vector_load %arg26[%swap3A_966] {strides = array<i32>} : memref<128xi32, #tpu.memory_space<vmem>>, vector<16xi32>,
        tpu.vector_store %arg26[%swap3A_966], %add3A_965 {strides = array<i32>} : memref<128xi32, #tpu.memory_space<vmem>>, vector<16xi32>,
        %add3A_968 = arith.constant 1 : i32
        %add3A_969 = vector.broadcast %add3A_968 : i32 to vector<16xi32>
        %add3A_970 = arith.addi %mul3A_954, %add3A_969 : vector<16xi32>
        %swap3A_971 = arith.constant 16 : index
        %swap3A_972 = tpu.vector_load %arg15[%swap3A_971] {strides = array<i32>} : memref<128xi32, #tpu.memory_space<vmem>>, vector<16xi32>,
        tpu.vector_store %arg15[%swap3A_971], %add3A_970 {strides = array<i32>} : memref<128xi32, #tpu.memory_space<vmem>>, vector<16xi32>,
        %add3A_973 = arith.constant 1 : i32
        %add3A_974 = vector.broadcast %add3A_973 : i32 to vector<16xi32>
        %add3A_975 = arith.addi %mul3A_957, %add3A_974 : vector<16xi32>
        %swap3A_976 = arith.constant 16 : index
        %swap3A_977 = tpu.vector_load %arg27[%swap3A_976] {strides = array<i32>} : memref<128xi32, #tpu.memory_space<vmem>>, vector<16xi32>,
        tpu.vector_store %arg27[%swap3A_976], %add3A_975 {strides = array<i32>} : memref<128xi32, #tpu.memory_space<vmem>>, vector<16xi32>,
        %add3A_978 = arith.constant 2 : i32
        %add3A_979 = vector.broadcast %add3A_978 : i32 to vector<16xi32>
        %add3A_980 = arith.addi %mul3A_954, %add3A_979 : vector<16xi32>
        %swap3A_981 = arith.constant 16 : index
        %swap3A_982 = tpu.vector_load %arg16[%swap3A_981] {strides = array<i32>} : memref<128xi32, #tpu.memory_space<vmem>>, vector<16xi32>,
        tpu.vector_store %arg16[%swap3A_981], %add3A_980 {strides = array<i32>} : memref<128xi32, #tpu.memory_space<vmem>>, vector<16xi32>,
        %add3A_983 = arith.constant 2 : i32
        %add3A_984 = vector.broadcast %add3A_983 : i32 to vector<16xi32>
        %add3A_985 = arith.addi %mul3A_957, %add3A_984 : vector<16xi32>
        %swap3A_986 = arith.constant 16 : index
        %swap3A_987 = tpu.vector_load %arg28[%swap3A_986] {strides = array<i32>} : memref<128xi32, #tpu.memory_space<vmem>>, vector<16xi32>,
        tpu.vector_store %arg28[%swap3A_986], %add3A_985 {strides = array<i32>} : memref<128xi32, #tpu.memory_space<vmem>>, vector<16xi32>,
        %mul3A_988 = arith.constant 8 : i32
        %mul3A_989 = arith.muli %add3A_881, %mul3A_988 : i32
        %add3A_990 = arith.constant 2 : i32
        %add3A_991 = arith.addi %mul3A_989, %add3A_990 : i32
        %mul3A_992 = arith.constant 16 : i32
        %mul3A_993 = arith.muli %add3A_991, %mul3A_992 : i32
        %add3A_994 = vector.broadcast %mul3A_993 : i32 to vector<16xi32>
        %add3A_995 = arith.addi %add3A_994, %iota3A : vector<16xi32>
        %rem3A_996 = vector.broadcast %max3A_15 : i32 to vector<16xi32>
        %rem3A_997 = arith.remsi %add3A_995, %rem3A_996 : vector<16xi32>
        %ge3A_998 = vector.broadcast %scan3A_13#0 : i32 to vector<16xi32>
        %ge3A_999 = arith.cmpi sge, %add3A_995, %ge3A_998 : vector<16xi32>
        %select_n3A_1000 = arith.select %ge3A_999, %rem3A_997, %add3A_995 : vector<16xi1>, vector<16xi32>
        %gather3A_1001 = tpu.vector_load_idx %arg7[%select_n3A_1000] : memref<16384xi32, #tpu.memory_space<vmem>>[vector<16xi32>], vector<16xi32>,
        %gather3A_1002 = tpu.vector_load_idx %arg6[%gather3A_1001] : memref<16400xi32, #tpu.memory_space<vmem>>[vector<16xi32>], vector<16xi32>,
        %add3A_1003 = vector.broadcast %mul3A_2 : i32 to vector<16xi32>
        %add3A_1004 = arith.addi %gather3A_1001, %add3A_1003 : vector<16xi32>
        %mul3A_1005 = arith.constant 6 : i32
        %mul3A_1006 = vector.broadcast %mul3A_1005 : i32 to vector<16xi32>
        %mul3A_1007 = arith.muli %add3A_1004, %mul3A_1006 : vector<16xi32>
        %mul3A_1008 = arith.constant 3 : i32
        %mul3A_1009 = vector.broadcast %mul3A_1008 : i32 to vector<16xi32>
        %mul3A_1010 = arith.muli %gather3A_1002, %mul3A_1009 : vector<16xi32>
        %add3A_1011 = arith.constant 0 : i32
        %add3A_1012 = vector.broadcast %add3A_1011 : i32 to vector<16xi32>
        %add3A_1013 = arith.addi %mul3A_1007, %add3A_1012 : vector<16xi32>
        %swap3A_1014 = arith.constant 32 : index
        %swap3A_1015 = tpu.vector_load %arg14[%swap3A_1014] {strides = array<i32>} : memref<128xi32, #tpu.memory_space<vmem>>, vector<16xi32>,
        tpu.vector_store %arg14[%swap3A_1014], %add3A_1013 {strides = array<i32>} : memref<128xi32, #tpu.memory_space<vmem>>, vector<16xi32>,
        %add3A_1016 = arith.constant 0 : i32
        %add3A_1017 = vector.broadcast %add3A_1016 : i32 to vector<16xi32>
        %add3A_1018 = arith.addi %mul3A_1010, %add3A_1017 : vector<16xi32>
        %swap3A_1019 = arith.constant 32 : index
        %swap3A_1020 = tpu.vector_load %arg26[%swap3A_1019] {strides = array<i32>} : memref<128xi32, #tpu.memory_space<vmem>>, vector<16xi32>,
        tpu.vector_store %arg26[%swap3A_1019], %add3A_1018 {strides = array<i32>} : memref<128xi32, #tpu.memory_space<vmem>>, vector<16xi32>,
        %add3A_1021 = arith.constant 1 : i32
        %add3A_1022 = vector.broadcast %add3A_1021 : i32 to vector<16xi32>
        %add3A_1023 = arith.addi %mul3A_1007, %add3A_1022 : vector<16xi32>
        %swap3A_1024 = arith.constant 32 : index
        %swap3A_1025 = tpu.vector_load %arg15[%swap3A_1024] {strides = array<i32>} : memref<128xi32, #tpu.memory_space<vmem>>, vector<16xi32>,
        tpu.vector_store %arg15[%swap3A_1024], %add3A_1023 {strides = array<i32>} : memref<128xi32, #tpu.memory_space<vmem>>, vector<16xi32>,
        %add3A_1026 = arith.constant 1 : i32
        %add3A_1027 = vector.broadcast %add3A_1026 : i32 to vector<16xi32>
        %add3A_1028 = arith.addi %mul3A_1010, %add3A_1027 : vector<16xi32>
        %swap3A_1029 = arith.constant 32 : index
        %swap3A_1030 = tpu.vector_load %arg27[%swap3A_1029] {strides = array<i32>} : memref<128xi32, #tpu.memory_space<vmem>>, vector<16xi32>,
        tpu.vector_store %arg27[%swap3A_1029], %add3A_1028 {strides = array<i32>} : memref<128xi32, #tpu.memory_space<vmem>>, vector<16xi32>,
        %add3A_1031 = arith.constant 2 : i32
        %add3A_1032 = vector.broadcast %add3A_1031 : i32 to vector<16xi32>
        %add3A_1033 = arith.addi %mul3A_1007, %add3A_1032 : vector<16xi32>
        %swap3A_1034 = arith.constant 32 : index
        %swap3A_1035 = tpu.vector_load %arg16[%swap3A_1034] {strides = array<i32>} : memref<128xi32, #tpu.memory_space<vmem>>, vector<16xi32>,
        tpu.vector_store %arg16[%swap3A_1034], %add3A_1033 {strides = array<i32>} : memref<128xi32, #tpu.memory_space<vmem>>, vector<16xi32>,
        %add3A_1036 = arith.constant 2 : i32
        %add3A_1037 = vector.broadcast %add3A_1036 : i32 to vector<16xi32>
        %add3A_1038 = arith.addi %mul3A_1010, %add3A_1037 : vector<16xi32>
        %swap3A_1039 = arith.constant 32 : index
        %swap3A_1040 = tpu.vector_load %arg28[%swap3A_1039] {strides = array<i32>} : memref<128xi32, #tpu.memory_space<vmem>>, vector<16xi32>,
        tpu.vector_store %arg28[%swap3A_1039], %add3A_1038 {strides = array<i32>} : memref<128xi32, #tpu.memory_space<vmem>>, vector<16xi32>,
        %mul3A_1041 = arith.constant 8 : i32
        %mul3A_1042 = arith.muli %add3A_881, %mul3A_1041 : i32
        %add3A_1043 = arith.constant 3 : i32
        %add3A_1044 = arith.addi %mul3A_1042, %add3A_1043 : i32
        %mul3A_1045 = arith.constant 16 : i32
        %mul3A_1046 = arith.muli %add3A_1044, %mul3A_1045 : i32
        %add3A_1047 = vector.broadcast %mul3A_1046 : i32 to vector<16xi32>
        %add3A_1048 = arith.addi %add3A_1047, %iota3A : vector<16xi32>
        %rem3A_1049 = vector.broadcast %max3A_15 : i32 to vector<16xi32>
        %rem3A_1050 = arith.remsi %add3A_1048, %rem3A_1049 : vector<16xi32>
        %ge3A_1051 = vector.broadcast %scan3A_13#0 : i32 to vector<16xi32>
        %ge3A_1052 = arith.cmpi sge, %add3A_1048, %ge3A_1051 : vector<16xi32>
        %select_n3A_1053 = arith.select %ge3A_1052, %rem3A_1050, %add3A_1048 : vector<16xi1>, vector<16xi32>
        %gather3A_1054 = tpu.vector_load_idx %arg7[%select_n3A_1053] : memref<16384xi32, #tpu.memory_space<vmem>>[vector<16xi32>], vector<16xi32>,
        %gather3A_1055 = tpu.vector_load_idx %arg6[%gather3A_1054] : memref<16400xi32, #tpu.memory_space<vmem>>[vector<16xi32>], vector<16xi32>,
        %add3A_1056 = vector.broadcast %mul3A_2 : i32 to vector<16xi32>
        %add3A_1057 = arith.addi %gather3A_1054, %add3A_1056 : vector<16xi32>
        %mul3A_1058 = arith.constant 6 : i32
        %mul3A_1059 = vector.broadcast %mul3A_1058 : i32 to vector<16xi32>
        %mul3A_1060 = arith.muli %add3A_1057, %mul3A_1059 : vector<16xi32>
        %mul3A_1061 = arith.constant 3 : i32
        %mul3A_1062 = vector.broadcast %mul3A_1061 : i32 to vector<16xi32>
        %mul3A_1063 = arith.muli %gather3A_1055, %mul3A_1062 : vector<16xi32>
        %add3A_1064 = arith.constant 0 : i32
        %add3A_1065 = vector.broadcast %add3A_1064 : i32 to vector<16xi32>
        %add3A_1066 = arith.addi %mul3A_1060, %add3A_1065 : vector<16xi32>
        %swap3A_1067 = arith.constant 48 : index
        %swap3A_1068 = tpu.vector_load %arg14[%swap3A_1067] {strides = array<i32>} : memref<128xi32, #tpu.memory_space<vmem>>, vector<16xi32>,
        tpu.vector_store %arg14[%swap3A_1067], %add3A_1066 {strides = array<i32>} : memref<128xi32, #tpu.memory_space<vmem>>, vector<16xi32>,
        %add3A_1069 = arith.constant 0 : i32
        %add3A_1070 = vector.broadcast %add3A_1069 : i32 to vector<16xi32>
        %add3A_1071 = arith.addi %mul3A_1063, %add3A_1070 : vector<16xi32>
        %swap3A_1072 = arith.constant 48 : index
        %swap3A_1073 = tpu.vector_load %arg26[%swap3A_1072] {strides = array<i32>} : memref<128xi32, #tpu.memory_space<vmem>>, vector<16xi32>,
        tpu.vector_store %arg26[%swap3A_1072], %add3A_1071 {strides = array<i32>} : memref<128xi32, #tpu.memory_space<vmem>>, vector<16xi32>,
        %add3A_1074 = arith.constant 1 : i32
        %add3A_1075 = vector.broadcast %add3A_1074 : i32 to vector<16xi32>
        %add3A_1076 = arith.addi %mul3A_1060, %add3A_1075 : vector<16xi32>
        %swap3A_1077 = arith.constant 48 : index
        %swap3A_1078 = tpu.vector_load %arg15[%swap3A_1077] {strides = array<i32>} : memref<128xi32, #tpu.memory_space<vmem>>, vector<16xi32>,
        tpu.vector_store %arg15[%swap3A_1077], %add3A_1076 {strides = array<i32>} : memref<128xi32, #tpu.memory_space<vmem>>, vector<16xi32>,
        %add3A_1079 = arith.constant 1 : i32
        %add3A_1080 = vector.broadcast %add3A_1079 : i32 to vector<16xi32>
        %add3A_1081 = arith.addi %mul3A_1063, %add3A_1080 : vector<16xi32>
        %swap3A_1082 = arith.constant 48 : index
        %swap3A_1083 = tpu.vector_load %arg27[%swap3A_1082] {strides = array<i32>} : memref<128xi32, #tpu.memory_space<vmem>>, vector<16xi32>,
        tpu.vector_store %arg27[%swap3A_1082], %add3A_1081 {strides = array<i32>} : memref<128xi32, #tpu.memory_space<vmem>>, vector<16xi32>,
        %add3A_1084 = arith.constant 2 : i32
        %add3A_1085 = vector.broadcast %add3A_1084 : i32 to vector<16xi32>
        %add3A_1086 = arith.addi %mul3A_1060, %add3A_1085 : vector<16xi32>
        %swap3A_1087 = arith.constant 48 : index
        %swap3A_1088 = tpu.vector_load %arg16[%swap3A_1087] {strides = array<i32>} : memref<128xi32, #tpu.memory_space<vmem>>, vector<16xi32>,
        tpu.vector_store %arg16[%swap3A_1087], %add3A_1086 {strides = array<i32>} : memref<128xi32, #tpu.memory_space<vmem>>, vector<16xi32>,
        %add3A_1089 = arith.constant 2 : i32
        %add3A_1090 = vector.broadcast %add3A_1089 : i32 to vector<16xi32>
        %add3A_1091 = arith.addi %mul3A_1063, %add3A_1090 : vector<16xi32>
        %swap3A_1092 = arith.constant 48 : index
        %swap3A_1093 = tpu.vector_load %arg28[%swap3A_1092] {strides = array<i32>} : memref<128xi32, #tpu.memory_space<vmem>>, vector<16xi32>,
        tpu.vector_store %arg28[%swap3A_1092], %add3A_1091 {strides = array<i32>} : memref<128xi32, #tpu.memory_space<vmem>>, vector<16xi32>,
        %mul3A_1094 = arith.constant 8 : i32
        %mul3A_1095 = arith.muli %add3A_881, %mul3A_1094 : i32
        %add3A_1096 = arith.constant 4 : i32
        %add3A_1097 = arith.addi %mul3A_1095, %add3A_1096 : i32
        %mul3A_1098 = arith.constant 16 : i32
        %mul3A_1099 = arith.muli %add3A_1097, %mul3A_1098 : i32
        %add3A_1100 = vector.broadcast %mul3A_1099 : i32 to vector<16xi32>
        %add3A_1101 = arith.addi %add3A_1100, %iota3A : vector<16xi32>
        %rem3A_1102 = vector.broadcast %max3A_15 : i32 to vector<16xi32>
        %rem3A_1103 = arith.remsi %add3A_1101, %rem3A_1102 : vector<16xi32>
        %ge3A_1104 = vector.broadcast %scan3A_13#0 : i32 to vector<16xi32>
        %ge3A_1105 = arith.cmpi sge, %add3A_1101, %ge3A_1104 : vector<16xi32>
        %select_n3A_1106 = arith.select %ge3A_1105, %rem3A_1103, %add3A_1101 : vector<16xi1>, vector<16xi32>
        %gather3A_1107 = tpu.vector_load_idx %arg7[%select_n3A_1106] : memref<16384xi32, #tpu.memory_space<vmem>>[vector<16xi32>], vector<16xi32>,
        %gather3A_1108 = tpu.vector_load_idx %arg6[%gather3A_1107] : memref<16400xi32, #tpu.memory_space<vmem>>[vector<16xi32>], vector<16xi32>,
        %add3A_1109 = vector.broadcast %mul3A_2 : i32 to vector<16xi32>
        %add3A_1110 = arith.addi %gather3A_1107, %add3A_1109 : vector<16xi32>
        %mul3A_1111 = arith.constant 6 : i32
        %mul3A_1112 = vector.broadcast %mul3A_1111 : i32 to vector<16xi32>
        %mul3A_1113 = arith.muli %add3A_1110, %mul3A_1112 : vector<16xi32>
        %mul3A_1114 = arith.constant 3 : i32
        %mul3A_1115 = vector.broadcast %mul3A_1114 : i32 to vector<16xi32>
        %mul3A_1116 = arith.muli %gather3A_1108, %mul3A_1115 : vector<16xi32>
        %add3A_1117 = arith.constant 0 : i32
        %add3A_1118 = vector.broadcast %add3A_1117 : i32 to vector<16xi32>
        %add3A_1119 = arith.addi %mul3A_1113, %add3A_1118 : vector<16xi32>
        %swap3A_1120 = arith.constant 64 : index
        %swap3A_1121 = tpu.vector_load %arg14[%swap3A_1120] {strides = array<i32>} : memref<128xi32, #tpu.memory_space<vmem>>, vector<16xi32>,
        tpu.vector_store %arg14[%swap3A_1120], %add3A_1119 {strides = array<i32>} : memref<128xi32, #tpu.memory_space<vmem>>, vector<16xi32>,
        %add3A_1122 = arith.constant 0 : i32
        %add3A_1123 = vector.broadcast %add3A_1122 : i32 to vector<16xi32>
        %add3A_1124 = arith.addi %mul3A_1116, %add3A_1123 : vector<16xi32>
        %swap3A_1125 = arith.constant 64 : index
        %swap3A_1126 = tpu.vector_load %arg26[%swap3A_1125] {strides = array<i32>} : memref<128xi32, #tpu.memory_space<vmem>>, vector<16xi32>,
        tpu.vector_store %arg26[%swap3A_1125], %add3A_1124 {strides = array<i32>} : memref<128xi32, #tpu.memory_space<vmem>>, vector<16xi32>,
        %add3A_1127 = arith.constant 1 : i32
        %add3A_1128 = vector.broadcast %add3A_1127 : i32 to vector<16xi32>
        %add3A_1129 = arith.addi %mul3A_1113, %add3A_1128 : vector<16xi32>
        %swap3A_1130 = arith.constant 64 : index
        %swap3A_1131 = tpu.vector_load %arg15[%swap3A_1130] {strides = array<i32>} : memref<128xi32, #tpu.memory_space<vmem>>, vector<16xi32>,
        tpu.vector_store %arg15[%swap3A_1130], %add3A_1129 {strides = array<i32>} : memref<128xi32, #tpu.memory_space<vmem>>, vector<16xi32>,
        %add3A_1132 = arith.constant 1 : i32
        %add3A_1133 = vector.broadcast %add3A_1132 : i32 to vector<16xi32>
        %add3A_1134 = arith.addi %mul3A_1116, %add3A_1133 : vector<16xi32>
        %swap3A_1135 = arith.constant 64 : index
        %swap3A_1136 = tpu.vector_load %arg27[%swap3A_1135] {strides = array<i32>} : memref<128xi32, #tpu.memory_space<vmem>>, vector<16xi32>,
        tpu.vector_store %arg27[%swap3A_1135], %add3A_1134 {strides = array<i32>} : memref<128xi32, #tpu.memory_space<vmem>>, vector<16xi32>,
        %add3A_1137 = arith.constant 2 : i32
        %add3A_1138 = vector.broadcast %add3A_1137 : i32 to vector<16xi32>
        %add3A_1139 = arith.addi %mul3A_1113, %add3A_1138 : vector<16xi32>
        %swap3A_1140 = arith.constant 64 : index
        %swap3A_1141 = tpu.vector_load %arg16[%swap3A_1140] {strides = array<i32>} : memref<128xi32, #tpu.memory_space<vmem>>, vector<16xi32>,
        tpu.vector_store %arg16[%swap3A_1140], %add3A_1139 {strides = array<i32>} : memref<128xi32, #tpu.memory_space<vmem>>, vector<16xi32>,
        %add3A_1142 = arith.constant 2 : i32
        %add3A_1143 = vector.broadcast %add3A_1142 : i32 to vector<16xi32>
        %add3A_1144 = arith.addi %mul3A_1116, %add3A_1143 : vector<16xi32>
        %swap3A_1145 = arith.constant 64 : index
        %swap3A_1146 = tpu.vector_load %arg28[%swap3A_1145] {strides = array<i32>} : memref<128xi32, #tpu.memory_space<vmem>>, vector<16xi32>,
        tpu.vector_store %arg28[%swap3A_1145], %add3A_1144 {strides = array<i32>} : memref<128xi32, #tpu.memory_space<vmem>>, vector<16xi32>,
        %mul3A_1147 = arith.constant 8 : i32
        %mul3A_1148 = arith.muli %add3A_881, %mul3A_1147 : i32
        %add3A_1149 = arith.constant 5 : i32
        %add3A_1150 = arith.addi %mul3A_1148, %add3A_1149 : i32
        %mul3A_1151 = arith.constant 16 : i32
        %mul3A_1152 = arith.muli %add3A_1150, %mul3A_1151 : i32
        %add3A_1153 = vector.broadcast %mul3A_1152 : i32 to vector<16xi32>
        %add3A_1154 = arith.addi %add3A_1153, %iota3A : vector<16xi32>
        %rem3A_1155 = vector.broadcast %max3A_15 : i32 to vector<16xi32>
        %rem3A_1156 = arith.remsi %add3A_1154, %rem3A_1155 : vector<16xi32>
        %ge3A_1157 = vector.broadcast %scan3A_13#0 : i32 to vector<16xi32>
        %ge3A_1158 = arith.cmpi sge, %add3A_1154, %ge3A_1157 : vector<16xi32>
        %select_n3A_1159 = arith.select %ge3A_1158, %rem3A_1156, %add3A_1154 : vector<16xi1>, vector<16xi32>
        %gather3A_1160 = tpu.vector_load_idx %arg7[%select_n3A_1159] : memref<16384xi32, #tpu.memory_space<vmem>>[vector<16xi32>], vector<16xi32>,
        %gather3A_1161 = tpu.vector_load_idx %arg6[%gather3A_1160] : memref<16400xi32, #tpu.memory_space<vmem>>[vector<16xi32>], vector<16xi32>,
        %add3A_1162 = vector.broadcast %mul3A_2 : i32 to vector<16xi32>
        %add3A_1163 = arith.addi %gather3A_1160, %add3A_1162 : vector<16xi32>
        %mul3A_1164 = arith.constant 6 : i32
        %mul3A_1165 = vector.broadcast %mul3A_1164 : i32 to vector<16xi32>
        %mul3A_1166 = arith.muli %add3A_1163, %mul3A_1165 : vector<16xi32>
        %mul3A_1167 = arith.constant 3 : i32
        %mul3A_1168 = vector.broadcast %mul3A_1167 : i32 to vector<16xi32>
        %mul3A_1169 = arith.muli %gather3A_1161, %mul3A_1168 : vector<16xi32>
        %add3A_1170 = arith.constant 0 : i32
        %add3A_1171 = vector.broadcast %add3A_1170 : i32 to vector<16xi32>
        %add3A_1172 = arith.addi %mul3A_1166, %add3A_1171 : vector<16xi32>
        %swap3A_1173 = arith.constant 80 : index
        %swap3A_1174 = tpu.vector_load %arg14[%swap3A_1173] {strides = array<i32>} : memref<128xi32, #tpu.memory_space<vmem>>, vector<16xi32>,
        tpu.vector_store %arg14[%swap3A_1173], %add3A_1172 {strides = array<i32>} : memref<128xi32, #tpu.memory_space<vmem>>, vector<16xi32>,
        %add3A_1175 = arith.constant 0 : i32
        %add3A_1176 = vector.broadcast %add3A_1175 : i32 to vector<16xi32>
        %add3A_1177 = arith.addi %mul3A_1169, %add3A_1176 : vector<16xi32>
        %swap3A_1178 = arith.constant 80 : index
        %swap3A_1179 = tpu.vector_load %arg26[%swap3A_1178] {strides = array<i32>} : memref<128xi32, #tpu.memory_space<vmem>>, vector<16xi32>,
        tpu.vector_store %arg26[%swap3A_1178], %add3A_1177 {strides = array<i32>} : memref<128xi32, #tpu.memory_space<vmem>>, vector<16xi32>,
        %add3A_1180 = arith.constant 1 : i32
        %add3A_1181 = vector.broadcast %add3A_1180 : i32 to vector<16xi32>
        %add3A_1182 = arith.addi %mul3A_1166, %add3A_1181 : vector<16xi32>
        %swap3A_1183 = arith.constant 80 : index
        %swap3A_1184 = tpu.vector_load %arg15[%swap3A_1183] {strides = array<i32>} : memref<128xi32, #tpu.memory_space<vmem>>, vector<16xi32>,
        tpu.vector_store %arg15[%swap3A_1183], %add3A_1182 {strides = array<i32>} : memref<128xi32, #tpu.memory_space<vmem>>, vector<16xi32>,
        %add3A_1185 = arith.constant 1 : i32
        %add3A_1186 = vector.broadcast %add3A_1185 : i32 to vector<16xi32>
        %add3A_1187 = arith.addi %mul3A_1169, %add3A_1186 : vector<16xi32>
        %swap3A_1188 = arith.constant 80 : index
        %swap3A_1189 = tpu.vector_load %arg27[%swap3A_1188] {strides = array<i32>} : memref<128xi32, #tpu.memory_space<vmem>>, vector<16xi32>,
        tpu.vector_store %arg27[%swap3A_1188], %add3A_1187 {strides = array<i32>} : memref<128xi32, #tpu.memory_space<vmem>>, vector<16xi32>,
        %add3A_1190 = arith.constant 2 : i32
        %add3A_1191 = vector.broadcast %add3A_1190 : i32 to vector<16xi32>
        %add3A_1192 = arith.addi %mul3A_1166, %add3A_1191 : vector<16xi32>
        %swap3A_1193 = arith.constant 80 : index
        %swap3A_1194 = tpu.vector_load %arg16[%swap3A_1193] {strides = array<i32>} : memref<128xi32, #tpu.memory_space<vmem>>, vector<16xi32>,
        tpu.vector_store %arg16[%swap3A_1193], %add3A_1192 {strides = array<i32>} : memref<128xi32, #tpu.memory_space<vmem>>, vector<16xi32>,
        %add3A_1195 = arith.constant 2 : i32
        %add3A_1196 = vector.broadcast %add3A_1195 : i32 to vector<16xi32>
        %add3A_1197 = arith.addi %mul3A_1169, %add3A_1196 : vector<16xi32>
        %swap3A_1198 = arith.constant 80 : index
        %swap3A_1199 = tpu.vector_load %arg28[%swap3A_1198] {strides = array<i32>} : memref<128xi32, #tpu.memory_space<vmem>>, vector<16xi32>,
        tpu.vector_store %arg28[%swap3A_1198], %add3A_1197 {strides = array<i32>} : memref<128xi32, #tpu.memory_space<vmem>>, vector<16xi32>,
        %mul3A_1200 = arith.constant 8 : i32
        %mul3A_1201 = arith.muli %add3A_881, %mul3A_1200 : i32
        %add3A_1202 = arith.constant 6 : i32
        %add3A_1203 = arith.addi %mul3A_1201, %add3A_1202 : i32
        %mul3A_1204 = arith.constant 16 : i32
        %mul3A_1205 = arith.muli %add3A_1203, %mul3A_1204 : i32
        %add3A_1206 = vector.broadcast %mul3A_1205 : i32 to vector<16xi32>
        %add3A_1207 = arith.addi %add3A_1206, %iota3A : vector<16xi32>
        %rem3A_1208 = vector.broadcast %max3A_15 : i32 to vector<16xi32>
        %rem3A_1209 = arith.remsi %add3A_1207, %rem3A_1208 : vector<16xi32>
        %ge3A_1210 = vector.broadcast %scan3A_13#0 : i32 to vector<16xi32>
        %ge3A_1211 = arith.cmpi sge, %add3A_1207, %ge3A_1210 : vector<16xi32>
        %select_n3A_1212 = arith.select %ge3A_1211, %rem3A_1209, %add3A_1207 : vector<16xi1>, vector<16xi32>
        %gather3A_1213 = tpu.vector_load_idx %arg7[%select_n3A_1212] : memref<16384xi32, #tpu.memory_space<vmem>>[vector<16xi32>], vector<16xi32>,
        %gather3A_1214 = tpu.vector_load_idx %arg6[%gather3A_1213] : memref<16400xi32, #tpu.memory_space<vmem>>[vector<16xi32>], vector<16xi32>,
        %add3A_1215 = vector.broadcast %mul3A_2 : i32 to vector<16xi32>
        %add3A_1216 = arith.addi %gather3A_1213, %add3A_1215 : vector<16xi32>
        %mul3A_1217 = arith.constant 6 : i32
        %mul3A_1218 = vector.broadcast %mul3A_1217 : i32 to vector<16xi32>
        %mul3A_1219 = arith.muli %add3A_1216, %mul3A_1218 : vector<16xi32>
        %mul3A_1220 = arith.constant 3 : i32
        %mul3A_1221 = vector.broadcast %mul3A_1220 : i32 to vector<16xi32>
        %mul3A_1222 = arith.muli %gather3A_1214, %mul3A_1221 : vector<16xi32>
        %add3A_1223 = arith.constant 0 : i32
        %add3A_1224 = vector.broadcast %add3A_1223 : i32 to vector<16xi32>
        %add3A_1225 = arith.addi %mul3A_1219, %add3A_1224 : vector<16xi32>
        %swap3A_1226 = arith.constant 96 : index
        %swap3A_1227 = tpu.vector_load %arg14[%swap3A_1226] {strides = array<i32>} : memref<128xi32, #tpu.memory_space<vmem>>, vector<16xi32>,
        tpu.vector_store %arg14[%swap3A_1226], %add3A_1225 {strides = array<i32>} : memref<128xi32, #tpu.memory_space<vmem>>, vector<16xi32>,
        %add3A_1228 = arith.constant 0 : i32
        %add3A_1229 = vector.broadcast %add3A_1228 : i32 to vector<16xi32>
        %add3A_1230 = arith.addi %mul3A_1222, %add3A_1229 : vector<16xi32>
        %swap3A_1231 = arith.constant 96 : index
        %swap3A_1232 = tpu.vector_load %arg26[%swap3A_1231] {strides = array<i32>} : memref<128xi32, #tpu.memory_space<vmem>>, vector<16xi32>,
        tpu.vector_store %arg26[%swap3A_1231], %add3A_1230 {strides = array<i32>} : memref<128xi32, #tpu.memory_space<vmem>>, vector<16xi32>,
        %add3A_1233 = arith.constant 1 : i32
        %add3A_1234 = vector.broadcast %add3A_1233 : i32 to vector<16xi32>
        %add3A_1235 = arith.addi %mul3A_1219, %add3A_1234 : vector<16xi32>
        %swap3A_1236 = arith.constant 96 : index
        %swap3A_1237 = tpu.vector_load %arg15[%swap3A_1236] {strides = array<i32>} : memref<128xi32, #tpu.memory_space<vmem>>, vector<16xi32>,
        tpu.vector_store %arg15[%swap3A_1236], %add3A_1235 {strides = array<i32>} : memref<128xi32, #tpu.memory_space<vmem>>, vector<16xi32>,
        %add3A_1238 = arith.constant 1 : i32
        %add3A_1239 = vector.broadcast %add3A_1238 : i32 to vector<16xi32>
        %add3A_1240 = arith.addi %mul3A_1222, %add3A_1239 : vector<16xi32>
        %swap3A_1241 = arith.constant 96 : index
        %swap3A_1242 = tpu.vector_load %arg27[%swap3A_1241] {strides = array<i32>} : memref<128xi32, #tpu.memory_space<vmem>>, vector<16xi32>,
        tpu.vector_store %arg27[%swap3A_1241], %add3A_1240 {strides = array<i32>} : memref<128xi32, #tpu.memory_space<vmem>>, vector<16xi32>,
        %add3A_1243 = arith.constant 2 : i32
        %add3A_1244 = vector.broadcast %add3A_1243 : i32 to vector<16xi32>
        %add3A_1245 = arith.addi %mul3A_1219, %add3A_1244 : vector<16xi32>
        %swap3A_1246 = arith.constant 96 : index
        %swap3A_1247 = tpu.vector_load %arg16[%swap3A_1246] {strides = array<i32>} : memref<128xi32, #tpu.memory_space<vmem>>, vector<16xi32>,
        tpu.vector_store %arg16[%swap3A_1246], %add3A_1245 {strides = array<i32>} : memref<128xi32, #tpu.memory_space<vmem>>, vector<16xi32>,
        %add3A_1248 = arith.constant 2 : i32
        %add3A_1249 = vector.broadcast %add3A_1248 : i32 to vector<16xi32>
        %add3A_1250 = arith.addi %mul3A_1222, %add3A_1249 : vector<16xi32>
        %swap3A_1251 = arith.constant 96 : index
        %swap3A_1252 = tpu.vector_load %arg28[%swap3A_1251] {strides = array<i32>} : memref<128xi32, #tpu.memory_space<vmem>>, vector<16xi32>,
        tpu.vector_store %arg28[%swap3A_1251], %add3A_1250 {strides = array<i32>} : memref<128xi32, #tpu.memory_space<vmem>>, vector<16xi32>,
        %mul3A_1253 = arith.constant 8 : i32
        %mul3A_1254 = arith.muli %add3A_881, %mul3A_1253 : i32
        %add3A_1255 = arith.constant 7 : i32
        %add3A_1256 = arith.addi %mul3A_1254, %add3A_1255 : i32
        %mul3A_1257 = arith.constant 16 : i32
        %mul3A_1258 = arith.muli %add3A_1256, %mul3A_1257 : i32
        %add3A_1259 = vector.broadcast %mul3A_1258 : i32 to vector<16xi32>
        %add3A_1260 = arith.addi %add3A_1259, %iota3A : vector<16xi32>
        %rem3A_1261 = vector.broadcast %max3A_15 : i32 to vector<16xi32>
        %rem3A_1262 = arith.remsi %add3A_1260, %rem3A_1261 : vector<16xi32>
        %ge3A_1263 = vector.broadcast %scan3A_13#0 : i32 to vector<16xi32>
        %ge3A_1264 = arith.cmpi sge, %add3A_1260, %ge3A_1263 : vector<16xi32>
        %select_n3A_1265 = arith.select %ge3A_1264, %rem3A_1262, %add3A_1260 : vector<16xi1>, vector<16xi32>
        %gather3A_1266 = tpu.vector_load_idx %arg7[%select_n3A_1265] : memref<16384xi32, #tpu.memory_space<vmem>>[vector<16xi32>], vector<16xi32>,
        %gather3A_1267 = tpu.vector_load_idx %arg6[%gather3A_1266] : memref<16400xi32, #tpu.memory_space<vmem>>[vector<16xi32>], vector<16xi32>,
        %add3A_1268 = vector.broadcast %mul3A_2 : i32 to vector<16xi32>
        %add3A_1269 = arith.addi %gather3A_1266, %add3A_1268 : vector<16xi32>
        %mul3A_1270 = arith.constant 6 : i32
        %mul3A_1271 = vector.broadcast %mul3A_1270 : i32 to vector<16xi32>
        %mul3A_1272 = arith.muli %add3A_1269, %mul3A_1271 : vector<16xi32>
        %mul3A_1273 = arith.constant 3 : i32
        %mul3A_1274 = vector.broadcast %mul3A_1273 : i32 to vector<16xi32>
        %mul3A_1275 = arith.muli %gather3A_1267, %mul3A_1274 : vector<16xi32>
        %add3A_1276 = arith.constant 0 : i32
        %add3A_1277 = vector.broadcast %add3A_1276 : i32 to vector<16xi32>
        %add3A_1278 = arith.addi %mul3A_1272, %add3A_1277 : vector<16xi32>
        %swap3A_1279 = arith.constant 112 : index
        %swap3A_1280 = tpu.vector_load %arg14[%swap3A_1279] {strides = array<i32>} : memref<128xi32, #tpu.memory_space<vmem>>, vector<16xi32>,
        tpu.vector_store %arg14[%swap3A_1279], %add3A_1278 {strides = array<i32>} : memref<128xi32, #tpu.memory_space<vmem>>, vector<16xi32>,
        %add3A_1281 = arith.constant 0 : i32
        %add3A_1282 = vector.broadcast %add3A_1281 : i32 to vector<16xi32>
        %add3A_1283 = arith.addi %mul3A_1275, %add3A_1282 : vector<16xi32>
        %swap3A_1284 = arith.constant 112 : index
        %swap3A_1285 = tpu.vector_load %arg26[%swap3A_1284] {strides = array<i32>} : memref<128xi32, #tpu.memory_space<vmem>>, vector<16xi32>,
        tpu.vector_store %arg26[%swap3A_1284], %add3A_1283 {strides = array<i32>} : memref<128xi32, #tpu.memory_space<vmem>>, vector<16xi32>,
        %add3A_1286 = arith.constant 1 : i32
        %add3A_1287 = vector.broadcast %add3A_1286 : i32 to vector<16xi32>
        %add3A_1288 = arith.addi %mul3A_1272, %add3A_1287 : vector<16xi32>
        %swap3A_1289 = arith.constant 112 : index
        %swap3A_1290 = tpu.vector_load %arg15[%swap3A_1289] {strides = array<i32>} : memref<128xi32, #tpu.memory_space<vmem>>, vector<16xi32>,
        tpu.vector_store %arg15[%swap3A_1289], %add3A_1288 {strides = array<i32>} : memref<128xi32, #tpu.memory_space<vmem>>, vector<16xi32>,
        %add3A_1291 = arith.constant 1 : i32
        %add3A_1292 = vector.broadcast %add3A_1291 : i32 to vector<16xi32>
        %add3A_1293 = arith.addi %mul3A_1275, %add3A_1292 : vector<16xi32>
        %swap3A_1294 = arith.constant 112 : index
        %swap3A_1295 = tpu.vector_load %arg27[%swap3A_1294] {strides = array<i32>} : memref<128xi32, #tpu.memory_space<vmem>>, vector<16xi32>,
        tpu.vector_store %arg27[%swap3A_1294], %add3A_1293 {strides = array<i32>} : memref<128xi32, #tpu.memory_space<vmem>>, vector<16xi32>,
        %add3A_1296 = arith.constant 2 : i32
        %add3A_1297 = vector.broadcast %add3A_1296 : i32 to vector<16xi32>
        %add3A_1298 = arith.addi %mul3A_1272, %add3A_1297 : vector<16xi32>
        %swap3A_1299 = arith.constant 112 : index
        %swap3A_1300 = tpu.vector_load %arg16[%swap3A_1299] {strides = array<i32>} : memref<128xi32, #tpu.memory_space<vmem>>, vector<16xi32>,
        tpu.vector_store %arg16[%swap3A_1299], %add3A_1298 {strides = array<i32>} : memref<128xi32, #tpu.memory_space<vmem>>, vector<16xi32>,
        %add3A_1301 = arith.constant 2 : i32
        %add3A_1302 = vector.broadcast %add3A_1301 : i32 to vector<16xi32>
        %add3A_1303 = arith.addi %mul3A_1275, %add3A_1302 : vector<16xi32>
        %swap3A_1304 = arith.constant 112 : index
        %swap3A_1305 = tpu.vector_load %arg28[%swap3A_1304] {strides = array<i32>} : memref<128xi32, #tpu.memory_space<vmem>>, vector<16xi32>,
        tpu.vector_store %arg28[%swap3A_1304], %add3A_1303 {strides = array<i32>} : memref<128xi32, #tpu.memory_space<vmem>>, vector<16xi32>,
        %mul3A_1306 = arith.constant 4 : i32
        %mul3A_1307 = arith.muli %scan3A_26, %mul3A_1306 : i32
        %add3A_1308 = arith.constant 3 : i32
        %add3A_1309 = arith.addi %mul3A_1307, %add3A_1308 : i32
        %mul3A_1310 = arith.constant 8 : i32
        %mul3A_1311 = arith.muli %add3A_1309, %mul3A_1310 : i32
        %add3A_1312 = arith.constant 0 : i32
        %add3A_1313 = arith.addi %mul3A_1311, %add3A_1312 : i32
        %mul3A_1314 = arith.constant 16 : i32
        %mul3A_1315 = arith.muli %add3A_1313, %mul3A_1314 : i32
        %add3A_1316 = vector.broadcast %mul3A_1315 : i32 to vector<16xi32>
        %add3A_1317 = arith.addi %add3A_1316, %iota3A : vector<16xi32>
        %rem3A_1318 = vector.broadcast %max3A_15 : i32 to vector<16xi32>
        %rem3A_1319 = arith.remsi %add3A_1317, %rem3A_1318 : vector<16xi32>
        %ge3A_1320 = vector.broadcast %scan3A_13#0 : i32 to vector<16xi32>
        %ge3A_1321 = arith.cmpi sge, %add3A_1317, %ge3A_1320 : vector<16xi32>
        %select_n3A_1322 = arith.select %ge3A_1321, %rem3A_1319, %add3A_1317 : vector<16xi1>, vector<16xi32>
        %gather3A_1323 = tpu.vector_load_idx %arg7[%select_n3A_1322] : memref<16384xi32, #tpu.memory_space<vmem>>[vector<16xi32>], vector<16xi32>,
        %gather3A_1324 = tpu.vector_load_idx %arg6[%gather3A_1323] : memref<16400xi32, #tpu.memory_space<vmem>>[vector<16xi32>], vector<16xi32>,
        %add3A_1325 = vector.broadcast %mul3A_2 : i32 to vector<16xi32>
        %add3A_1326 = arith.addi %gather3A_1323, %add3A_1325 : vector<16xi32>
        %mul3A_1327 = arith.constant 6 : i32
        %mul3A_1328 = vector.broadcast %mul3A_1327 : i32 to vector<16xi32>
        %mul3A_1329 = arith.muli %add3A_1326, %mul3A_1328 : vector<16xi32>
        %mul3A_1330 = arith.constant 3 : i32
        %mul3A_1331 = vector.broadcast %mul3A_1330 : i32 to vector<16xi32>
        %mul3A_1332 = arith.muli %gather3A_1324, %mul3A_1331 : vector<16xi32>
        %add3A_1333 = arith.constant 0 : i32
        %add3A_1334 = vector.broadcast %add3A_1333 : i32 to vector<16xi32>
        %add3A_1335 = arith.addi %mul3A_1329, %add3A_1334 : vector<16xi32>
        %swap3A_1336 = arith.constant 0 : index
        %swap3A_1337 = tpu.vector_load %arg17[%swap3A_1336] {strides = array<i32>} : memref<128xi32, #tpu.memory_space<vmem>>, vector<16xi32>,
        tpu.vector_store %arg17[%swap3A_1336], %add3A_1335 {strides = array<i32>} : memref<128xi32, #tpu.memory_space<vmem>>, vector<16xi32>,
        %add3A_1338 = arith.constant 0 : i32
        %add3A_1339 = vector.broadcast %add3A_1338 : i32 to vector<16xi32>
        %add3A_1340 = arith.addi %mul3A_1332, %add3A_1339 : vector<16xi32>
        %swap3A_1341 = arith.constant 0 : index
        %swap3A_1342 = tpu.vector_load %arg29[%swap3A_1341] {strides = array<i32>} : memref<128xi32, #tpu.memory_space<vmem>>, vector<16xi32>,
        tpu.vector_store %arg29[%swap3A_1341], %add3A_1340 {strides = array<i32>} : memref<128xi32, #tpu.memory_space<vmem>>, vector<16xi32>,
        %add3A_1343 = arith.constant 1 : i32
        %add3A_1344 = vector.broadcast %add3A_1343 : i32 to vector<16xi32>
        %add3A_1345 = arith.addi %mul3A_1329, %add3A_1344 : vector<16xi32>
        %swap3A_1346 = arith.constant 0 : index
        %swap3A_1347 = tpu.vector_load %arg18[%swap3A_1346] {strides = array<i32>} : memref<128xi32, #tpu.memory_space<vmem>>, vector<16xi32>,
        tpu.vector_store %arg18[%swap3A_1346], %add3A_1345 {strides = array<i32>} : memref<128xi32, #tpu.memory_space<vmem>>, vector<16xi32>,
        %add3A_1348 = arith.constant 1 : i32
        %add3A_1349 = vector.broadcast %add3A_1348 : i32 to vector<16xi32>
        %add3A_1350 = arith.addi %mul3A_1332, %add3A_1349 : vector<16xi32>
        %swap3A_1351 = arith.constant 0 : index
        %swap3A_1352 = tpu.vector_load %arg30[%swap3A_1351] {strides = array<i32>} : memref<128xi32, #tpu.memory_space<vmem>>, vector<16xi32>,
        tpu.vector_store %arg30[%swap3A_1351], %add3A_1350 {strides = array<i32>} : memref<128xi32, #tpu.memory_space<vmem>>, vector<16xi32>,
        %add3A_1353 = arith.constant 2 : i32
        %add3A_1354 = vector.broadcast %add3A_1353 : i32 to vector<16xi32>
        %add3A_1355 = arith.addi %mul3A_1329, %add3A_1354 : vector<16xi32>
        %swap3A_1356 = arith.constant 0 : index
        %swap3A_1357 = tpu.vector_load %arg19[%swap3A_1356] {strides = array<i32>} : memref<128xi32, #tpu.memory_space<vmem>>, vector<16xi32>,
        tpu.vector_store %arg19[%swap3A_1356], %add3A_1355 {strides = array<i32>} : memref<128xi32, #tpu.memory_space<vmem>>, vector<16xi32>,
        %add3A_1358 = arith.constant 2 : i32
        %add3A_1359 = vector.broadcast %add3A_1358 : i32 to vector<16xi32>
        %add3A_1360 = arith.addi %mul3A_1332, %add3A_1359 : vector<16xi32>
        %swap3A_1361 = arith.constant 0 : index
        %swap3A_1362 = tpu.vector_load %arg31[%swap3A_1361] {strides = array<i32>} : memref<128xi32, #tpu.memory_space<vmem>>, vector<16xi32>,
        tpu.vector_store %arg31[%swap3A_1361], %add3A_1360 {strides = array<i32>} : memref<128xi32, #tpu.memory_space<vmem>>, vector<16xi32>,
        %mul3A_1363 = arith.constant 8 : i32
        %mul3A_1364 = arith.muli %add3A_1309, %mul3A_1363 : i32
        %add3A_1365 = arith.constant 1 : i32
        %add3A_1366 = arith.addi %mul3A_1364, %add3A_1365 : i32
        %mul3A_1367 = arith.constant 16 : i32
        %mul3A_1368 = arith.muli %add3A_1366, %mul3A_1367 : i32
        %add3A_1369 = vector.broadcast %mul3A_1368 : i32 to vector<16xi32>
        %add3A_1370 = arith.addi %add3A_1369, %iota3A : vector<16xi32>
        %rem3A_1371 = vector.broadcast %max3A_15 : i32 to vector<16xi32>
        %rem3A_1372 = arith.remsi %add3A_1370, %rem3A_1371 : vector<16xi32>
        %ge3A_1373 = vector.broadcast %scan3A_13#0 : i32 to vector<16xi32>
        %ge3A_1374 = arith.cmpi sge, %add3A_1370, %ge3A_1373 : vector<16xi32>
        %select_n3A_1375 = arith.select %ge3A_1374, %rem3A_1372, %add3A_1370 : vector<16xi1>, vector<16xi32>
        %gather3A_1376 = tpu.vector_load_idx %arg7[%select_n3A_1375] : memref<16384xi32, #tpu.memory_space<vmem>>[vector<16xi32>], vector<16xi32>,
        %gather3A_1377 = tpu.vector_load_idx %arg6[%gather3A_1376] : memref<16400xi32, #tpu.memory_space<vmem>>[vector<16xi32>], vector<16xi32>,
        %add3A_1378 = vector.broadcast %mul3A_2 : i32 to vector<16xi32>
        %add3A_1379 = arith.addi %gather3A_1376, %add3A_1378 : vector<16xi32>
        %mul3A_1380 = arith.constant 6 : i32
        %mul3A_1381 = vector.broadcast %mul3A_1380 : i32 to vector<16xi32>
        %mul3A_1382 = arith.muli %add3A_1379, %mul3A_1381 : vector<16xi32>
        %mul3A_1383 = arith.constant 3 : i32
        %mul3A_1384 = vector.broadcast %mul3A_1383 : i32 to vector<16xi32>
        %mul3A_1385 = arith.muli %gather3A_1377, %mul3A_1384 : vector<16xi32>
        %add3A_1386 = arith.constant 0 : i32
        %add3A_1387 = vector.broadcast %add3A_1386 : i32 to vector<16xi32>
        %add3A_1388 = arith.addi %mul3A_1382, %add3A_1387 : vector<16xi32>
        %swap3A_1389 = arith.constant 16 : index
        %swap3A_1390 = tpu.vector_load %arg17[%swap3A_1389] {strides = array<i32>} : memref<128xi32, #tpu.memory_space<vmem>>, vector<16xi32>,
        tpu.vector_store %arg17[%swap3A_1389], %add3A_1388 {strides = array<i32>} : memref<128xi32, #tpu.memory_space<vmem>>, vector<16xi32>,
        %add3A_1391 = arith.constant 0 : i32
        %add3A_1392 = vector.broadcast %add3A_1391 : i32 to vector<16xi32>
        %add3A_1393 = arith.addi %mul3A_1385, %add3A_1392 : vector<16xi32>
        %swap3A_1394 = arith.constant 16 : index
        %swap3A_1395 = tpu.vector_load %arg29[%swap3A_1394] {strides = array<i32>} : memref<128xi32, #tpu.memory_space<vmem>>, vector<16xi32>,
        tpu.vector_store %arg29[%swap3A_1394], %add3A_1393 {strides = array<i32>} : memref<128xi32, #tpu.memory_space<vmem>>, vector<16xi32>,
        %add3A_1396 = arith.constant 1 : i32
        %add3A_1397 = vector.broadcast %add3A_1396 : i32 to vector<16xi32>
        %add3A_1398 = arith.addi %mul3A_1382, %add3A_1397 : vector<16xi32>
        %swap3A_1399 = arith.constant 16 : index
        %swap3A_1400 = tpu.vector_load %arg18[%swap3A_1399] {strides = array<i32>} : memref<128xi32, #tpu.memory_space<vmem>>, vector<16xi32>,
        tpu.vector_store %arg18[%swap3A_1399], %add3A_1398 {strides = array<i32>} : memref<128xi32, #tpu.memory_space<vmem>>, vector<16xi32>,
        %add3A_1401 = arith.constant 1 : i32
        %add3A_1402 = vector.broadcast %add3A_1401 : i32 to vector<16xi32>
        %add3A_1403 = arith.addi %mul3A_1385, %add3A_1402 : vector<16xi32>
        %swap3A_1404 = arith.constant 16 : index
        %swap3A_1405 = tpu.vector_load %arg30[%swap3A_1404] {strides = array<i32>} : memref<128xi32, #tpu.memory_space<vmem>>, vector<16xi32>,
        tpu.vector_store %arg30[%swap3A_1404], %add3A_1403 {strides = array<i32>} : memref<128xi32, #tpu.memory_space<vmem>>, vector<16xi32>,
        %add3A_1406 = arith.constant 2 : i32
        %add3A_1407 = vector.broadcast %add3A_1406 : i32 to vector<16xi32>
        %add3A_1408 = arith.addi %mul3A_1382, %add3A_1407 : vector<16xi32>
        %swap3A_1409 = arith.constant 16 : index
        %swap3A_1410 = tpu.vector_load %arg19[%swap3A_1409] {strides = array<i32>} : memref<128xi32, #tpu.memory_space<vmem>>, vector<16xi32>,
        tpu.vector_store %arg19[%swap3A_1409], %add3A_1408 {strides = array<i32>} : memref<128xi32, #tpu.memory_space<vmem>>, vector<16xi32>,
        %add3A_1411 = arith.constant 2 : i32
        %add3A_1412 = vector.broadcast %add3A_1411 : i32 to vector<16xi32>
        %add3A_1413 = arith.addi %mul3A_1385, %add3A_1412 : vector<16xi32>
        %swap3A_1414 = arith.constant 16 : index
        %swap3A_1415 = tpu.vector_load %arg31[%swap3A_1414] {strides = array<i32>} : memref<128xi32, #tpu.memory_space<vmem>>, vector<16xi32>,
        tpu.vector_store %arg31[%swap3A_1414], %add3A_1413 {strides = array<i32>} : memref<128xi32, #tpu.memory_space<vmem>>, vector<16xi32>,
        %mul3A_1416 = arith.constant 8 : i32
        %mul3A_1417 = arith.muli %add3A_1309, %mul3A_1416 : i32
        %add3A_1418 = arith.constant 2 : i32
        %add3A_1419 = arith.addi %mul3A_1417, %add3A_1418 : i32
        %mul3A_1420 = arith.constant 16 : i32
        %mul3A_1421 = arith.muli %add3A_1419, %mul3A_1420 : i32
        %add3A_1422 = vector.broadcast %mul3A_1421 : i32 to vector<16xi32>
        %add3A_1423 = arith.addi %add3A_1422, %iota3A : vector<16xi32>
        %rem3A_1424 = vector.broadcast %max3A_15 : i32 to vector<16xi32>
        %rem3A_1425 = arith.remsi %add3A_1423, %rem3A_1424 : vector<16xi32>
        %ge3A_1426 = vector.broadcast %scan3A_13#0 : i32 to vector<16xi32>
        %ge3A_1427 = arith.cmpi sge, %add3A_1423, %ge3A_1426 : vector<16xi32>
        %select_n3A_1428 = arith.select %ge3A_1427, %rem3A_1425, %add3A_1423 : vector<16xi1>, vector<16xi32>
        %gather3A_1429 = tpu.vector_load_idx %arg7[%select_n3A_1428] : memref<16384xi32, #tpu.memory_space<vmem>>[vector<16xi32>], vector<16xi32>,
        %gather3A_1430 = tpu.vector_load_idx %arg6[%gather3A_1429] : memref<16400xi32, #tpu.memory_space<vmem>>[vector<16xi32>], vector<16xi32>,
        %add3A_1431 = vector.broadcast %mul3A_2 : i32 to vector<16xi32>
        %add3A_1432 = arith.addi %gather3A_1429, %add3A_1431 : vector<16xi32>
        %mul3A_1433 = arith.constant 6 : i32
        %mul3A_1434 = vector.broadcast %mul3A_1433 : i32 to vector<16xi32>
        %mul3A_1435 = arith.muli %add3A_1432, %mul3A_1434 : vector<16xi32>
        %mul3A_1436 = arith.constant 3 : i32
        %mul3A_1437 = vector.broadcast %mul3A_1436 : i32 to vector<16xi32>
        %mul3A_1438 = arith.muli %gather3A_1430, %mul3A_1437 : vector<16xi32>
        %add3A_1439 = arith.constant 0 : i32
        %add3A_1440 = vector.broadcast %add3A_1439 : i32 to vector<16xi32>
        %add3A_1441 = arith.addi %mul3A_1435, %add3A_1440 : vector<16xi32>
        %swap3A_1442 = arith.constant 32 : index
        %swap3A_1443 = tpu.vector_load %arg17[%swap3A_1442] {strides = array<i32>} : memref<128xi32, #tpu.memory_space<vmem>>, vector<16xi32>,
        tpu.vector_store %arg17[%swap3A_1442], %add3A_1441 {strides = array<i32>} : memref<128xi32, #tpu.memory_space<vmem>>, vector<16xi32>,
        %add3A_1444 = arith.constant 0 : i32
        %add3A_1445 = vector.broadcast %add3A_1444 : i32 to vector<16xi32>
        %add3A_1446 = arith.addi %mul3A_1438, %add3A_1445 : vector<16xi32>
        %swap3A_1447 = arith.constant 32 : index
        %swap3A_1448 = tpu.vector_load %arg29[%swap3A_1447] {strides = array<i32>} : memref<128xi32, #tpu.memory_space<vmem>>, vector<16xi32>,
        tpu.vector_store %arg29[%swap3A_1447], %add3A_1446 {strides = array<i32>} : memref<128xi32, #tpu.memory_space<vmem>>, vector<16xi32>,
        %add3A_1449 = arith.constant 1 : i32
        %add3A_1450 = vector.broadcast %add3A_1449 : i32 to vector<16xi32>
        %add3A_1451 = arith.addi %mul3A_1435, %add3A_1450 : vector<16xi32>
        %swap3A_1452 = arith.constant 32 : index
        %swap3A_1453 = tpu.vector_load %arg18[%swap3A_1452] {strides = array<i32>} : memref<128xi32, #tpu.memory_space<vmem>>, vector<16xi32>,
        tpu.vector_store %arg18[%swap3A_1452], %add3A_1451 {strides = array<i32>} : memref<128xi32, #tpu.memory_space<vmem>>, vector<16xi32>,
        %add3A_1454 = arith.constant 1 : i32
        %add3A_1455 = vector.broadcast %add3A_1454 : i32 to vector<16xi32>
        %add3A_1456 = arith.addi %mul3A_1438, %add3A_1455 : vector<16xi32>
        %swap3A_1457 = arith.constant 32 : index
        %swap3A_1458 = tpu.vector_load %arg30[%swap3A_1457] {strides = array<i32>} : memref<128xi32, #tpu.memory_space<vmem>>, vector<16xi32>,
        tpu.vector_store %arg30[%swap3A_1457], %add3A_1456 {strides = array<i32>} : memref<128xi32, #tpu.memory_space<vmem>>, vector<16xi32>,
        %add3A_1459 = arith.constant 2 : i32
        %add3A_1460 = vector.broadcast %add3A_1459 : i32 to vector<16xi32>
        %add3A_1461 = arith.addi %mul3A_1435, %add3A_1460 : vector<16xi32>
        %swap3A_1462 = arith.constant 32 : index
        %swap3A_1463 = tpu.vector_load %arg19[%swap3A_1462] {strides = array<i32>} : memref<128xi32, #tpu.memory_space<vmem>>, vector<16xi32>,
        tpu.vector_store %arg19[%swap3A_1462], %add3A_1461 {strides = array<i32>} : memref<128xi32, #tpu.memory_space<vmem>>, vector<16xi32>,
        %add3A_1464 = arith.constant 2 : i32
        %add3A_1465 = vector.broadcast %add3A_1464 : i32 to vector<16xi32>
        %add3A_1466 = arith.addi %mul3A_1438, %add3A_1465 : vector<16xi32>
        %swap3A_1467 = arith.constant 32 : index
        %swap3A_1468 = tpu.vector_load %arg31[%swap3A_1467] {strides = array<i32>} : memref<128xi32, #tpu.memory_space<vmem>>, vector<16xi32>,
        tpu.vector_store %arg31[%swap3A_1467], %add3A_1466 {strides = array<i32>} : memref<128xi32, #tpu.memory_space<vmem>>, vector<16xi32>,
        %mul3A_1469 = arith.constant 8 : i32
        %mul3A_1470 = arith.muli %add3A_1309, %mul3A_1469 : i32
        %add3A_1471 = arith.constant 3 : i32
        %add3A_1472 = arith.addi %mul3A_1470, %add3A_1471 : i32
        %mul3A_1473 = arith.constant 16 : i32
        %mul3A_1474 = arith.muli %add3A_1472, %mul3A_1473 : i32
        %add3A_1475 = vector.broadcast %mul3A_1474 : i32 to vector<16xi32>
        %add3A_1476 = arith.addi %add3A_1475, %iota3A : vector<16xi32>
        %rem3A_1477 = vector.broadcast %max3A_15 : i32 to vector<16xi32>
        %rem3A_1478 = arith.remsi %add3A_1476, %rem3A_1477 : vector<16xi32>
        %ge3A_1479 = vector.broadcast %scan3A_13#0 : i32 to vector<16xi32>
        %ge3A_1480 = arith.cmpi sge, %add3A_1476, %ge3A_1479 : vector<16xi32>
        %select_n3A_1481 = arith.select %ge3A_1480, %rem3A_1478, %add3A_1476 : vector<16xi1>, vector<16xi32>
        %gather3A_1482 = tpu.vector_load_idx %arg7[%select_n3A_1481] : memref<16384xi32, #tpu.memory_space<vmem>>[vector<16xi32>], vector<16xi32>,
        %gather3A_1483 = tpu.vector_load_idx %arg6[%gather3A_1482] : memref<16400xi32, #tpu.memory_space<vmem>>[vector<16xi32>], vector<16xi32>,
        %add3A_1484 = vector.broadcast %mul3A_2 : i32 to vector<16xi32>
        %add3A_1485 = arith.addi %gather3A_1482, %add3A_1484 : vector<16xi32>
        %mul3A_1486 = arith.constant 6 : i32
        %mul3A_1487 = vector.broadcast %mul3A_1486 : i32 to vector<16xi32>
        %mul3A_1488 = arith.muli %add3A_1485, %mul3A_1487 : vector<16xi32>
        %mul3A_1489 = arith.constant 3 : i32
        %mul3A_1490 = vector.broadcast %mul3A_1489 : i32 to vector<16xi32>
        %mul3A_1491 = arith.muli %gather3A_1483, %mul3A_1490 : vector<16xi32>
        %add3A_1492 = arith.constant 0 : i32
        %add3A_1493 = vector.broadcast %add3A_1492 : i32 to vector<16xi32>
        %add3A_1494 = arith.addi %mul3A_1488, %add3A_1493 : vector<16xi32>
        %swap3A_1495 = arith.constant 48 : index
        %swap3A_1496 = tpu.vector_load %arg17[%swap3A_1495] {strides = array<i32>} : memref<128xi32, #tpu.memory_space<vmem>>, vector<16xi32>,
        tpu.vector_store %arg17[%swap3A_1495], %add3A_1494 {strides = array<i32>} : memref<128xi32, #tpu.memory_space<vmem>>, vector<16xi32>,
        %add3A_1497 = arith.constant 0 : i32
        %add3A_1498 = vector.broadcast %add3A_1497 : i32 to vector<16xi32>
        %add3A_1499 = arith.addi %mul3A_1491, %add3A_1498 : vector<16xi32>
        %swap3A_1500 = arith.constant 48 : index
        %swap3A_1501 = tpu.vector_load %arg29[%swap3A_1500] {strides = array<i32>} : memref<128xi32, #tpu.memory_space<vmem>>, vector<16xi32>,
        tpu.vector_store %arg29[%swap3A_1500], %add3A_1499 {strides = array<i32>} : memref<128xi32, #tpu.memory_space<vmem>>, vector<16xi32>,
        %add3A_1502 = arith.constant 1 : i32
        %add3A_1503 = vector.broadcast %add3A_1502 : i32 to vector<16xi32>
        %add3A_1504 = arith.addi %mul3A_1488, %add3A_1503 : vector<16xi32>
        %swap3A_1505 = arith.constant 48 : index
        %swap3A_1506 = tpu.vector_load %arg18[%swap3A_1505] {strides = array<i32>} : memref<128xi32, #tpu.memory_space<vmem>>, vector<16xi32>,
        tpu.vector_store %arg18[%swap3A_1505], %add3A_1504 {strides = array<i32>} : memref<128xi32, #tpu.memory_space<vmem>>, vector<16xi32>,
        %add3A_1507 = arith.constant 1 : i32
        %add3A_1508 = vector.broadcast %add3A_1507 : i32 to vector<16xi32>
        %add3A_1509 = arith.addi %mul3A_1491, %add3A_1508 : vector<16xi32>
        %swap3A_1510 = arith.constant 48 : index
        %swap3A_1511 = tpu.vector_load %arg30[%swap3A_1510] {strides = array<i32>} : memref<128xi32, #tpu.memory_space<vmem>>, vector<16xi32>,
        tpu.vector_store %arg30[%swap3A_1510], %add3A_1509 {strides = array<i32>} : memref<128xi32, #tpu.memory_space<vmem>>, vector<16xi32>,
        %add3A_1512 = arith.constant 2 : i32
        %add3A_1513 = vector.broadcast %add3A_1512 : i32 to vector<16xi32>
        %add3A_1514 = arith.addi %mul3A_1488, %add3A_1513 : vector<16xi32>
        %swap3A_1515 = arith.constant 48 : index
        %swap3A_1516 = tpu.vector_load %arg19[%swap3A_1515] {strides = array<i32>} : memref<128xi32, #tpu.memory_space<vmem>>, vector<16xi32>,
        tpu.vector_store %arg19[%swap3A_1515], %add3A_1514 {strides = array<i32>} : memref<128xi32, #tpu.memory_space<vmem>>, vector<16xi32>,
        %add3A_1517 = arith.constant 2 : i32
        %add3A_1518 = vector.broadcast %add3A_1517 : i32 to vector<16xi32>
        %add3A_1519 = arith.addi %mul3A_1491, %add3A_1518 : vector<16xi32>
        %swap3A_1520 = arith.constant 48 : index
        %swap3A_1521 = tpu.vector_load %arg31[%swap3A_1520] {strides = array<i32>} : memref<128xi32, #tpu.memory_space<vmem>>, vector<16xi32>,
        tpu.vector_store %arg31[%swap3A_1520], %add3A_1519 {strides = array<i32>} : memref<128xi32, #tpu.memory_space<vmem>>, vector<16xi32>,
        %mul3A_1522 = arith.constant 8 : i32
        %mul3A_1523 = arith.muli %add3A_1309, %mul3A_1522 : i32
        %add3A_1524 = arith.constant 4 : i32
        %add3A_1525 = arith.addi %mul3A_1523, %add3A_1524 : i32
        %mul3A_1526 = arith.constant 16 : i32
        %mul3A_1527 = arith.muli %add3A_1525, %mul3A_1526 : i32
        %add3A_1528 = vector.broadcast %mul3A_1527 : i32 to vector<16xi32>
        %add3A_1529 = arith.addi %add3A_1528, %iota3A : vector<16xi32>
        %rem3A_1530 = vector.broadcast %max3A_15 : i32 to vector<16xi32>
        %rem3A_1531 = arith.remsi %add3A_1529, %rem3A_1530 : vector<16xi32>
        %ge3A_1532 = vector.broadcast %scan3A_13#0 : i32 to vector<16xi32>
        %ge3A_1533 = arith.cmpi sge, %add3A_1529, %ge3A_1532 : vector<16xi32>
        %select_n3A_1534 = arith.select %ge3A_1533, %rem3A_1531, %add3A_1529 : vector<16xi1>, vector<16xi32>
        %gather3A_1535 = tpu.vector_load_idx %arg7[%select_n3A_1534] : memref<16384xi32, #tpu.memory_space<vmem>>[vector<16xi32>], vector<16xi32>,
        %gather3A_1536 = tpu.vector_load_idx %arg6[%gather3A_1535] : memref<16400xi32, #tpu.memory_space<vmem>>[vector<16xi32>], vector<16xi32>,
        %add3A_1537 = vector.broadcast %mul3A_2 : i32 to vector<16xi32>
        %add3A_1538 = arith.addi %gather3A_1535, %add3A_1537 : vector<16xi32>
        %mul3A_1539 = arith.constant 6 : i32
        %mul3A_1540 = vector.broadcast %mul3A_1539 : i32 to vector<16xi32>
        %mul3A_1541 = arith.muli %add3A_1538, %mul3A_1540 : vector<16xi32>
        %mul3A_1542 = arith.constant 3 : i32
        %mul3A_1543 = vector.broadcast %mul3A_1542 : i32 to vector<16xi32>
        %mul3A_1544 = arith.muli %gather3A_1536, %mul3A_1543 : vector<16xi32>
        %add3A_1545 = arith.constant 0 : i32
        %add3A_1546 = vector.broadcast %add3A_1545 : i32 to vector<16xi32>
        %add3A_1547 = arith.addi %mul3A_1541, %add3A_1546 : vector<16xi32>
        %swap3A_1548 = arith.constant 64 : index
        %swap3A_1549 = tpu.vector_load %arg17[%swap3A_1548] {strides = array<i32>} : memref<128xi32, #tpu.memory_space<vmem>>, vector<16xi32>,
        tpu.vector_store %arg17[%swap3A_1548], %add3A_1547 {strides = array<i32>} : memref<128xi32, #tpu.memory_space<vmem>>, vector<16xi32>,
        %add3A_1550 = arith.constant 0 : i32
        %add3A_1551 = vector.broadcast %add3A_1550 : i32 to vector<16xi32>
        %add3A_1552 = arith.addi %mul3A_1544, %add3A_1551 : vector<16xi32>
        %swap3A_1553 = arith.constant 64 : index
        %swap3A_1554 = tpu.vector_load %arg29[%swap3A_1553] {strides = array<i32>} : memref<128xi32, #tpu.memory_space<vmem>>, vector<16xi32>,
        tpu.vector_store %arg29[%swap3A_1553], %add3A_1552 {strides = array<i32>} : memref<128xi32, #tpu.memory_space<vmem>>, vector<16xi32>,
        %add3A_1555 = arith.constant 1 : i32
        %add3A_1556 = vector.broadcast %add3A_1555 : i32 to vector<16xi32>
        %add3A_1557 = arith.addi %mul3A_1541, %add3A_1556 : vector<16xi32>
        %swap3A_1558 = arith.constant 64 : index
        %swap3A_1559 = tpu.vector_load %arg18[%swap3A_1558] {strides = array<i32>} : memref<128xi32, #tpu.memory_space<vmem>>, vector<16xi32>,
        tpu.vector_store %arg18[%swap3A_1558], %add3A_1557 {strides = array<i32>} : memref<128xi32, #tpu.memory_space<vmem>>, vector<16xi32>,
        %add3A_1560 = arith.constant 1 : i32
        %add3A_1561 = vector.broadcast %add3A_1560 : i32 to vector<16xi32>
        %add3A_1562 = arith.addi %mul3A_1544, %add3A_1561 : vector<16xi32>
        %swap3A_1563 = arith.constant 64 : index
        %swap3A_1564 = tpu.vector_load %arg30[%swap3A_1563] {strides = array<i32>} : memref<128xi32, #tpu.memory_space<vmem>>, vector<16xi32>,
        tpu.vector_store %arg30[%swap3A_1563], %add3A_1562 {strides = array<i32>} : memref<128xi32, #tpu.memory_space<vmem>>, vector<16xi32>,
        %add3A_1565 = arith.constant 2 : i32
        %add3A_1566 = vector.broadcast %add3A_1565 : i32 to vector<16xi32>
        %add3A_1567 = arith.addi %mul3A_1541, %add3A_1566 : vector<16xi32>
        %swap3A_1568 = arith.constant 64 : index
        %swap3A_1569 = tpu.vector_load %arg19[%swap3A_1568] {strides = array<i32>} : memref<128xi32, #tpu.memory_space<vmem>>, vector<16xi32>,
        tpu.vector_store %arg19[%swap3A_1568], %add3A_1567 {strides = array<i32>} : memref<128xi32, #tpu.memory_space<vmem>>, vector<16xi32>,
        %add3A_1570 = arith.constant 2 : i32
        %add3A_1571 = vector.broadcast %add3A_1570 : i32 to vector<16xi32>
        %add3A_1572 = arith.addi %mul3A_1544, %add3A_1571 : vector<16xi32>
        %swap3A_1573 = arith.constant 64 : index
        %swap3A_1574 = tpu.vector_load %arg31[%swap3A_1573] {strides = array<i32>} : memref<128xi32, #tpu.memory_space<vmem>>, vector<16xi32>,
        tpu.vector_store %arg31[%swap3A_1573], %add3A_1572 {strides = array<i32>} : memref<128xi32, #tpu.memory_space<vmem>>, vector<16xi32>,
        %mul3A_1575 = arith.constant 8 : i32
        %mul3A_1576 = arith.muli %add3A_1309, %mul3A_1575 : i32
        %add3A_1577 = arith.constant 5 : i32
        %add3A_1578 = arith.addi %mul3A_1576, %add3A_1577 : i32
        %mul3A_1579 = arith.constant 16 : i32
        %mul3A_1580 = arith.muli %add3A_1578, %mul3A_1579 : i32
        %add3A_1581 = vector.broadcast %mul3A_1580 : i32 to vector<16xi32>
        %add3A_1582 = arith.addi %add3A_1581, %iota3A : vector<16xi32>
        %rem3A_1583 = vector.broadcast %max3A_15 : i32 to vector<16xi32>
        %rem3A_1584 = arith.remsi %add3A_1582, %rem3A_1583 : vector<16xi32>
        %ge3A_1585 = vector.broadcast %scan3A_13#0 : i32 to vector<16xi32>
        %ge3A_1586 = arith.cmpi sge, %add3A_1582, %ge3A_1585 : vector<16xi32>
        %select_n3A_1587 = arith.select %ge3A_1586, %rem3A_1584, %add3A_1582 : vector<16xi1>, vector<16xi32>
        %gather3A_1588 = tpu.vector_load_idx %arg7[%select_n3A_1587] : memref<16384xi32, #tpu.memory_space<vmem>>[vector<16xi32>], vector<16xi32>,
        %gather3A_1589 = tpu.vector_load_idx %arg6[%gather3A_1588] : memref<16400xi32, #tpu.memory_space<vmem>>[vector<16xi32>], vector<16xi32>,
        %add3A_1590 = vector.broadcast %mul3A_2 : i32 to vector<16xi32>
        %add3A_1591 = arith.addi %gather3A_1588, %add3A_1590 : vector<16xi32>
        %mul3A_1592 = arith.constant 6 : i32
        %mul3A_1593 = vector.broadcast %mul3A_1592 : i32 to vector<16xi32>
        %mul3A_1594 = arith.muli %add3A_1591, %mul3A_1593 : vector<16xi32>
        %mul3A_1595 = arith.constant 3 : i32
        %mul3A_1596 = vector.broadcast %mul3A_1595 : i32 to vector<16xi32>
        %mul3A_1597 = arith.muli %gather3A_1589, %mul3A_1596 : vector<16xi32>
        %add3A_1598 = arith.constant 0 : i32
        %add3A_1599 = vector.broadcast %add3A_1598 : i32 to vector<16xi32>
        %add3A_1600 = arith.addi %mul3A_1594, %add3A_1599 : vector<16xi32>
        %swap3A_1601 = arith.constant 80 : index
        %swap3A_1602 = tpu.vector_load %arg17[%swap3A_1601] {strides = array<i32>} : memref<128xi32, #tpu.memory_space<vmem>>, vector<16xi32>,
        tpu.vector_store %arg17[%swap3A_1601], %add3A_1600 {strides = array<i32>} : memref<128xi32, #tpu.memory_space<vmem>>, vector<16xi32>,
        %add3A_1603 = arith.constant 0 : i32
        %add3A_1604 = vector.broadcast %add3A_1603 : i32 to vector<16xi32>
        %add3A_1605 = arith.addi %mul3A_1597, %add3A_1604 : vector<16xi32>
        %swap3A_1606 = arith.constant 80 : index
        %swap3A_1607 = tpu.vector_load %arg29[%swap3A_1606] {strides = array<i32>} : memref<128xi32, #tpu.memory_space<vmem>>, vector<16xi32>,
        tpu.vector_store %arg29[%swap3A_1606], %add3A_1605 {strides = array<i32>} : memref<128xi32, #tpu.memory_space<vmem>>, vector<16xi32>,
        %add3A_1608 = arith.constant 1 : i32
        %add3A_1609 = vector.broadcast %add3A_1608 : i32 to vector<16xi32>
        %add3A_1610 = arith.addi %mul3A_1594, %add3A_1609 : vector<16xi32>
        %swap3A_1611 = arith.constant 80 : index
        %swap3A_1612 = tpu.vector_load %arg18[%swap3A_1611] {strides = array<i32>} : memref<128xi32, #tpu.memory_space<vmem>>, vector<16xi32>,
        tpu.vector_store %arg18[%swap3A_1611], %add3A_1610 {strides = array<i32>} : memref<128xi32, #tpu.memory_space<vmem>>, vector<16xi32>,
        %add3A_1613 = arith.constant 1 : i32
        %add3A_1614 = vector.broadcast %add3A_1613 : i32 to vector<16xi32>
        %add3A_1615 = arith.addi %mul3A_1597, %add3A_1614 : vector<16xi32>
        %swap3A_1616 = arith.constant 80 : index
        %swap3A_1617 = tpu.vector_load %arg30[%swap3A_1616] {strides = array<i32>} : memref<128xi32, #tpu.memory_space<vmem>>, vector<16xi32>,
        tpu.vector_store %arg30[%swap3A_1616], %add3A_1615 {strides = array<i32>} : memref<128xi32, #tpu.memory_space<vmem>>, vector<16xi32>,
        %add3A_1618 = arith.constant 2 : i32
        %add3A_1619 = vector.broadcast %add3A_1618 : i32 to vector<16xi32>
        %add3A_1620 = arith.addi %mul3A_1594, %add3A_1619 : vector<16xi32>
        %swap3A_1621 = arith.constant 80 : index
        %swap3A_1622 = tpu.vector_load %arg19[%swap3A_1621] {strides = array<i32>} : memref<128xi32, #tpu.memory_space<vmem>>, vector<16xi32>,
        tpu.vector_store %arg19[%swap3A_1621], %add3A_1620 {strides = array<i32>} : memref<128xi32, #tpu.memory_space<vmem>>, vector<16xi32>,
        %add3A_1623 = arith.constant 2 : i32
        %add3A_1624 = vector.broadcast %add3A_1623 : i32 to vector<16xi32>
        %add3A_1625 = arith.addi %mul3A_1597, %add3A_1624 : vector<16xi32>
        %swap3A_1626 = arith.constant 80 : index
        %swap3A_1627 = tpu.vector_load %arg31[%swap3A_1626] {strides = array<i32>} : memref<128xi32, #tpu.memory_space<vmem>>, vector<16xi32>,
        tpu.vector_store %arg31[%swap3A_1626], %add3A_1625 {strides = array<i32>} : memref<128xi32, #tpu.memory_space<vmem>>, vector<16xi32>,
        %mul3A_1628 = arith.constant 8 : i32
        %mul3A_1629 = arith.muli %add3A_1309, %mul3A_1628 : i32
        %add3A_1630 = arith.constant 6 : i32
        %add3A_1631 = arith.addi %mul3A_1629, %add3A_1630 : i32
        %mul3A_1632 = arith.constant 16 : i32
        %mul3A_1633 = arith.muli %add3A_1631, %mul3A_1632 : i32
        %add3A_1634 = vector.broadcast %mul3A_1633 : i32 to vector<16xi32>
        %add3A_1635 = arith.addi %add3A_1634, %iota3A : vector<16xi32>
        %rem3A_1636 = vector.broadcast %max3A_15 : i32 to vector<16xi32>
        %rem3A_1637 = arith.remsi %add3A_1635, %rem3A_1636 : vector<16xi32>
        %ge3A_1638 = vector.broadcast %scan3A_13#0 : i32 to vector<16xi32>
        %ge3A_1639 = arith.cmpi sge, %add3A_1635, %ge3A_1638 : vector<16xi32>
        %select_n3A_1640 = arith.select %ge3A_1639, %rem3A_1637, %add3A_1635 : vector<16xi1>, vector<16xi32>
        %gather3A_1641 = tpu.vector_load_idx %arg7[%select_n3A_1640] : memref<16384xi32, #tpu.memory_space<vmem>>[vector<16xi32>], vector<16xi32>,
        %gather3A_1642 = tpu.vector_load_idx %arg6[%gather3A_1641] : memref<16400xi32, #tpu.memory_space<vmem>>[vector<16xi32>], vector<16xi32>,
        %add3A_1643 = vector.broadcast %mul3A_2 : i32 to vector<16xi32>
        %add3A_1644 = arith.addi %gather3A_1641, %add3A_1643 : vector<16xi32>
        %mul3A_1645 = arith.constant 6 : i32
        %mul3A_1646 = vector.broadcast %mul3A_1645 : i32 to vector<16xi32>
        %mul3A_1647 = arith.muli %add3A_1644, %mul3A_1646 : vector<16xi32>
        %mul3A_1648 = arith.constant 3 : i32
        %mul3A_1649 = vector.broadcast %mul3A_1648 : i32 to vector<16xi32>
        %mul3A_1650 = arith.muli %gather3A_1642, %mul3A_1649 : vector<16xi32>
        %add3A_1651 = arith.constant 0 : i32
        %add3A_1652 = vector.broadcast %add3A_1651 : i32 to vector<16xi32>
        %add3A_1653 = arith.addi %mul3A_1647, %add3A_1652 : vector<16xi32>
        %swap3A_1654 = arith.constant 96 : index
        %swap3A_1655 = tpu.vector_load %arg17[%swap3A_1654] {strides = array<i32>} : memref<128xi32, #tpu.memory_space<vmem>>, vector<16xi32>,
        tpu.vector_store %arg17[%swap3A_1654], %add3A_1653 {strides = array<i32>} : memref<128xi32, #tpu.memory_space<vmem>>, vector<16xi32>,
        %add3A_1656 = arith.constant 0 : i32
        %add3A_1657 = vector.broadcast %add3A_1656 : i32 to vector<16xi32>
        %add3A_1658 = arith.addi %mul3A_1650, %add3A_1657 : vector<16xi32>
        %swap3A_1659 = arith.constant 96 : index
        %swap3A_1660 = tpu.vector_load %arg29[%swap3A_1659] {strides = array<i32>} : memref<128xi32, #tpu.memory_space<vmem>>, vector<16xi32>,
        tpu.vector_store %arg29[%swap3A_1659], %add3A_1658 {strides = array<i32>} : memref<128xi32, #tpu.memory_space<vmem>>, vector<16xi32>,
        %add3A_1661 = arith.constant 1 : i32
        %add3A_1662 = vector.broadcast %add3A_1661 : i32 to vector<16xi32>
        %add3A_1663 = arith.addi %mul3A_1647, %add3A_1662 : vector<16xi32>
        %swap3A_1664 = arith.constant 96 : index
        %swap3A_1665 = tpu.vector_load %arg18[%swap3A_1664] {strides = array<i32>} : memref<128xi32, #tpu.memory_space<vmem>>, vector<16xi32>,
        tpu.vector_store %arg18[%swap3A_1664], %add3A_1663 {strides = array<i32>} : memref<128xi32, #tpu.memory_space<vmem>>, vector<16xi32>,
        %add3A_1666 = arith.constant 1 : i32
        %add3A_1667 = vector.broadcast %add3A_1666 : i32 to vector<16xi32>
        %add3A_1668 = arith.addi %mul3A_1650, %add3A_1667 : vector<16xi32>
        %swap3A_1669 = arith.constant 96 : index
        %swap3A_1670 = tpu.vector_load %arg30[%swap3A_1669] {strides = array<i32>} : memref<128xi32, #tpu.memory_space<vmem>>, vector<16xi32>,
        tpu.vector_store %arg30[%swap3A_1669], %add3A_1668 {strides = array<i32>} : memref<128xi32, #tpu.memory_space<vmem>>, vector<16xi32>,
        %add3A_1671 = arith.constant 2 : i32
        %add3A_1672 = vector.broadcast %add3A_1671 : i32 to vector<16xi32>
        %add3A_1673 = arith.addi %mul3A_1647, %add3A_1672 : vector<16xi32>
        %swap3A_1674 = arith.constant 96 : index
        %swap3A_1675 = tpu.vector_load %arg19[%swap3A_1674] {strides = array<i32>} : memref<128xi32, #tpu.memory_space<vmem>>, vector<16xi32>,
        tpu.vector_store %arg19[%swap3A_1674], %add3A_1673 {strides = array<i32>} : memref<128xi32, #tpu.memory_space<vmem>>, vector<16xi32>,
        %add3A_1676 = arith.constant 2 : i32
        %add3A_1677 = vector.broadcast %add3A_1676 : i32 to vector<16xi32>
        %add3A_1678 = arith.addi %mul3A_1650, %add3A_1677 : vector<16xi32>
        %swap3A_1679 = arith.constant 96 : index
        %swap3A_1680 = tpu.vector_load %arg31[%swap3A_1679] {strides = array<i32>} : memref<128xi32, #tpu.memory_space<vmem>>, vector<16xi32>,
        tpu.vector_store %arg31[%swap3A_1679], %add3A_1678 {strides = array<i32>} : memref<128xi32, #tpu.memory_space<vmem>>, vector<16xi32>,
        %mul3A_1681 = arith.constant 8 : i32
        %mul3A_1682 = arith.muli %add3A_1309, %mul3A_1681 : i32
        %add3A_1683 = arith.constant 7 : i32
        %add3A_1684 = arith.addi %mul3A_1682, %add3A_1683 : i32
        %mul3A_1685 = arith.constant 16 : i32
        %mul3A_1686 = arith.muli %add3A_1684, %mul3A_1685 : i32
        %add3A_1687 = vector.broadcast %mul3A_1686 : i32 to vector<16xi32>
        %add3A_1688 = arith.addi %add3A_1687, %iota3A : vector<16xi32>
        %rem3A_1689 = vector.broadcast %max3A_15 : i32 to vector<16xi32>
        %rem3A_1690 = arith.remsi %add3A_1688, %rem3A_1689 : vector<16xi32>
        %ge3A_1691 = vector.broadcast %scan3A_13#0 : i32 to vector<16xi32>
        %ge3A_1692 = arith.cmpi sge, %add3A_1688, %ge3A_1691 : vector<16xi32>
        %select_n3A_1693 = arith.select %ge3A_1692, %rem3A_1690, %add3A_1688 : vector<16xi1>, vector<16xi32>
        %gather3A_1694 = tpu.vector_load_idx %arg7[%select_n3A_1693] : memref<16384xi32, #tpu.memory_space<vmem>>[vector<16xi32>], vector<16xi32>,
        %gather3A_1695 = tpu.vector_load_idx %arg6[%gather3A_1694] : memref<16400xi32, #tpu.memory_space<vmem>>[vector<16xi32>], vector<16xi32>,
        %add3A_1696 = vector.broadcast %mul3A_2 : i32 to vector<16xi32>
        %add3A_1697 = arith.addi %gather3A_1694, %add3A_1696 : vector<16xi32>
        %mul3A_1698 = arith.constant 6 : i32
        %mul3A_1699 = vector.broadcast %mul3A_1698 : i32 to vector<16xi32>
        %mul3A_1700 = arith.muli %add3A_1697, %mul3A_1699 : vector<16xi32>
        %mul3A_1701 = arith.constant 3 : i32
        %mul3A_1702 = vector.broadcast %mul3A_1701 : i32 to vector<16xi32>
        %mul3A_1703 = arith.muli %gather3A_1695, %mul3A_1702 : vector<16xi32>
        %add3A_1704 = arith.constant 0 : i32
        %add3A_1705 = vector.broadcast %add3A_1704 : i32 to vector<16xi32>
        %add3A_1706 = arith.addi %mul3A_1700, %add3A_1705 : vector<16xi32>
        %swap3A_1707 = arith.constant 112 : index
        %swap3A_1708 = tpu.vector_load %arg17[%swap3A_1707] {strides = array<i32>} : memref<128xi32, #tpu.memory_space<vmem>>, vector<16xi32>,
        tpu.vector_store %arg17[%swap3A_1707], %add3A_1706 {strides = array<i32>} : memref<128xi32, #tpu.memory_space<vmem>>, vector<16xi32>,
        %add3A_1709 = arith.constant 0 : i32
        %add3A_1710 = vector.broadcast %add3A_1709 : i32 to vector<16xi32>
        %add3A_1711 = arith.addi %mul3A_1703, %add3A_1710 : vector<16xi32>
        %swap3A_1712 = arith.constant 112 : index
        %swap3A_1713 = tpu.vector_load %arg29[%swap3A_1712] {strides = array<i32>} : memref<128xi32, #tpu.memory_space<vmem>>, vector<16xi32>,
        tpu.vector_store %arg29[%swap3A_1712], %add3A_1711 {strides = array<i32>} : memref<128xi32, #tpu.memory_space<vmem>>, vector<16xi32>,
        %add3A_1714 = arith.constant 1 : i32
        %add3A_1715 = vector.broadcast %add3A_1714 : i32 to vector<16xi32>
        %add3A_1716 = arith.addi %mul3A_1700, %add3A_1715 : vector<16xi32>
        %swap3A_1717 = arith.constant 112 : index
        %swap3A_1718 = tpu.vector_load %arg18[%swap3A_1717] {strides = array<i32>} : memref<128xi32, #tpu.memory_space<vmem>>, vector<16xi32>,
        tpu.vector_store %arg18[%swap3A_1717], %add3A_1716 {strides = array<i32>} : memref<128xi32, #tpu.memory_space<vmem>>, vector<16xi32>,
        %add3A_1719 = arith.constant 1 : i32
        %add3A_1720 = vector.broadcast %add3A_1719 : i32 to vector<16xi32>
        %add3A_1721 = arith.addi %mul3A_1703, %add3A_1720 : vector<16xi32>
        %swap3A_1722 = arith.constant 112 : index
        %swap3A_1723 = tpu.vector_load %arg30[%swap3A_1722] {strides = array<i32>} : memref<128xi32, #tpu.memory_space<vmem>>, vector<16xi32>,
        tpu.vector_store %arg30[%swap3A_1722], %add3A_1721 {strides = array<i32>} : memref<128xi32, #tpu.memory_space<vmem>>, vector<16xi32>,
        %add3A_1724 = arith.constant 2 : i32
        %add3A_1725 = vector.broadcast %add3A_1724 : i32 to vector<16xi32>
        %add3A_1726 = arith.addi %mul3A_1700, %add3A_1725 : vector<16xi32>
        %swap3A_1727 = arith.constant 112 : index
        %swap3A_1728 = tpu.vector_load %arg19[%swap3A_1727] {strides = array<i32>} : memref<128xi32, #tpu.memory_space<vmem>>, vector<16xi32>,
        tpu.vector_store %arg19[%swap3A_1727], %add3A_1726 {strides = array<i32>} : memref<128xi32, #tpu.memory_space<vmem>>, vector<16xi32>,
        %add3A_1729 = arith.constant 2 : i32
        %add3A_1730 = vector.broadcast %add3A_1729 : i32 to vector<16xi32>
        %add3A_1731 = arith.addi %mul3A_1703, %add3A_1730 : vector<16xi32>
        %swap3A_1732 = arith.constant 112 : index
        %swap3A_1733 = tpu.vector_load %arg31[%swap3A_1732] {strides = array<i32>} : memref<128xi32, #tpu.memory_space<vmem>>, vector<16xi32>,
        tpu.vector_store %arg31[%swap3A_1732], %add3A_1731 {strides = array<i32>} : memref<128xi32, #tpu.memory_space<vmem>>, vector<16xi32>,
        %dma_start3A = arith.constant 0 : i32
        %dma_start3A_1734 = tpu.memref_slice %arg3[%dma_start3A] : memref<3145728xf32, #tpu.memory_space<hbm>> -> memref<3145728xf32, #tpu.memory_space<hbm>>
        tpu.enqueue_indirect_dma source(%dma_start3A_1734 : memref<3145728xf32, #tpu.memory_space<hbm>>) target(%arg32 : memref<128xf32, #tpu.memory_space<vmem>>) offsets(%arg8 : memref<128xi32, #tpu.memory_space<vmem>>) semaphore(%arg44 : memref<!tpu.dma_semaphore, #tpu.memory_space<semaphore_mem>>)
        %dma_start3A_1735 = arith.constant 0 : i32
        %dma_start3A_1736 = tpu.memref_slice %arg3[%dma_start3A_1735] : memref<3145728xf32, #tpu.memory_space<hbm>> -> memref<3145728xf32, #tpu.memory_space<hbm>>
        tpu.enqueue_indirect_dma source(%dma_start3A_1736 : memref<3145728xf32, #tpu.memory_space<hbm>>) target(%arg33 : memref<128xf32, #tpu.memory_space<vmem>>) offsets(%arg9 : memref<128xi32, #tpu.memory_space<vmem>>) semaphore(%arg44 : memref<!tpu.dma_semaphore, #tpu.memory_space<semaphore_mem>>)
        %dma_start3A_1737 = arith.constant 0 : i32
        %dma_start3A_1738 = tpu.memref_slice %arg3[%dma_start3A_1737] : memref<3145728xf32, #tpu.memory_space<hbm>> -> memref<3145728xf32, #tpu.memory_space<hbm>>
        tpu.enqueue_indirect_dma source(%dma_start3A_1738 : memref<3145728xf32, #tpu.memory_space<hbm>>) target(%arg34 : memref<128xf32, #tpu.memory_space<vmem>>) offsets(%arg10 : memref<128xi32, #tpu.memory_space<vmem>>) semaphore(%arg44 : memref<!tpu.dma_semaphore, #tpu.memory_space<semaphore_mem>>)
        %dma_start3A_1739 = arith.constant 0 : i32
        %dma_start3A_1740 = tpu.memref_slice %arg3[%dma_start3A_1739] : memref<3145728xf32, #tpu.memory_space<hbm>> -> memref<3145728xf32, #tpu.memory_space<hbm>>
        tpu.enqueue_indirect_dma source(%dma_start3A_1740 : memref<3145728xf32, #tpu.memory_space<hbm>>) target(%arg35 : memref<128xf32, #tpu.memory_space<vmem>>) offsets(%arg11 : memref<128xi32, #tpu.memory_space<vmem>>) semaphore(%arg44 : memref<!tpu.dma_semaphore, #tpu.memory_space<semaphore_mem>>)
        %dma_start3A_1741 = arith.constant 0 : i32
        %dma_start3A_1742 = tpu.memref_slice %arg3[%dma_start3A_1741] : memref<3145728xf32, #tpu.memory_space<hbm>> -> memref<3145728xf32, #tpu.memory_space<hbm>>
        tpu.enqueue_indirect_dma source(%dma_start3A_1742 : memref<3145728xf32, #tpu.memory_space<hbm>>) target(%arg36 : memref<128xf32, #tpu.memory_space<vmem>>) offsets(%arg12 : memref<128xi32, #tpu.memory_space<vmem>>) semaphore(%arg44 : memref<!tpu.dma_semaphore, #tpu.memory_space<semaphore_mem>>)
        %dma_start3A_1743 = arith.constant 0 : i32
        %dma_start3A_1744 = tpu.memref_slice %arg3[%dma_start3A_1743] : memref<3145728xf32, #tpu.memory_space<hbm>> -> memref<3145728xf32, #tpu.memory_space<hbm>>
        tpu.enqueue_indirect_dma source(%dma_start3A_1744 : memref<3145728xf32, #tpu.memory_space<hbm>>) target(%arg37 : memref<128xf32, #tpu.memory_space<vmem>>) offsets(%arg13 : memref<128xi32, #tpu.memory_space<vmem>>) semaphore(%arg44 : memref<!tpu.dma_semaphore, #tpu.memory_space<semaphore_mem>>)
        %dma_start3A_1745 = arith.constant 0 : i32
        %dma_start3A_1746 = tpu.memref_slice %arg3[%dma_start3A_1745] : memref<3145728xf32, #tpu.memory_space<hbm>> -> memref<3145728xf32, #tpu.memory_space<hbm>>
        tpu.enqueue_indirect_dma source(%dma_start3A_1746 : memref<3145728xf32, #tpu.memory_space<hbm>>) target(%arg38 : memref<128xf32, #tpu.memory_space<vmem>>) offsets(%arg14 : memref<128xi32, #tpu.memory_space<vmem>>) semaphore(%arg44 : memref<!tpu.dma_semaphore, #tpu.memory_space<semaphore_mem>>)
        %dma_start3A_1747 = arith.constant 0 : i32
        %dma_start3A_1748 = tpu.memref_slice %arg3[%dma_start3A_1747] : memref<3145728xf32, #tpu.memory_space<hbm>> -> memref<3145728xf32, #tpu.memory_space<hbm>>
        tpu.enqueue_indirect_dma source(%dma_start3A_1748 : memref<3145728xf32, #tpu.memory_space<hbm>>) target(%arg39 : memref<128xf32, #tpu.memory_space<vmem>>) offsets(%arg15 : memref<128xi32, #tpu.memory_space<vmem>>) semaphore(%arg44 : memref<!tpu.dma_semaphore, #tpu.memory_space<semaphore_mem>>)
        %dma_start3A_1749 = arith.constant 0 : i32
        %dma_start3A_1750 = tpu.memref_slice %arg3[%dma_start3A_1749] : memref<3145728xf32, #tpu.memory_space<hbm>> -> memref<3145728xf32, #tpu.memory_space<hbm>>
        tpu.enqueue_indirect_dma source(%dma_start3A_1750 : memref<3145728xf32, #tpu.memory_space<hbm>>) target(%arg40 : memref<128xf32, #tpu.memory_space<vmem>>) offsets(%arg16 : memref<128xi32, #tpu.memory_space<vmem>>) semaphore(%arg44 : memref<!tpu.dma_semaphore, #tpu.memory_space<semaphore_mem>>)
        %dma_start3A_1751 = arith.constant 0 : i32
        %dma_start3A_1752 = tpu.memref_slice %arg3[%dma_start3A_1751] : memref<3145728xf32, #tpu.memory_space<hbm>> -> memref<3145728xf32, #tpu.memory_space<hbm>>
        tpu.enqueue_indirect_dma source(%dma_start3A_1752 : memref<3145728xf32, #tpu.memory_space<hbm>>) target(%arg41 : memref<128xf32, #tpu.memory_space<vmem>>) offsets(%arg17 : memref<128xi32, #tpu.memory_space<vmem>>) semaphore(%arg44 : memref<!tpu.dma_semaphore, #tpu.memory_space<semaphore_mem>>)
        %dma_start3A_1753 = arith.constant 0 : i32
        %dma_start3A_1754 = tpu.memref_slice %arg3[%dma_start3A_1753] : memref<3145728xf32, #tpu.memory_space<hbm>> -> memref<3145728xf32, #tpu.memory_space<hbm>>
        tpu.enqueue_indirect_dma source(%dma_start3A_1754 : memref<3145728xf32, #tpu.memory_space<hbm>>) target(%arg42 : memref<128xf32, #tpu.memory_space<vmem>>) offsets(%arg18 : memref<128xi32, #tpu.memory_space<vmem>>) semaphore(%arg44 : memref<!tpu.dma_semaphore, #tpu.memory_space<semaphore_mem>>)
        %dma_start3A_1755 = arith.constant 0 : i32
        %dma_start3A_1756 = tpu.memref_slice %arg3[%dma_start3A_1755] : memref<3145728xf32, #tpu.memory_space<hbm>> -> memref<3145728xf32, #tpu.memory_space<hbm>>
        tpu.enqueue_indirect_dma source(%dma_start3A_1756 : memref<3145728xf32, #tpu.memory_space<hbm>>) target(%arg43 : memref<128xf32, #tpu.memory_space<vmem>>) offsets(%arg19 : memref<128xi32, #tpu.memory_space<vmem>>) semaphore(%arg44 : memref<!tpu.dma_semaphore, #tpu.memory_space<semaphore_mem>>)
        %dma_wait3A = arith.constant 0 : i32
        %dma_wait3A_1757 = tpu.memref_slice %arg3[%dma_wait3A] : memref<3145728xf32, #tpu.memory_space<hbm>> -> memref<3145728xf32, #tpu.memory_space<hbm>>
        tpu.wait_indirect_dma semaphore(%arg44 : memref<!tpu.dma_semaphore, #tpu.memory_space<semaphore_mem>>) src(%dma_wait3A_1757 : memref<3145728xf32, #tpu.memory_space<hbm>>) dst(%arg32 : memref<128xf32, #tpu.memory_space<vmem>>)
        %dma_wait3A_1758 = arith.constant 0 : i32
        %dma_wait3A_1759 = tpu.memref_slice %arg3[%dma_wait3A_1758] : memref<3145728xf32, #tpu.memory_space<hbm>> -> memref<3145728xf32, #tpu.memory_space<hbm>>
        tpu.wait_indirect_dma semaphore(%arg44 : memref<!tpu.dma_semaphore, #tpu.memory_space<semaphore_mem>>) src(%dma_wait3A_1759 : memref<3145728xf32, #tpu.memory_space<hbm>>) dst(%arg33 : memref<128xf32, #tpu.memory_space<vmem>>)
        %dma_wait3A_1760 = arith.constant 0 : i32
        %dma_wait3A_1761 = tpu.memref_slice %arg3[%dma_wait3A_1760] : memref<3145728xf32, #tpu.memory_space<hbm>> -> memref<3145728xf32, #tpu.memory_space<hbm>>
        tpu.wait_indirect_dma semaphore(%arg44 : memref<!tpu.dma_semaphore, #tpu.memory_space<semaphore_mem>>) src(%dma_wait3A_1761 : memref<3145728xf32, #tpu.memory_space<hbm>>) dst(%arg34 : memref<128xf32, #tpu.memory_space<vmem>>)
        %dma_wait3A_1762 = arith.constant 0 : i32
        %dma_wait3A_1763 = tpu.memref_slice %arg3[%dma_wait3A_1762] : memref<3145728xf32, #tpu.memory_space<hbm>> -> memref<3145728xf32, #tpu.memory_space<hbm>>
        tpu.wait_indirect_dma semaphore(%arg44 : memref<!tpu.dma_semaphore, #tpu.memory_space<semaphore_mem>>) src(%dma_wait3A_1763 : memref<3145728xf32, #tpu.memory_space<hbm>>) dst(%arg35 : memref<128xf32, #tpu.memory_space<vmem>>)
        %dma_wait3A_1764 = arith.constant 0 : i32
        %dma_wait3A_1765 = tpu.memref_slice %arg3[%dma_wait3A_1764] : memref<3145728xf32, #tpu.memory_space<hbm>> -> memref<3145728xf32, #tpu.memory_space<hbm>>
        tpu.wait_indirect_dma semaphore(%arg44 : memref<!tpu.dma_semaphore, #tpu.memory_space<semaphore_mem>>) src(%dma_wait3A_1765 : memref<3145728xf32, #tpu.memory_space<hbm>>) dst(%arg36 : memref<128xf32, #tpu.memory_space<vmem>>)
        %dma_wait3A_1766 = arith.constant 0 : i32
        %dma_wait3A_1767 = tpu.memref_slice %arg3[%dma_wait3A_1766] : memref<3145728xf32, #tpu.memory_space<hbm>> -> memref<3145728xf32, #tpu.memory_space<hbm>>
        tpu.wait_indirect_dma semaphore(%arg44 : memref<!tpu.dma_semaphore, #tpu.memory_space<semaphore_mem>>) src(%dma_wait3A_1767 : memref<3145728xf32, #tpu.memory_space<hbm>>) dst(%arg37 : memref<128xf32, #tpu.memory_space<vmem>>)
        %dma_wait3A_1768 = arith.constant 0 : i32
        %dma_wait3A_1769 = tpu.memref_slice %arg3[%dma_wait3A_1768] : memref<3145728xf32, #tpu.memory_space<hbm>> -> memref<3145728xf32, #tpu.memory_space<hbm>>
        tpu.wait_indirect_dma semaphore(%arg44 : memref<!tpu.dma_semaphore, #tpu.memory_space<semaphore_mem>>) src(%dma_wait3A_1769 : memref<3145728xf32, #tpu.memory_space<hbm>>) dst(%arg38 : memref<128xf32, #tpu.memory_space<vmem>>)
        %dma_wait3A_1770 = arith.constant 0 : i32
        %dma_wait3A_1771 = tpu.memref_slice %arg3[%dma_wait3A_1770] : memref<3145728xf32, #tpu.memory_space<hbm>> -> memref<3145728xf32, #tpu.memory_space<hbm>>
        tpu.wait_indirect_dma semaphore(%arg44 : memref<!tpu.dma_semaphore, #tpu.memory_space<semaphore_mem>>) src(%dma_wait3A_1771 : memref<3145728xf32, #tpu.memory_space<hbm>>) dst(%arg39 : memref<128xf32, #tpu.memory_space<vmem>>)
        %dma_wait3A_1772 = arith.constant 0 : i32
        %dma_wait3A_1773 = tpu.memref_slice %arg3[%dma_wait3A_1772] : memref<3145728xf32, #tpu.memory_space<hbm>> -> memref<3145728xf32, #tpu.memory_space<hbm>>
        tpu.wait_indirect_dma semaphore(%arg44 : memref<!tpu.dma_semaphore, #tpu.memory_space<semaphore_mem>>) src(%dma_wait3A_1773 : memref<3145728xf32, #tpu.memory_space<hbm>>) dst(%arg40 : memref<128xf32, #tpu.memory_space<vmem>>)
        %dma_wait3A_1774 = arith.constant 0 : i32
        %dma_wait3A_1775 = tpu.memref_slice %arg3[%dma_wait3A_1774] : memref<3145728xf32, #tpu.memory_space<hbm>> -> memref<3145728xf32, #tpu.memory_space<hbm>>
        tpu.wait_indirect_dma semaphore(%arg44 : memref<!tpu.dma_semaphore, #tpu.memory_space<semaphore_mem>>) src(%dma_wait3A_1775 : memref<3145728xf32, #tpu.memory_space<hbm>>) dst(%arg41 : memref<128xf32, #tpu.memory_space<vmem>>)
        %dma_wait3A_1776 = arith.constant 0 : i32
        %dma_wait3A_1777 = tpu.memref_slice %arg3[%dma_wait3A_1776] : memref<3145728xf32, #tpu.memory_space<hbm>> -> memref<3145728xf32, #tpu.memory_space<hbm>>
        tpu.wait_indirect_dma semaphore(%arg44 : memref<!tpu.dma_semaphore, #tpu.memory_space<semaphore_mem>>) src(%dma_wait3A_1777 : memref<3145728xf32, #tpu.memory_space<hbm>>) dst(%arg42 : memref<128xf32, #tpu.memory_space<vmem>>)
        %dma_wait3A_1778 = arith.constant 0 : i32
        %dma_wait3A_1779 = tpu.memref_slice %arg3[%dma_wait3A_1778] : memref<3145728xf32, #tpu.memory_space<hbm>> -> memref<3145728xf32, #tpu.memory_space<hbm>>
        tpu.wait_indirect_dma semaphore(%arg44 : memref<!tpu.dma_semaphore, #tpu.memory_space<semaphore_mem>>) src(%dma_wait3A_1779 : memref<3145728xf32, #tpu.memory_space<hbm>>) dst(%arg43 : memref<128xf32, #tpu.memory_space<vmem>>)
        %dma_start3A_1780 = arith.constant 0 : i32
        %dma_start3A_1781 = tpu.memref_slice %arg2[%dma_start3A_1780] : memref<3145728xf32, #tpu.memory_space<hbm>> -> memref<3145728xf32, #tpu.memory_space<hbm>>
        tpu.enqueue_indirect_dma source(%arg32 : memref<128xf32, #tpu.memory_space<vmem>>) target(%dma_start3A_1781 : memref<3145728xf32, #tpu.memory_space<hbm>>) offsets(%arg20 : memref<128xi32, #tpu.memory_space<vmem>>) semaphore(%arg45 : memref<!tpu.dma_semaphore, #tpu.memory_space<semaphore_mem>>)
        %dma_start3A_1782 = arith.constant 0 : i32
        %dma_start3A_1783 = tpu.memref_slice %arg2[%dma_start3A_1782] : memref<3145728xf32, #tpu.memory_space<hbm>> -> memref<3145728xf32, #tpu.memory_space<hbm>>
        tpu.enqueue_indirect_dma source(%arg33 : memref<128xf32, #tpu.memory_space<vmem>>) target(%dma_start3A_1783 : memref<3145728xf32, #tpu.memory_space<hbm>>) offsets(%arg21 : memref<128xi32, #tpu.memory_space<vmem>>) semaphore(%arg45 : memref<!tpu.dma_semaphore, #tpu.memory_space<semaphore_mem>>)
        %dma_start3A_1784 = arith.constant 0 : i32
        %dma_start3A_1785 = tpu.memref_slice %arg2[%dma_start3A_1784] : memref<3145728xf32, #tpu.memory_space<hbm>> -> memref<3145728xf32, #tpu.memory_space<hbm>>
        tpu.enqueue_indirect_dma source(%arg34 : memref<128xf32, #tpu.memory_space<vmem>>) target(%dma_start3A_1785 : memref<3145728xf32, #tpu.memory_space<hbm>>) offsets(%arg22 : memref<128xi32, #tpu.memory_space<vmem>>) semaphore(%arg45 : memref<!tpu.dma_semaphore, #tpu.memory_space<semaphore_mem>>)
        %dma_start3A_1786 = arith.constant 0 : i32
        %dma_start3A_1787 = tpu.memref_slice %arg2[%dma_start3A_1786] : memref<3145728xf32, #tpu.memory_space<hbm>> -> memref<3145728xf32, #tpu.memory_space<hbm>>
        tpu.enqueue_indirect_dma source(%arg35 : memref<128xf32, #tpu.memory_space<vmem>>) target(%dma_start3A_1787 : memref<3145728xf32, #tpu.memory_space<hbm>>) offsets(%arg23 : memref<128xi32, #tpu.memory_space<vmem>>) semaphore(%arg45 : memref<!tpu.dma_semaphore, #tpu.memory_space<semaphore_mem>>)
        %dma_start3A_1788 = arith.constant 0 : i32
        %dma_start3A_1789 = tpu.memref_slice %arg2[%dma_start3A_1788] : memref<3145728xf32, #tpu.memory_space<hbm>> -> memref<3145728xf32, #tpu.memory_space<hbm>>
        tpu.enqueue_indirect_dma source(%arg36 : memref<128xf32, #tpu.memory_space<vmem>>) target(%dma_start3A_1789 : memref<3145728xf32, #tpu.memory_space<hbm>>) offsets(%arg24 : memref<128xi32, #tpu.memory_space<vmem>>) semaphore(%arg45 : memref<!tpu.dma_semaphore, #tpu.memory_space<semaphore_mem>>)
        %dma_start3A_1790 = arith.constant 0 : i32
        %dma_start3A_1791 = tpu.memref_slice %arg2[%dma_start3A_1790] : memref<3145728xf32, #tpu.memory_space<hbm>> -> memref<3145728xf32, #tpu.memory_space<hbm>>
        tpu.enqueue_indirect_dma source(%arg37 : memref<128xf32, #tpu.memory_space<vmem>>) target(%dma_start3A_1791 : memref<3145728xf32, #tpu.memory_space<hbm>>) offsets(%arg25 : memref<128xi32, #tpu.memory_space<vmem>>) semaphore(%arg45 : memref<!tpu.dma_semaphore, #tpu.memory_space<semaphore_mem>>)
        %dma_start3A_1792 = arith.constant 0 : i32
        %dma_start3A_1793 = tpu.memref_slice %arg2[%dma_start3A_1792] : memref<3145728xf32, #tpu.memory_space<hbm>> -> memref<3145728xf32, #tpu.memory_space<hbm>>
        tpu.enqueue_indirect_dma source(%arg38 : memref<128xf32, #tpu.memory_space<vmem>>) target(%dma_start3A_1793 : memref<3145728xf32, #tpu.memory_space<hbm>>) offsets(%arg26 : memref<128xi32, #tpu.memory_space<vmem>>) semaphore(%arg45 : memref<!tpu.dma_semaphore, #tpu.memory_space<semaphore_mem>>)
        %dma_start3A_1794 = arith.constant 0 : i32
        %dma_start3A_1795 = tpu.memref_slice %arg2[%dma_start3A_1794] : memref<3145728xf32, #tpu.memory_space<hbm>> -> memref<3145728xf32, #tpu.memory_space<hbm>>
        tpu.enqueue_indirect_dma source(%arg39 : memref<128xf32, #tpu.memory_space<vmem>>) target(%dma_start3A_1795 : memref<3145728xf32, #tpu.memory_space<hbm>>) offsets(%arg27 : memref<128xi32, #tpu.memory_space<vmem>>) semaphore(%arg45 : memref<!tpu.dma_semaphore, #tpu.memory_space<semaphore_mem>>)
        %dma_start3A_1796 = arith.constant 0 : i32
        %dma_start3A_1797 = tpu.memref_slice %arg2[%dma_start3A_1796] : memref<3145728xf32, #tpu.memory_space<hbm>> -> memref<3145728xf32, #tpu.memory_space<hbm>>
        tpu.enqueue_indirect_dma source(%arg40 : memref<128xf32, #tpu.memory_space<vmem>>) target(%dma_start3A_1797 : memref<3145728xf32, #tpu.memory_space<hbm>>) offsets(%arg28 : memref<128xi32, #tpu.memory_space<vmem>>) semaphore(%arg45 : memref<!tpu.dma_semaphore, #tpu.memory_space<semaphore_mem>>)
        %dma_start3A_1798 = arith.constant 0 : i32
        %dma_start3A_1799 = tpu.memref_slice %arg2[%dma_start3A_1798] : memref<3145728xf32, #tpu.memory_space<hbm>> -> memref<3145728xf32, #tpu.memory_space<hbm>>
        tpu.enqueue_indirect_dma source(%arg41 : memref<128xf32, #tpu.memory_space<vmem>>) target(%dma_start3A_1799 : memref<3145728xf32, #tpu.memory_space<hbm>>) offsets(%arg29 : memref<128xi32, #tpu.memory_space<vmem>>) semaphore(%arg45 : memref<!tpu.dma_semaphore, #tpu.memory_space<semaphore_mem>>)
        %dma_start3A_1800 = arith.constant 0 : i32
        %dma_start3A_1801 = tpu.memref_slice %arg2[%dma_start3A_1800] : memref<3145728xf32, #tpu.memory_space<hbm>> -> memref<3145728xf32, #tpu.memory_space<hbm>>
        tpu.enqueue_indirect_dma source(%arg42 : memref<128xf32, #tpu.memory_space<vmem>>) target(%dma_start3A_1801 : memref<3145728xf32, #tpu.memory_space<hbm>>) offsets(%arg30 : memref<128xi32, #tpu.memory_space<vmem>>) semaphore(%arg45 : memref<!tpu.dma_semaphore, #tpu.memory_space<semaphore_mem>>)
        %dma_start3A_1802 = arith.constant 0 : i32
        %dma_start3A_1803 = tpu.memref_slice %arg2[%dma_start3A_1802] : memref<3145728xf32, #tpu.memory_space<hbm>> -> memref<3145728xf32, #tpu.memory_space<hbm>>
        tpu.enqueue_indirect_dma source(%arg43 : memref<128xf32, #tpu.memory_space<vmem>>) target(%dma_start3A_1803 : memref<3145728xf32, #tpu.memory_space<hbm>>) offsets(%arg31 : memref<128xi32, #tpu.memory_space<vmem>>) semaphore(%arg45 : memref<!tpu.dma_semaphore, #tpu.memory_space<semaphore_mem>>)
        %dma_wait3A_1804 = arith.constant 0 : i32
        %dma_wait3A_1805 = tpu.memref_slice %arg2[%dma_wait3A_1804] : memref<3145728xf32, #tpu.memory_space<hbm>> -> memref<3145728xf32, #tpu.memory_space<hbm>>
        tpu.wait_indirect_dma semaphore(%arg45 : memref<!tpu.dma_semaphore, #tpu.memory_space<semaphore_mem>>) src(%arg32 : memref<128xf32, #tpu.memory_space<vmem>>) dst(%dma_wait3A_1805 : memref<3145728xf32, #tpu.memory_space<hbm>>)
        %dma_wait3A_1806 = arith.constant 0 : i32
        %dma_wait3A_1807 = tpu.memref_slice %arg2[%dma_wait3A_1806] : memref<3145728xf32, #tpu.memory_space<hbm>> -> memref<3145728xf32, #tpu.memory_space<hbm>>
        tpu.wait_indirect_dma semaphore(%arg45 : memref<!tpu.dma_semaphore, #tpu.memory_space<semaphore_mem>>) src(%arg33 : memref<128xf32, #tpu.memory_space<vmem>>) dst(%dma_wait3A_1807 : memref<3145728xf32, #tpu.memory_space<hbm>>)
        %dma_wait3A_1808 = arith.constant 0 : i32
        %dma_wait3A_1809 = tpu.memref_slice %arg2[%dma_wait3A_1808] : memref<3145728xf32, #tpu.memory_space<hbm>> -> memref<3145728xf32, #tpu.memory_space<hbm>>
        tpu.wait_indirect_dma semaphore(%arg45 : memref<!tpu.dma_semaphore, #tpu.memory_space<semaphore_mem>>) src(%arg34 : memref<128xf32, #tpu.memory_space<vmem>>) dst(%dma_wait3A_1809 : memref<3145728xf32, #tpu.memory_space<hbm>>)
        %dma_wait3A_1810 = arith.constant 0 : i32
        %dma_wait3A_1811 = tpu.memref_slice %arg2[%dma_wait3A_1810] : memref<3145728xf32, #tpu.memory_space<hbm>> -> memref<3145728xf32, #tpu.memory_space<hbm>>
        tpu.wait_indirect_dma semaphore(%arg45 : memref<!tpu.dma_semaphore, #tpu.memory_space<semaphore_mem>>) src(%arg35 : memref<128xf32, #tpu.memory_space<vmem>>) dst(%dma_wait3A_1811 : memref<3145728xf32, #tpu.memory_space<hbm>>)
        %dma_wait3A_1812 = arith.constant 0 : i32
        %dma_wait3A_1813 = tpu.memref_slice %arg2[%dma_wait3A_1812] : memref<3145728xf32, #tpu.memory_space<hbm>> -> memref<3145728xf32, #tpu.memory_space<hbm>>
        tpu.wait_indirect_dma semaphore(%arg45 : memref<!tpu.dma_semaphore, #tpu.memory_space<semaphore_mem>>) src(%arg36 : memref<128xf32, #tpu.memory_space<vmem>>) dst(%dma_wait3A_1813 : memref<3145728xf32, #tpu.memory_space<hbm>>)
        %dma_wait3A_1814 = arith.constant 0 : i32
        %dma_wait3A_1815 = tpu.memref_slice %arg2[%dma_wait3A_1814] : memref<3145728xf32, #tpu.memory_space<hbm>> -> memref<3145728xf32, #tpu.memory_space<hbm>>
        tpu.wait_indirect_dma semaphore(%arg45 : memref<!tpu.dma_semaphore, #tpu.memory_space<semaphore_mem>>) src(%arg37 : memref<128xf32, #tpu.memory_space<vmem>>) dst(%dma_wait3A_1815 : memref<3145728xf32, #tpu.memory_space<hbm>>)
        %dma_wait3A_1816 = arith.constant 0 : i32
        %dma_wait3A_1817 = tpu.memref_slice %arg2[%dma_wait3A_1816] : memref<3145728xf32, #tpu.memory_space<hbm>> -> memref<3145728xf32, #tpu.memory_space<hbm>>
        tpu.wait_indirect_dma semaphore(%arg45 : memref<!tpu.dma_semaphore, #tpu.memory_space<semaphore_mem>>) src(%arg38 : memref<128xf32, #tpu.memory_space<vmem>>) dst(%dma_wait3A_1817 : memref<3145728xf32, #tpu.memory_space<hbm>>)
        %dma_wait3A_1818 = arith.constant 0 : i32
        %dma_wait3A_1819 = tpu.memref_slice %arg2[%dma_wait3A_1818] : memref<3145728xf32, #tpu.memory_space<hbm>> -> memref<3145728xf32, #tpu.memory_space<hbm>>
        tpu.wait_indirect_dma semaphore(%arg45 : memref<!tpu.dma_semaphore, #tpu.memory_space<semaphore_mem>>) src(%arg39 : memref<128xf32, #tpu.memory_space<vmem>>) dst(%dma_wait3A_1819 : memref<3145728xf32, #tpu.memory_space<hbm>>)
        %dma_wait3A_1820 = arith.constant 0 : i32
        %dma_wait3A_1821 = tpu.memref_slice %arg2[%dma_wait3A_1820] : memref<3145728xf32, #tpu.memory_space<hbm>> -> memref<3145728xf32, #tpu.memory_space<hbm>>
        tpu.wait_indirect_dma semaphore(%arg45 : memref<!tpu.dma_semaphore, #tpu.memory_space<semaphore_mem>>) src(%arg40 : memref<128xf32, #tpu.memory_space<vmem>>) dst(%dma_wait3A_1821 : memref<3145728xf32, #tpu.memory_space<hbm>>)
        %dma_wait3A_1822 = arith.constant 0 : i32
        %dma_wait3A_1823 = tpu.memref_slice %arg2[%dma_wait3A_1822] : memref<3145728xf32, #tpu.memory_space<hbm>> -> memref<3145728xf32, #tpu.memory_space<hbm>>
        tpu.wait_indirect_dma semaphore(%arg45 : memref<!tpu.dma_semaphore, #tpu.memory_space<semaphore_mem>>) src(%arg41 : memref<128xf32, #tpu.memory_space<vmem>>) dst(%dma_wait3A_1823 : memref<3145728xf32, #tpu.memory_space<hbm>>)
        %dma_wait3A_1824 = arith.constant 0 : i32
        %dma_wait3A_1825 = tpu.memref_slice %arg2[%dma_wait3A_1824] : memref<3145728xf32, #tpu.memory_space<hbm>> -> memref<3145728xf32, #tpu.memory_space<hbm>>
        tpu.wait_indirect_dma semaphore(%arg45 : memref<!tpu.dma_semaphore, #tpu.memory_space<semaphore_mem>>) src(%arg42 : memref<128xf32, #tpu.memory_space<vmem>>) dst(%dma_wait3A_1825 : memref<3145728xf32, #tpu.memory_space<hbm>>)
        %dma_wait3A_1826 = arith.constant 0 : i32
        %dma_wait3A_1827 = tpu.memref_slice %arg2[%dma_wait3A_1826] : memref<3145728xf32, #tpu.memory_space<hbm>> -> memref<3145728xf32, #tpu.memory_space<hbm>>
        tpu.wait_indirect_dma semaphore(%arg45 : memref<!tpu.dma_semaphore, #tpu.memory_space<semaphore_mem>>) src(%arg43 : memref<128xf32, #tpu.memory_space<vmem>>) dst(%dma_wait3A_1827 : memref<3145728xf32, #tpu.memory_space<hbm>>)
      }
      %scan3A_25 = arith.constant 32 : i32
    } else {
    }
    return
  }
}

module attributes {stable_mosaic.version = 14 : i64} {
  func.func @body(%arg0: i32, %arg1: memref<128x1024xf32, #tpu.memory_space<vmem>>) attributes {dimension_semantics = [#tpu.dimension_semantics<arbitrary>], iteration_bounds = array<i64: 24>, scalar_prefetch = 0 : i64, scratch_operands = 0 : i64, tpu.core_type = #tpu.core_type<tc>, window_params = [{transform_indices = @transform_0, window_bounds = array<i64: 128, 1024>}]} {
    %broadcast_in_dim3A = arith.constant 1.000000e+00 : f32
    %broadcast_in_dim3A_0 = vector.broadcast %broadcast_in_dim3A : f32 to vector<128x1024xf32>
    %swap3A = arith.constant 0 : index
    %swap3A_1 = arith.constant 0 : index
    %swap3A_2 = vector.load %arg1[%swap3A, %swap3A_1] : memref<128x1024xf32, #tpu.memory_space<vmem>>, vector<128x1024xf32>
    tpu.vector_store %arg1[%swap3A, %swap3A_1], %broadcast_in_dim3A_0 {strides = array<i32>} : memref<128x1024xf32, #tpu.memory_space<vmem>>, vector<128x1024xf32>,
    return
  }
  func.func @transform_0(%arg0: i32) -> (i32, i32) {
    %c0_i32 = arith.constant 0 : i32
    %c0_i32_0 = arith.constant 0 : i32
    return %arg0, %c0_i32 : i32, i32
  }
}

</mosaic_0001>

<sc_bundles>
// kernel: kernel.4.cloned.1.call-start
scs
__scs_entry_jumppad:
0x0: {  	(pc) =	sbr.rel $0x88, $3  }
0x1: {  	(tag) =	ssettag $0x0;
	lr =	simm.s32 $0x1  }
0x2: {  	[smem:$0x3F9F] =	sst lr;
	_ =	strace $0xD0000000  }
0x3: {  	_ = 	snop  }
0x4: {  	_ = 	snop  }
0x5: {  	_ = 	snop  }
0x6: {  	_ = 	snop  }
0x7: {  	_ = 	snop  }
__scs_overlays_trampoline_lowered:
0x8: {  	[smem:$0x3FAE] =	sst s0  }
0x9: {  	[smem:$0x3FAF] =	sst s1  }
0xa: {  	[smem:$0x3FB0] =	sst s2  }
0xb: {  	[smem:$0x3FB1] =	sst s3  }
0xc: {  	[smem:$0x3FB2] =	sst s4  }
0xd: {  	[smem:$0x3FB3] =	sst s5  }
0xe: {  	[smem:$0x3FB4] =	sst s6  }
0xf: {  	[smem:$0x3FB5] =	sst s7  }
0x10: {  	[smem:$0x3FB6] =	sst s8  }
0x11: {  	[smem:$0x3FB7] =	sst s9;
	s0 =	simm.s32 @!p0 $0x0  }
0x12: {  	s1 =	sld [smem:$0x3F9D];
	s0 =	simm.s32 @p0 $0x1  }
0x13: {  	[smem:$0x3FB8] =	sst s0;
	s0 =	simm.s32 @!p1 $0x0  }
0x14: {  	s2 =	sld [smem:$0x3F9C];
	s0 =	simm.s32 @p1 $0x1  }
0x15: {  	[smem:$0x3FB9] =	sst s0;
	s0 =	simm.s32 @!p2 $0x0  }
0x16: {  	s3 =	sld [smem:$0x3FDB];
	s0 =	simm.s32 @p2 $0x1  }
0x17: {  	s4 =	simm.s32 $0x1BF5;
	[smem:$0x3FBB] =	sst s0  }
0x18: {  	s0 =	sld [smem:$0x3F9E];
	_ =	swait.ge [sflag:s4], $0x0  }
0x19: {  	s7 =	sld [smem:$0x3F9F]  }
0x1a: {  	s8 =	sadd.s32 $0xFFFFE003, lr  }
0x1b: {  	s9 =	sadd.s32 $0xFFFFFEF7, lr;
	s5 =	simm.s32 $0xFFFFFFFF;
	p2 =	slt.u32 s8, $0xFFFFF086  }
0x1c: {  	p1 =	slt.u32 s9, $0xF7A;
	s5 =	simm.s32 @!p2 $0x0  }
0x1d: {  	s5 =	simm.s32 @p1 $0x1;
	p0 =	seq.s32 s7, s2  }
0x1e: {  	s7 =	smul.u32 @!p0 $0xF7A, s2;
	p2 =	seq.s32 @!p0 s5, $0x0  }
0x1f: {  	s9 =	smul.u32 $0xF7A, s1;
	s8 =	simm.s32 @!p0 $0x1BF5;
	p2 =	por !p2, p0  }
0x20: {  	[sflag:s8] =	ssyncset.s32 @!p0 $0xFFFFF086;
	s6 =	sadd.s32 @!p0 s3, s7;
	s7 =	simm.s32 @!p0 $0x108  }
0x21: {  	s3 =	sadd.s32 s3, s9;
	s6 =	sadd.s32 @!p0 $0x88, s6;
	s7 =	simm.s32 @p2 $0x1082  }
0x22: {  	[simem:s7], [sflag:s8] =	dma.local @!p0 [hbm:s6], $0xF7A  }
0x23: {  	s9 =	sor.u32 $0xD0000000, s2;
	s6 =	simm.s32 $0x108;
	_ =	swait.ge @!p0 [sflag:s8], $0x0  }
0x24: {  	s3 =	sadd.s32 $0x88, s3;
	s6 =	simm.s32 @!p1 $0x1082;
	[sflag:s4] =	ssyncset.s32 $0xFFFFF086  }
0x25: {  	[simem:s6], [sflag:s4] =	dma.local [hbm:s3], $0xF7A  }
0x26: {  	[smem:$0x3F9F] =	sst s1;
	(tag) =	ssettag s2;
	_ =	strace s9  }
0x27: {  	s1 =	sld [smem:$0x3FAF]  }
0x28: {  	s2 =	sld [smem:$0x3FB0]  }
0x29: {  	s4 =	sld [smem:$0x3FB2]  }
0x2a: {  	p0 =	seq.s32 s5, $0x0;
	s5 =	sld [smem:$0x3FB3]  }
0x2b: {  	s6 =	sld [smem:$0x3FB4]  }
0x2c: {  	s7 =	sld [smem:$0x3FB5]  }
0x2d: {  	s3 =	simm.s32 $0x108;
	s8 =	sld [smem:$0x3FB6]  }
0x2e: {  	s3 =	simm.s32 @!p0 $0x1082;
	s9 =	sld [smem:$0x3FB7]  }
0x2f: {  	lr =	sadd.s32 s0, s3;
	s0 =	sld [smem:$0x3FAE]  }
0x30: {  	s3 =	sld [smem:$0x3FB1]  }
0x31: {  	[smem:$0x3FBA] =	sst s10  }
0x32: {  	s10 =	sld [smem:$0x3FB8];
	_ =	sdelay $0x3  }
0x33: {  	p0 =	seq.s32 s10, $0x1;
	s10 =	sld [smem:$0x3FBA];
	_ =	sdelay $0x3  }
0x34: {  	[smem:$0x3FBA] =	sst s10  }
0x35: {  	s10 =	sld [smem:$0x3FB9];
	_ =	sdelay $0x3  }
0x36: {  	p1 =	seq.s32 s10, $0x1;
	s10 =	sld [smem:$0x3FBA];
	_ =	sdelay $0x3  }
0x37: {  	[smem:$0x3FBA] =	sst s10  }
0x38: {  	s10 =	sld [smem:$0x3FBB]  }
0x39: {  	_ = 	snop;
	(pc) =	sbr.ind lr, $3  }
0x3a: {  	_ = 	snop  }
0x3b: {  	_ = 	snop  }
0x3c: {  	p2 =	seq.s32 s10, $0x1;
	s10 =	sld [smem:$0x3FBA]  }
0x3d: {  	_ =	shalt  }
0x3e: {  	_ =	shalt  }
0x3f: {  	_ =	shalt  }
0x40: {  	_ =	shalt  }
0x41: {  	_ =	shalt  }
0x42: {  	_ =	shalt  }
0x43: {  	_ =	shalt  }
0x44: {  	_ =	shalt  }
0x45: {  	_ =	shalt  }
0x46: {  	_ =	shalt  }
0x47: {  	_ =	shalt  }
0x48: {  	_ =	shalt  }
0x49: {  	_ =	shalt  }
0x4a: {  	_ =	shalt  }
0x4b: {  	_ =	shalt  }
0x4c: {  	_ =	shalt  }
0x4d: {  	_ =	shalt  }
0x4e: {  	_ =	shalt  }
0x4f: {  	_ =	shalt  }
0x50: {  	_ =	shalt  }
0x51: {  	_ =	shalt  }
0x52: {  	_ =	shalt  }
0x53: {  	_ =	shalt  }
0x54: {  	_ =	shalt  }
0x55: {  	_ =	shalt  }
0x56: {  	_ =	shalt  }
0x57: {  	_ =	shalt  }
0x58: {  	_ =	shalt  }
0x59: {  	_ =	shalt  }
0x5a: {  	_ =	shalt  }
0x5b: {  	_ =	shalt  }
0x5c: {  	_ =	shalt  }
0x5d: {  	_ =	shalt  }
0x5e: {  	_ =	shalt  }
0x5f: {  	_ =	shalt  }
0x60: {  	_ =	shalt  }
0x61: {  	_ =	shalt  }
0x62: {  	_ =	shalt  }
0x63: {  	_ =	shalt  }
0x64: {  	_ =	shalt  }
0x65: {  	_ =	shalt  }
0x66: {  	_ =	shalt  }
0x67: {  	_ =	shalt  }
0x68: {  	_ =	shalt  }
0x69: {  	_ =	shalt  }
0x6a: {  	_ =	shalt  }
0x6b: {  	_ =	shalt  }
0x6c: {  	_ =	shalt  }
0x6d: {  	_ =	shalt  }
0x6e: {  	_ =	shalt  }
0x6f: {  	_ =	shalt  }
0x70: {  	_ =	shalt  }
0x71: {  	_ =	shalt  }
0x72: {  	_ =	shalt  }
0x73: {  	_ =	shalt  }
0x74: {  	_ =	shalt  }
0x75: {  	_ =	shalt  }
0x76: {  	_ =	shalt  }
0x77: {  	_ =	shalt  }
0x78: {  	_ =	shalt  }
0x79: {  	_ =	shalt  }
0x7a: {  	_ =	shalt  }
0x7b: {  	_ =	shalt  }
0x7c: {  	_ =	shalt  }
0x7d: {  	_ =	shalt  }
0x7e: {  	_ =	shalt  }
0x7f: {  	_ =	shalt  }
0x80: {  	_ =	shalt  }
0x81: {  	_ =	shalt  }
0x82: {  	_ =	shalt  }
0x83: {  	_ =	shalt  }
0x84: {  	_ =	shalt  }
0x85: {  	_ =	shalt  }
0x86: {  	_ =	shalt  }
0x87: {  	_ =	shalt  }
.Lfunc_end0:
.L_simem_size_0:
called_computation_lowered:
.L_overlay_start_0:
0x88: {  	s2 =	sld [smem:$0x3FD9]  }
0x89: {  	s3 =	sld [smem:$0x3FFE];
	_ =	sdelay $0x1  }
0x8a: {  	s1 =	srdreg.scid  }
0x8b: {  	s0 =	sand.u32 $0x1, s1  }
0x8c: {  	s17 =	sshll.u32 s0, $0xA;
	s2 =	sadd.s32 s3, s2  }
0x8d: {  	s2 =	sadd.s32 s2, s17  }
0x8e: {  	[smem:$0x3FC6] =	sst s2  }
0x8f: {  	_ = 	snop  }
0x90: {  	s2 =	sld [smem:$0x3FC8]  }
0x91: {  	s18 =	sld [smem:$0x3FD0];
	(tm) =	ssettm $0x1  }
0x92: {  	s4 =	sld [smem:$0x3FFB];
	_ =	sdelay $0x3  }
0x93: {  	_ =	strace s4  }
0x94: {  	s4 =	sld [smem:$0x3FFC];
	_ =	sdelay $0x3  }
0x95: {  	_ =	strace s4  }
0x96: {  	s4 =	sld [smem:$0x3FFD];
	_ =	sdelay $0x3  }
0x97: {  	_ =	strace s4  }
0x98: {  	_ =	strace $0x8FFFFFFF  }
0x99: {  	s19 =	sld [smem:$0x3FDB];
	_ =	sdelay $0x1  }
0x9a: {  	s5 =	simm.s32 $_scs_section_size  }
0x9b: {  	s6 =	simm.s32 $_size__tile_overlayer_lowered;
	s7 =	simm.s32 $_tile_overlayer_lowered  }
0x9c: {  	s22 =	simm.s32 $0x1BFF;
	s21 =	sshll.u32 s7, $0x1;
	s4 =	sadd.s32 s5, s19  }
0x9d: {  	s8 =	simm.s32 $0x0;
	s20 =	sshll.u32 s6, $0x1;
	s6 =	sadd.s32 s21, s4  }
0x9e: {  	[timem:s8], [sflag:s22] =	dma.local [hbm:s6], s20  }
0x9f: {  	_ =	swait.ge [sflag:s22], s20  }
0xa0: {  	s5 =	ssub.s32 $0x0, s20;
	[sflag:s22] =	ssyncset.done $0x0  }
0xa1: {  	[sflag:s22] =	ssyncadd.s32 s5;
	_ =	sdelay $0x1  }
0xa2: {  	s23 =	simm.s32 $0x1B8B  }
0xa3: {  	_ =	swait.ge [sflag:s23], $0x1  }
0xa4: {  	[sflag:s23] =	ssyncset.done $0x0  }
0xa5: {  	s25 =	simm.s32 $0x1B8E;
	s24 =	sld [smem:$0x3FFE];
	[sflag:s23] =	ssyncadd.s32 $0xFFFFFFFF  }
0xa6: {  	s26 =	simm.s32 $execute0_lowered;
	[smem:$0x3FD2] =	sst s25  }
0xa7: {  	s6 =	sshll.u32 s26, $0x1;
	_ =	strace $0x80000046;
	[dreg:$0x1] =	wrdreg $0xFFFFFFFF  }
0xa8: {  	s28 =	simm.s32 $_size_execute0_lowered;
	s4 =	sadd.s32 s4, s6;
	[dreg:$0x0] =	wrdreg $0x0  }
0xa9: {  	s6 =	sshll.u32 s28, $0x1;
	[dreg:$0x2] =	wrdreg s4  }
0xaa: {  	[dreg:$0x3] =	wrdreg s6  }
0xab: {  	[dreg:$0x4] =	wrdreg $0xC0  }
0xac: {  	_ =	task [dreg:s8], $0x5FFFF  }
0xad: {  	[dreg:$0x1] =	wrdreg $0xFFFFFFFF  }
0xae: {  	[dreg:$0x0] =	wrdreg $0x60  }
0xaf: {  	[dreg:$0x2] =	wrdreg s18  }
0xb0: {  	[dreg:$0x3] =	wrdreg s24  }
0xb1: {  	[dreg:$0x4] =	wrdreg s2  }
0xb2: {  	[dreg:$0x5] =	wrdreg $0x9  }
0xb3: {  	_ =	task.clear_ibuf [dreg:s8], $0x6FFFF;
	_ =	strace $0x90000046  }
0xb4: {  	s29 =	simm.s32 $0x9;
	_ =	strace $0x80000048  }
0xb5: {  	_ =	swait.ge [sflag:s29], $0x1  }
0xb6: {  	[sflag:s29] =	ssyncadd.s32 $0xFFFFFFFF  }
0xb7: {  	_ =	strace $0x90000048  }
0xb8: {  	_ =	sfence  }
0xb9: {  	s30 =	sld [smem:$0x0];
	_ =	sdelay $0x2  }
0xba: {  	s31 =	sshll.u32 s1, $0xD;
	s1 =	sshrl.u32 s1, $0x2  }
0xbb: {  	s3 =	sand.u32 $0x4000, s31;
	s1 =	sadd.s32 s1, s30  }
0xbc: {  	s0 =	sor.u32 s3, s0;
	s1 =	sshll.u32 s1, $0x11  }
0xbd: {  	s0 =	sor.u32 s1, s0  }
0xbe: {  	s0 =	sadd.s32 $0x8F2B, s0  }
0xbf: {  	[sflag:s0] =	ssyncadd.remote.s32 $0x1  }
0xc0: {  	_ =	sfence.sel $0xFFFF  }
0xc1: {  	[dreg:$0x0] =	wrdreg $0xFFFFFFFF;
	(pc) =	sbr.abs _section_cstart, $3  }
0xc2: {  	[dreg:$0x1] =	wrdreg $0xFFFFFFFF  }
0xc3: {  	_ =	task.clear_ibuf [dreg:s8], $0x2FFFF;
	_ =	strace $0x9FFFFFFF  }
0xc4: {  	(tm) =	ssettm $0x7FFFFFFF  }
0xc5: {  	_ =	shalt  }
tec
execute0_lowered:
.L_overlay_start_1:
0x0: {  	(tag) =	ssettag $0x1  }
0x1: {  	s0 =	rddreg [dreg:$0x1]  }
0x2: {  	s1 =	rddreg [dreg:$0x2];
	s3 =	simm.s32 $0x0  }
0x3: {  	s31 =	simm.s32 $0x8010;
	[smem:$0x7FF] =	sst s3  }
0x4: {  	s7 =	simm.s32 $0x8090;
	_ =	strace $0x80000047;
	[dreg:$0x4] =	wrdreg s31  }
0x5: {  	s8 =	simm.s32 $0x8110;
	[dreg:$0x5] =	wrdreg s7  }
0x6: {  	s10 =	simm.s32 $0x8190;
	[dreg:$0x6] =	wrdreg s8  }
0x7: {  	s11 =	simm.s32 $0x8210;
	[dreg:$0x7] =	wrdreg s10  }
0x8: {  	s12 =	simm.s32 $0x8290;
	[dreg:$0x8] =	wrdreg s11  }
0x9: {  	s13 =	simm.s32 $0x8310;
	[dreg:$0x9] =	wrdreg s12  }
0xa: {  	s14 =	simm.s32 $0x8390;
	[dreg:$0xa] =	wrdreg s13  }
0xb: {  	s15 =	simm.s32 $0x8410;
	[dreg:$0xb] =	wrdreg s14  }
0xc: {  	s16 =	simm.s32 $0x8490;
	[dreg:$0xc] =	wrdreg s15  }
0xd: {  	s17 =	simm.s32 $0x8510;
	[dreg:$0xd] =	wrdreg s16  }
0xe: {  	s18 =	simm.s32 $0x8590;
	[dreg:$0xe] =	wrdreg s17  }
0xf: {  	s19 =	simm.s32 $0x8610;
	[dreg:$0xf] =	wrdreg s18  }
0x10: {  	s20 =	simm.s32 $0x8690;
	[dreg:$0x10] =	wrdreg s19  }
0x11: {  	s2 =	srdreg.scid;
	s21 =	simm.s32 $0x8710;
	[dreg:$0x11] =	wrdreg s20  }
0x12: {  	s4 =	stileid.u32;
	s22 =	simm.s32 $0x8790;
	[dreg:$0x12] =	wrdreg s21  }
0x13: {  	s23 =	simm.s32 $0x8810;
	s24 =	simm.s32 $0x8890;
	[dreg:$0x13] =	wrdreg s22  }
0x14: {  	s25 =	simm.s32 $0x8910;
	s26 =	simm.s32 $0x8990;
	[dreg:$0x14] =	wrdreg s23  }
0x15: {  	s2 =	sand.u32 $0x1, s2;
	s4 =	sshll.u32 s4, $0x1;
	[dreg:$0x15] =	wrdreg s24  }
0x16: {  	s6 =	sadd.s32 $0x801400, s0;
	s28 =	ssub.s32 $0x2, s2;
	[dreg:$0x16] =	wrdreg s25  }
0x17: {  	s2 =	sor.u32 s2, s4;
	[dreg:$0x17] =	wrdreg s26;
	s31 =	simm.s32 $0x8B90  }
0x18: {  	[dreg:$0x1c] =	wrdreg s6;
	s29 =	sshrl.u32 s28, $0x1;
	s5 =	sshll.u32 s2, $0xB  }
0x19: {  	s30 =	sshll.u32 s2, $0xE;
	[dreg:$0x1b] =	wrdreg s31;
	s5 =	sadd.s32 s1, s5  }
0x1a: {  	v1 =	vimm.s32 $0x0;
	v2 =	vlaneseq.u32;
	vm0 =	vcmask $0x300;
	s0 =	ssub.s32 s28, s29;
	s28 =	simm.s32 $0x8A10;
	[dreg:$0x1d] =	wrdreg s5  }
.Ltmp0:
0x1b: {  	vm1 =	vcmask $0x704;
	vm2 =	vcmask $0xB08;
	vm3 =	vcmask $0xF0C;
	s29 =	simm.s32 $0x8A90;
	[dreg:$0x18] =	wrdreg s28;
	(pc) =	sbr.rel .LBB2_1-.Ltmp0, $4  }
0x1c: {  	vm4 =	vcmask $0x1310;
	vm5 =	vcmask $0x1714;
	s9 =	sshrl.u32 s30, $0x3;
	v0 =	vmov s30;
	s30 =	simm.s32 $0x8B10;
	[dreg:$0x19] =	wrdreg s29  }
0x1d: {  	vm6 =	vcmask $0x1B18;
	vm7 =	vcmask $0x1F1C;
	vm8 =	vcmask $0x2320;
	s1 =	sadd.s32 s1, s9;
	s0 =	smax.u32 s0, $0x1;
	[dreg:$0x1a] =	wrdreg s30  }
0x1e: {  	vm9 =	vcmask $0x2724;
	vm10 =	vcmask $0x2B28;
	vm11 =	vcmask $0x2F2C;
	p0 =	sne.s32 s2, $0x1F;
	s1 =	sadd.s32 $0x800, s1;
	[dreg:$0x1f] =	wrdreg s0  }
0x1f: {  	vm12 =	vcmask $0x3330;
	vm13 =	vcmask $0x3734;
	vm14 =	vcmask $0x3B38;
	s5 =	simm.s32 $0x4010;
	[dreg:$0x1e] =	wrdreg s1;
	s1 =	simm.s32 $0x0  }
.LBB2_6:
0x20: {  	s1 =	sld [smem:$0x7FD];
	_ =	sdelay $0x2  }
0x21: {  	s0 =	rddreg [dreg:$0x1f];
	s1 =	sadd.s32 $0x1, s1  }
0x22: {  	p1 =	sne.s32 s1, s0  }
.Ltmp1:
0x23: {  	_ = 	snop;
	(pc) =	sbr.rel @!p1 .LBB2_7-.Ltmp1, $2  }
0x24: {  	_ =	sdelay $0x2  }
0x25: {  	s5 =	simm.s32 $0x4010  }
.LBB2_1:
0x26: {  	[smem:$0x7FD] =	sst s1  }
0x27: {  	s4 =	simm.s32 $0x0;
	s0 =	rddreg [dreg:$0x1d];
	s30 =	simm.s32 $0x3  }
0x28: {  	[tilespmem:s4], [sflag:$0x3] =	stream.linear.gather [hbm4b:s0+s4], $0x4000, $0x38;
	[tilespmem:$0x9210] =	vst v63  }
0x29: {  	_ =	swait.ge [sflag:s30], $0x4000  }
0x2a: {  	s1 =	simm.s32 @p0 $0x4000;
	[sflag:s30] =	ssyncset.done $0x0  }
0x2b: {  	s0 =	simm.s32 @p0 $0x0;
	s2 =	rddreg [dreg:$0x1e];
	[sflag:s30] =	ssyncadd.s32 $0xFFFFC000  }
0x2c: {  	[tilespmem:s1], [sflag:$0x3] =	stream.linear.gather @p0 [hbm4b:s2+s0], $0x10, $0x38;
	[tilespmem:$0x9210] =	vst v63  }
0x2d: {  	v3 =	vadd.s32 $0x1, v2;
	s0 =	simm.s32 @p0 $0x3  }
0x2e: {  	_ =	swait.ge @p0 [sflag:s0], $0x10  }
0x2f: {  	[sflag:s0] =	ssyncset.done @p0 $0x0  }
0x30: {  	v4 =	vimm.s32 @!p0 $0xFFFFFFFF;
	[sflag:s0] =	ssyncadd.s32 @p0 $0xFFFFFFF0  }
0x31: {  	[tilespmem:$0x4000] =	vst @!p0 v4  }
0x32: {  	s31 =	simm.s32 $0x0;
	v3 =	vld.idx.msk [tilespmem:v3+s4+$0x0], $0xffff  }
0x33: {  	v4 =	vld [tilespmem:s31+$0x0];
	_ =	sdelay $0x4  }
0x34: {  	vm15 =	vne.s32 v4, v3  }
0x35: {  	v3 =	vmpcnt.ones.xlane vm15;
	v4 =	vsel vm15, $0x1, v1  }
0x36: {  	(xrf0) =	vadd.scan.msk.s32 $0xffff, v4  }
0x37: {  	v3 =	vxor.u32 $0x80000000, v3  }
0x38: {  	(xrf0) =	vmax.scan.msk.u32 $0xffff, v3;
	_ =	sdelay $0x2  }
0x39: {  	v3 =	vsel vm15, $0xFFFFFFFF, v1  }
0x3a: {  	v4 =	vadd.s32 s4, v3;
	v5, _, _ =	vpop (xrf0)  }
0x3b: {  	v3 =	vadd.s32 $0x10, v2;
	v6 =	vadd.s32 v5, v4  }
0x3c: {  	s1 =	simm.s32 $0x40;
	s2 =	simm.s32 $0x80;
	s0 =	simm.s32 $0x0;
	v5 =	vadd.s32 $0x1, v3;
	v4 =	vlaneseq.u32;
	v7, _, _ =	vpop (xrf0)  }
.LBB2_2:
0x3d: {  	p1 =	sne.s32 s2, $0xFFC0;
	(v2sf) =	vpush v7, $0xF;
	_ =	sdelay $0x2  }
0x3e: {  	[tilespmem:v6+s5+$0x0] =	vst.idx.msk vm15, v4;
	v4 =	vmov v3  }
0x3f: {  	s3 =	sshra.s32 s1, $0x2;
	s1 =	smov.u32 s2;
	v5 =	vld.idx.msk [tilespmem:v5+s4+$0x0], $0xffff  }
0x40: {  	v6 =	vld [tilespmem:s3+$0x0];
	_ =	sdelay $0x4  }
0x41: {  	vm15 =	vne.s32 v6, v5  }
0x42: {  	v5 =	vsel vm15, $0xFFFFFFFF, v1;
	v6 =	vsel vm15, $0x1, v1;
	v7 =	vmpcnt.ones.xlane vm15  }
0x43: {  	(xrf0) =	vadd.scan.msk.s32 $0xffff, v6  }
0x44: {  	v6 =	vxor.u32 $0x80000000, v7  }
0x45: {  	(xrf0) =	vmax.scan.msk.u32 $0xffff, v6  }
0x46: {  	s3 =	spop (v2sf)  }
.Ltmp2:
0x47: {  	s0 =	sadd.s32 s3, s0;
	(pc) =	sbr.rel @p1 .LBB2_2-.Ltmp2, $4  }
0x48: {  	s0 =	sadd.s32 $0x80000000, s0  }
0x49: {  	v5 =	vadd.s32 s0, v5;
	v6, _, _ =	vpop (xrf0)  }
0x4a: {  	v3 =	vadd.s32 $0x10, v3;
	v6 =	vadd.s32 v6, v5  }
0x4b: {  	s2 =	sadd.s32 $0x40, s2;
	v5 =	vadd.s32 $0x1, v3;
	v7, _, _ =	vpop (xrf0)  }
0x4c: {  	_ =	sdelay $0x4  }
0x4d: {  	[tilespmem:v6+s5+$0x0] =	vst.idx.msk vm15, v4  }
0x4e: {  	s1 =	sshra.s32 s1, $0x2;
	v4 =	vld.idx.msk [tilespmem:v5+s4+$0x0], $0xffff  }
0x4f: {  	v60 =	vld [tilespmem:s1+$0x0];
	_ =	sdelay $0x4  }
0x50: {  	vm15 =	vne.s32 v60, v4  }
0x51: {  	v4 =	vmpcnt.ones.xlane vm15  }
0x52: {  	v5 =	vsel vm15, $0x1, v1  }
0x53: {  	(xrf0) =	vadd.scan.msk.s32 $0xffff, v5;
	v4 =	vxor.u32 $0x80000000, v4  }
0x54: {  	(xrf0) =	vmax.scan.msk.u32 $0xffff, v4;
	_ =	sdelay $0x4  }
0x55: {  	(v2sf) =	vpush v7, $0xF;
	v61, _, _ =	vpop (xrf0)  }
0x56: {  	v62, _, _ =	vpop (xrf0)  }
0x57: {  	(v2sf) =	vpush v62, $0xF;
	_ =	sdelay $0xc  }
0x58: {  	s30 =	spop (v2sf)  }
0x59: {  	s0 =	sadd.s32 s30, s0  }
0x5a: {  	v63 =	vsel vm15, $0xFFFFFFFF, v1;
	s0 =	sadd.s32 $0x80000000, s0;
	s31 =	spop (v2sf)  }
0x5b: {  	v5 =	vadd.s32 s0, v63;
	s0 =	sadd.s32 s31, s0  }
0x5c: {  	s0 =	sadd.s32 $0x80000000, s0  }
0x5d: {  	v4 =	vadd.s32 v61, v5;
	p1 =	slt.s32 s0, $0x1  }
.Ltmp3:
0x5e: {  	_ = 	snop;
	(pc) =	sbr.rel @p1 .LBB2_6-.Ltmp3, $2  }
0x5f: {  	_ =	sdelay $0x2  }
0x60: {  	[tilespmem:v4+s5+$0x0] =	vst.idx.msk vm15, v3  }
0x61: {  	v3 =	vmov s0;
	s0 =	simm.s32 $0x1F0  }
.LBB2_5:
0x62: {  	[smem:$0x7FC] =	sst s0  }
0x63: {  	s0 =	sld [smem:$0x7FC];
	_ =	sdelay $0x2  }
0x64: {  	s0 =	sadd.s32 $0xFFFFFE10, s0  }
0x65: {  	v6 =	vor.u32 s0, v2  }
0x66: {  	(v2sf) =	vpush v6, $0x0  }
0x67: {  	(v2sf) =	vpush v3, $0x0  }
0x68: {  	(v2sf) =	vpush v6, $0xF  }
0x69: {  	(v2sf) =	vpush v3, $0xF  }
0x6a: {  	(v2sf) =	vpush v6, $0x1  }
0x6b: {  	(v2sf) =	vpush v3, $0x1  }
0x6c: {  	(v2sf) =	vpush v6, $0x2  }
0x6d: {  	(v2sf) =	vpush v3, $0x2  }
0x6e: {  	(v2sf) =	vpush v6, $0x3  }
0x6f: {  	(v2sf) =	vpush v3, $0x3  }
0x70: {  	(v2sf) =	vpush v6, $0x4  }
0x71: {  	(v2sf) =	vpush v3, $0x4  }
0x72: {  	(v2sf) =	vpush v6, $0x5  }
0x73: {  	(v2sf) =	vpush v3, $0x5  }
0x74: {  	(v2sf) =	vpush v6, $0x6  }
0x75: {  	s31 =	spop (v2sf);
	(v2sf) =	vpush v3, $0x6  }
0x76: {  	s21 =	spop (v2sf);
	(v2sf) =	vpush v6, $0x7  }
0x77: {  	s1 =	spop (v2sf);
	(v2sf) =	vpush v3, $0x7  }
0x78: {  	s20 =	spop (v2sf);
	(v2sf) =	vpush v6, $0x8  }
0x79: {  	s2 =	spop (v2sf);
	(v2sf) =	vpush v3, $0x8  }
0x7a: {  	s19 =	spop (v2sf)  }
0x7b: {  	s3 =	spop (v2sf)  }
0x7c: {  	s22 =	spop (v2sf)  }
0x7d: {  	s4 =	spop (v2sf)  }
0x7e: {  	s18 =	spop (v2sf)  }
0x7f: {  	s5 =	spop (v2sf)  }
0x80: {  	(drf) =	srem.u32 s31, s21;
	s29 =	spop (v2sf)  }
0x81: {  	(drf) =	srem.u32 s1, s20;
	s1 =	spop (v2sf)  }
0x82: {  	(drf) =	srem.u32 s2, s19;
	s6 =	spop (v2sf)  }
0x83: {  	(drf) =	srem.u32 s3, s22;
	s3 =	spop (v2sf)  }
0x84: {  	(drf) =	srem.u32 s4, s18;
	s31 =	spop (v2sf);
	(v2sf) =	vpush v6, $0x9  }
0x85: {  	(drf) =	srem.u32 s5, s29;
	s7 =	spop (v2sf);
	(v2sf) =	vpush v3, $0x9  }
0x86: {  	(drf) =	srem.u32 s1, s6;
	s30 =	spop (v2sf);
	(v2sf) =	vpush v6, $0xA  }
0x87: {  	(drf) =	srem.u32 s3, s31;
	s8 =	spop (v2sf);
	(v2sf) =	vpush v3, $0xA  }
0x88: {  	(drf) =	srem.u32 s7, s30;
	s10 =	spop (v2sf);
	(v2sf) =	vpush v6, $0xB  }
0x89: {  	s7 =	spop (drf);
	(drf) =	srem.u32 s8, s10;
	(v2sf) =	vpush v3, $0xB  }
0x8a: {  	s13 =	spop (drf);
	(v2sf) =	vpush v6, $0xC  }
0x8b: {  	s9 =	spop (drf);
	(v2sf) =	vpush v3, $0xC  }
0x8c: {  	s15 =	sld [smem:$0x7FC];
	s11 =	spop (drf);
	(v2sf) =	vpush v6, $0xD  }
0x8d: {  	s12 =	spop (drf);
	(v2sf) =	vpush v3, $0xD  }
0x8e: {  	s14 =	spop (drf);
	(v2sf) =	vpush v6, $0xE  }
0x8f: {  	s0 =	sadd.s32 $0xFFFFFE20, s15;
	s16 =	spop (drf);
	(v2sf) =	vpush v3, $0xE  }
0x90: {  	v7 =	vor.u32 s0, v2;
	s17 =	spop (drf)  }
0x91: {  	(v2sf) =	vpush v7, $0x0;
	s23 =	spop (drf)  }
0x92: {  	(v2sf) =	vpush v7, $0xF;
	s24 =	spop (drf)  }
0x93: {  	[smem:$0x70F] =	sst s9;
	s8 =	spop (v2sf)  }
0x94: {  	[smem:$0x710] =	sst s11;
	(v2sf) =	vpush v7, $0x1;
	s2 =	spop (v2sf)  }
0x95: {  	[smem:$0x713] =	sst s16;
	(v2sf) =	vpush v7, $0x2;
	s9 =	spop (v2sf)  }
0x96: {  	(drf) =	srem.u32 s8, s2;
	s16 =	spop (v2sf)  }
0x97: {  	[smem:$0x711] =	sst s12;
	s11 =	spop (v2sf)  }
0x98: {  	[smem:$0x714] =	sst s17;
	s17 =	spop (v2sf)  }
0x99: {  	(drf) =	srem.u32 s9, s16;
	s12 =	spop (v2sf)  }
0x9a: {  	(v2sf) =	vpush v7, $0x3;
	s4 =	spop (v2sf)  }
0x9b: {  	[smem:$0x715] =	sst s23;
	s25 =	spop (v2sf)  }
0x9c: {  	(drf) =	srem.u32 s11, s17;
	(v2sf) =	vpush v7, $0x4;
	s11 =	spop (v2sf)  }
0x9d: {  	(drf) =	srem.u32 s12, s4;
	s26 =	spop (v2sf)  }
0x9e: {  	(v2sf) =	vpush v7, $0x5;
	(drf) =	srem.u32 s25, s11;
	s5 =	spop (v2sf)  }
0x9f: {  	s23 =	spop (drf);
	(drf) =	srem.u32 s26, s5  }
0xa0: {  	s28 =	spop (v2sf)  }
0xa1: {  	(drf) =	srem.u32 s28, s21;
	s0 =	spop (v2sf)  }
0xa2: {  	[smem:$0x716] =	sst s24;
	(v2sf) =	vpush v7, $0x6;
	s24 =	spop (drf)  }
0xa3: {  	(v2sf) =	vpush v7, $0x7;
	(drf) =	srem.u32 s0, s20;
	s1 =	spop (v2sf)  }
0xa4: {  	(v2sf) =	vpush v7, $0x8;
	s3 =	spop (v2sf)  }
0xa5: {  	(v2sf) =	vpush v7, $0x9;
	(drf) =	srem.u32 s1, s19;
	s25 =	spop (drf)  }
0xa6: {  	(v2sf) =	vpush v7, $0xA;
	(drf) =	srem.u32 s3, s22;
	s26 =	spop (drf)  }
0xa7: {  	(v2sf) =	vpush v7, $0xB;
	s28 =	spop (drf)  }
0xa8: {  	s8 =	spop (drf)  }
0xa9: {  	[smem:$0x7AF] =	sst s22;
	(v2sf) =	vpush v7, $0xC;
	s0 =	spop (v2sf)  }
0xaa: {  	[smem:$0x712] =	sst s14;
	s9 =	spop (drf)  }
0xab: {  	[smem:$0x717] =	sst s8;
	s1 =	spop (v2sf)  }
0xac: {  	(v2sf) =	vpush v7, $0xD;
	(drf) =	srem.u32 s0, s18;
	s12 =	spop (drf)  }
0xad: {  	[smem:$0x719] =	sst s9;
	s3 =	spop (v2sf)  }
0xae: {  	(drf) =	srem.u32 s1, s29;
	s14 =	spop (drf)  }
0xaf: {  	[smem:$0x718] =	sst s12;
	s15 =	spop (drf)  }
0xb0: {  	(drf) =	srem.u32 s3, s6;
	[smem:$0x71B] =	sst s15  }
0xb1: {  	s0 =	smov.u32 s6;
	s6 =	spop (v2sf);
	s15 =	sld [smem:$0x7FC]  }
0xb2: {  	[smem:$0x71A] =	sst s14;
	s8 =	spop (v2sf)  }
0xb3: {  	(v2sf) =	vpush v7, $0xE;
	(drf) =	srem.u32 s6, s31;
	s12 =	spop (v2sf)  }
0xb4: {  	(drf) =	srem.u32 s8, s30;
	s14 =	spop (v2sf);
	s15 =	sadd.s32 $0xFFFFFE30, s15  }
0xb5: {  	(drf) =	srem.u32 s12, s10;
	v5 =	vor.u32 s15, v2;
	s15 =	spop (v2sf)  }
0xb6: {  	s1 =	smov.u32 s31;
	(drf) =	srem.u32 s14, s2;
	(v2sf) =	vpush v5, $0x0;
	s31 =	spop (v2sf)  }
0xb7: {  	(drf) =	srem.u32 s15, s16;
	s9 =	spop (drf);
	(v2sf) =	vpush v5, $0xF  }
0xb8: {  	s8 =	smov.u32 s2;
	(drf) =	srem.u32 s31, s17;
	s2 =	spop (v2sf);
	(v2sf) =	vpush v5, $0x1  }
0xb9: {  	[smem:$0x7BB] =	sst s18;
	s12 =	spop (drf);
	(v2sf) =	vpush v5, $0x2  }
0xba: {  	(drf) =	srem.u32 s2, s4;
	s14 =	spop (drf)  }
0xbb: {  	[smem:$0x7BE] =	sst s29;
	s2 =	spop (v2sf);
	(v2sf) =	vpush v5, $0x3  }
0xbc: {  	[smem:$0x7B8] =	sst s5;
	s15 =	spop (drf);
	(v2sf) =	vpush v5, $0x4  }
0xbd: {  	[smem:$0x7B0] =	sst s1;
	s3 =	spop (drf)  }
0xbe: {  	(drf) =	srem.u32 s2, s11;
	s6 =	spop (drf);
	(v2sf) =	vpush v5, $0x5  }
0xbf: {  	[smem:$0x71C] =	sst s3;
	s31 =	spop (drf);
	(v2sf) =	vpush v5, $0x6  }
0xc0: {  	[smem:$0x71D] =	sst s6;
	s3 =	spop (drf)  }
0xc1: {  	[smem:$0x71E] =	sst s31;
	s6 =	spop (drf)  }
0xc2: {  	[smem:$0x71F] =	sst s3;
	s3 =	spop (v2sf)  }
0xc3: {  	[smem:$0x720] =	sst s6;
	s31 =	spop (drf)  }
0xc4: {  	(drf) =	srem.u32 s3, s5;
	[smem:$0x721] =	sst s31  }
0xc5: {  	s31 =	sld [smem:$0x70F];
	s6 =	spop (v2sf)  }
0xc6: {  	(v2sf) =	vpush v5, $0x7;
	(drf) =	srem.u32 s6, s21;
	s3 =	spop (v2sf)  }
0xc7: {  	v4 =	vmov s13;
	s2 =	smov.u32 s5;
	(drf) =	srem.u32 s3, s20;
	s5 =	spop (v2sf)  }
0xc8: {  	v4 =	vsel vm0, s7, v4;
	(drf) =	srem.u32 s5, s19;
	s6 =	spop (v2sf)  }
0xc9: {  	v4 =	vsel vm1, s31, v4;
	s31 =	sld [smem:$0x713];
	(drf) =	srem.u32 s6, s22  }
0xca: {  	s22 =	spop (v2sf);
	s6 =	sld [smem:$0x710]  }
0xcb: {  	(v2sf) =	vpush v5, $0x8;
	(drf) =	srem.u32 s22, s18;
	s5 =	spop (v2sf)  }
0xcc: {  	(v2sf) =	vpush v5, $0x9;
	s18 =	sld [smem:$0x711];
	(drf) =	srem.u32 s5, s29  }
0xcd: {  	(v2sf) =	vpush v5, $0xA;
	s13 =	spop (v2sf);
	s29 =	sld [smem:$0x712]  }
0xce: {  	v4 =	vsel vm2, s6, v4;
	(drf) =	srem.u32 s13, s0;
	s22 =	spop (v2sf)  }
0xcf: {  	(v2sf) =	vpush v5, $0xB;
	s5 =	smov.u32 s1;
	v4 =	vsel vm3, s18, v4;
	(drf) =	srem.u32 s22, s1;
	s1 =	sld [smem:$0x7FC]  }
0xd0: {  	s6 =	sld [smem:$0x714];
	s22 =	spop (drf);
	v4 =	vsel vm4, s29, v4  }
0xd1: {  	s7 =	sld [smem:$0x715];
	v4 =	vsel vm5, s31, v4;
	s31 =	spop (drf)  }
0xd2: {  	s18 =	sld [smem:$0x716];
	s3 =	sadd.s32 $0xFFFFFE40, s1;
	s29 =	spop (drf)  }
0xd3: {  	(v2sf) =	vpush v5, $0xC;
	v8 =	vsel vm6, s6, v4;
	v4 =	vor.u32 s3, v2;
	s3 =	spop (drf)  }
0xd4: {  	(v2sf) =	vpush v5, $0xD;
	v8 =	vsel vm7, s7, v8;
	s6 =	spop (drf)  }
0xd5: {  	(v2sf) =	vpush v5, $0xE;
	v8 =	vsel vm8, s18, v8;
	s18 =	spop (v2sf)  }
0xd6: {  	[smem:$0x77F] =	sst s21;
	v8 =	vsel vm9, s23, v8;
	s23 =	spop (drf)  }
0xd7: {  	[smem:$0x7B3] =	sst s4;
	(v2sf) =	vpush v4, $0x0;
	v8 =	vsel vm10, s24, v8;
	s24 =	spop (drf)  }
0xd8: {  	[smem:$0x7C0] =	sst s0;
	(v2sf) =	vpush v4, $0xF;
	v8 =	vsel vm11, s25, v8;
	s25 =	spop (drf)  }
0xd9: {  	(drf) =	srem.u32 s18, s30;
	s1 =	spop (drf)  }
0xda: {  	v8 =	vsel vm12, s26, v8;
	s26 =	spop (v2sf);
	[smem:$0x722] =	sst s1  }
0xdb: {  	s13 =	smov.u32 s0;
	(drf) =	srem.u32 s26, s10;
	s0 =	spop (v2sf)  }
0xdc: {  	s1 =	smov.u32 s8;
	(drf) =	srem.u32 s0, s8;
	s8 =	spop (v2sf)  }
0xdd: {  	s7 =	sld [smem:$0x717];
	(v2sf) =	vpush v4, $0x1;
	(drf) =	srem.u32 s8, s16  }
0xde: {  	s0 =	smov.u32 s16;
	s18 =	spop (v2sf);
	s16 =	sld [smem:$0x718]  }
0xdf: {  	v8 =	vsel vm13, s28, v8;
	(drf) =	srem.u32 s18, s17;
	s18 =	sld [smem:$0x719]  }
0xe0: {  	vm15 =	vlt.s32 v6, v3;
	[smem:$0x7B7] =	sst s11;
	v8 =	vsel vm14, s7, v8  }
0xe1: {  	(v2sf) =	vpush v4, $0x2;
	v6 =	vsel vm15, v6, v8;
	v34 =	vmov s16;
	s16 =	sld [smem:$0x71A]  }
0xe2: {  	s26 =	smov.u32 s17;
	s17 =	spop (v2sf);
	v8 =	vsel vm0, s18, v34;
	s18 =	sld [smem:$0x71B]  }
0xe3: {  	(drf) =	srem.u32 s17, s4;
	s8 =	spop (v2sf)  }
0xe4: {  	(v2sf) =	vpush v4, $0x3;
	(drf) =	srem.u32 s8, s11;
	s17 =	spop (v2sf);
	v8 =	vsel vm1, s16, v8  }
0xe5: {  	s28 =	spop (drf);
	s4 =	simm.s32 $0x4010;
	(drf) =	srem.u32 s17, s2;
	v8 =	vsel vm2, s18, v8  }
0xe6: {  	s17 =	sld [smem:$0x71D];
	v6 =	vld.idx.msk [tilespmem:v6+s4+$0x0], $0xffff;
	s8 =	spop (v2sf);
	v8 =	vsel vm3, s9, v8  }
0xe7: {  	(v2sf) =	vpush v4, $0x4;
	s16 =	sld [smem:$0x71C];
	s11 =	spop (v2sf);
	v8 =	vsel vm4, s12, v8  }
0xe8: {  	(v2sf) =	vpush v4, $0x5;
	(drf) =	srem.u32 s8, s21;
	s12 =	spop (drf);
	v8 =	vsel vm5, s14, v8  }
0xe9: {  	(v2sf) =	vpush v4, $0x6;
	s21 =	smov.u32 s20;
	(drf) =	srem.u32 s11, s20;
	s20 =	sld [smem:$0x71E];
	v8 =	vsel vm6, s15, v8  }
0xea: {  	s7 =	sld [smem:$0x71F];
	s14 =	spop (drf);
	v8 =	vsel vm7, s16, v8  }
0xeb: {  	(v2sf) =	vpush v4, $0x7;
	s8 =	sld [smem:$0x720];
	s11 =	spop (drf);
	v8 =	vsel vm8, s17, v8  }
0xec: {  	(v2sf) =	vpush v4, $0x8;
	s9 =	sld [smem:$0x721];
	s15 =	spop (v2sf);
	v8 =	vsel vm9, s20, v8  }
0xed: {  	s18 =	simm.s32 $0x0;
	s2 =	spop (drf);
	(drf) =	srem.u32 s15, s19;
	v8 =	vsel vm10, s7, v8  }
0xee: {  	s15 =	sld [smem:$0x7AF];
	v9 =	vld.idx.msk [tilespmem:v6+s18+$0x0], $0xffff;
	s18 =	spop (drf);
	v8 =	vsel vm11, s8, v8  }
0xef: {  	(v2sf) =	vpush v4, $0x9;
	s17 =	spop (drf);
	v8 =	vsel vm12, s9, v8  }
0xf0: {  	(v2sf) =	vpush v4, $0xA;
	v8 =	vsel vm13, s22, v8;
	s22 =	spop (v2sf)  }
0xf1: {  	(drf) =	srem.u32 s22, s15;
	s22 =	sld [smem:$0x7BB]  }
0xf2: {  	s16 =	spop (drf)  }
0xf3: {  	v8 =	vsel vm14, s31, v8;
	s31 =	spop (v2sf)  }
0xf4: {  	v6 =	vadd.s32 v0, v6;
	(drf) =	srem.u32 s31, s22;
	s31 =	sld [smem:$0x7BE]  }
0xf5: {  	(v2sf) =	vpush v4, $0xB;
	v6 =	vmul.u32 $0x6, v6;
	s20 =	spop (drf)  }
0xf6: {  	s4 =	spop (v2sf)  }
0xf7: {  	v37 =	vmov s3;
	vm15 =	vlt.s32 v7, v3;
	[tilespmem:$0x8010] =	vst v6;
	v10 =	vor.u32 $0x1, v6;
	(drf) =	srem.u32 s4, s31;
	s4 =	spop (v2sf)  }
0xf8: {  	v6 =	vadd.s32 $0x2, v6;
	[tilespmem:$0x8090] =	vst v10;
	v9 =	vmul.u32 $0x3, v9;
	v7 =	vsel vm15, v7, v8;
	(drf) =	srem.u32 s4, s13;
	s4 =	spop (v2sf)  }
0xf9: {  	v38 =	vsel vm0, s29, v37;
	[tilespmem:$0x8110] =	vst v6;
	s7 =	spop (drf);
	(drf) =	srem.u32 s4, s5  }
0xfa: {  	v6 =	vsel vm1, s6, v38;
	[tilespmem:$0x8610] =	vst v9;
	v35 =	vadd.s32 $0x1, v9;
	s29 =	spop (v2sf);
	s4 =	sld [smem:$0x7FC]  }
0xfb: {  	v39 =	vsel vm2, s23, v6;
	s23 =	smov.u32 s10;
	v36 =	vadd.s32 $0x2, v9;
	[tilespmem:$0x8690] =	vst v35;
	(drf) =	srem.u32 s29, s30;
	s3 =	spop (v2sf)  }
0xfc: {  	s8 =	spop (drf);
	[tilespmem:$0x8710] =	vst v36;
	s13 =	simm.s32 $0x4010;
	(drf) =	srem.u32 s3, s10  }
0xfd: {  	(v2sf) =	vpush v4, $0xC;
	v7 =	vld.idx.msk [tilespmem:v7+s13+$0x0], $0xffff;
	s10 =	sld [smem:$0x722];
	s6 =	sadd.s32 $0xFFFFFE50, s4;
	s4 =	spop (drf)  }
0xfe: {  	v8 =	vsel vm3, s24, v39;
	v40 =	vor.u32 s6, v2;
	s6 =	spop (v2sf)  }
0xff: {  	(v2sf) =	vpush v4, $0xD;
	v8 =	vsel vm4, s25, v8;
	(drf) =	srem.u32 s6, s1;
	s9 =	spop (v2sf)  }
0x100: {  	(v2sf) =	vpush v4, $0xE;
	s5 =	spop (drf);
	v8 =	vsel vm5, s10, v8;
	(drf) =	srem.u32 s9, s0  }
0x101: {  	(v2sf) =	vpush v40, $0x0;
	s6 =	spop (drf);
	v8 =	vsel vm6, s28, v8  }
0x102: {  	(v2sf) =	vpush v40, $0xF;
	v8 =	vsel vm7, s12, v8;
	s9 =	spop (drf)  }
0x103: {  	(v2sf) =	vpush v40, $0x1;
	v8 =	vsel vm8, s14, v8;
	s10 =	spop (drf)  }
0x104: {  	s13 =	simm.s32 $0x0;
	(v2sf) =	vpush v40, $0x2;
	s14 =	spop (v2sf);
	v8 =	vsel vm9, s11, v8  }
0x105: {  	v41 =	vld.idx.msk [tilespmem:v7+s13+$0x0], $0xffff;
	(v2sf) =	vpush v40, $0x3;
	s11 =	spop (drf);
	v8 =	vsel vm10, s2, v8  }
0x106: {  	v7 =	vadd.s32 v0, v7;
	s2 =	spop (drf);
	v8 =	vsel vm11, s18, v8  }
0x107: {  	s25 =	smov.u32 s0;
	v7 =	vmul.u32 $0x6, v7;
	(v2sf) =	vpush v40, $0x4;
	s0 =	spop (drf);
	v8 =	vsel vm12, s17, v8  }
0x108: {  	s29 =	smov.u32 s1;
	(v2sf) =	vpush v40, $0x5;
	v8 =	vsel vm13, s16, v8;
	s1 =	spop (drf)  }
0x109: {  	vm15 =	vlt.s32 v5, v3;
	[tilespmem:$0x8020] =	vst v7;
	v42 =	vor.u32 $0x1, v7;
	v8 =	vsel vm14, s20, v8;
	s3 =	spop (drf)  }
0x10a: {  	v7 =	vadd.s32 $0x2, v7;
	[tilespmem:$0x80A0] =	vst v42;
	v9 =	vmul.u32 $0x3, v41;
	(drf) =	srem.u32 s14, s26;
	v5 =	vsel vm15, v5, v8;
	s14 =	sld [smem:$0x7B3]  }
0x10b: {  	[tilespmem:$0x8120] =	vst v7  }
0x10c: {  	v45 =	vmov s8;
	s16 =	spop (v2sf);
	(v2sf) =	vpush v40, $0x6;
	[tilespmem:$0x8620] =	vst v9;
	v43 =	vadd.s32 $0x1, v9  }
0x10d: {  	v46 =	vsel vm0, s7, v45;
	v44 =	vadd.s32 $0x2, v9;
	[tilespmem:$0x86A0] =	vst v43;
	(drf) =	srem.u32 s16, s14;
	s16 =	sld [smem:$0x7B7]  }
0x10e: {  	s28 =	sld [smem:$0x7B8];
	s13 =	simm.s32 $0x4010;
	v7 =	vsel vm1, s4, v46;
	s17 =	spop (v2sf);
	[tilespmem:$0x8720] =	vst v44  }
0x10f: {  	s24 =	sld [smem:$0x77F];
	v7 =	vsel vm2, s5, v7;
	s18 =	spop (v2sf);
	v5 =	vld.idx.msk [tilespmem:v5+s13+$0x0], $0xffff  }
0x110: {  	v7 =	vsel vm3, s6, v7;
	s20 =	spop (v2sf);
	(drf) =	srem.u32 s17, s16  }
0x111: {  	v7 =	vsel vm4, s9, v7;
	s12 =	spop (v2sf);
	(drf) =	srem.u32 s18, s28  }
0x112: {  	v7 =	vsel vm5, s10, v7;
	s17 =	spop (v2sf)  }
0x113: {  	(v2sf) =	vpush v40, $0x7;
	v7 =	vsel vm6, s11, v7;
	(drf) =	srem.u32 s20, s24;
	s18 =	spop (v2sf)  }
0x114: {  	(v2sf) =	vpush v40, $0x8;
	v7 =	vsel vm7, s2, v7;
	(drf) =	srem.u32 s12, s21;
	s20 =	spop (v2sf)  }
0x115: {  	v7 =	vsel vm8, s0, v7;
	(v2sf) =	vpush v40, $0x9;
	s6 =	spop (drf);
	(drf) =	srem.u32 s17, s19  }
0x116: {  	s11 =	simm.s32 $0x0;
	v7 =	vsel vm9, s1, v7;
	(v2sf) =	vpush v40, $0xA;
	s5 =	spop (v2sf);
	(drf) =	srem.u32 s18, s15  }
0x117: {  	v7 =	vsel vm10, s3, v7;
	(v2sf) =	vpush v40, $0xB;
	s13 =	spop (v2sf);
	(drf) =	srem.u32 s20, s22;
	v47 =	vld.idx.msk [tilespmem:v5+s11+$0x0], $0xffff  }
0x118: {  	(v2sf) =	vpush v40, $0xC;
	v7 =	vsel vm11, s6, v7;
	s8 =	spop (drf);
	(drf) =	srem.u32 s5, s31;
	v5 =	vadd.s32 v0, v5  }
0x119: {  	(v2sf) =	vpush v40, $0xD;
	v7 =	vsel vm12, s8, v7;
	v5 =	vmul.u32 $0x6, v5;
	s9 =	spop (drf)  }
0x11a: {  	(v2sf) =	vpush v40, $0xE;
	s10 =	spop (drf);
	v7 =	vsel vm13, s9, v7  }
0x11b: {  	vm15 =	vlt.s32 v4, v3;
	s17 =	spop (v2sf);
	[tilespmem:$0x8030] =	vst v5;
	v48 =	vor.u32 $0x1, v5;
	v7 =	vsel vm14, s10, v7  }
0x11c: {  	v5 =	vadd.s32 $0x2, v5;
	s0 =	spop (drf);
	[tilespmem:$0x80B0] =	vst v48;
	v8 =	vmul.u32 $0x3, v47;
	v4 =	vsel vm15, v4, v7  }
0x11d: {  	[tilespmem:$0x8130] =	vst v5;
	s12 =	spop (drf)  }
0x11e: {  	s18 =	sld [smem:$0x7C0];
	s3 =	spop (drf);
	[tilespmem:$0x8630] =	vst v8;
	v49 =	vadd.s32 $0x1, v8  }
0x11f: {  	s11 =	sld [smem:$0x7B0];
	s5 =	spop (drf);
	v5 =	vadd.s32 $0x2, v8;
	[tilespmem:$0x86B0] =	vst v49  }
0x120: {  	s2 =	sld [smem:$0x7FC];
	s10 =	simm.s32 $0x4010;
	s4 =	spop (drf);
	[tilespmem:$0x8730] =	vst v5;
	v5 =	vmov s12  }
0x121: {  	s6 =	spop (drf);
	(drf) =	srem.u32 s13, s18;
	v7 =	vld.idx.msk [tilespmem:v4+s10+$0x0], $0xffff;
	v4 =	vsel vm0, s0, v5  }
0x122: {  	s20 =	spop (v2sf);
	(drf) =	srem.u32 s17, s11;
	v4 =	vsel vm1, s3, v4  }
0x123: {  	s7 =	spop (v2sf);
	(drf) =	srem.u32 s20, s30;
	v4 =	vsel vm2, s5, v4  }
0x124: {  	s1 =	sadd.s32 $0xFFFFFE60, s2;
	s8 =	spop (v2sf);
	(drf) =	srem.u32 s7, s23;
	v4 =	vsel vm3, s4, v4  }
0x125: {  	s9 =	spop (v2sf);
	(drf) =	srem.u32 s8, s29;
	v5 =	vsel vm4, s6, v4;
	v4 =	vor.u32 s1, v2  }
0x126: {  	s12 =	spop (v2sf);
	(drf) =	srem.u32 s9, s25;
	(v2sf) =	vpush v4, $0x0  }
0x127: {  	s13 =	spop (v2sf);
	(drf) =	srem.u32 s12, s26;
	(v2sf) =	vpush v4, $0xF  }
0x128: {  	s17 =	spop (v2sf);
	(drf) =	srem.u32 s13, s14;
	(v2sf) =	vpush v4, $0x1  }
0x129: {  	s20 =	spop (v2sf);
	(drf) =	srem.u32 s17, s16;
	(v2sf) =	vpush v4, $0x2  }
0x12a: {  	s3 =	spop (drf);
	(drf) =	srem.u32 s20, s28;
	(v2sf) =	vpush v4, $0x3  }
0x12b: {  	v5 =	vsel vm5, s3, v5;
	s4 =	spop (drf)  }
0x12c: {  	v5 =	vsel vm6, s4, v5;
	s5 =	spop (drf);
	(v2sf) =	vpush v4, $0x4  }
0x12d: {  	v5 =	vsel vm7, s5, v5;
	s6 =	spop (drf);
	(v2sf) =	vpush v4, $0x5  }
0x12e: {  	v5 =	vsel vm8, s6, v5;
	s8 =	spop (drf);
	(v2sf) =	vpush v4, $0x6  }
0x12f: {  	s7 =	simm.s32 $0x0;
	v5 =	vsel vm9, s8, v5;
	s9 =	spop (drf);
	(v2sf) =	vpush v4, $0x7  }
0x130: {  	v50 =	vld.idx.msk [tilespmem:v7+s7+$0x0], $0xffff;
	v5 =	vsel vm10, s9, v5;
	s12 =	spop (drf)  }
0x131: {  	v7 =	vadd.s32 v0, v7;
	v5 =	vsel vm11, s12, v5;
	s13 =	spop (drf)  }
0x132: {  	v7 =	vmul.u32 $0x6, v7;
	v5 =	vsel vm12, s13, v5;
	s17 =	spop (drf)  }
0x133: {  	vm15 =	vlt.s32 v40, v3;
	v5 =	vsel vm13, s17, v5;
	s20 =	spop (drf)  }
0x134: {  	[tilespmem:$0x8040] =	vst v7;
	v51 =	vor.u32 $0x1, v7;
	(v2sf) =	vpush v4, $0x8;
	v5 =	vsel vm14, s20, v5  }
0x135: {  	v53 =	vadd.s32 $0x2, v7;
	[tilespmem:$0x80C0] =	vst v51;
	v8 =	vmul.u32 $0x3, v50;
	v5 =	vsel vm15, v40, v5;
	s2 =	spop (v2sf)  }
0x136: {  	[tilespmem:$0x8140] =	vst v53;
	(drf) =	srem.u32 s2, s24;
	s3 =	spop (v2sf)  }
0x137: {  	[tilespmem:$0x8640] =	vst v8;
	v52 =	vadd.s32 $0x1, v8;
	(drf) =	srem.u32 s3, s21;
	s5 =	spop (v2sf)  }
0x138: {  	v54 =	vadd.s32 $0x2, v8;
	[tilespmem:$0x86C0] =	vst v52;
	(drf) =	srem.u32 s5, s19;
	s6 =	spop (v2sf)  }
0x139: {  	s1 =	simm.s32 $0x4010;
	[tilespmem:$0x8740] =	vst v54;
	(drf) =	srem.u32 s6, s15;
	s7 =	spop (v2sf)  }
0x13a: {  	v5 =	vld.idx.msk [tilespmem:v5+s1+$0x0], $0xffff;
	(drf) =	srem.u32 s7, s22  }
0x13b: {  	s0 =	spop (v2sf);
	(v2sf) =	vpush v4, $0x9  }
0x13c: {  	(drf) =	srem.u32 s0, s31;
	s8 =	spop (v2sf)  }
0x13d: {  	(v2sf) =	vpush v4, $0xA;
	(drf) =	srem.u32 s8, s18;
	s12 =	spop (v2sf)  }
0x13e: {  	(drf) =	srem.u32 s12, s11;
	s17 =	spop (v2sf)  }
0x13f: {  	s1 =	smov.u32 s30;
	(drf) =	srem.u32 s17, s30;
	s30 =	spop (drf)  }
0x140: {  	(v2sf) =	vpush v4, $0xB;
	[smem:$0x724] =	sst s30  }
0x141: {  	s30 =	sld [smem:$0x7FC]  }
0x142: {  	(v2sf) =	vpush v4, $0xC  }
0x143: {  	s20 =	spop (v2sf);
	(v2sf) =	vpush v4, $0xD  }
0x144: {  	s3 =	spop (drf);
	(v2sf) =	vpush v4, $0xE;
	s0 =	sadd.s32 $0xFFFFFE70, s30  }
0x145: {  	s5 =	spop (drf);
	v58 =	vor.u32 s0, v2  }
0x146: {  	s6 =	spop (drf);
	(v2sf) =	vpush v58, $0x0  }
0x147: {  	(drf) =	srem.u32 s20, s23;
	s7 =	spop (drf)  }
0x148: {  	s9 =	smov.u32 s15;
	s15 =	simm.s32 $0x0;
	s8 =	spop (drf);
	(v2sf) =	vpush v58, $0xF  }
0x149: {  	v55 =	vld.idx.msk [tilespmem:v5+s15+$0x0], $0xffff;
	[smem:$0x723] =	sst s3;
	s15 =	spop (drf);
	(v2sf) =	vpush v58, $0x1  }
0x14a: {  	[smem:$0x725] =	sst s5;
	s2 =	spop (v2sf)  }
0x14b: {  	s12 =	spop (drf);
	(v2sf) =	vpush v58, $0x2;
	(drf) =	srem.u32 s2, s29  }
0x14c: {  	[smem:$0x726] =	sst s6;
	(v2sf) =	vpush v58, $0x3;
	s3 =	spop (v2sf)  }
0x14d: {  	s17 =	spop (drf);
	(v2sf) =	vpush v58, $0x4;
	(drf) =	srem.u32 s3, s25  }
0x14e: {  	[smem:$0x727] =	sst s7  }
0x14f: {  	[smem:$0x728] =	sst s8;
	s8 =	spop (v2sf)  }
0x150: {  	s20 =	spop (drf);
	(drf) =	srem.u32 s8, s26  }
0x151: {  	[smem:$0x72A] =	sst s17;
	s17 =	spop (v2sf)  }
0x152: {  	s10 =	smov.u32 s14;
	[smem:$0x72B] =	sst s20;
	s20 =	spop (v2sf)  }
0x153: {  	s5 =	smov.u32 s25;
	(v2sf) =	vpush v58, $0x5;
	(drf) =	srem.u32 s17, s10;
	s25 =	spop (v2sf)  }
0x154: {  	(drf) =	srem.u32 s20, s16;
	s6 =	spop (drf)  }
0x155: {  	(drf) =	srem.u32 s25, s28;
	s30 =	spop (v2sf)  }
0x156: {  	(v2sf) =	vpush v58, $0x6;
	[smem:$0x72C] =	sst s6;
	s7 =	spop (drf)  }
0x157: {  	(drf) =	srem.u32 s30, s24;
	s3 =	spop (v2sf)  }
0x158: {  	(v2sf) =	vpush v58, $0x7;
	(drf) =	srem.u32 s3, s21;
	s6 =	spop (v2sf)  }
0x159: {  	s3 =	spop (drf)  }
0x15a: {  	(drf) =	srem.u32 s6, s19;
	s8 =	spop (v2sf)  }
0x15b: {  	(v2sf) =	vpush v58, $0x8;
	(drf) =	srem.u32 s8, s9;
	s17 =	spop (v2sf)  }
0x15c: {  	(v2sf) =	vpush v58, $0x9;
	(drf) =	srem.u32 s17, s22;
	s20 =	spop (v2sf)  }
0x15d: {  	s13 =	smov.u32 s31;
	(v2sf) =	vpush v58, $0xA;
	(drf) =	srem.u32 s20, s31;
	s31 =	spop (drf)  }
0x15e: {  	(v2sf) =	vpush v58, $0xB;
	s30 =	spop (drf)  }
0x15f: {  	(v2sf) =	vpush v58, $0xC;
	s25 =	spop (drf)  }
0x160: {  	s4 =	smov.u32 s21;
	(v2sf) =	vpush v58, $0xD;
	s21 =	spop (drf)  }
0x161: {  	[smem:$0x729] =	sst s12;
	(v2sf) =	vpush v58, $0xE;
	s20 =	spop (drf)  }
0x162: {  	[smem:$0x72E] =	sst s21;
	s21 =	spop (v2sf)  }
0x163: {  	s6 =	spop (drf);
	(drf) =	srem.u32 s21, s18  }
0x164: {  	s21 =	sld [smem:$0x7FC];
	s8 =	spop (drf)  }
0x165: {  	s2 =	smov.u32 s28;
	[smem:$0x72F] =	sst s6;
	s6 =	spop (v2sf)  }
0x166: {  	s28 =	smov.u32 s9;
	[smem:$0x730] =	sst s8;
	s9 =	spop (drf)  }
0x167: {  	(drf) =	srem.u32 s6, s11;
	s8 =	spop (v2sf)  }
0x168: {  	[smem:$0x731] =	sst s9;
	s17 =	spop (drf)  }
0x169: {  	s9 =	smov.u32 s1;
	(drf) =	srem.u32 s8, s1;
	s1 =	sadd.s32 $0xFFFFFE80, s21  }
0x16a: {  	[smem:$0x732] =	sst s17;
	s17 =	spop (v2sf);
	v59 =	vor.u32 s1, v2  }
0x16b: {  	s8 =	smov.u32 s23;
	(drf) =	srem.u32 s17, s23;
	s23 =	spop (v2sf);
	(v2sf) =	vpush v59, $0x0  }
0x16c: {  	(drf) =	srem.u32 s23, s29;
	s1 =	spop (v2sf);
	(v2sf) =	vpush v59, $0xF  }
0x16d: {  	s21 =	smov.u32 s5;
	(drf) =	srem.u32 s1, s5;
	s5 =	spop (v2sf);
	(v2sf) =	vpush v59, $0x1  }
0x16e: {  	(drf) =	srem.u32 s5, s26;
	s6 =	spop (v2sf);
	(v2sf) =	vpush v59, $0x2  }
0x16f: {  	s14 =	smov.u32 s16;
	(drf) =	srem.u32 s6, s10;
	s17 =	spop (v2sf);
	(v2sf) =	vpush v59, $0x3  }
0x170: {  	s12 =	smov.u32 s26;
	(drf) =	srem.u32 s17, s14;
	s26 =	spop (v2sf);
	(v2sf) =	vpush v59, $0x4  }
0x171: {  	s14 =	spop (drf);
	(v2sf) =	vpush v59, $0x5  }
0x172: {  	s6 =	smov.u32 s16;
	s16 =	spop (drf);
	(v2sf) =	vpush v59, $0x6  }
0x173: {  	[smem:$0x72D] =	sst s7;
	s17 =	spop (drf)  }
0x174: {  	s23 =	smov.u32 s29;
	(drf) =	srem.u32 s26, s2;
	(v2sf) =	vpush v59, $0x7;
	s29 =	spop (drf)  }
0x175: {  	(v2sf) =	vpush v59, $0x8;
	[smem:$0x733] =	sst s29;
	s1 =	spop (drf)  }
0x176: {  	[smem:$0x734] =	sst s1;
	s5 =	spop (drf)  }
0x177: {  	s7 =	smov.u32 s10;
	[smem:$0x735] =	sst s5;
	s10 =	spop (drf)  }
0x178: {  	[smem:$0x736] =	sst s10;
	s29 =	spop (drf)  }
0x179: {  	[smem:$0x737] =	sst s29;
	s1 =	spop (drf)  }
0x17a: {  	[smem:$0x738] =	sst s1;
	s10 =	spop (v2sf)  }
0x17b: {  	(drf) =	srem.u32 s10, s24;
	s29 =	spop (v2sf)  }
0x17c: {  	(drf) =	srem.u32 s29, s4;
	s1 =	spop (v2sf)  }
0x17d: {  	(drf) =	srem.u32 s1, s19;
	s10 =	spop (v2sf)  }
0x17e: {  	(v2sf) =	vpush v59, $0x9;
	(drf) =	srem.u32 s10, s28;
	s29 =	spop (v2sf)  }
0x17f: {  	(v2sf) =	vpush v59, $0xA;
	(drf) =	srem.u32 s29, s22;
	s1 =	spop (v2sf)  }
0x180: {  	(v2sf) =	vpush v59, $0xB;
	(drf) =	srem.u32 s1, s13;
	s10 =	spop (v2sf)  }
0x181: {  	(v2sf) =	vpush v59, $0xC;
	(drf) =	srem.u32 s10, s18;
	s29 =	spop (v2sf)  }
0x182: {  	s5 =	spop (drf);
	(drf) =	srem.u32 s29, s11  }
0x183: {  	v5 =	vadd.s32 v0, v5;
	(v2sf) =	vpush v59, $0xD;
	s1 =	spop (v2sf);
	s29 =	sld [smem:$0x7FC]  }
0x184: {  	v5 =	vmul.u32 $0x6, v5;
	s10 =	smov.u32 s11;
	(drf) =	srem.u32 s1, s9;
	s11 =	spop (v2sf)  }
0x185: {  	v6 =	vmul.u32 $0x3, v55;
	(v2sf) =	vpush v59, $0xE;
	(drf) =	srem.u32 s11, s8;
	s11 =	spop (drf)  }
0x186: {  	[tilespmem:$0x8050] =	vst v5;
	v56 =	vor.u32 $0x1, v5;
	v5 =	vadd.s32 $0x2, v5;
	[smem:$0x73A] =	sst s11;
	s11 =	spop (drf)  }
0x187: {  	[tilespmem:$0x8150] =	vst v5;
	v5 =	vadd.s32 $0x2, v6;
	s1 =	sadd.s32 $0xFFFFFE90, s29;
	s29 =	spop (drf)  }
0x188: {  	[tilespmem:$0x8750] =	vst v5;
	v5 =	vor.u32 s1, v2;
	s1 =	spop (drf)  }
0x189: {  	(v2sf) =	vpush v5, $0x0;
	[smem:$0x73B] =	sst s29;
	s29 =	spop (drf)  }
0x18a: {  	(v2sf) =	vpush v5, $0xF;
	[smem:$0x73C] =	sst s1;
	s1 =	spop (drf)  }
0x18b: {  	(v2sf) =	vpush v5, $0x1;
	[smem:$0x73D] =	sst s29;
	s29 =	spop (drf)  }
0x18c: {  	[smem:$0x73E] =	sst s1;
	s1 =	spop (drf)  }
0x18d: {  	(v2sf) =	vpush v5, $0x2;
	[smem:$0x740] =	sst s1;
	s1 =	spop (v2sf)  }
0x18e: {  	(drf) =	srem.u32 s1, s23;
	s1 =	spop (v2sf)  }
0x18f: {  	(drf) =	srem.u32 s1, s21;
	s1 =	spop (v2sf)  }
0x190: {  	(drf) =	srem.u32 s1, s12;
	s1 =	spop (v2sf)  }
0x191: {  	(drf) =	srem.u32 s1, s7;
	s1 =	sld [smem:$0x723]  }
0x192: {  	[smem:$0x77C] =	sst s19;
	s0 =	spop (v2sf)  }
0x193: {  	[smem:$0x739] =	sst s5;
	(drf) =	srem.u32 s0, s6  }
0x194: {  	s0 =	spop (v2sf);
	v60 =	vmov s1;
	s1 =	sld [smem:$0x724]  }
0x195: {  	s26 =	smov.u32 s2;
	(drf) =	srem.u32 s0, s2;
	s2 =	sld [smem:$0x725]  }
0x196: {  	[smem:$0x73F] =	sst s29;
	s29 =	spop (drf)  }
0x197: {  	[smem:$0x741] =	sst s29;
	v8 =	vsel vm0, s1, v60  }
0x198: {  	s0 =	spop (v2sf);
	v8 =	vsel vm1, s2, v8;
	s2 =	sld [smem:$0x726]  }
0x199: {  	s5 =	smov.u32 s24;
	(drf) =	srem.u32 s0, s24;
	s24 =	spop (v2sf)  }
0x19a: {  	(drf) =	srem.u32 s24, s4;
	s24 =	spop (v2sf)  }
0x19b: {  	(drf) =	srem.u32 s24, s19;
	v8 =	vsel vm2, s2, v8;
	s2 =	sld [smem:$0x727]  }
0x19c: {  	s1 =	smov.u32 s19;
	s19 =	spop (v2sf);
	s24 =	sld [smem:$0x728]  }
0x19d: {  	s29 =	spop (drf);
	(drf) =	srem.u32 s19, s28  }
0x19e: {  	s19 =	sld [smem:$0x729];
	v8 =	vsel vm3, s2, v8;
	s2 =	spop (drf)  }
0x19f: {  	v8 =	vsel vm4, s24, v8;
	[smem:$0x742] =	sst s2;
	s24 =	spop (drf)  }
0x1a0: {  	(v2sf) =	vpush v5, $0x3;
	s2 =	sld [smem:$0x72A];
	v8 =	vsel vm5, s15, v8;
	s15 =	spop (drf)  }
0x1a1: {  	v8 =	vsel vm6, s19, v8;
	s19 =	spop (drf)  }
0x1a2: {  	(v2sf) =	vpush v5, $0x4;
	[smem:$0x743] =	sst s19  }
0x1a3: {  	(v2sf) =	vpush v5, $0x5;
	v8 =	vsel vm7, s2, v8;
	s2 =	sld [smem:$0x72B]  }
0x1a4: {  	(v2sf) =	vpush v5, $0x6;
	s19 =	sld [smem:$0x72C];
	_ =	sdelay $0x1  }
0x1a5: {  	(v2sf) =	vpush v5, $0x7;
	v8 =	vsel vm8, s2, v8;
	s2 =	spop (drf)  }
0x1a6: {  	(v2sf) =	vpush v5, $0x8;
	v8 =	vsel vm9, s19, v8;
	s19 =	spop (drf)  }
0x1a7: {  	(v2sf) =	vpush v5, $0x9;
	[smem:$0x744] =	sst s19  }
0x1a8: {  	s19 =	sld [smem:$0x72D]  }
0x1a9: {  	(v2sf) =	vpush v5, $0xA  }
0x1aa: {  	(v2sf) =	vpush v5, $0xB  }
0x1ab: {  	v8 =	vsel vm10, s19, v8;
	s19 =	spop (drf)  }
0x1ac: {  	(v2sf) =	vpush v5, $0xC;
	v8 =	vsel vm11, s3, v8;
	s3 =	spop (drf)  }
0x1ad: {  	[smem:$0x746] =	sst s19;
	s19 =	spop (drf)  }
0x1ae: {  	v8 =	vsel vm12, s31, v8;
	s31 =	spop (v2sf);
	[smem:$0x747] =	sst s19  }
0x1af: {  	v8 =	vsel vm13, s30, v8;
	s30 =	spop (drf);
	(drf) =	srem.u32 s31, s22  }
0x1b0: {  	s0 =	spop (v2sf);
	[smem:$0x748] =	sst s30;
	v8 =	vsel vm14, s25, v8;
	s25 =	smov.u32 s22  }
0x1b1: {  	s22 =	smov.u32 s13;
	(drf) =	srem.u32 s0, s13;
	s13 =	spop (v2sf)  }
0x1b2: {  	vm15 =	vlt.s32 v4, v3;
	(drf) =	srem.u32 s13, s18;
	s19 =	spop (v2sf)  }
0x1b3: {  	v8 =	vsel vm15, v4, v8;
	v4 =	vmov s20;
	s20 =	sld [smem:$0x72E];
	(drf) =	srem.u32 s19, s10  }
0x1b4: {  	s30 =	spop (v2sf);
	s19 =	sld [smem:$0x7FC]  }
0x1b5: {  	(drf) =	srem.u32 s30, s9;
	s31 =	spop (v2sf)  }
0x1b6: {  	[tilespmem:$0x80D0] =	vst v56;
	(v2sf) =	vpush v5, $0xD;
	s13 =	smov.u32 s9;
	(drf) =	srem.u32 s31, s8;
	s31 =	spop (v2sf)  }
0x1b7: {  	[tilespmem:$0x8650] =	vst v6;
	v57 =	vadd.s32 $0x1, v6;
	v61 =	vsel vm0, s20, v4;
	s20 =	sld [smem:$0x730];
	s9 =	sadd.s32 $0xFFFFFEA0, s19;
	(drf) =	srem.u32 s31, s23  }
0x1b8: {  	[tilespmem:$0x86D0] =	vst v57;
	s30 =	simm.s32 $0x4010;
	s19 =	spop (v2sf);
	v4 =	vor.u32 s9, v2;
	s9 =	sld [smem:$0x72F]  }
0x1b9: {  	v8 =	vld.idx.msk [tilespmem:v8+s30+$0x0], $0xffff;
	(drf) =	srem.u32 s19, s21;
	s30 =	spop (v2sf)  }
0x1ba: {  	s31 =	sld [smem:$0x731];
	(drf) =	srem.u32 s30, s12  }
0x1bb: {  	(v2sf) =	vpush v5, $0xE;
	s19 =	spop (v2sf);
	s30 =	sld [smem:$0x732];
	v9 =	vsel vm1, s9, v61  }
0x1bc: {  	(drf) =	srem.u32 s19, s7;
	v9 =	vsel vm2, s20, v9;
	s20 =	smov.u32 s7;
	s7 =	spop (drf)  }
0x1bd: {  	(v2sf) =	vpush v4, $0x0;
	s19 =	spop (drf)  }
0x1be: {  	[smem:$0x745] =	sst s3;
	(v2sf) =	vpush v4, $0xF;
	v9 =	vsel vm3, s31, v9;
	s9 =	spop (drf)  }
0x1bf: {  	(v2sf) =	vpush v4, $0x1;
	v9 =	vsel vm4, s30, v9;
	[smem:$0x749] =	sst s9  }
0x1c0: {  	(v2sf) =	vpush v4, $0x2;
	v9 =	vsel vm5, s14, v9;
	s14 =	sld [smem:$0x733]  }
0x1c1: {  	s9 =	sld [smem:$0x735];
	v9 =	vsel vm6, s16, v9  }
0x1c2: {  	s31 =	smov.u32 s12;
	(v2sf) =	vpush v4, $0x3;
	s12 =	spop (drf);
	v9 =	vsel vm7, s17, v9;
	s17 =	sld [smem:$0x734]  }
0x1c3: {  	[smem:$0x74A] =	sst s12;
	s12 =	spop (drf)  }
0x1c4: {  	s30 =	spop (drf);
	v9 =	vsel vm8, s14, v9;
	s14 =	sld [smem:$0x736]  }
0x1c5: {  	(v2sf) =	vpush v4, $0x4;
	s3 =	spop (v2sf);
	s16 =	simm.s32 $0x0;
	[smem:$0x74B] =	sst s30;
	v9 =	vsel vm9, s17, v9  }
0x1c6: {  	(v2sf) =	vpush v4, $0x5;
	v62 =	vld.idx.msk [tilespmem:v8+s16+$0x0], $0xffff;
	s16 =	spop (drf);
	s30 =	sld [smem:$0x737];
	v9 =	vsel vm10, s9, v9  }
0x1c7: {  	(v2sf) =	vpush v4, $0x6;
	s17 =	spop (drf);
	v9 =	vsel vm11, s14, v9;
	s14 =	sld [smem:$0x738]  }
0x1c8: {  	(drf) =	srem.u32 s3, s6;
	s9 =	spop (drf)  }
0x1c9: {  	[smem:$0x74C] =	sst s17;
	s17 =	spop (drf);
	v9 =	vsel vm12, s30, v9  }
0x1ca: {  	v8 =	vadd.s32 v0, v8;
	s30 =	sld [smem:$0x739];
	v9 =	vsel vm13, s14, v9;
	s14 =	spop (v2sf)  }
0x1cb: {  	v8 =	vmul.u32 $0x6, v8;
	[smem:$0x74E] =	sst s17;
	(drf) =	srem.u32 s14, s26  }
0x1cc: {  	s17 =	spop (v2sf);
	s14 =	sld [smem:$0x73A]  }
0x1cd: {  	vm15 =	vlt.s32 v58, v3;
	s3 =	smov.u32 s26;
	[tilespmem:$0x8060] =	vst v8;
	v63 =	vor.u32 $0x1, v8;
	v9 =	vsel vm14, s30, v9;
	(drf) =	srem.u32 s17, s5;
	s26 =	spop (v2sf)  }
0x1ce: {  	v8 =	vadd.s32 $0x2, v8;
	[tilespmem:$0x80E0] =	vst v63;
	v10 =	vmul.u32 $0x3, v62;
	s30 =	smov.u32 s6;
	v7 =	vsel vm15, v58, v9;
	(drf) =	srem.u32 s26, s4;
	s6 =	spop (v2sf)  }
0x1cf: {  	v14 =	vmov s11;
	[tilespmem:$0x8160] =	vst v8;
	(drf) =	srem.u32 s6, s1;
	s11 =	spop (v2sf)  }
0x1d0: {  	[tilespmem:$0x8660] =	vst v10;
	v12 =	vadd.s32 $0x1, v10;
	(drf) =	srem.u32 s11, s28;
	s28 =	sld [smem:$0x73B]  }
0x1d1: {  	(v2sf) =	vpush v4, $0x7;
	v13 =	vadd.s32 $0x2, v10;
	[tilespmem:$0x86E0] =	vst v12;
	s26 =	spop (v2sf);
	s11 =	sld [smem:$0x73C]  }
0x1d2: {  	[tilespmem:$0x8760] =	vst v13;
	(v2sf) =	vpush v4, $0x8;
	s17 =	simm.s32 $0x4010;
	(drf) =	srem.u32 s26, s25;
	s25 =	sld [smem:$0x73E]  }
0x1d3: {  	(v2sf) =	vpush v4, $0x9;
	v15 =	vsel vm0, s14, v14;
	v16 =	vld.idx.msk [tilespmem:v7+s17+$0x0], $0xffff;
	s17 =	sld [smem:$0x73D]  }
0x1d4: {  	s6 =	spop (v2sf);
	s26 =	sld [smem:$0x73F];
	v17 =	vsel vm1, s28, v15  }
0x1d5: {  	(v2sf) =	vpush v4, $0xA;
	(drf) =	srem.u32 s6, s22;
	s14 =	spop (v2sf);
	v7 =	vsel vm2, s11, v17  }
0x1d6: {  	s28 =	smov.u32 s22;
	(drf) =	srem.u32 s14, s18;
	s22 =	spop (v2sf);
	v7 =	vsel vm3, s17, v7  }
0x1d7: {  	(v2sf) =	vpush v4, $0xB;
	(drf) =	srem.u32 s22, s10;
	v7 =	vsel vm4, s25, v7;
	s25 =	smov.u32 s10;
	s10 =	sld [smem:$0x740]  }
0x1d8: {  	(v2sf) =	vpush v4, $0xC;
	s11 =	sld [smem:$0x741]  }
0x1d9: {  	s6 =	sld [smem:$0x7FC];
	v7 =	vsel vm5, s26, v7  }
0x1da: {  	(v2sf) =	vpush v4, $0xD;
	s26 =	sld [smem:$0x742];
	v18 =	vsel vm6, s10, v7  }
0x1db: {  	s17 =	spop (drf);
	v8 =	vsel vm7, s11, v18  }
0x1dc: {  	[smem:$0x74D] =	sst s9;
	s1 =	smov.u32 s18;
	s18 =	spop (drf);
	v8 =	vsel vm8, s29, v8  }
0x1dd: {  	s9 =	sadd.s32 $0xFFFFFEB0, s6;
	s14 =	spop (drf);
	s29 =	sld [smem:$0x743];
	v8 =	vsel vm9, s26, v8  }
0x1de: {  	(v2sf) =	vpush v4, $0xE;
	v19 =	vor.u32 s9, v2;
	s9 =	spop (drf);
	v8 =	vsel vm10, s24, v8  }
0x1df: {  	s6 =	spop (drf);
	s10 =	sld [smem:$0x744];
	v8 =	vsel vm11, s15, v8  }
0x1e0: {  	[smem:$0x7B5] =	sst s13;
	s15 =	spop (v2sf);
	v8 =	vsel vm12, s29, v8  }
0x1e1: {  	s22 =	simm.s32 $0x0;
	(v2sf) =	vpush v19, $0x0;
	(drf) =	srem.u32 s15, s13;
	s15 =	spop (v2sf);
	v8 =	vsel vm13, s2, v8  }
0x1e2: {  	(v2sf) =	vpush v19, $0xF;
	(drf) =	srem.u32 s15, s8;
	v8 =	vsel vm14, s10, v8;
	s10 =	smov.u32 s13;
	s13 =	spop (v2sf)  }
0x1e3: {  	v20 =	vld.idx.msk [tilespmem:v16+s22+$0x0], $0xffff;
	s15 =	smov.u32 s23;
	(drf) =	srem.u32 s13, s23;
	s23 =	sld [smem:$0x745]  }
0x1e4: {  	v9 =	vadd.s32 v0, v16;
	s13 =	spop (v2sf)  }
0x1e5: {  	v9 =	vmul.u32 $0x6, v9;
	s11 =	spop (drf);
	(drf) =	srem.u32 s13, s21  }
0x1e6: {  	s0 =	smov.u32 s21;
	s21 =	spop (v2sf);
	v25 =	vmov s23;
	s23 =	sld [smem:$0x746]  }
0x1e7: {  	vm15 =	vlt.s32 v59, v3;
	[tilespmem:$0x8070] =	vst v9;
	v21 =	vor.u32 $0x1, v9;
	(drf) =	srem.u32 s21, s31;
	s21 =	spop (v2sf)  }
0x1e8: {  	v23 =	vadd.s32 $0x2, v9;
	s22 =	spop (drf);
	[tilespmem:$0x80F0] =	vst v21;
	v10 =	vmul.u32 $0x3, v20;
	v6 =	vsel vm15, v59, v8;
	(drf) =	srem.u32 s21, s20  }
0x1e9: {  	[tilespmem:$0x8170] =	vst v23;
	s20 =	sld [smem:$0x747];
	v26 =	vsel vm0, s23, v25;
	s23 =	spop (v2sf)  }
0x1ea: {  	[tilespmem:$0x8670] =	vst v10;
	v22 =	vadd.s32 $0x1, v10;
	(drf) =	srem.u32 s23, s30;
	s23 =	sld [smem:$0x748]  }
0x1eb: {  	s24 =	spop (drf);
	(v2sf) =	vpush v19, $0x1;
	v24 =	vadd.s32 $0x2, v10;
	[tilespmem:$0x86F0] =	vst v22  }
0x1ec: {  	s26 =	spop (drf);
	[tilespmem:$0x8770] =	vst v24;
	s21 =	simm.s32 $0x4010;
	v8 =	vsel vm1, s20, v26  }
0x1ed: {  	v6 =	vld.idx.msk [tilespmem:v6+s21+$0x0], $0xffff;
	s21 =	spop (v2sf);
	s20 =	sld [smem:$0x749];
	v8 =	vsel vm2, s23, v8  }
0x1ee: {  	(v2sf) =	vpush v19, $0x2;
	(drf) =	srem.u32 s21, s3;
	s21 =	sld [smem:$0x74A];
	v8 =	vsel vm3, s7, v8  }
0x1ef: {  	s29 =	spop (drf);
	v8 =	vsel vm4, s19, v8  }
0x1f0: {  	s3 =	spop (v2sf);
	s23 =	sld [smem:$0x74B];
	v8 =	vsel vm5, s20, v8  }
0x1f1: {  	(v2sf) =	vpush v19, $0x3;
	(drf) =	srem.u32 s3, s5;
	s13 =	spop (v2sf);
	v8 =	vsel vm6, s21, v8  }
0x1f2: {  	(v2sf) =	vpush v19, $0x4;
	(drf) =	srem.u32 s13, s4;
	v8 =	vsel vm7, s12, v8;
	s12 =	sld [smem:$0x74C]  }
0x1f3: {  	(v2sf) =	vpush v19, $0x5;
	s13 =	sld [smem:$0x74D];
	s19 =	spop (drf);
	v8 =	vsel vm8, s23, v8  }
0x1f4: {  	(v2sf) =	vpush v19, $0x6;
	s3 =	spop (drf);
	v8 =	vsel vm9, s16, v8;
	s16 =	sld [smem:$0x74E]  }
0x1f5: {  	[smem:$0x7B4] =	sst s4;
	s4 =	spop (drf);
	v8 =	vsel vm10, s12, v8  }
0x1f6: {  	(v2sf) =	vpush v19, $0x7;
	s5 =	spop (drf);
	v8 =	vsel vm11, s13, v8  }
0x1f7: {  	(v2sf) =	vpush v19, $0x8;
	s21 =	spop (drf);
	v8 =	vsel vm12, s16, v8  }
0x1f8: {  	(v2sf) =	vpush v19, $0x9;
	s7 =	simm.s32 $0x0;
	s20 =	spop (drf);
	v8 =	vsel vm13, s17, v8;
	s17 =	sld [smem:$0x77C]  }
0x1f9: {  	(v2sf) =	vpush v19, $0xA;
	v27 =	vld.idx.msk [tilespmem:v6+s7+$0x0], $0xffff;
	s7 =	spop (drf)  }
0x1fa: {  	v8 =	vsel vm14, s18, v8;
	s18 =	spop (v2sf)  }
0x1fb: {  	(drf) =	srem.u32 s18, s17;
	s18 =	sld [smem:$0x7AF]  }
0x1fc: {  	v6 =	vadd.s32 v0, v6;
	s12 =	spop (drf)  }
0x1fd: {  	v6 =	vmul.u32 $0x6, v6;
	s23 =	spop (v2sf)  }
0x1fe: {  	(drf) =	srem.u32 s23, s18;
	s23 =	sld [smem:$0x7BB]  }
0x1ff: {  	vm15 =	vlt.s32 v5, v3;
	[tilespmem:$0x8080] =	vst v6;
	v28 =	vor.u32 $0x1, v6;
	s16 =	spop (drf)  }
0x200: {  	v6 =	vadd.s32 $0x2, v6;
	[tilespmem:$0x8100] =	vst v28;
	v9 =	vmul.u32 $0x3, v27;
	v5 =	vsel vm15, v5, v8;
	s13 =	spop (v2sf)  }
0x201: {  	[tilespmem:$0x8180] =	vst v6;
	(drf) =	srem.u32 s13, s23;
	s13 =	spop (v2sf)  }
0x202: {  	[tilespmem:$0x8680] =	vst v9;
	v29 =	vadd.s32 $0x1, v9;
	(drf) =	srem.u32 s13, s28;
	s13 =	spop (v2sf)  }
0x203: {  	v30 =	vadd.s32 $0x2, v9;
	[tilespmem:$0x8700] =	vst v29;
	(drf) =	srem.u32 s13, s1;
	s13 =	spop (v2sf)  }
0x204: {  	v31 =	vmov s9;
	s2 =	spop (drf);
	[tilespmem:$0x8780] =	vst v30;
	(v2sf) =	vpush v19, $0xB;
	(drf) =	srem.u32 s13, s25;
	s25 =	simm.s32 $0x4010  }
0x205: {  	v32 =	vsel vm0, s14, v31;
	s14 =	sld [smem:$0x7FC];
	(v2sf) =	vpush v19, $0xC;
	s1 =	spop (v2sf);
	v33 =	vld.idx.msk [tilespmem:v5+s25+$0x0], $0xffff  }
0x206: {  	v5 =	vsel vm1, s6, v32;
	(drf) =	srem.u32 s1, s10;
	s10 =	spop (v2sf)  }
0x207: {  	(v2sf) =	vpush v19, $0xD;
	v6 =	vsel vm2, s11, v5;
	(drf) =	srem.u32 s10, s8;
	s25 =	spop (v2sf)  }
0x208: {  	v6 =	vsel vm3, s22, v6;
	(drf) =	srem.u32 s25, s15;
	s1 =	spop (v2sf)  }
0x209: {  	s6 =	spop (drf);
	v6 =	vsel vm4, s24, v6;
	(drf) =	srem.u32 s1, s0  }
0x20a: {  	(v2sf) =	vpush v19, $0xE;
	s9 =	spop (drf);
	v6 =	vsel vm5, s26, v6  }
0x20b: {  	s13 =	sadd.s32 $0xFFFFFEC0, s14;
	v6 =	vsel vm6, s29, v6;
	s11 =	spop (drf)  }
0x20c: {  	s10 =	smov.u32 s8;
	v5 =	vor.u32 s13, v2;
	s8 =	simm.s32 $0x0;
	v6 =	vsel vm7, s19, v6;
	s13 =	spop (drf)  }
0x20d: {  	(v2sf) =	vpush v5, $0x0;
	v6 =	vsel vm8, s3, v6;
	v34 =	vld.idx.msk [tilespmem:v33+s8+$0x0], $0xffff;
	s8 =	spop (drf)  }
0x20e: {  	(v2sf) =	vpush v5, $0xF;
	v6 =	vsel vm9, s4, v6;
	s14 =	spop (drf)  }
0x20f: {  	(v2sf) =	vpush v5, $0x1;
	v6 =	vsel vm10, s5, v6;
	s4 =	spop (drf)  }
0x210: {  	s25 =	smov.u32 s0;
	(v2sf) =	vpush v5, $0x2;
	v8 =	vadd.s32 v0, v33;
	v6 =	vsel vm11, s21, v6;
	s0 =	spop (drf)  }
0x211: {  	(v2sf) =	vpush v5, $0x3;
	v8 =	vmul.u32 $0x6, v8;
	v6 =	vsel vm12, s20, v6;
	s1 =	spop (drf)  }
0x212: {  	s29 =	sld [smem:$0x7B3];
	(v2sf) =	vpush v5, $0x4;
	v6 =	vsel vm13, s7, v6;
	s5 =	spop (drf)  }
0x213: {  	[tilespmem:$0x8190] =	vst v8;
	v35 =	vor.u32 $0x1, v8;
	v9 =	vmul.u32 $0x3, v34;
	v6 =	vsel vm14, s12, v6;
	s12 =	spop (v2sf)  }
0x214: {  	[tilespmem:$0x8210] =	vst v35;
	(drf) =	srem.u32 s12, s31;
	s19 =	spop (v2sf)  }
0x215: {  	[tilespmem:$0x8790] =	vst v9;
	(drf) =	srem.u32 s19, s29  }
0x216: {  	s7 =	spop (v2sf)  }
0x217: {  	s26 =	sld [smem:$0x7B8];
	_ =	sdelay $0x1  }
0x218: {  	(drf) =	srem.u32 s7, s30;
	s20 =	spop (v2sf);
	(v2sf) =	vpush v5, $0x5  }
0x219: {  	(drf) =	srem.u32 s20, s26;
	s20 =	sld [smem:$0x77F]  }
0x21a: {  	vm15 =	vlt.s32 v4, v3  }
0x21b: {  	v4 =	vsel vm15, v4, v6;
	s21 =	spop (v2sf)  }
0x21c: {  	v36 =	vadd.s32 $0x1, v9;
	(drf) =	srem.u32 s21, s20;
	s21 =	sld [smem:$0x7B4]  }
0x21d: {  	v39 =	vmov s2;
	v37 =	vadd.s32 $0x2, v8;
	[tilespmem:$0x8810] =	vst v36;
	s22 =	spop (v2sf)  }
0x21e: {  	v40 =	vsel vm0, s16, v39;
	v38 =	vadd.s32 $0x2, v9;
	[tilespmem:$0x8290] =	vst v37;
	s3 =	spop (v2sf)  }
0x21f: {  	s24 =	simm.s32 $0x4010;
	v6 =	vsel vm1, s6, v40;
	[tilespmem:$0x8890] =	vst v38;
	s7 =	spop (v2sf);
	(drf) =	srem.u32 s22, s21  }
0x220: {  	v6 =	vsel vm2, s9, v6;
	v4 =	vld.idx.msk [tilespmem:v4+s24+$0x0], $0xffff;
	s9 =	spop (v2sf);
	(drf) =	srem.u32 s3, s17  }
0x221: {  	v6 =	vsel vm3, s11, v6;
	(v2sf) =	vpush v5, $0x6;
	s11 =	spop (v2sf);
	(drf) =	srem.u32 s7, s18  }
0x222: {  	v6 =	vsel vm4, s13, v6;
	(v2sf) =	vpush v5, $0x7;
	s12 =	spop (drf);
	(drf) =	srem.u32 s9, s23  }
0x223: {  	v6 =	vsel vm5, s8, v6;
	s13 =	spop (drf);
	(drf) =	srem.u32 s11, s28  }
0x224: {  	v6 =	vsel vm6, s14, v6;
	(v2sf) =	vpush v5, $0x8;
	s16 =	spop (drf)  }
0x225: {  	v6 =	vsel vm7, s4, v6;
	(v2sf) =	vpush v5, $0x9;
	s22 =	spop (drf)  }
0x226: {  	v6 =	vsel vm8, s0, v6;
	s0 =	spop (drf)  }
0x227: {  	s19 =	smov.u32 s23;
	(v2sf) =	vpush v5, $0xA;
	s23 =	simm.s32 $0x0;
	s7 =	spop (v2sf)  }
0x228: {  	v6 =	vsel vm9, s1, v6;
	(v2sf) =	vpush v5, $0xB;
	v41 =	vld.idx.msk [tilespmem:v4+s23+$0x0], $0xffff;
	s24 =	spop (drf)  }
0x229: {  	v6 =	vsel vm10, s5, v6;
	(v2sf) =	vpush v5, $0xC;
	s9 =	sld [smem:$0x7C0];
	s5 =	spop (drf)  }
0x22a: {  	(v2sf) =	vpush v5, $0xD;
	s3 =	spop (drf)  }
0x22b: {  	(v2sf) =	vpush v5, $0xE;
	v4 =	vadd.s32 v0, v4;
	s2 =	spop (drf)  }
0x22c: {  	v6 =	vsel vm11, s12, v6;
	v4 =	vmul.u32 $0x6, v4;
	s6 =	spop (drf);
	(drf) =	srem.u32 s7, s9  }
0x22d: {  	v6 =	vsel vm12, s13, v6;
	v8 =	vmul.u32 $0x3, v41  }
0x22e: {  	s14 =	sld [smem:$0x7B0];
	v6 =	vsel vm13, s16, v6;
	[tilespmem:$0x81A0] =	vst v4;
	v42 =	vor.u32 $0x1, v4;
	v4 =	vadd.s32 $0x2, v4  }
0x22f: {  	v6 =	vsel vm14, s22, v6;
	s22 =	sld [smem:$0x7B5];
	[tilespmem:$0x82A0] =	vst v4;
	v4 =	vadd.s32 $0x2, v8  }
0x230: {  	s8 =	spop (v2sf);
	[tilespmem:$0x88A0] =	vst v4;
	v4 =	vmov s24  }
0x231: {  	s11 =	spop (v2sf);
	v4 =	vsel vm0, s0, v4;
	(drf) =	srem.u32 s8, s14  }
0x232: {  	v4 =	vsel vm1, s5, v4;
	(drf) =	srem.u32 s11, s22;
	s11 =	sld [smem:$0x7FC]  }
0x233: {  	vm15 =	vlt.s32 v19, v3;
	s12 =	spop (v2sf);
	v4 =	vsel vm2, s3, v4  }
0x234: {  	v6 =	vsel vm15, v19, v6;
	s13 =	spop (v2sf);
	v4 =	vsel vm3, s2, v4  }
0x235: {  	(drf) =	srem.u32 s12, s10;
	v4 =	vsel vm4, s6, v4;
	s0 =	sadd.s32 $0xFFFFFED0, s11;
	s8 =	spop (drf)  }
0x236: {  	[tilespmem:$0x8220] =	vst v42;
	s16 =	spop (v2sf);
	(drf) =	srem.u32 s13, s15;
	v44 =	vsel vm5, s8, v4;
	v4 =	vor.u32 s0, v2  }
0x237: {  	[tilespmem:$0x87A0] =	vst v8;
	v43 =	vadd.s32 $0x1, v8;
	s1 =	spop (v2sf);
	(drf) =	srem.u32 s16, s25;
	(v2sf) =	vpush v4, $0x0  }
0x238: {  	s23 =	simm.s32 $0x4010;
	[tilespmem:$0x8820] =	vst v43;
	s4 =	spop (v2sf);
	(drf) =	srem.u32 s1, s31;
	(v2sf) =	vpush v4, $0xF  }
0x239: {  	v6 =	vld.idx.msk [tilespmem:v6+s23+$0x0], $0xffff;
	s5 =	spop (v2sf);
	(drf) =	srem.u32 s4, s29;
	(v2sf) =	vpush v4, $0x1  }
0x23a: {  	s7 =	spop (v2sf);
	(drf) =	srem.u32 s5, s30;
	(v2sf) =	vpush v4, $0x2  }
0x23b: {  	(drf) =	srem.u32 s7, s26;
	(v2sf) =	vpush v4, $0x3  }
0x23c: {  	s12 =	spop (drf);
	(v2sf) =	vpush v4, $0x4  }
0x23d: {  	v7 =	vsel vm6, s12, v44;
	s13 =	spop (drf)  }
0x23e: {  	s24 =	smov.u32 s15;
	s15 =	smov.u32 s30;
	v7 =	vsel vm7, s13, v7;
	s30 =	spop (drf)  }
0x23f: {  	v7 =	vsel vm8, s30, v7;
	s3 =	spop (drf);
	(v2sf) =	vpush v4, $0x5  }
0x240: {  	s2 =	simm.s32 $0x0;
	v7 =	vsel vm9, s3, v7;
	s4 =	spop (drf);
	(v2sf) =	vpush v4, $0x6  }
0x241: {  	v45 =	vld.idx.msk [tilespmem:v6+s2+$0x0], $0xffff;
	v7 =	vsel vm10, s4, v7;
	s5 =	spop (drf)  }
0x242: {  	v6 =	vadd.s32 v0, v6;
	v7 =	vsel vm11, s5, v7;
	s6 =	spop (drf)  }
0x243: {  	v6 =	vmul.u32 $0x6, v6;
	v7 =	vsel vm12, s6, v7;
	s7 =	spop (drf)  }
0x244: {  	v7 =	vsel vm13, s7, v7;
	s8 =	spop (drf)  }
0x245: {  	vm15 =	vlt.s32 v5, v3;
	[tilespmem:$0x81B0] =	vst v6;
	v46 =	vor.u32 $0x1, v6;
	v7 =	vsel vm14, s8, v7  }
0x246: {  	v6 =	vadd.s32 $0x2, v6;
	[tilespmem:$0x8230] =	vst v46;
	v8 =	vmul.u32 $0x3, v45;
	v5 =	vsel vm15, v5, v7;
	s12 =	spop (v2sf)  }
0x247: {  	[tilespmem:$0x82B0] =	vst v6;
	(drf) =	srem.u32 s12, s20;
	s13 =	spop (v2sf)  }
0x248: {  	[tilespmem:$0x87B0] =	vst v8;
	v47 =	vadd.s32 $0x1, v8;
	(v2sf) =	vpush v4, $0x7;
	(drf) =	srem.u32 s13, s21;
	s30 =	spop (v2sf)  }
0x249: {  	v48 =	vadd.s32 $0x2, v8;
	[tilespmem:$0x8830] =	vst v47;
	(v2sf) =	vpush v4, $0x8;
	(drf) =	srem.u32 s30, s17;
	s1 =	spop (v2sf)  }
0x24a: {  	s11 =	simm.s32 $0x4010;
	[tilespmem:$0x88B0] =	vst v48;
	(v2sf) =	vpush v4, $0x9;
	(drf) =	srem.u32 s1, s18;
	s2 =	spop (v2sf)  }
0x24b: {  	(v2sf) =	vpush v4, $0xA;
	v5 =	vld.idx.msk [tilespmem:v5+s11+$0x0], $0xffff;
	(drf) =	srem.u32 s2, s19;
	s3 =	spop (v2sf)  }
0x24c: {  	(drf) =	srem.u32 s3, s28;
	_ =	sdelay $0x1  }
0x24d: {  	s4 =	spop (v2sf)  }
0x24e: {  	s6 =	spop (v2sf)  }
0x24f: {  	(v2sf) =	vpush v4, $0xB;
	s13 =	spop (drf)  }
0x250: {  	s5 =	simm.s32 $0x0;
	s11 =	smov.u32 s18;
	(v2sf) =	vpush v4, $0xC;
	s18 =	spop (drf)  }
0x251: {  	s30 =	smov.u32 s19;
	(drf) =	srem.u32 s4, s9;
	s19 =	spop (drf)  }
0x252: {  	s7 =	smov.u32 s21;
	(v2sf) =	vpush v4, $0xD;
	v6 =	vld.idx.msk [tilespmem:v5+s5+$0x0], $0xffff;
	s5 =	sld [smem:$0x7FC];
	s21 =	spop (drf)  }
0x253: {  	(v2sf) =	vpush v4, $0xE;
	s2 =	smov.u32 s28;
	(drf) =	srem.u32 s6, s14;
	s28 =	spop (drf)  }
0x254: {  	s1 =	spop (drf)  }
0x255: {  	[smem:$0x754] =	sst s1;
	s1 =	sadd.s32 $0xFFFFFEE0, s5  }
0x256: {  	s12 =	spop (v2sf);
	v51 =	vor.u32 s1, v2  }
0x257: {  	(drf) =	srem.u32 s12, s22;
	s4 =	spop (v2sf);
	(v2sf) =	vpush v51, $0x0  }
0x258: {  	s6 =	spop (v2sf);
	(v2sf) =	vpush v51, $0xF  }
0x259: {  	[smem:$0x750] =	sst s13;
	s13 =	spop (v2sf)  }
0x25a: {  	[smem:$0x751] =	sst s19;
	(drf) =	srem.u32 s4, s10;
	(v2sf) =	vpush v51, $0x1  }
0x25b: {  	s19 =	spop (drf);
	(drf) =	srem.u32 s6, s24;
	(v2sf) =	vpush v51, $0x2  }
0x25c: {  	s3 =	spop (drf);
	(drf) =	srem.u32 s13, s25;
	(v2sf) =	vpush v51, $0x3  }
0x25d: {  	[smem:$0x74F] =	sst s18;
	(v2sf) =	vpush v51, $0x4  }
0x25e: {  	[smem:$0x753] =	sst s28;
	s28 =	spop (v2sf)  }
0x25f: {  	s1 =	spop (v2sf);
	(drf) =	srem.u32 s28, s31  }
0x260: {  	[smem:$0x752] =	sst s21;
	s12 =	spop (drf)  }
0x261: {  	[smem:$0x755] =	sst s3;
	s3 =	spop (v2sf)  }
0x262: {  	(drf) =	srem.u32 s1, s29;
	s4 =	spop (v2sf)  }
0x263: {  	(drf) =	srem.u32 s3, s15;
	s18 =	spop (drf);
	(v2sf) =	vpush v51, $0x5  }
0x264: {  	(drf) =	srem.u32 s4, s26;
	s21 =	spop (drf)  }
0x265: {  	s23 =	smov.u32 s25;
	[smem:$0x756] =	sst s18;
	s25 =	spop (drf)  }
0x266: {  	[smem:$0x757] =	sst s21;
	s5 =	spop (v2sf)  }
0x267: {  	(drf) =	srem.u32 s5, s20;
	s6 =	spop (v2sf)  }
0x268: {  	s3 =	spop (drf);
	(drf) =	srem.u32 s6, s7  }
0x269: {  	(v2sf) =	vpush v51, $0x6;
	[smem:$0x758] =	sst s25;
	s13 =	spop (v2sf)  }
0x26a: {  	s21 =	smov.u32 s20;
	(drf) =	srem.u32 s13, s17;
	s20 =	spop (v2sf)  }
0x26b: {  	(v2sf) =	vpush v51, $0x7;
	(drf) =	srem.u32 s20, s11;
	s25 =	spop (v2sf)  }
0x26c: {  	s18 =	smov.u32 s31;
	(v2sf) =	vpush v51, $0x8;
	(drf) =	srem.u32 s25, s30;
	s31 =	spop (v2sf)  }
0x26d: {  	(v2sf) =	vpush v51, $0x9;
	s25 =	spop (drf);
	(drf) =	srem.u32 s31, s2  }
0x26e: {  	(v2sf) =	vpush v51, $0xA;
	s5 =	spop (drf)  }
0x26f: {  	(v2sf) =	vpush v51, $0xB;
	s31 =	spop (drf)  }
0x270: {  	(v2sf) =	vpush v51, $0xC;
	s1 =	spop (drf)  }
0x271: {  	s28 =	smov.u32 s11;
	(v2sf) =	vpush v51, $0xD;
	s11 =	spop (drf)  }
0x272: {  	(v2sf) =	vpush v51, $0xE;
	[smem:$0x759] =	sst s1;
	s1 =	spop (v2sf)  }
0x273: {  	s20 =	smov.u32 s2;
	s2 =	spop (drf)  }
0x274: {  	s4 =	spop (drf)  }
0x275: {  	s6 =	spop (drf)  }
0x276: {  	[smem:$0x75A] =	sst s2;
	s13 =	spop (drf)  }
0x277: {  	(drf) =	srem.u32 s1, s9;
	[smem:$0x75D] =	sst s13  }
0x278: {  	s2 =	spop (v2sf);
	s13 =	sld [smem:$0x7FC]  }
0x279: {  	[smem:$0x75B] =	sst s4;
	(drf) =	srem.u32 s2, s14  }
0x27a: {  	s4 =	spop (v2sf);
	[smem:$0x75C] =	sst s6  }
0x27b: {  	(drf) =	srem.u32 s4, s22;
	s6 =	spop (v2sf);
	s1 =	sadd.s32 $0xFFFFFEF0, s13  }
0x27c: {  	(drf) =	srem.u32 s6, s10;
	s2 =	spop (v2sf);
	v52 =	vor.u32 s1, v2  }
0x27d: {  	(drf) =	srem.u32 s2, s24;
	s4 =	spop (v2sf);
	(v2sf) =	vpush v52, $0x0  }
0x27e: {  	(drf) =	srem.u32 s4, s23;
	s6 =	spop (v2sf);
	(v2sf) =	vpush v52, $0xF  }
0x27f: {  	(drf) =	srem.u32 s6, s18;
	s13 =	spop (v2sf);
	(v2sf) =	vpush v52, $0x1  }
0x280: {  	(drf) =	srem.u32 s13, s29;
	s1 =	spop (v2sf);
	(v2sf) =	vpush v52, $0x2  }
0x281: {  	(drf) =	srem.u32 s1, s15;
	s2 =	spop (v2sf);
	(v2sf) =	vpush v52, $0x3  }
0x282: {  	s6 =	smov.u32 s15;
	s15 =	spop (drf);
	(drf) =	srem.u32 s2, s26;
	(v2sf) =	vpush v52, $0x4  }
0x283: {  	s13 =	spop (drf);
	(v2sf) =	vpush v52, $0x5  }
0x284: {  	s4 =	spop (drf);
	(v2sf) =	vpush v52, $0x6  }
0x285: {  	s16 =	smov.u32 s29;
	[smem:$0x75E] =	sst s4;
	s29 =	spop (drf)  }
0x286: {  	[smem:$0x75F] =	sst s29;
	s1 =	spop (drf);
	(v2sf) =	vpush v52, $0x7  }
0x287: {  	[smem:$0x760] =	sst s1;
	s2 =	spop (drf);
	(v2sf) =	vpush v52, $0x8  }
0x288: {  	[smem:$0x761] =	sst s2;
	s4 =	spop (drf)  }
0x289: {  	[smem:$0x762] =	sst s4;
	s29 =	spop (drf)  }
0x28a: {  	[smem:$0x763] =	sst s29;
	s1 =	spop (drf)  }
0x28b: {  	[smem:$0x764] =	sst s1;
	s2 =	spop (drf)  }
0x28c: {  	[smem:$0x765] =	sst s2;
	s4 =	spop (v2sf)  }
0x28d: {  	(drf) =	srem.u32 s4, s21;
	s1 =	spop (v2sf)  }
0x28e: {  	(drf) =	srem.u32 s1, s7;
	s2 =	spop (v2sf)  }
0x28f: {  	(drf) =	srem.u32 s2, s17;
	s4 =	spop (v2sf)  }
0x290: {  	s8 =	smov.u32 s17;
	(v2sf) =	vpush v52, $0x9;
	(drf) =	srem.u32 s4, s28;
	s17 =	spop (v2sf)  }
0x291: {  	s29 =	smov.u32 s21;
	(drf) =	srem.u32 s17, s30;
	s21 =	spop (v2sf)  }
0x292: {  	(v2sf) =	vpush v52, $0xA;
	s2 =	smov.u32 s28;
	(drf) =	srem.u32 s21, s20;
	s28 =	spop (v2sf)  }
0x293: {  	(drf) =	srem.u32 s28, s9;
	s1 =	spop (v2sf)  }
0x294: {  	v5 =	vadd.s32 v0, v5;
	(v2sf) =	vpush v52, $0xB;
	(drf) =	srem.u32 s1, s14  }
0x295: {  	v5 =	vmul.u32 $0x6, v5;
	(v2sf) =	vpush v52, $0xC;
	s28 =	smov.u32 s14;
	s17 =	spop (v2sf);
	s14 =	sld [smem:$0x7FC]  }
0x296: {  	v6 =	vmul.u32 $0x3, v6;
	s4 =	smov.u32 s20;
	(v2sf) =	vpush v52, $0xD;
	s20 =	spop (v2sf)  }
0x297: {  	[tilespmem:$0x81C0] =	vst v5;
	v49 =	vor.u32 $0x1, v5;
	v5 =	vadd.s32 $0x2, v5;
	(drf) =	srem.u32 s17, s22;
	s17 =	spop (drf)  }
0x298: {  	[tilespmem:$0x82C0] =	vst v5;
	v5 =	vadd.s32 $0x2, v6;
	(v2sf) =	vpush v52, $0xE;
	s1 =	sadd.s32 $0xFFFFFF00, s14;
	[smem:$0x766] =	sst s17;
	s17 =	spop (drf)  }
0x299: {  	[tilespmem:$0x88C0] =	vst v5;
	(drf) =	srem.u32 s20, s10;
	v5 =	vor.u32 s1, v2;
	s20 =	spop (drf)  }
0x29a: {  	(v2sf) =	vpush v5, $0x0;
	[smem:$0x767] =	sst s20;
	s1 =	spop (drf)  }
0x29b: {  	s21 =	smov.u32 s10;
	(v2sf) =	vpush v5, $0xF;
	[smem:$0x768] =	sst s1;
	s10 =	spop (drf)  }
0x29c: {  	[smem:$0x769] =	sst s10;
	s14 =	spop (drf)  }
0x29d: {  	(v2sf) =	vpush v5, $0x1;
	[smem:$0x76A] =	sst s14;
	s20 =	spop (drf)  }
0x29e: {  	[smem:$0x76B] =	sst s20;
	s1 =	spop (drf)  }
0x29f: {  	(v2sf) =	vpush v5, $0x2;
	s20 =	spop (v2sf);
	[smem:$0x76C] =	sst s1  }
0x2a0: {  	s10 =	spop (drf);
	(drf) =	srem.u32 s20, s24  }
0x2a1: {  	s1 =	spop (v2sf);
	[smem:$0x76D] =	sst s10  }
0x2a2: {  	s14 =	spop (drf);
	(drf) =	srem.u32 s1, s23  }
0x2a3: {  	s10 =	spop (v2sf);
	[smem:$0x76E] =	sst s14  }
0x2a4: {  	(drf) =	srem.u32 s10, s18;
	s14 =	spop (v2sf)  }
0x2a5: {  	(drf) =	srem.u32 s14, s16;
	s20 =	spop (v2sf)  }
0x2a6: {  	s10 =	sld [smem:$0x74F];
	(drf) =	srem.u32 s20, s6  }
0x2a7: {  	s14 =	spop (v2sf);
	s20 =	sld [smem:$0x750]  }
0x2a8: {  	(drf) =	srem.u32 s14, s26  }
0x2a9: {  	v53 =	vmov s10;
	s14 =	smov.u32 s26;
	s10 =	sld [smem:$0x751];
	s26 =	spop (v2sf)  }
0x2aa: {  	v8 =	vsel vm0, s20, v53;
	(drf) =	srem.u32 s26, s29;
	s20 =	spop (v2sf)  }
0x2ab: {  	s26 =	sld [smem:$0x752];
	(drf) =	srem.u32 s20, s7  }
0x2ac: {  	(v2sf) =	vpush v5, $0x3;
	v8 =	vsel vm1, s10, v8;
	s10 =	smov.u32 s29;
	s29 =	spop (v2sf);
	s20 =	sld [smem:$0x753]  }
0x2ad: {  	(v2sf) =	vpush v5, $0x4;
	(drf) =	srem.u32 s29, s8;
	s29 =	sld [smem:$0x754]  }
0x2ae: {  	v8 =	vsel vm2, s26, v8;
	s26 =	spop (v2sf)  }
0x2af: {  	(v2sf) =	vpush v5, $0x5;
	v8 =	vsel vm3, s20, v8;
	(drf) =	srem.u32 s26, s2  }
0x2b0: {  	(v2sf) =	vpush v5, $0x6;
	s20 =	smov.u32 s8;
	s8 =	sld [smem:$0x755];
	v8 =	vsel vm4, s29, v8;
	s29 =	spop (drf)  }
0x2b1: {  	s26 =	sld [smem:$0x756];
	s1 =	spop (drf)  }
0x2b2: {  	(v2sf) =	vpush v5, $0x7;
	v8 =	vsel vm5, s19, v8;
	[smem:$0x76F] =	sst s1;
	s1 =	spop (drf)  }
0x2b3: {  	(v2sf) =	vpush v5, $0x8;
	v8 =	vsel vm6, s8, v8;
	s8 =	sld [smem:$0x757];
	s19 =	spop (drf)  }
0x2b4: {  	v8 =	vsel vm7, s12, v8;
	[smem:$0x770] =	sst s19  }
0x2b5: {  	(v2sf) =	vpush v5, $0x9;
	v8 =	vsel vm8, s26, v8;
	s19 =	spop (drf);
	s26 =	sld [smem:$0x758]  }
0x2b6: {  	[smem:$0x7B2] =	sst s18;
	s12 =	spop (drf)  }
0x2b7: {  	v59 =	vmov s17;
	s17 =	sld [smem:$0x767];
	(v2sf) =	vpush v5, $0xA;
	v8 =	vsel vm9, s8, v8;
	s8 =	spop (drf)  }
0x2b8: {  	(v2sf) =	vpush v5, $0xB;
	[smem:$0x771] =	sst s12;
	v8 =	vsel vm10, s26, v8;
	s12 =	spop (drf)  }
0x2b9: {  	(v2sf) =	vpush v5, $0xC;
	[smem:$0x773] =	sst s8;
	v8 =	vsel vm11, s3, v8;
	s26 =	spop (drf)  }
0x2ba: {  	[smem:$0x772] =	sst s12;
	v8 =	vsel vm12, s25, v8;
	s3 =	spop (drf)  }
0x2bb: {  	[smem:$0x774] =	sst s26;
	v8 =	vsel vm13, s5, v8;
	s5 =	spop (v2sf)  }
0x2bc: {  	(drf) =	srem.u32 s5, s30;
	s8 =	spop (v2sf)  }
0x2bd: {  	[smem:$0x775] =	sst s3;
	(drf) =	srem.u32 s8, s4  }
0x2be: {  	s12 =	spop (v2sf);
	s8 =	sld [smem:$0x7FC]  }
0x2bf: {  	(drf) =	srem.u32 s12, s9;
	s26 =	spop (v2sf)  }
0x2c0: {  	s0 =	smov.u32 s9;
	vm15 =	vlt.s32 v4, v3;
	v8 =	vsel vm14, s31, v8;
	s12 =	sld [smem:$0x759];
	(drf) =	srem.u32 s26, s28  }
0x2c1: {  	v8 =	vsel vm15, v4, v8;
	s9 =	smov.u32 s28;
	s28 =	spop (v2sf);
	s26 =	sld [smem:$0x75A]  }
0x2c2: {  	v4 =	vmov s11;
	(drf) =	srem.u32 s28, s22;
	s31 =	spop (v2sf);
	s5 =	sadd.s32 $0xFFFFFF10, s8  }
0x2c3: {  	[tilespmem:$0x8240] =	vst v49;
	s11 =	smov.u32 s22;
	v54 =	vsel vm0, s12, v4;
	(drf) =	srem.u32 s31, s21;
	v4 =	vor.u32 s5, v2;
	s5 =	sld [smem:$0x75B]  }
0x2c4: {  	[tilespmem:$0x87C0] =	vst v6;
	v50 =	vadd.s32 $0x1, v6;
	s28 =	smov.u32 s21;
	s22 =	spop (v2sf);
	s12 =	sld [smem:$0x75C]  }
0x2c5: {  	[tilespmem:$0x8840] =	vst v50;
	s21 =	simm.s32 $0x4010;
	(drf) =	srem.u32 s22, s24;
	s22 =	sld [smem:$0x75D]  }
0x2c6: {  	(v2sf) =	vpush v5, $0xD;
	v8 =	vld.idx.msk [tilespmem:v8+s21+$0x0], $0xffff;
	v9 =	vsel vm1, s26, v54;
	s31 =	spop (v2sf);
	s26 =	sld [smem:$0x75E]  }
0x2c7: {  	(drf) =	srem.u32 s31, s23;
	s8 =	spop (v2sf);
	v9 =	vsel vm2, s5, v9  }
0x2c8: {  	(v2sf) =	vpush v5, $0xE;
	s31 =	smov.u32 s18;
	(drf) =	srem.u32 s8, s18;
	s18 =	spop (v2sf);
	v9 =	vsel vm3, s12, v9  }
0x2c9: {  	(v2sf) =	vpush v4, $0x0;
	s8 =	sld [smem:$0x75F];
	s5 =	spop (drf);
	v9 =	vsel vm4, s22, v9  }
0x2ca: {  	(v2sf) =	vpush v4, $0xF;
	(drf) =	srem.u32 s18, s16;
	v9 =	vsel vm5, s15, v9;
	s15 =	spop (drf)  }
0x2cb: {  	(v2sf) =	vpush v4, $0x1;
	s18 =	sld [smem:$0x760];
	v9 =	vsel vm6, s13, v9;
	s13 =	spop (drf)  }
0x2cc: {  	s25 =	smov.u32 s4;
	(v2sf) =	vpush v4, $0x2;
	v9 =	vsel vm7, s26, v9;
	s4 =	spop (drf);
	s26 =	sld [smem:$0x761]  }
0x2cd: {  	s12 =	simm.s32 $0x0;
	[smem:$0x776] =	sst s4;
	s3 =	spop (drf)  }
0x2ce: {  	(v2sf) =	vpush v4, $0x3;
	v55 =	vld.idx.msk [tilespmem:v8+s12+$0x0], $0xffff;
	s12 =	sld [smem:$0x762];
	s22 =	spop (drf)  }
0x2cf: {  	(v2sf) =	vpush v4, $0x4;
	[smem:$0x777] =	sst s22  }
0x2d0: {  	v9 =	vsel vm8, s8, v9;
	s8 =	spop (drf);
	s22 =	sld [smem:$0x763]  }
0x2d1: {  	(v2sf) =	vpush v4, $0x5;
	[smem:$0x778] =	sst s8  }
0x2d2: {  	v9 =	vsel vm9, s18, v9;
	s18 =	spop (drf);
	s8 =	sld [smem:$0x764]  }
0x2d3: {  	(v2sf) =	vpush v4, $0x6;
	v9 =	vsel vm10, s26, v9;
	[smem:$0x779] =	sst s18;
	s26 =	spop (drf)  }
0x2d4: {  	v9 =	vsel vm11, s12, v9;
	s18 =	sld [smem:$0x765];
	s12 =	spop (drf)  }
0x2d5: {  	v9 =	vsel vm12, s22, v9;
	[smem:$0x77A] =	sst s26;
	s22 =	spop (v2sf)  }
0x2d6: {  	v8 =	vadd.s32 v0, v8;
	[smem:$0x77B] =	sst s12;
	(drf) =	srem.u32 s22, s6  }
0x2d7: {  	v8 =	vmul.u32 $0x6, v8;
	s4 =	spop (v2sf);
	s22 =	sld [smem:$0x766]  }
0x2d8: {  	s26 =	smov.u32 s6;
	v9 =	vsel vm13, s8, v9;
	(drf) =	srem.u32 s4, s14;
	s6 =	spop (v2sf)  }
0x2d9: {  	vm15 =	vlt.s32 v51, v3;
	[tilespmem:$0x81D0] =	vst v8;
	v56 =	vor.u32 $0x1, v8;
	v9 =	vsel vm14, s18, v9;
	(drf) =	srem.u32 s6, s10;
	s12 =	spop (v2sf)  }
0x2da: {  	v8 =	vadd.s32 $0x2, v8;
	[tilespmem:$0x8250] =	vst v56;
	v10 =	vmul.u32 $0x3, v55;
	v7 =	vsel vm15, v51, v9;
	(drf) =	srem.u32 s12, s7;
	s18 =	spop (v2sf)  }
0x2db: {  	[tilespmem:$0x82D0] =	vst v8;
	(drf) =	srem.u32 s18, s20;
	s20 =	spop (v2sf)  }
0x2dc: {  	[tilespmem:$0x87D0] =	vst v10;
	v57 =	vadd.s32 $0x1, v10;
	v60 =	vsel vm0, s22, v59;
	(drf) =	srem.u32 s20, s2;
	s20 =	sld [smem:$0x768]  }
0x2dd: {  	v58 =	vadd.s32 $0x2, v10;
	[tilespmem:$0x8850] =	vst v57;
	v62 =	vsel vm1, s17, v60;
	s17 =	sld [smem:$0x76B];
	s12 =	spop (v2sf)  }
0x2de: {  	(v2sf) =	vpush v4, $0x7;
	s8 =	simm.s32 $0x4010;
	[tilespmem:$0x88D0] =	vst v58;
	(drf) =	srem.u32 s12, s30;
	s18 =	spop (v2sf)  }
0x2df: {  	v61 =	vld.idx.msk [tilespmem:v7+s8+$0x0], $0xffff;
	(drf) =	srem.u32 s18, s25;
	v7 =	vsel vm2, s20, v62;
	s20 =	smov.u32 s25;
	s25 =	sld [smem:$0x769]  }
0x2e0: {  	s12 =	sld [smem:$0x76A];
	s22 =	spop (v2sf)  }
0x2e1: {  	(v2sf) =	vpush v4, $0x8;
	s18 =	sld [smem:$0x7FC];
	(drf) =	srem.u32 s22, s0  }
0x2e2: {  	(v2sf) =	vpush v4, $0x9;
	s8 =	spop (v2sf);
	v7 =	vsel vm3, s25, v7;
	s25 =	sld [smem:$0x76C]  }
0x2e3: {  	(v2sf) =	vpush v4, $0xA;
	(drf) =	srem.u32 s8, s9;
	s8 =	sld [smem:$0x76D];
	v7 =	vsel vm4, s12, v7  }
0x2e4: {  	s0 =	spop (drf);
	s12 =	sld [smem:$0x76E];
	v7 =	vsel vm5, s17, v7  }
0x2e5: {  	s22 =	spop (drf);
	v63 =	vsel vm6, s25, v7  }
0x2e6: {  	s17 =	spop (drf);
	v8 =	vsel vm7, s8, v63  }
0x2e7: {  	s4 =	sadd.s32 $0xFFFFFF20, s18;
	s18 =	spop (drf);
	s25 =	simm.s32 $0x0;
	v8 =	vsel vm8, s12, v8  }
0x2e8: {  	(v2sf) =	vpush v4, $0xB;
	v12 =	vor.u32 s4, v2;
	v13 =	vld.idx.msk [tilespmem:v61+s25+$0x0], $0xffff;
	s4 =	spop (drf);
	v8 =	vsel vm9, s29, v8;
	s29 =	sld [smem:$0x76F]  }
0x2e9: {  	(v2sf) =	vpush v4, $0xC;
	s8 =	spop (drf)  }
0x2ea: {  	s6 =	sld [smem:$0x770];
	(v2sf) =	vpush v4, $0xD;
	s25 =	spop (drf)  }
0x2eb: {  	v9 =	vadd.s32 v0, v61;
	v8 =	vsel vm10, s29, v8;
	s29 =	spop (drf)  }
0x2ec: {  	(v2sf) =	vpush v4, $0xE;
	v9 =	vmul.u32 $0x6, v9;
	v8 =	vsel vm11, s1, v8;
	s12 =	spop (drf)  }
0x2ed: {  	(v2sf) =	vpush v12, $0x0;
	v10 =	vmul.u32 $0x3, v13;
	v8 =	vsel vm12, s6, v8;
	[smem:$0x77D] =	sst s12;
	s12 =	spop (v2sf)  }
0x2ee: {  	[tilespmem:$0x81E0] =	vst v9;
	s6 =	sld [smem:$0x771];
	v8 =	vsel vm13, s19, v8;
	s19 =	spop (drf)  }
0x2ef: {  	(v2sf) =	vpush v12, $0xF;
	[tilespmem:$0x87E0] =	vst v10;
	(drf) =	srem.u32 s12, s11;
	[smem:$0x77E] =	sst s19  }
0x2f0: {  	s1 =	spop (v2sf)  }
0x2f1: {  	v8 =	vsel vm14, s6, v8;
	(drf) =	srem.u32 s1, s28;
	s6 =	spop (v2sf)  }
0x2f2: {  	s19 =	smov.u32 s11;
	(drf) =	srem.u32 s6, s24;
	s11 =	spop (v2sf)  }
0x2f3: {  	s21 =	smov.u32 s23;
	(drf) =	srem.u32 s11, s23;
	s23 =	sld [smem:$0x772]  }
0x2f4: {  	s11 =	sld [smem:$0x773]  }
0x2f5: {  	(v2sf) =	vpush v12, $0x1  }
0x2f6: {  	vm15 =	vlt.s32 v52, v3;
	v18 =	vmov s23;
	s23 =	sld [smem:$0x774]  }
0x2f7: {  	v14 =	vor.u32 $0x1, v9;
	v6 =	vsel vm15, v52, v8;
	s12 =	spop (v2sf);
	v19 =	vsel vm0, s11, v18;
	s11 =	sld [smem:$0x775]  }
0x2f8: {  	v15 =	vadd.s32 $0x1, v10;
	[tilespmem:$0x8260] =	vst v14;
	(drf) =	srem.u32 s12, s31;
	s31 =	spop (v2sf)  }
0x2f9: {  	v16 =	vadd.s32 $0x2, v9;
	[tilespmem:$0x8860] =	vst v15;
	(drf) =	srem.u32 s31, s16;
	s16 =	spop (v2sf);
	v8 =	vsel vm1, s23, v19  }
0x2fa: {  	v17 =	vadd.s32 $0x2, v10;
	[tilespmem:$0x82E0] =	vst v16;
	(v2sf) =	vpush v12, $0x2;
	s6 =	sld [smem:$0x779];
	(drf) =	srem.u32 s16, s26;
	v8 =	vsel vm2, s11, v8  }
0x2fb: {  	[tilespmem:$0x88E0] =	vst v17;
	(v2sf) =	vpush v12, $0x3;
	s12 =	simm.s32 $0x4010;
	s31 =	spop (v2sf);
	s16 =	sld [smem:$0x776];
	v8 =	vsel vm3, s5, v8  }
0x2fc: {  	(v2sf) =	vpush v12, $0x4;
	v6 =	vld.idx.msk [tilespmem:v6+s12+$0x0], $0xffff;
	(drf) =	srem.u32 s31, s14;
	s12 =	spop (v2sf);
	v8 =	vsel vm4, s15, v8  }
0x2fd: {  	(v2sf) =	vpush v12, $0x5;
	(drf) =	srem.u32 s12, s10;
	s23 =	sld [smem:$0x777];
	v8 =	vsel vm5, s13, v8  }
0x2fe: {  	(v2sf) =	vpush v12, $0x6;
	s31 =	smov.u32 s14;
	s14 =	spop (v2sf);
	s5 =	sld [smem:$0x778];
	v8 =	vsel vm6, s16, v8  }
0x2ff: {  	(drf) =	srem.u32 s14, s7;
	s15 =	spop (drf);
	v8 =	vsel vm7, s3, v8  }
0x300: {  	(v2sf) =	vpush v12, $0x7;
	s7 =	sld [smem:$0x77A];
	s13 =	spop (drf);
	v8 =	vsel vm8, s23, v8  }
0x301: {  	(v2sf) =	vpush v12, $0x8;
	s14 =	sld [smem:$0x77B];
	s12 =	spop (drf);
	v8 =	vsel vm9, s5, v8  }
0x302: {  	s11 =	spop (drf);
	v8 =	vsel vm10, s6, v8  }
0x303: {  	(v2sf) =	vpush v12, $0x9;
	s16 =	spop (drf);
	v8 =	vsel vm11, s7, v8  }
0x304: {  	(v2sf) =	vpush v12, $0xA;
	s23 =	spop (v2sf);
	v8 =	vsel vm12, s14, v8  }
0x305: {  	s10 =	spop (drf);
	v8 =	vsel vm13, s0, v8  }
0x306: {  	s5 =	spop (drf);
	v8 =	vsel vm14, s22, v8;
	s22 =	sld [smem:$0x77C]  }
0x307: {  	s6 =	spop (drf)  }
0x308: {  	v24 =	vmov s18;
	s18 =	sld [smem:$0x7C0];
	s3 =	simm.s32 $0x0;
	s1 =	spop (drf)  }
0x309: {  	v20 =	vld.idx.msk [tilespmem:v6+s3+$0x0], $0xffff;
	s0 =	spop (v2sf);
	(drf) =	srem.u32 s23, s22  }
0x30a: {  	v6 =	vadd.s32 v0, v6;
	s23 =	smov.u32 s2;
	(drf) =	srem.u32 s0, s2;
	s2 =	spop (v2sf)  }
0x30b: {  	v6 =	vmul.u32 $0x6, v6;
	(drf) =	srem.u32 s2, s30;
	s14 =	spop (v2sf)  }
0x30c: {  	(drf) =	srem.u32 s14, s20;
	s0 =	spop (v2sf)  }
0x30d: {  	vm15 =	vlt.s32 v5, v3;
	(v2sf) =	vpush v12, $0xB;
	[tilespmem:$0x81F0] =	vst v6;
	v21 =	vor.u32 $0x1, v6;
	(drf) =	srem.u32 s0, s18;
	s2 =	spop (v2sf)  }
0x30e: {  	v6 =	vadd.s32 $0x2, v6;
	[tilespmem:$0x8270] =	vst v21;
	v9 =	vmul.u32 $0x3, v20;
	v5 =	vsel vm15, v5, v8;
	(drf) =	srem.u32 s2, s9;
	s2 =	sld [smem:$0x7FC]  }
0x30f: {  	v25 =	vsel vm0, s17, v24;
	(v2sf) =	vpush v12, $0xC;
	[tilespmem:$0x82F0] =	vst v6;
	s17 =	spop (v2sf)  }
0x310: {  	[tilespmem:$0x87F0] =	vst v9;
	v22 =	vadd.s32 $0x1, v9;
	(drf) =	srem.u32 s17, s19;
	s0 =	spop (v2sf)  }
0x311: {  	v6 =	vsel vm1, s4, v25;
	s3 =	spop (drf);
	v23 =	vadd.s32 $0x2, v9;
	[tilespmem:$0x8870] =	vst v22;
	(v2sf) =	vpush v12, $0xD;
	(drf) =	srem.u32 s0, s28;
	s9 =	sadd.s32 $0xFFFFFF30, s2  }
0x312: {  	v26 =	vsel vm2, s8, v6;
	[tilespmem:$0x88F0] =	vst v23;
	(v2sf) =	vpush v12, $0xE;
	s14 =	simm.s32 $0x4010;
	s4 =	spop (v2sf);
	v27 =	vor.u32 s9, v2;
	s9 =	sld [smem:$0x77D]  }
0x313: {  	v8 =	vsel vm3, s25, v26;
	v5 =	vld.idx.msk [tilespmem:v5+s14+$0x0], $0xffff;
	s14 =	sld [smem:$0x77E];
	s8 =	spop (v2sf)  }
0x314: {  	v8 =	vsel vm4, s29, v8;
	(drf) =	srem.u32 s4, s24;
	s7 =	spop (drf)  }
0x315: {  	(drf) =	srem.u32 s8, s21;
	(v2sf) =	vpush v27, $0x0;
	s8 =	spop (drf);
	v8 =	vsel vm5, s9, v8  }
0x316: {  	s9 =	spop (drf);
	v8 =	vsel vm6, s14, v8  }
0x317: {  	(v2sf) =	vpush v27, $0xF;
	s14 =	spop (drf);
	v8 =	vsel vm7, s15, v8  }
0x318: {  	(v2sf) =	vpush v27, $0x1;
	v8 =	vsel vm8, s13, v8;
	s13 =	spop (drf)  }
0x319: {  	(v2sf) =	vpush v27, $0x2;
	v8 =	vsel vm9, s12, v8;
	s12 =	spop (drf)  }
0x31a: {  	(v2sf) =	vpush v27, $0x3;
	s4 =	spop (drf)  }
0x31b: {  	s15 =	simm.s32 $0x0;
	v8 =	vsel vm10, s11, v8;
	s0 =	spop (drf)  }
0x31c: {  	v28 =	vld.idx.msk [tilespmem:v5+s15+$0x0], $0xffff;
	(v2sf) =	vpush v27, $0x4;
	s15 =	sld [smem:$0x7B2];
	v8 =	vsel vm11, s16, v8;
	s16 =	spop (v2sf)  }
0x31d: {  	s11 =	sld [smem:$0x7B3];
	s2 =	spop (drf)  }
0x31e: {  	v8 =	vsel vm12, s10, v8;
	s17 =	spop (v2sf)  }
0x31f: {  	v8 =	vsel vm13, s5, v8;
	s5 =	spop (drf);
	(drf) =	srem.u32 s16, s15  }
0x320: {  	(v2sf) =	vpush v27, $0x5;
	s25 =	spop (v2sf);
	(drf) =	srem.u32 s17, s11  }
0x321: {  	v5 =	vadd.s32 v0, v5;
	s29 =	spop (v2sf);
	(drf) =	srem.u32 s25, s26  }
0x322: {  	v5 =	vmul.u32 $0x6, v5;
	(drf) =	srem.u32 s29, s31;
	s29 =	sld [smem:$0x77F]  }
0x323: {  	vm15 =	vlt.s32 v4, v3  }
0x324: {  	[tilespmem:$0x8200] =	vst v5;
	v29 =	vor.u32 $0x1, v5;
	s10 =	smov.u32 s26;
	v9 =	vmul.u32 $0x3, v28;
	v8 =	vsel vm14, s6, v8;
	s26 =	smov.u32 s31;
	s31 =	spop (v2sf)  }
0x325: {  	v5 =	vadd.s32 $0x2, v5;
	[tilespmem:$0x8280] =	vst v29;
	v4 =	vsel vm15, v4, v8;
	(drf) =	srem.u32 s31, s29;
	s31 =	sld [smem:$0x7B4]  }
0x326: {  	v31 =	vmov s3;
	[tilespmem:$0x8300] =	vst v5;
	v5 =	vadd.s32 $0x2, v9;
	s16 =	spop (v2sf)  }
0x327: {  	(v2sf) =	vpush v27, $0x6;
	[tilespmem:$0x8900] =	vst v5;
	v5 =	vsel vm0, s1, v31;
	s25 =	spop (v2sf)  }
0x328: {  	(v2sf) =	vpush v27, $0x7;
	[tilespmem:$0x8800] =	vst v9;
	v30 =	vadd.s32 $0x1, v9;
	v5 =	vsel vm1, s7, v5;
	s3 =	spop (v2sf);
	(drf) =	srem.u32 s16, s31  }
0x329: {  	s17 =	simm.s32 $0x4010;
	(v2sf) =	vpush v27, $0x8;
	[tilespmem:$0x8880] =	vst v30;
	v5 =	vsel vm2, s8, v5;
	s6 =	spop (v2sf);
	(drf) =	srem.u32 s25, s22  }
0x32a: {  	(v2sf) =	vpush v27, $0x9;
	v5 =	vsel vm3, s9, v5;
	v4 =	vld.idx.msk [tilespmem:v4+s17+$0x0], $0xffff;
	s8 =	spop (drf);
	(drf) =	srem.u32 s3, s23  }
0x32b: {  	(v2sf) =	vpush v27, $0xA;
	v5 =	vsel vm4, s14, v5;
	s7 =	spop (v2sf);
	(drf) =	srem.u32 s6, s30  }
0x32c: {  	(v2sf) =	vpush v27, $0xB;
	v5 =	vsel vm5, s13, v5;
	s9 =	spop (drf);
	(drf) =	srem.u32 s7, s20  }
0x32d: {  	(v2sf) =	vpush v27, $0xC;
	v5 =	vsel vm6, s12, v5;
	s12 =	spop (drf)  }
0x32e: {  	(v2sf) =	vpush v27, $0xD;
	s13 =	spop (drf)  }
0x32f: {  	v5 =	vsel vm7, s4, v5;
	(v2sf) =	vpush v27, $0xE;
	s17 =	spop (v2sf)  }
0x330: {  	v5 =	vsel vm8, s0, v5;
	s0 =	spop (drf)  }
0x331: {  	s14 =	simm.s32 $0x0;
	v5 =	vsel vm9, s2, v5;
	s16 =	spop (drf)  }
0x332: {  	v5 =	vsel vm10, s5, v5;
	v32 =	vld.idx.msk [tilespmem:v4+s14+$0x0], $0xffff;
	s5 =	spop (drf)  }
0x333: {  	s3 =	spop (drf)  }
0x334: {  	s14 =	sld [smem:$0x7B0];
	s1 =	spop (drf)  }
0x335: {  	s4 =	sld [smem:$0x7FC];
	v4 =	vadd.s32 v0, v4;
	s6 =	spop (drf)  }
0x336: {  	s25 =	smov.u32 s18;
	v4 =	vmul.u32 $0x6, v4;
	(drf) =	srem.u32 s17, s18;
	s18 =	spop (v2sf)  }
0x337: {  	v5 =	vsel vm11, s8, v5;
	v8 =	vmul.u32 $0x3, v32;
	(drf) =	srem.u32 s18, s14;
	s7 =	spop (v2sf)  }
0x338: {  	v5 =	vsel vm12, s9, v5;
	[tilespmem:$0x8310] =	vst v4;
	v33 =	vor.u32 $0x1, v4;
	v4 =	vadd.s32 $0x2, v4;
	(drf) =	srem.u32 s7, s19;
	s8 =	spop (v2sf)  }
0x339: {  	v5 =	vsel vm13, s12, v5;
	[tilespmem:$0x8410] =	vst v4;
	v4 =	vadd.s32 $0x2, v8;
	(drf) =	srem.u32 s8, s28;
	s9 =	spop (v2sf)  }
0x33a: {  	vm15 =	vlt.s32 v12, v3;
	v5 =	vsel vm14, s13, v5;
	[tilespmem:$0x8A10] =	vst v4;
	v4 =	vmov s16;
	(drf) =	srem.u32 s9, s24;
	s12 =	spop (v2sf)  }
0x33b: {  	v5 =	vsel vm15, v12, v5;
	v4 =	vsel vm0, s0, v4;
	(drf) =	srem.u32 s12, s21;
	s16 =	spop (v2sf)  }
0x33c: {  	v4 =	vsel vm1, s5, v4;
	(drf) =	srem.u32 s16, s15;
	s17 =	spop (v2sf)  }
0x33d: {  	[tilespmem:$0x8390] =	vst v33;
	v4 =	vsel vm2, s3, v4;
	(drf) =	srem.u32 s17, s11;
	s18 =	spop (v2sf)  }
0x33e: {  	s13 =	simm.s32 $0x4010;
	[tilespmem:$0x8910] =	vst v8;
	v34 =	vadd.s32 $0x1, v8;
	v4 =	vsel vm3, s1, v4;
	(drf) =	srem.u32 s18, s10;
	s1 =	spop (v2sf)  }
0x33f: {  	[tilespmem:$0x8990] =	vst v34;
	s2 =	spop (drf);
	(drf) =	srem.u32 s1, s26;
	s1 =	sadd.s32 $0xFFFFFF40, s4  }
0x340: {  	v7 =	vld.idx.msk [tilespmem:v5+s13+$0x0], $0xffff;
	v5 =	vor.u32 s1, v2  }
0x341: {  	(v2sf) =	vpush v5, $0x0  }
0x342: {  	(v2sf) =	vpush v5, $0xF  }
0x343: {  	(v2sf) =	vpush v5, $0x1  }
0x344: {  	v4 =	vsel vm4, s6, v4;
	(v2sf) =	vpush v5, $0x2  }
0x345: {  	v4 =	vsel vm5, s2, v4;
	s3 =	spop (drf);
	(v2sf) =	vpush v5, $0x3  }
0x346: {  	v4 =	vsel vm6, s3, v4;
	s5 =	spop (drf)  }
0x347: {  	v4 =	vsel vm7, s5, v4;
	s6 =	spop (drf)  }
0x348: {  	v4 =	vsel vm8, s6, v4;
	s8 =	spop (drf);
	(v2sf) =	vpush v5, $0x4  }
0x349: {  	s7 =	simm.s32 $0x0;
	v4 =	vsel vm9, s8, v4;
	s9 =	spop (drf);
	(v2sf) =	vpush v5, $0x5  }
0x34a: {  	s12 =	smov.u32 s11;
	s11 =	smov.u32 s10;
	v35 =	vld.idx.msk [tilespmem:v7+s7+$0x0], $0xffff;
	v4 =	vsel vm10, s9, v4;
	s10 =	spop (drf);
	(v2sf) =	vpush v5, $0x6  }
0x34b: {  	s13 =	smov.u32 s15;
	v7 =	vadd.s32 v0, v7;
	v4 =	vsel vm11, s10, v4;
	s15 =	spop (drf)  }
0x34c: {  	v7 =	vmul.u32 $0x6, v7;
	v4 =	vsel vm12, s15, v4;
	s16 =	spop (drf)  }
0x34d: {  	v4 =	vsel vm13, s16, v4;
	s17 =	spop (drf)  }
0x34e: {  	vm15 =	vlt.s32 v27, v3;
	[tilespmem:$0x8320] =	vst v7;
	v36 =	vor.u32 $0x1, v7;
	v4 =	vsel vm14, s17, v4  }
0x34f: {  	v38 =	vadd.s32 $0x2, v7;
	[tilespmem:$0x83A0] =	vst v36;
	v8 =	vmul.u32 $0x3, v35;
	v4 =	vsel vm15, v27, v4  }
0x350: {  	[tilespmem:$0x8420] =	vst v38;
	(v2sf) =	vpush v5, $0x7;
	s1 =	spop (v2sf)  }
0x351: {  	[tilespmem:$0x8920] =	vst v8;
	v37 =	vadd.s32 $0x1, v8;
	(v2sf) =	vpush v5, $0x8;
	(drf) =	srem.u32 s1, s29;
	s2 =	spop (v2sf)  }
0x352: {  	v39 =	vadd.s32 $0x2, v8;
	[tilespmem:$0x89A0] =	vst v37;
	(v2sf) =	vpush v5, $0x9;
	(drf) =	srem.u32 s2, s31;
	s3 =	spop (v2sf)  }
0x353: {  	s18 =	simm.s32 $0x4010;
	[tilespmem:$0x8A20] =	vst v39;
	(v2sf) =	vpush v5, $0xA;
	(drf) =	srem.u32 s3, s22;
	s5 =	spop (v2sf)  }
0x354: {  	v4 =	vld.idx.msk [tilespmem:v4+s18+$0x0], $0xffff;
	(drf) =	srem.u32 s5, s23;
	s7 =	spop (v2sf)  }
0x355: {  	(drf) =	srem.u32 s7, s30  }
0x356: {  	(v2sf) =	vpush v5, $0xB  }
0x357: {  	s8 =	spop (v2sf)  }
0x358: {  	s10 =	spop (v2sf)  }
0x359: {  	(v2sf) =	vpush v5, $0xC;
	s15 =	spop (v2sf)  }
0x35a: {  	(v2sf) =	vpush v5, $0xD;
	(drf) =	srem.u32 s8, s20;
	s16 =	spop (drf)  }
0x35b: {  	s9 =	simm.s32 $0x0;
	(v2sf) =	vpush v5, $0xE;
	(drf) =	srem.u32 s10, s25;
	s17 =	spop (drf)  }
0x35c: {  	s4 =	smov.u32 s22;
	v6 =	vld.idx.msk [tilespmem:v4+s9+$0x0], $0xffff;
	s9 =	sld [smem:$0x7FC];
	s22 =	spop (drf)  }
0x35d: {  	s18 =	smov.u32 s23;
	s23 =	smov.u32 s25;
	s25 =	spop (drf)  }
0x35e: {  	(drf) =	srem.u32 s15, s14;
	s1 =	spop (drf)  }
0x35f: {  	s7 =	spop (v2sf);
	[smem:$0x784] =	sst s1;
	s1 =	sadd.s32 $0xFFFFFF50, s9  }
0x360: {  	s8 =	spop (v2sf);
	v42 =	vor.u32 s1, v2  }
0x361: {  	s10 =	spop (v2sf);
	[smem:$0x781] =	sst s16;
	(v2sf) =	vpush v42, $0x0  }
0x362: {  	s16 =	spop (v2sf);
	(drf) =	srem.u32 s7, s19;
	(v2sf) =	vpush v42, $0xF  }
0x363: {  	(drf) =	srem.u32 s8, s28;
	s2 =	spop (drf);
	(v2sf) =	vpush v42, $0x1  }
0x364: {  	(drf) =	srem.u32 s10, s24;
	s3 =	spop (drf);
	(v2sf) =	vpush v42, $0x2  }
0x365: {  	(drf) =	srem.u32 s16, s21;
	s1 =	spop (v2sf);
	(v2sf) =	vpush v42, $0x3  }
0x366: {  	(drf) =	srem.u32 s1, s13;
	(v2sf) =	vpush v42, $0x4  }
0x367: {  	[smem:$0x780] =	sst s17;
	s5 =	spop (drf)  }
0x368: {  	[smem:$0x787] =	sst s5;
	s5 =	spop (v2sf)  }
0x369: {  	[smem:$0x782] =	sst s22;
	s7 =	spop (v2sf);
	(v2sf) =	vpush v42, $0x5  }
0x36a: {  	[smem:$0x783] =	sst s25;
	s8 =	spop (v2sf)  }
0x36b: {  	[smem:$0x785] =	sst s2;
	s2 =	smov.u32 s19;
	s17 =	spop (drf)  }
0x36c: {  	s19 =	smov.u32 s21;
	(drf) =	srem.u32 s5, s12;
	s21 =	spop (drf)  }
0x36d: {  	(drf) =	srem.u32 s7, s11;
	s22 =	spop (drf);
	(v2sf) =	vpush v42, $0x6  }
0x36e: {  	(drf) =	srem.u32 s8, s26;
	s25 =	spop (drf)  }
0x36f: {  	[smem:$0x788] =	sst s17;
	s8 =	spop (drf)  }
0x370: {  	[smem:$0x78A] =	sst s22;
	s9 =	spop (v2sf)  }
0x371: {  	s10 =	smov.u32 s12;
	(drf) =	srem.u32 s9, s29;
	s12 =	spop (v2sf)  }
0x372: {  	(v2sf) =	vpush v42, $0x7;
	(drf) =	srem.u32 s12, s31;
	s16 =	spop (v2sf)  }
0x373: {  	[smem:$0x78B] =	sst s25;
	s17 =	spop (v2sf)  }
0x374: {  	(v2sf) =	vpush v42, $0x8;
	(drf) =	srem.u32 s16, s4;
	s25 =	spop (v2sf)  }
0x375: {  	s22 =	smov.u32 s31;
	(drf) =	srem.u32 s17, s18;
	s31 =	spop (v2sf)  }
0x376: {  	(v2sf) =	vpush v42, $0x9;
	(drf) =	srem.u32 s25, s30;
	s25 =	spop (drf)  }
0x377: {  	(v2sf) =	vpush v42, $0xA;
	s17 =	smov.u32 s30;
	s30 =	spop (drf)  }
0x378: {  	(v2sf) =	vpush v42, $0xB;
	s16 =	spop (v2sf)  }
0x379: {  	(v2sf) =	vpush v42, $0xC;
	(drf) =	srem.u32 s31, s20;
	s31 =	spop (drf)  }
0x37a: {  	(v2sf) =	vpush v42, $0xD;
	s1 =	spop (drf)  }
0x37b: {  	[smem:$0x789] =	sst s21;
	s21 =	smov.u32 s4;
	(v2sf) =	vpush v42, $0xE;
	s4 =	spop (drf)  }
0x37c: {  	[smem:$0x78D] =	sst s1;
	s1 =	spop (v2sf)  }
0x37d: {  	s5 =	spop (drf)  }
0x37e: {  	(drf) =	srem.u32 s16, s23;
	s7 =	spop (drf)  }
0x37f: {  	s15 =	smov.u32 s14;
	[smem:$0x78C] =	sst s4;
	s9 =	spop (drf)  }
0x380: {  	(drf) =	srem.u32 s1, s15;
	[smem:$0x790] =	sst s9  }
0x381: {  	s4 =	spop (v2sf);
	s9 =	sld [smem:$0x7FC]  }
0x382: {  	(drf) =	srem.u32 s4, s2  }
0x383: {  	[smem:$0x78F] =	sst s7;
	s7 =	spop (v2sf)  }
0x384: {  	s12 =	spop (drf);
	(drf) =	srem.u32 s7, s28;
	s1 =	sadd.s32 $0xFFFFFF60, s9  }
0x385: {  	[smem:$0x791] =	sst s12;
	s12 =	spop (v2sf);
	v43 =	vor.u32 s1, v2  }
0x386: {  	s4 =	smov.u32 s2;
	(drf) =	srem.u32 s12, s24;
	s15 =	spop (v2sf);
	(v2sf) =	vpush v43, $0x0  }
0x387: {  	s12 =	smov.u32 s24;
	(drf) =	srem.u32 s15, s19;
	s24 =	spop (v2sf);
	(v2sf) =	vpush v43, $0xF  }
0x388: {  	s2 =	smov.u32 s28;
	(drf) =	srem.u32 s24, s13;
	s28 =	spop (v2sf);
	(v2sf) =	vpush v43, $0x1  }
0x389: {  	(drf) =	srem.u32 s28, s10;
	s1 =	spop (v2sf);
	(v2sf) =	vpush v43, $0x2  }
0x38a: {  	(drf) =	srem.u32 s1, s11;
	s7 =	spop (v2sf);
	(v2sf) =	vpush v43, $0x3  }
0x38b: {  	s15 =	spop (drf);
	(drf) =	srem.u32 s7, s26;
	(v2sf) =	vpush v43, $0x4  }
0x38c: {  	[smem:$0x786] =	sst s3;
	s3 =	smov.u32 s13;
	s13 =	spop (drf)  }
0x38d: {  	s7 =	spop (drf);
	(v2sf) =	vpush v43, $0x5  }
0x38e: {  	s16 =	smov.u32 s19;
	s19 =	spop (drf);
	(v2sf) =	vpush v43, $0x6  }
0x38f: {  	s9 =	spop (drf);
	(v2sf) =	vpush v43, $0x7  }
0x390: {  	[smem:$0x792] =	sst s9;
	s24 =	spop (drf);
	(v2sf) =	vpush v43, $0x8  }
0x391: {  	[smem:$0x793] =	sst s24;
	s28 =	spop (drf)  }
0x392: {  	[smem:$0x794] =	sst s28;
	s1 =	spop (drf)  }
0x393: {  	[smem:$0x795] =	sst s1;
	s9 =	spop (drf)  }
0x394: {  	[smem:$0x796] =	sst s9;
	s24 =	spop (drf)  }
0x395: {  	[smem:$0x797] =	sst s24;
	s28 =	spop (v2sf)  }
0x396: {  	(drf) =	srem.u32 s28, s29;
	s1 =	spop (v2sf)  }
0x397: {  	s24 =	smov.u32 s22;
	(drf) =	srem.u32 s1, s22;
	s9 =	spop (v2sf)  }
0x398: {  	(v2sf) =	vpush v43, $0x9;
	s22 =	smov.u32 s21;
	(drf) =	srem.u32 s9, s21;
	s21 =	spop (v2sf)  }
0x399: {  	(drf) =	srem.u32 s21, s18;
	s28 =	spop (v2sf)  }
0x39a: {  	s6 =	smov.u32 s29;
	(v2sf) =	vpush v43, $0xA;
	(drf) =	srem.u32 s28, s17;
	s29 =	spop (v2sf)  }
0x39b: {  	v4 =	vadd.s32 v0, v4;
	[smem:$0x78E] =	sst s5;
	(drf) =	srem.u32 s29, s20  }
0x39c: {  	v4 =	vmul.u32 $0x6, v4;
	(v2sf) =	vpush v43, $0xB;
	s1 =	spop (v2sf);
	s29 =	sld [smem:$0x7FC]  }
0x39d: {  	v6 =	vmul.u32 $0x3, v6;
	s21 =	smov.u32 s17;
	(drf) =	srem.u32 s1, s23;
	s17 =	spop (v2sf)  }
0x39e: {  	[tilespmem:$0x8330] =	vst v4;
	v40 =	vor.u32 $0x1, v4;
	v4 =	vadd.s32 $0x2, v4;
	s9 =	smov.u32 s20;
	(v2sf) =	vpush v43, $0xC;
	s28 =	smov.u32 s23;
	s20 =	spop (v2sf)  }
0x39f: {  	[tilespmem:$0x8430] =	vst v4;
	v4 =	vadd.s32 $0x2, v6;
	(drf) =	srem.u32 s17, s14;
	s23 =	spop (v2sf);
	s1 =	sadd.s32 $0xFFFFFF70, s29  }
0x3a0: {  	[tilespmem:$0x8A30] =	vst v4;
	(v2sf) =	vpush v43, $0xD;
	(drf) =	srem.u32 s20, s4;
	v4 =	vor.u32 s1, v2;
	s1 =	spop (drf)  }
0x3a1: {  	(v2sf) =	vpush v43, $0xE;
	(drf) =	srem.u32 s23, s2;
	s20 =	spop (drf)  }
0x3a2: {  	s5 =	smov.u32 s14;
	[smem:$0x798] =	sst s1;
	s14 =	spop (drf)  }
0x3a3: {  	(v2sf) =	vpush v4, $0x0;
	[smem:$0x799] =	sst s14;
	s17 =	spop (drf)  }
0x3a4: {  	(v2sf) =	vpush v4, $0xF;
	[smem:$0x79A] =	sst s17;
	s23 =	spop (drf)  }
0x3a5: {  	[smem:$0x79B] =	sst s23;
	s29 =	spop (drf)  }
0x3a6: {  	(v2sf) =	vpush v4, $0x1;
	[smem:$0x79C] =	sst s29;
	s1 =	spop (drf)  }
0x3a7: {  	s29 =	spop (v2sf);
	[smem:$0x79D] =	sst s1  }
0x3a8: {  	(v2sf) =	vpush v4, $0x2;
	s14 =	spop (drf);
	(drf) =	srem.u32 s29, s12  }
0x3a9: {  	s1 =	spop (v2sf);
	[smem:$0x79E] =	sst s14  }
0x3aa: {  	s17 =	spop (drf);
	(drf) =	srem.u32 s1, s16  }
0x3ab: {  	s14 =	spop (v2sf);
	[smem:$0x79F] =	sst s17  }
0x3ac: {  	s23 =	spop (drf);
	(drf) =	srem.u32 s14, s3  }
0x3ad: {  	s29 =	smov.u32 s3;
	s17 =	spop (v2sf);
	s3 =	sld [smem:$0x780]  }
0x3ae: {  	[smem:$0x7A0] =	sst s23;
	(drf) =	srem.u32 s17, s10  }
0x3af: {  	s23 =	spop (v2sf);
	s17 =	sld [smem:$0x781]  }
0x3b0: {  	(drf) =	srem.u32 s23, s11;
	s14 =	spop (v2sf)  }
0x3b1: {  	s1 =	smov.u32 s26;
	(drf) =	srem.u32 s14, s26;
	s26 =	sld [smem:$0x782]  }
0x3b2: {  	v44 =	vmov s3;
	s14 =	sld [smem:$0x783];
	s23 =	spop (v2sf)  }
0x3b3: {  	(v2sf) =	vpush v4, $0x3;
	v8 =	vsel vm0, s17, v44;
	(drf) =	srem.u32 s23, s6;
	s23 =	smov.u32 s6;
	s6 =	spop (v2sf)  }
0x3b4: {  	(v2sf) =	vpush v4, $0x4;
	v8 =	vsel vm1, s26, v8;
	s26 =	smov.u32 s24;
	(drf) =	srem.u32 s6, s24;
	s24 =	sld [smem:$0x784]  }
0x3b5: {  	v8 =	vsel vm2, s14, v8;
	s14 =	sld [smem:$0x785];
	s17 =	spop (v2sf)  }
0x3b6: {  	(v2sf) =	vpush v4, $0x5;
	(drf) =	srem.u32 s17, s22;
	s17 =	sld [smem:$0x786]  }
0x3b7: {  	s6 =	spop (v2sf);
	v8 =	vsel vm3, s24, v8  }
0x3b8: {  	(v2sf) =	vpush v4, $0x6;
	s3 =	sld [smem:$0x787];
	v8 =	vsel vm4, s14, v8;
	s14 =	spop (drf)  }
0x3b9: {  	s24 =	smov.u32 s22;
	v8 =	vsel vm5, s17, v8;
	s22 =	spop (drf);
	s17 =	sld [smem:$0x788]  }
0x3ba: {  	(v2sf) =	vpush v4, $0x7;
	(drf) =	srem.u32 s6, s18;
	[smem:$0x7A1] =	sst s22  }
0x3bb: {  	(v2sf) =	vpush v4, $0x8;
	v8 =	vsel vm6, s3, v8;
	s6 =	spop (drf);
	s3 =	sld [smem:$0x789]  }
0x3bc: {  	[smem:$0x7A2] =	sst s6  }
0x3bd: {  	s22 =	spop (drf);
	s6 =	sld [smem:$0x78A]  }
0x3be: {  	v8 =	vsel vm7, s17, v8;
	[smem:$0x7A3] =	sst s22;
	s17 =	spop (drf)  }
0x3bf: {  	v8 =	vsel vm8, s3, v8;
	s22 =	spop (drf);
	s3 =	sld [smem:$0x78B]  }
0x3c0: {  	(v2sf) =	vpush v4, $0x9;
	v8 =	vsel vm9, s6, v8;
	s6 =	spop (drf)  }
0x3c1: {  	[smem:$0x7A4] =	sst s22;
	s22 =	spop (drf)  }
0x3c2: {  	(v2sf) =	vpush v4, $0xA;
	[smem:$0x7A6] =	sst s6;
	s6 =	spop (v2sf);
	v8 =	vsel vm10, s3, v8  }
0x3c3: {  	(v2sf) =	vpush v4, $0xB;
	[smem:$0x7A5] =	sst s22;
	v8 =	vsel vm11, s8, v8;
	s8 =	spop (v2sf)  }
0x3c4: {  	(v2sf) =	vpush v4, $0xC;
	(drf) =	srem.u32 s6, s21;
	v8 =	vsel vm12, s25, v8;
	s25 =	spop (drf)  }
0x3c5: {  	s22 =	smov.u32 s9;
	(drf) =	srem.u32 s8, s9;
	s9 =	spop (v2sf)  }
0x3c6: {  	[smem:$0x7A7] =	sst s25;
	s3 =	spop (drf)  }
0x3c7: {  	(drf) =	srem.u32 s9, s28;
	s25 =	spop (v2sf)  }
0x3c8: {  	[tilespmem:$0x83B0] =	vst v40;
	v8 =	vsel vm13, s30, v8;
	[smem:$0x7A8] =	sst s3;
	(drf) =	srem.u32 s25, s5  }
0x3c9: {  	[tilespmem:$0x8930] =	vst v6;
	v41 =	vadd.s32 $0x1, v6;
	v8 =	vsel vm14, s31, v8;
	s30 =	spop (v2sf);
	s31 =	sld [smem:$0x78C]  }
0x3ca: {  	vm15 =	vlt.s32 v5, v3;
	[tilespmem:$0x89B0] =	vst v41;
	(v2sf) =	vpush v4, $0xD;
	(drf) =	srem.u32 s30, s4;
	s0 =	spop (v2sf)  }
0x3cb: {  	v8 =	vsel vm15, v5, v8;
	s8 =	sld [smem:$0x7FC]  }
0x3cc: {  	s25 =	sld [smem:$0x78D]  }
0x3cd: {  	s9 =	smov.u32 s5  }
0x3ce: {  	(drf) =	srem.u32 s0, s2;
	v5 =	vmov s31;
	s0 =	sld [smem:$0x78E];
	s5 =	sadd.s32 $0xFFFFFF80, s8  }
0x3cf: {  	s30 =	simm.s32 $0x4010;
	s31 =	spop (v2sf);
	v45 =	vsel vm0, s25, v5;
	v5 =	vor.u32 s5, v2;
	s5 =	sld [smem:$0x78F]  }
0x3d0: {  	(drf) =	srem.u32 s31, s12;
	v8 =	vld.idx.msk [tilespmem:v8+s30+$0x0], $0xffff;
	s30 =	sld [smem:$0x790]  }
0x3d1: {  	s6 =	smov.u32 s4;
	(v2sf) =	vpush v4, $0xE;
	s4 =	spop (v2sf);
	v9 =	vsel vm1, s0, v45;
	s0 =	sld [smem:$0x791]  }
0x3d2: {  	(drf) =	srem.u32 s4, s16;
	s8 =	spop (v2sf);
	v9 =	vsel vm2, s5, v9  }
0x3d3: {  	(drf) =	srem.u32 s8, s29;
	s31 =	spop (v2sf);
	(v2sf) =	vpush v5, $0x0;
	v9 =	vsel vm3, s30, v9  }
0x3d4: {  	s25 =	smov.u32 s2;
	s8 =	sld [smem:$0x792];
	(v2sf) =	vpush v5, $0xF;
	s5 =	spop (drf);
	v9 =	vsel vm4, s0, v9  }
0x3d5: {  	s2 =	smov.u32 s29;
	s29 =	sld [smem:$0x793];
	v9 =	vsel vm5, s15, v9;
	s15 =	spop (drf)  }
0x3d6: {  	(drf) =	srem.u32 s31, s10;
	(v2sf) =	vpush v5, $0x1;
	v9 =	vsel vm6, s13, v9;
	s13 =	spop (drf)  }
0x3d7: {  	s31 =	sld [smem:$0x794];
	(v2sf) =	vpush v5, $0x2;
	s4 =	spop (drf)  }
0x3d8: {  	v9 =	vsel vm7, s7, v9;
	s7 =	simm.s32 $0x0;
	[smem:$0x7A9] =	sst s4;
	s3 =	spop (drf)  }
0x3d9: {  	(v2sf) =	vpush v5, $0x3;
	v9 =	vsel vm8, s19, v9;
	v46 =	vld.idx.msk [tilespmem:v8+s7+$0x0], $0xffff;
	s7 =	sld [smem:$0x795];
	s19 =	spop (drf)  }
0x3da: {  	[smem:$0x7AA] =	sst s19  }
0x3db: {  	(v2sf) =	vpush v5, $0x4;
	s30 =	spop (drf);
	s19 =	sld [smem:$0x796]  }
0x3dc: {  	(v2sf) =	vpush v5, $0x5;
	v9 =	vsel vm9, s8, v9;
	[smem:$0x7AB] =	sst s30  }
0x3dd: {  	(v2sf) =	vpush v5, $0x6;
	v9 =	vsel vm10, s29, v9;
	s0 =	spop (drf);
	s30 =	sld [smem:$0x797]  }
0x3de: {  	v9 =	vsel vm11, s31, v9;
	s31 =	spop (v2sf);
	[smem:$0x7AC] =	sst s0  }
0x3df: {  	s8 =	spop (drf);
	(drf) =	srem.u32 s31, s11  }
0x3e0: {  	s0 =	spop (v2sf);
	[smem:$0x7AD] =	sst s8  }
0x3e1: {  	v8 =	vadd.s32 v0, v8;
	s29 =	spop (drf);
	(drf) =	srem.u32 s0, s1  }
0x3e2: {  	v8 =	vmul.u32 $0x6, v8;
	v9 =	vsel vm12, s7, v9;
	[smem:$0x7AE] =	sst s29;
	s4 =	spop (v2sf)  }
0x3e3: {  	v9 =	vsel vm13, s19, v9;
	(drf) =	srem.u32 s4, s23;
	s7 =	spop (v2sf)  }
0x3e4: {  	vm15 =	vlt.s32 v42, v3;
	[tilespmem:$0x8340] =	vst v8;
	v47 =	vor.u32 $0x1, v8;
	v9 =	vsel vm14, s30, v9;
	s29 =	sld [smem:$0x798];
	(drf) =	srem.u32 s7, s26  }
0x3e5: {  	v8 =	vadd.s32 $0x2, v8;
	[tilespmem:$0x83C0] =	vst v47;
	v10 =	vmul.u32 $0x3, v46;
	v7 =	vsel vm15, v42, v9;
	s19 =	spop (v2sf);
	s7 =	sld [smem:$0x799]  }
0x3e6: {  	v50 =	vmov s20;
	s20 =	smov.u32 s24;
	[tilespmem:$0x8440] =	vst v8;
	(drf) =	srem.u32 s19, s24;
	s24 =	spop (v2sf)  }
0x3e7: {  	[tilespmem:$0x8940] =	vst v10;
	v48 =	vadd.s32 $0x1, v10;
	v51 =	vsel vm0, s29, v50;
	s29 =	sld [smem:$0x79C];
	(drf) =	srem.u32 s24, s18  }
0x3e8: {  	s30 =	simm.s32 $0x4010;
	v49 =	vadd.s32 $0x2, v10;
	[tilespmem:$0x89C0] =	vst v48;
	s0 =	spop (v2sf);
	s18 =	sld [smem:$0x79A]  }
0x3e9: {  	(v2sf) =	vpush v5, $0x7;
	[tilespmem:$0x8A40] =	vst v49;
	s24 =	smov.u32 s21;
	(drf) =	srem.u32 s0, s21;
	s21 =	sld [smem:$0x79B]  }
0x3ea: {  	(v2sf) =	vpush v5, $0x8;
	v52 =	vld.idx.msk [tilespmem:v7+s30+$0x0], $0xffff;
	s8 =	spop (v2sf);
	s30 =	sld [smem:$0x79D]  }
0x3eb: {  	(v2sf) =	vpush v5, $0x9;
	v53 =	vsel vm1, s7, v51;
	(drf) =	srem.u32 s8, s22;
	s19 =	spop (v2sf)  }
0x3ec: {  	(v2sf) =	vpush v5, $0xA;
	s0 =	smov.u32 s28;
	v7 =	vsel vm2, s18, v53;
	(drf) =	srem.u32 s19, s28;
	s28 =	spop (v2sf)  }
0x3ed: {  	s8 =	sld [smem:$0x79E];
	v7 =	vsel vm3, s21, v7;
	(drf) =	srem.u32 s28, s9  }
0x3ee: {  	(v2sf) =	vpush v5, $0xB;
	s21 =	spop (drf);
	s9 =	sld [smem:$0x79F];
	v7 =	vsel vm4, s29, v7  }
0x3ef: {  	(v2sf) =	vpush v5, $0xC;
	s18 =	sld [smem:$0x7A0];
	s7 =	spop (drf);
	v7 =	vsel vm5, s30, v7  }
0x3f0: {  	s31 =	smov.u32 s1;
	s1 =	sld [smem:$0x7FC];
	v54 =	vsel vm6, s8, v7;
	s8 =	spop (drf)  }
0x3f1: {  	(v2sf) =	vpush v5, $0xD;
	s19 =	simm.s32 $0x0;
	s28 =	sld [smem:$0x7A1];
	v8 =	vsel vm7, s9, v54;
	s9 =	spop (drf)  }
0x3f2: {  	s29 =	sld [smem:$0x7A2];
	v8 =	vsel vm8, s18, v8;
	v56 =	vld.idx.msk [tilespmem:v52+s19+$0x0], $0xffff;
	s19 =	spop (drf)  }
0x3f3: {  	s4 =	sadd.s32 $0xFFFFFF90, s1;
	s30 =	sld [smem:$0x7A3];
	v8 =	vsel vm9, s14, v8;
	s14 =	spop (drf)  }
0x3f4: {  	v55 =	vor.u32 s4, v2;
	(v2sf) =	vpush v5, $0xE;
	v8 =	vsel vm10, s28, v8;
	s4 =	spop (drf)  }
0x3f5: {  	(v2sf) =	vpush v55, $0x0;
	v8 =	vsel vm11, s29, v8;
	s28 =	spop (drf)  }
0x3f6: {  	(v2sf) =	vpush v55, $0xF;
	v8 =	vsel vm12, s30, v8;
	s30 =	spop (drf)  }
0x3f7: {  	s29 =	sld [smem:$0x7A4];
	s18 =	spop (drf)  }
0x3f8: {  	v8 =	vsel vm13, s17, v8;
	s17 =	spop (v2sf);
	[smem:$0x7B1] =	sst s18  }
0x3f9: {  	(drf) =	srem.u32 s17, s6;
	s18 =	spop (v2sf)  }
0x3fa: {  	v8 =	vsel vm14, s29, v8;
	s29 =	smov.u32 s6;
	(drf) =	srem.u32 s18, s25;
	s6 =	spop (v2sf)  }
0x3fb: {  	v9 =	vadd.s32 v0, v52;
	s18 =	smov.u32 s12;
	(drf) =	srem.u32 s6, s12;
	s12 =	spop (v2sf)  }
0x3fc: {  	v9 =	vmul.u32 $0x6, v9;
	s17 =	smov.u32 s25;
	(drf) =	srem.u32 s12, s16;
	s12 =	sld [smem:$0x7A5]  }
0x3fd: {  	vm15 =	vlt.s32 v43, v3;
	s25 =	smov.u32 s16;
	s6 =	sld [smem:$0x7A6];
	s16 =	spop (v2sf)  }
0x3fe: {  	[tilespmem:$0x8350] =	vst v9;
	v57 =	vor.u32 $0x1, v9;
	v59 =	vadd.s32 $0x2, v9;
	(v2sf) =	vpush v55, $0x1;
	(drf) =	srem.u32 s16, s2;
	s16 =	spop (v2sf)  }
0x3ff: {  	[tilespmem:$0x83D0] =	vst v57;
	v10 =	vmul.u32 $0x3, v56;
	v6 =	vsel vm15, v43, v8;
	(drf) =	srem.u32 s16, s10;
	v61 =	vmov s12  }
0x400: {  	[tilespmem:$0x8450] =	vst v59;
	(v2sf) =	vpush v55, $0x2;
	s16 =	spop (v2sf);
	v62 =	vsel vm0, s6, v61;
	s6 =	sld [smem:$0x7A7]  }
0x401: {  	[tilespmem:$0x8950] =	vst v10;
	v58 =	vadd.s32 $0x1, v10;
	(drf) =	srem.u32 s16, s11;
	s11 =	sld [smem:$0x7A8]  }
0x402: {  	v60 =	vadd.s32 $0x2, v10;
	(v2sf) =	vpush v55, $0x3;
	[tilespmem:$0x89D0] =	vst v58  }
0x403: {  	[tilespmem:$0x8A50] =	vst v60;
	s2 =	sld [smem:$0x7A9];
	s12 =	simm.s32 $0x4010;
	s10 =	spop (v2sf);
	v8 =	vsel vm1, s6, v62  }
0x404: {  	(v2sf) =	vpush v55, $0x4;
	v6 =	vld.idx.msk [tilespmem:v6+s12+$0x0], $0xffff;
	(drf) =	srem.u32 s10, s31;
	s12 =	spop (v2sf);
	v8 =	vsel vm2, s11, v8  }
0x405: {  	(v2sf) =	vpush v55, $0x5;
	s10 =	sld [smem:$0x7AB];
	s16 =	spop (v2sf);
	v8 =	vsel vm3, s5, v8  }
0x406: {  	(drf) =	srem.u32 s12, s23;
	v8 =	vsel vm4, s15, v8;
	s15 =	spop (drf)  }
0x407: {  	(v2sf) =	vpush v55, $0x6;
	s5 =	sld [smem:$0x7AA];
	v8 =	vsel vm5, s13, v8;
	s13 =	spop (drf)  }
0x408: {  	(v2sf) =	vpush v55, $0x7;
	(drf) =	srem.u32 s16, s26;
	v8 =	vsel vm6, s2, v8;
	s12 =	spop (drf)  }
0x409: {  	s26 =	sld [smem:$0x7AC];
	v8 =	vsel vm7, s3, v8;
	s11 =	spop (drf)  }
0x40a: {  	(v2sf) =	vpush v55, $0x8;
	s2 =	sld [smem:$0x7AD];
	v8 =	vsel vm8, s5, v8;
	s16 =	spop (drf)  }
0x40b: {  	s3 =	sld [smem:$0x7AE];
	v8 =	vsel vm9, s10, v8;
	s10 =	spop (drf)  }
0x40c: {  	(v2sf) =	vpush v55, $0x9;
	v8 =	vsel vm10, s26, v8;
	s5 =	spop (drf)  }
0x40d: {  	(v2sf) =	vpush v55, $0xA;
	s6 =	simm.s32 $0x0;
	s26 =	spop (v2sf);
	v8 =	vsel vm11, s2, v8  }
0x40e: {  	v63 =	vld.idx.msk [tilespmem:v6+s6+$0x0], $0xffff;
	s6 =	spop (drf);
	(drf) =	srem.u32 s26, s20;
	v8 =	vsel vm12, s3, v8  }
0x40f: {  	v6 =	vadd.s32 v0, v6;
	s2 =	spop (v2sf);
	v8 =	vsel vm13, s21, v8;
	s21 =	smov.u32 s20;
	s20 =	sld [smem:$0x7AF]  }
0x410: {  	v6 =	vmul.u32 $0x6, v6;
	s1 =	spop (drf)  }
0x411: {  	vm15 =	vlt.s32 v4, v3;
	s26 =	spop (v2sf)  }
0x412: {  	[tilespmem:$0x8360] =	vst v6;
	v12 =	vor.u32 $0x1, v6;
	v6 =	vadd.s32 $0x2, v6;
	s3 =	spop (drf);
	v8 =	vsel vm14, s7, v8;
	(drf) =	srem.u32 s2, s20  }
0x413: {  	[tilespmem:$0x83E0] =	vst v12;
	(v2sf) =	vpush v55, $0xB;
	v9 =	vmul.u32 $0x3, v63;
	v4 =	vsel vm15, v4, v8;
	s2 =	spop (v2sf);
	(drf) =	srem.u32 s26, s24  }
0x414: {  	[tilespmem:$0x8460] =	vst v6;
	s26 =	spop (v2sf);
	(drf) =	srem.u32 s2, s22  }
0x415: {  	v15 =	vmov s9;
	(v2sf) =	vpush v55, $0xC;
	[tilespmem:$0x8960] =	vst v9;
	v13 =	vadd.s32 $0x1, v9;
	(drf) =	srem.u32 s26, s0;
	s26 =	sld [smem:$0x7B0]  }
0x416: {  	v16 =	vsel vm0, s8, v15;
	s8 =	sld [smem:$0x7FC];
	v14 =	vadd.s32 $0x2, v9;
	[tilespmem:$0x89E0] =	vst v13;
	s2 =	spop (v2sf)  }
0x417: {  	s9 =	simm.s32 $0x4010;
	[tilespmem:$0x8A60] =	vst v14;
	s0 =	spop (v2sf)  }
0x418: {  	v17 =	vld.idx.msk [tilespmem:v4+s9+$0x0], $0xffff;
	v4 =	vsel vm1, s19, v16;
	s7 =	spop (drf);
	(drf) =	srem.u32 s2, s26  }
0x419: {  	(v2sf) =	vpush v55, $0xD;
	s9 =	sadd.s32 $0xFFFFFFA0, s8;
	v6 =	vsel vm2, s14, v4;
	s2 =	spop (v2sf);
	(drf) =	srem.u32 s0, s29  }
0x41a: {  	(v2sf) =	vpush v55, $0xE;
	v4 =	vor.u32 s9, v2;
	v6 =	vsel vm3, s4, v6;
	(drf) =	srem.u32 s2, s17;
	s2 =	sld [smem:$0x7B1]  }
0x41b: {  	(v2sf) =	vpush v4, $0x0;
	s19 =	spop (v2sf);
	v6 =	vsel vm4, s28, v6  }
0x41c: {  	s0 =	spop (v2sf);
	v6 =	vsel vm5, s30, v6  }
0x41d: {  	(drf) =	srem.u32 s19, s18;
	s8 =	spop (drf);
	v6 =	vsel vm6, s2, v6  }
0x41e: {  	(v2sf) =	vpush v4, $0xF;
	(drf) =	srem.u32 s0, s25;
	s9 =	spop (drf);
	v6 =	vsel vm7, s15, v6  }
0x41f: {  	(v2sf) =	vpush v4, $0x1;
	s14 =	spop (drf);
	v6 =	vsel vm8, s13, v6  }
0x420: {  	s4 =	simm.s32 $0x0;
	(v2sf) =	vpush v4, $0x2;
	s13 =	spop (drf);
	v6 =	vsel vm9, s12, v6  }
0x421: {  	(v2sf) =	vpush v4, $0x3;
	v18 =	vld.idx.msk [tilespmem:v17+s4+$0x0], $0xffff;
	s12 =	spop (drf);
	v6 =	vsel vm10, s11, v6  }
0x422: {  	v8 =	vadd.s32 v0, v17;
	(v2sf) =	vpush v4, $0x4;
	s11 =	spop (v2sf);
	v6 =	vsel vm11, s16, v6  }
0x423: {  	[smem:$0x7B6] =	sst s18;
	v8 =	vmul.u32 $0x6, v8;
	s4 =	spop (drf);
	v6 =	vsel vm12, s10, v6  }
0x424: {  	s28 =	sld [smem:$0x7B2];
	s15 =	spop (v2sf);
	v6 =	vsel vm13, s5, v6  }
0x425: {  	vm15 =	vlt.s32 v5, v3;
	[tilespmem:$0x8370] =	vst v8;
	v19 =	vor.u32 $0x1, v8;
	s0 =	spop (drf);
	s10 =	sld [smem:$0x7B3];
	v6 =	vsel vm14, s6, v6  }
0x426: {  	s30 =	sld [smem:$0x7B7];
	v21 =	vadd.s32 $0x2, v8;
	[tilespmem:$0x83F0] =	vst v19;
	v9 =	vmul.u32 $0x3, v18;
	s2 =	spop (drf);
	v5 =	vsel vm15, v5, v6  }
0x427: {  	[tilespmem:$0x8470] =	vst v21;
	s5 =	spop (drf);
	(drf) =	srem.u32 s11, s28  }
0x428: {  	s16 =	spop (v2sf);
	[tilespmem:$0x8970] =	vst v9;
	v20 =	vadd.s32 $0x1, v9;
	(drf) =	srem.u32 s15, s10  }
0x429: {  	s19 =	smov.u32 s18;
	s18 =	spop (v2sf);
	v22 =	vadd.s32 $0x2, v9;
	[tilespmem:$0x89F0] =	vst v20;
	(drf) =	srem.u32 s16, s30  }
0x42a: {  	[tilespmem:$0x8A70] =	vst v22;
	s15 =	spop (v2sf);
	(drf) =	srem.u32 s18, s31;
	s18 =	simm.s32 $0x4010  }
0x42b: {  	(drf) =	srem.u32 s15, s23;
	s15 =	sld [smem:$0x7B4];
	v5 =	vld.idx.msk [tilespmem:v5+s18+$0x0], $0xffff  }
0x42c: {  	_ = 	snop  }
0x42d: {  	s11 =	smov.u32 s31;
	s16 =	spop (v2sf)  }
0x42e: {  	v23 =	vmov s3;
	s31 =	smov.u32 s23;
	s23 =	spop (v2sf);
	(drf) =	srem.u32 s16, s15  }
0x42f: {  	v24 =	vsel vm0, s1, v23;
	s3 =	spop (v2sf);
	(drf) =	srem.u32 s23, s21  }
0x430: {  	v6 =	vsel vm1, s7, v24;
	s6 =	spop (v2sf);
	(drf) =	srem.u32 s3, s20  }
0x431: {  	v6 =	vsel vm2, s8, v6;
	s8 =	smov.u32 s22;
	s7 =	spop (v2sf);
	(drf) =	srem.u32 s6, s24  }
0x432: {  	(v2sf) =	vpush v4, $0x5;
	v6 =	vsel vm3, s9, v6;
	s9 =	spop (drf);
	(drf) =	srem.u32 s7, s22;
	s22 =	simm.s32 $0x0  }
0x433: {  	(v2sf) =	vpush v4, $0x6;
	v25 =	vld.idx.msk [tilespmem:v5+s22+$0x0], $0xffff  }
0x434: {  	(v2sf) =	vpush v4, $0x7  }
0x435: {  	(v2sf) =	vpush v4, $0x8;
	v6 =	vsel vm4, s14, v6  }
0x436: {  	(v2sf) =	vpush v4, $0x9;
	v6 =	vsel vm5, s13, v6;
	s14 =	spop (drf);
	v5 =	vadd.s32 v0, v5  }
0x437: {  	(v2sf) =	vpush v4, $0xA;
	v6 =	vsel vm6, s12, v6;
	s16 =	spop (drf);
	v5 =	vmul.u32 $0x6, v5  }
0x438: {  	(v2sf) =	vpush v4, $0xB;
	s18 =	smov.u32 s21;
	v6 =	vsel vm7, s4, v6;
	s21 =	spop (drf);
	v8 =	vmul.u32 $0x3, v25  }
0x439: {  	v6 =	vsel vm8, s0, v6;
	s0 =	spop (drf);
	[tilespmem:$0x8380] =	vst v5;
	v26 =	vor.u32 $0x1, v5;
	v5 =	vadd.s32 $0x2, v5  }
0x43a: {  	(v2sf) =	vpush v4, $0xC;
	s23 =	spop (drf);
	[tilespmem:$0x8480] =	vst v5;
	v5 =	vadd.s32 $0x2, v8  }
0x43b: {  	(v2sf) =	vpush v4, $0xD;
	v6 =	vsel vm9, s2, v6;
	[tilespmem:$0x8A80] =	vst v5;
	v5 =	vmov s23  }
0x43c: {  	(v2sf) =	vpush v4, $0xE;
	v6 =	vsel vm10, s5, v6;
	s5 =	spop (drf);
	v5 =	vsel vm0, s0, v5  }
0x43d: {  	s3 =	spop (drf);
	v5 =	vsel vm1, s5, v5  }
0x43e: {  	s1 =	spop (drf);
	v5 =	vsel vm2, s3, v5  }
0x43f: {  	v6 =	vsel vm11, s9, v6;
	s7 =	sld [smem:$0x7C0];
	s9 =	spop (drf);
	v5 =	vsel vm3, s1, v5  }
0x440: {  	v5 =	vsel vm4, s9, v5;
	s9 =	sld [smem:$0x7FC];
	_ =	sdelay $0x1  }
0x441: {  	s12 =	spop (v2sf)  }
0x442: {  	s13 =	spop (v2sf);
	(drf) =	srem.u32 s12, s7;
	s1 =	sadd.s32 $0xFFFFFFB0, s9  }
0x443: {  	v6 =	vsel vm12, s14, v6;
	s14 =	spop (v2sf);
	(drf) =	srem.u32 s13, s26;
	v28 =	vor.u32 s1, v2  }
0x444: {  	v6 =	vsel vm13, s16, v6;
	s16 =	spop (v2sf);
	(drf) =	srem.u32 s14, s29;
	(v2sf) =	vpush v28, $0x0  }
0x445: {  	(drf) =	srem.u32 s16, s17;
	s16 =	smov.u32 s17;
	s17 =	spop (v2sf);
	(v2sf) =	vpush v28, $0xF  }
0x446: {  	(drf) =	srem.u32 s17, s19;
	s22 =	spop (v2sf);
	(v2sf) =	vpush v28, $0x1  }
0x447: {  	v6 =	vsel vm14, s21, v6;
	s21 =	smov.u32 s26;
	(drf) =	srem.u32 s22, s25;
	s26 =	spop (v2sf);
	(v2sf) =	vpush v28, $0x2  }
0x448: {  	vm15 =	vlt.s32 v55, v3;
	(drf) =	srem.u32 s26, s28;
	s29 =	spop (v2sf);
	(v2sf) =	vpush v28, $0x3  }
0x449: {  	v6 =	vsel vm15, v55, v6;
	(drf) =	srem.u32 s29, s10;
	s2 =	spop (v2sf);
	(v2sf) =	vpush v28, $0x4  }
0x44a: {  	s3 =	spop (v2sf);
	(v2sf) =	vpush v28, $0x5  }
0x44b: {  	[tilespmem:$0x8400] =	vst v26;
	s4 =	spop (drf)  }
0x44c: {  	[tilespmem:$0x8980] =	vst v8;
	v27 =	vadd.s32 $0x1, v8;
	s5 =	spop (drf)  }
0x44d: {  	[tilespmem:$0x8A00] =	vst v27;
	s23 =	simm.s32 $0x4010;
	s6 =	spop (drf)  }
0x44e: {  	v6 =	vld.idx.msk [tilespmem:v6+s23+$0x0], $0xffff;
	s23 =	smov.u32 s10;
	s10 =	spop (drf)  }
0x44f: {  	s12 =	spop (drf)  }
0x450: {  	s13 =	spop (drf);
	(v2sf) =	vpush v28, $0x6  }
0x451: {  	(drf) =	srem.u32 s2, s30;
	v5 =	vsel vm5, s4, v5;
	s14 =	spop (drf);
	(v2sf) =	vpush v28, $0x7  }
0x452: {  	(drf) =	srem.u32 s3, s11;
	v5 =	vsel vm6, s5, v5;
	s17 =	spop (drf)  }
0x453: {  	v5 =	vsel vm7, s6, v5;
	s29 =	spop (v2sf)  }
0x454: {  	v5 =	vsel vm8, s10, v5;
	s30 =	spop (v2sf)  }
0x455: {  	v5 =	vsel vm9, s12, v5;
	s1 =	spop (v2sf)  }
0x456: {  	s11 =	simm.s32 $0x0;
	v5 =	vsel vm10, s13, v5;
	s2 =	spop (v2sf)  }
0x457: {  	v29 =	vld.idx.msk [tilespmem:v6+s11+$0x0], $0xffff;
	v5 =	vsel vm11, s14, v5;
	s14 =	sld [smem:$0x7FC];
	s3 =	spop (v2sf)  }
0x458: {  	v6 =	vadd.s32 v0, v6;
	(drf) =	srem.u32 s29, s31;
	s5 =	spop (v2sf)  }
0x459: {  	v6 =	vmul.u32 $0x6, v6;
	(drf) =	srem.u32 s30, s15;
	s6 =	spop (v2sf);
	(v2sf) =	vpush v28, $0x8  }
0x45a: {  	vm15 =	vlt.s32 v4, v3;
	v5 =	vsel vm12, s17, v5;
	s19 =	spop (drf);
	(drf) =	srem.u32 s1, s18;
	(v2sf) =	vpush v28, $0x9  }
0x45b: {  	s22 =	smov.u32 s25;
	v30 =	vor.u32 $0x1, v6;
	v5 =	vsel vm13, s19, v5;
	s25 =	spop (drf);
	(drf) =	srem.u32 s2, s20;
	(v2sf) =	vpush v28, $0xA  }
0x45c: {  	[tilespmem:$0x8490] =	vst v6;
	v8 =	vmul.u32 $0x3, v29;
	v5 =	vsel vm14, s25, v5;
	(drf) =	srem.u32 s3, s24;
	(v2sf) =	vpush v28, $0xB  }
0x45d: {  	[tilespmem:$0x8510] =	vst v30;
	v4 =	vsel vm15, v4, v5;
	(drf) =	srem.u32 s5, s8;
	(v2sf) =	vpush v28, $0xC  }
0x45e: {  	[tilespmem:$0x8A90] =	vst v8;
	s0 =	sadd.s32 $0xFFFFFFC0, s14;
	v5 =	vadd.s32 $0x1, v8;
	(drf) =	srem.u32 s6, s7;
	(v2sf) =	vpush v28, $0xD  }
0x45f: {  	v33 =	vor.u32 s0, v2;
	[tilespmem:$0x8B10] =	vst v5;
	v5 =	vadd.s32 $0x2, v6;
	s0 =	spop (v2sf);
	(v2sf) =	vpush v28, $0xE  }
0x460: {  	[tilespmem:$0x8590] =	vst v5;
	v5 =	vadd.s32 $0x2, v8;
	s1 =	spop (v2sf);
	(v2sf) =	vpush v33, $0x0  }
0x461: {  	s26 =	smov.u32 s28;
	s28 =	simm.s32 $0x4010;
	[tilespmem:$0x8B90] =	vst v5;
	s7 =	spop (drf);
	(v2sf) =	vpush v33, $0xF  }
0x462: {  	v4 =	vld.idx.msk [tilespmem:v4+s28+$0x0], $0xffff;
	s8 =	spop (drf);
	(v2sf) =	vpush v33, $0x1  }
0x463: {  	s9 =	spop (drf);
	(v2sf) =	vpush v33, $0x2  }
0x464: {  	s10 =	spop (drf);
	(v2sf) =	vpush v33, $0x3  }
0x465: {  	s11 =	spop (drf);
	(v2sf) =	vpush v33, $0x4  }
0x466: {  	s12 =	spop (drf);
	(v2sf) =	vpush v33, $0x5  }
0x467: {  	s13 =	spop (drf);
	(v2sf) =	vpush v33, $0x6  }
0x468: {  	s2 =	spop (v2sf);
	(v2sf) =	vpush v33, $0x7  }
0x469: {  	s4 =	simm.s32 $0x0;
	(v2sf) =	vpush v33, $0x8;
	s3 =	spop (v2sf)  }
0x46a: {  	v5 =	vld.idx.msk [tilespmem:v4+s4+$0x0], $0xffff;
	(v2sf) =	vpush v33, $0x9;
	s4 =	spop (v2sf)  }
0x46b: {  	s17 =	smov.u32 s18;
	s18 =	sld [smem:$0x7FC];
	(v2sf) =	vpush v33, $0xA;
	s28 =	spop (v2sf)  }
0x46c: {  	[smem:$0x7BA] =	sst s7;
	(v2sf) =	vpush v33, $0xB;
	s5 =	spop (v2sf)  }
0x46d: {  	[smem:$0x7C1] =	sst s12;
	(v2sf) =	vpush v33, $0xC;
	s12 =	spop (v2sf)  }
0x46e: {  	s7 =	sadd.s32 $0xFFFFFFD0, s18;
	[smem:$0x7BD] =	sst s10;
	(v2sf) =	vpush v33, $0xD;
	s10 =	spop (v2sf)  }
0x46f: {  	v34 =	vor.u32 s7, v2;
	[smem:$0x7BC] =	sst s9;
	(v2sf) =	vpush v33, $0xE;
	s9 =	spop (v2sf)  }
0x470: {  	(v2sf) =	vpush v34, $0x0;
	s7 =	spop (v2sf)  }
0x471: {  	[smem:$0x7B9] =	sst s8;
	(v2sf) =	vpush v34, $0xF;
	s8 =	spop (v2sf)  }
0x472: {  	[smem:$0x7BF] =	sst s11;
	(v2sf) =	vpush v34, $0x1;
	s11 =	spop (v2sf)  }
0x473: {  	[smem:$0x7C2] =	sst s13;
	(v2sf) =	vpush v34, $0x2;
	s13 =	spop (v2sf)  }
0x474: {  	(v2sf) =	vpush v34, $0x3;
	s14 =	spop (v2sf)  }
0x475: {  	(v2sf) =	vpush v34, $0x4;
	s30 =	spop (v2sf)  }
0x476: {  	(v2sf) =	vpush v34, $0x5;
	s25 =	spop (v2sf)  }
0x477: {  	(v2sf) =	vpush v34, $0x6;
	s18 =	spop (v2sf)  }
0x478: {  	s29 =	smov.u32 s15;
	s15 =	smov.u32 s20;
	(v2sf) =	vpush v34, $0x7;
	s20 =	spop (v2sf)  }
0x479: {  	s6 =	sld [smem:$0x7FC];
	(v2sf) =	vpush v34, $0x8;
	s19 =	spop (v2sf)  }
0x47a: {  	v4 =	vadd.s32 v0, v4;
	[smem:$0x7C3] =	sst s19;
	(v2sf) =	vpush v34, $0x9;
	s24 =	spop (v2sf)  }
0x47b: {  	v4 =	vmul.u32 $0x6, v4;
	[smem:$0x7C4] =	sst s24;
	(v2sf) =	vpush v34, $0xA;
	s19 =	spop (v2sf)  }
0x47c: {  	v5 =	vmul.u32 $0x3, v5;
	[smem:$0x7C5] =	sst s19;
	(v2sf) =	vpush v34, $0xB;
	s24 =	spop (v2sf)  }
0x47d: {  	[tilespmem:$0x84A0] =	vst v4;
	v31 =	vor.u32 $0x1, v4;
	v4 =	vadd.s32 $0x2, v4;
	[smem:$0x7C6] =	sst s24;
	(v2sf) =	vpush v34, $0xC;
	s19 =	spop (v2sf)  }
0x47e: {  	[tilespmem:$0x85A0] =	vst v4;
	v32 =	vadd.s32 $0x1, v5;
	[smem:$0x7C7] =	sst s19;
	(v2sf) =	vpush v34, $0xD;
	s24 =	spop (v2sf);
	s19 =	sadd.s32 $0xFFFFFFE0, s6  }
0x47f: {  	[tilespmem:$0x8AA0] =	vst v5;
	v4 =	vadd.s32 $0x2, v5;
	[smem:$0x7C8] =	sst s24;
	v5 =	vor.u32 s19, v2;
	(v2sf) =	vpush v34, $0xE;
	s24 =	spop (v2sf)  }
0x480: {  	(v2sf) =	vpush v5, $0x0;
	s19 =	spop (v2sf)  }
0x481: {  	[smem:$0x7C9] =	sst s24;
	(v2sf) =	vpush v5, $0xF;
	s24 =	spop (v2sf)  }
0x482: {  	[smem:$0x7CA] =	sst s19;
	(v2sf) =	vpush v5, $0x1;
	s19 =	spop (v2sf)  }
0x483: {  	[smem:$0x7CB] =	sst s24;
	(v2sf) =	vpush v5, $0x2;
	s24 =	spop (v2sf)  }
0x484: {  	[smem:$0x7CC] =	sst s19;
	s19 =	spop (v2sf)  }
0x485: {  	[smem:$0x7CD] =	sst s24;
	s24 =	spop (v2sf)  }
0x486: {  	(v2sf) =	vpush v5, $0x3;
	[smem:$0x7CE] =	sst s19;
	s19 =	spop (v2sf)  }
0x487: {  	[smem:$0x7CF] =	sst s24;
	s24 =	spop (v2sf)  }
0x488: {  	(v2sf) =	vpush v5, $0x4;
	[smem:$0x7D0] =	sst s19;
	s19 =	spop (v2sf)  }
0x489: {  	[smem:$0x7D1] =	sst s24;
	s24 =	spop (v2sf)  }
0x48a: {  	[smem:$0x7D2] =	sst s19;
	s19 =	spop (v2sf)  }
0x48b: {  	[smem:$0x7D3] =	sst s24;
	s24 =	spop (v2sf)  }
0x48c: {  	[smem:$0x7D4] =	sst s19;
	s19 =	spop (v2sf)  }
0x48d: {  	[smem:$0x7D5] =	sst s24;
	s24 =	spop (v2sf)  }
0x48e: {  	(v2sf) =	vpush v5, $0x5;
	[smem:$0x7D6] =	sst s19;
	s19 =	spop (v2sf)  }
0x48f: {  	(v2sf) =	vpush v5, $0x6;
	[smem:$0x7D7] =	sst s24;
	s24 =	spop (v2sf)  }
0x490: {  	[smem:$0x7D8] =	sst s19;
	s19 =	spop (v2sf)  }
0x491: {  	(v2sf) =	vpush v5, $0x7;
	[smem:$0x7D9] =	sst s24;
	s24 =	spop (v2sf)  }
0x492: {  	(v2sf) =	vpush v5, $0x8;
	[smem:$0x7DA] =	sst s19;
	s19 =	spop (v2sf)  }
0x493: {  	[smem:$0x7DC] =	sst s19  }
0x494: {  	s19 =	sld [smem:$0x7B5]  }
0x495: {  	(v2sf) =	vpush v5, $0x9;
	[smem:$0x7DB] =	sst s24;
	s24 =	spop (v2sf)  }
0x496: {  	[tilespmem:$0x8520] =	vst v31;
	(drf) =	srem.u32 s0, s21;
	(v2sf) =	vpush v5, $0xA;
	[smem:$0x7DD] =	sst s24  }
0x497: {  	[tilespmem:$0x8B20] =	vst v32;
	(v2sf) =	vpush v5, $0xB;
	(drf) =	srem.u32 s1, s19;
	s1 =	spop (v2sf)  }
0x498: {  	[tilespmem:$0x8BA0] =	vst v4;
	(v2sf) =	vpush v5, $0xC;
	(drf) =	srem.u32 s2, s16;
	[smem:$0x7DE] =	sst s1  }
0x499: {  	(v2sf) =	vpush v5, $0xD  }
0x49a: {  	s6 =	smov.u32 s16;
	s16 =	sld [smem:$0x7FC];
	_ =	sdelay $0x2  }
0x49b: {  	s2 =	spop (v2sf);
	s0 =	sadd.s32 $0xFFFFFFF0, s16;
	s16 =	sld [smem:$0x7B6]  }
0x49c: {  	[smem:$0x7DF] =	sst s2;
	s24 =	spop (v2sf)  }
0x49d: {  	[smem:$0x7E0] =	sst s24  }
0x49e: {  	s1 =	spop (v2sf);
	(drf) =	srem.u32 s3, s16  }
0x49f: {  	s2 =	spop (v2sf);
	(drf) =	srem.u32 s4, s22  }
0x4a0: {  	(drf) =	srem.u32 s28, s26;
	s28 =	sld [smem:$0x7B7]  }
0x4a1: {  	[smem:$0x7E1] =	sst s1;
	v4 =	vor.u32 s0, v2;
	s0 =	spop (drf)  }
0x4a2: {  	s3 =	spop (v2sf);
	(drf) =	srem.u32 s5, s23  }
0x4a3: {  	(drf) =	srem.u32 s12, s28;
	s12 =	sld [smem:$0x7B8]  }
0x4a4: {  	[smem:$0x7E2] =	sst s2;
	s1 =	spop (drf)  }
0x4a5: {  	(v2sf) =	vpush v5, $0xE;
	[smem:$0x7E3] =	sst s3;
	s4 =	spop (v2sf)  }
0x4a6: {  	(v2sf) =	vpush v4, $0x0;
	s2 =	spop (drf);
	(drf) =	srem.u32 s10, s12  }
0x4a7: {  	s5 =	spop (v2sf);
	(drf) =	srem.u32 s9, s31  }
0x4a8: {  	s9 =	sld [smem:$0x7B9];
	(drf) =	srem.u32 s7, s29  }
0x4a9: {  	s24 =	smov.u32 s17;
	(drf) =	srem.u32 s8, s17;
	s17 =	sld [smem:$0x7BA]  }
0x4aa: {  	[smem:$0x7E4] =	sst s4;
	s3 =	spop (drf)  }
0x4ab: {  	[smem:$0x7E5] =	sst s5;
	s4 =	spop (drf);
	v35 =	vmov s9  }
0x4ac: {  	s5 =	spop (drf);
	v9 =	vsel vm0, s17, v35;
	s17 =	sld [smem:$0x7BB]  }
0x4ad: {  	s10 =	smov.u32 s29;
	s29 =	spop (drf);
	(drf) =	srem.u32 s11, s15  }
0x4ae: {  	s11 =	spop (v2sf);
	s9 =	sld [smem:$0x7BC]  }
0x4af: {  	(drf) =	srem.u32 s13, s17;
	s13 =	sld [smem:$0x7BD]  }
0x4b0: {  	(v2sf) =	vpush v4, $0xF;
	[smem:$0x7E6] =	sst s11;
	s8 =	spop (v2sf)  }
0x4b1: {  	[smem:$0x7E7] =	sst s8;
	v9 =	vsel vm1, s9, v9  }
0x4b2: {  	v9 =	vsel vm2, s13, v9;
	s13 =	sld [smem:$0x7BE]  }
0x4b3: {  	s8 =	sld [smem:$0x7BF]  }
0x4b4: {  	(v2sf) =	vpush v4, $0x1;
	s11 =	spop (v2sf);
	s9 =	sld [smem:$0x7C1]  }
0x4b5: {  	(v2sf) =	vpush v4, $0x2;
	(drf) =	srem.u32 s14, s13;
	s14 =	spop (v2sf)  }
0x4b6: {  	[smem:$0x7E9] =	sst s14  }
0x4b7: {  	s14 =	sld [smem:$0x7C0]  }
0x4b8: {  	s7 =	spop (drf);
	[smem:$0x7E8] =	sst s11  }
0x4b9: {  	s11 =	sld [smem:$0x7C2];
	v9 =	vsel vm3, s8, v9;
	s8 =	spop (drf)  }
0x4ba: {  	v9 =	vsel vm4, s9, v9;
	s9 =	sld [smem:$0x7C4];
	(drf) =	srem.u32 s30, s14  }
0x4bb: {  	(drf) =	srem.u32 s25, s21;
	s25 =	spop (drf)  }
0x4bc: {  	(v2sf) =	vpush v4, $0x3;
	v9 =	vsel vm5, s11, v9;
	(drf) =	srem.u32 s18, s19;
	s18 =	sld [smem:$0x7C5]  }
0x4bd: {  	s11 =	smov.u32 s19;
	v9 =	vsel vm6, s0, v9;
	s0 =	spop (drf);
	s19 =	sld [smem:$0x7C6]  }
0x4be: {  	v9 =	vsel vm7, s1, v9;
	s30 =	smov.u32 s21;
	s1 =	spop (drf);
	(drf) =	srem.u32 s20, s6  }
0x4bf: {  	(v2sf) =	vpush v4, $0x4;
	v9 =	vsel vm8, s2, v9;
	s21 =	smov.u32 s6;
	s20 =	spop (v2sf);
	s6 =	sld [smem:$0x7C3]  }
0x4c0: {  	v9 =	vsel vm9, s3, v9;
	s2 =	spop (drf);
	[smem:$0x7EA] =	sst s20  }
0x4c1: {  	v9 =	vsel vm10, s4, v9;
	s20 =	sld [smem:$0x7C7];
	s3 =	spop (drf)  }
0x4c2: {  	v9 =	vsel vm11, s5, v9;
	(drf) =	srem.u32 s6, s16;
	s4 =	spop (drf)  }
0x4c3: {  	v9 =	vsel vm12, s29, v9;
	s29 =	smov.u32 s22;
	(drf) =	srem.u32 s9, s22;
	s22 =	spop (v2sf)  }
0x4c4: {  	s9 =	smov.u32 s26;
	(drf) =	srem.u32 s18, s26;
	s26 =	spop (v2sf)  }
0x4c5: {  	(v2sf) =	vpush v4, $0x5;
	[smem:$0x7EB] =	sst s22;
	s5 =	spop (drf)  }
0x4c6: {  	[smem:$0x7EC] =	sst s26;
	s6 =	spop (drf)  }
0x4c7: {  	v9 =	vsel vm13, s7, v9;
	s18 =	smov.u32 s23;
	(drf) =	srem.u32 s19, s23;
	s23 =	sld [smem:$0x7C8]  }
0x4c8: {  	vm15 =	vlt.s32 v28, v3;
	v36 =	vmov s0;
	v9 =	vsel vm14, s8, v9;
	s26 =	sld [smem:$0x7CB]  }
0x4c9: {  	v7 =	vsel vm15, v28, v9;
	v9 =	vsel vm0, s25, v36;
	s7 =	spop (drf);
	(drf) =	srem.u32 s20, s28  }
0x4ca: {  	v9 =	vsel vm1, s1, v9;
	s20 =	sld [smem:$0x7C9];
	(drf) =	srem.u32 s23, s12  }
0x4cb: {  	(v2sf) =	vpush v4, $0x6;
	v9 =	vsel vm2, s2, v9;
	s19 =	smov.u32 s12;
	s12 =	spop (v2sf);
	s23 =	sld [smem:$0x7CA]  }
0x4cc: {  	v9 =	vsel vm3, s3, v9;
	[smem:$0x7ED] =	sst s12  }
0x4cd: {  	v9 =	vsel vm4, s4, v9;
	(drf) =	srem.u32 s20, s31;
	s12 =	sld [smem:$0x7CC]  }
0x4ce: {  	(v2sf) =	vpush v4, $0x7;
	v9 =	vsel vm5, s5, v9;
	s22 =	spop (v2sf);
	s20 =	sld [smem:$0x7CD]  }
0x4cf: {  	s0 =	spop (drf);
	v9 =	vsel vm6, s6, v9;
	[smem:$0x7EE] =	sst s22  }
0x4d0: {  	v9 =	vsel vm7, s7, v9;
	s22 =	smov.u32 s10;
	s8 =	spop (drf);
	(drf) =	srem.u32 s23, s10  }
0x4d1: {  	(v2sf) =	vpush v4, $0x8;
	v9 =	vsel vm8, s0, v9;
	s10 =	simm.s32 $0x4010;
	s1 =	spop (drf);
	(drf) =	srem.u32 s26, s24  }
0x4d2: {  	v9 =	vsel vm9, s8, v9;
	v7 =	vld.idx.msk [tilespmem:v7+s10+$0x0], $0xffff;
	s2 =	spop (drf);
	s10 =	sld [smem:$0x7CE]  }
0x4d3: {  	v9 =	vsel vm10, s1, v9;
	(drf) =	srem.u32 s12, s15;
	s12 =	sld [smem:$0x7CF]  }
0x4d4: {  	(v2sf) =	vpush v4, $0x9;
	s25 =	spop (v2sf);
	v9 =	vsel vm11, s2, v9;
	s2 =	sld [smem:$0x7D2]  }
0x4d5: {  	s3 =	spop (drf);
	(drf) =	srem.u32 s20, s17  }
0x4d6: {  	[smem:$0x7EF] =	sst s25;
	s4 =	spop (drf)  }
0x4d7: {  	s26 =	smov.u32 s17;
	(drf) =	srem.u32 s10, s13;
	v9 =	vsel vm12, s3, v9;
	s3 =	sld [smem:$0x7D5]  }
0x4d8: {  	s17 =	smov.u32 s14;
	(drf) =	srem.u32 s12, s14;
	s14 =	sld [smem:$0x7D0]  }
0x4d9: {  	s23 =	smov.u32 s15;
	s12 =	sld [smem:$0x7D3];
	s5 =	spop (drf)  }
0x4da: {  	s15 =	smov.u32 s30;
	v9 =	vsel vm13, s4, v9;
	s4 =	sld [smem:$0x7D6];
	s10 =	spop (v2sf)  }
0x4db: {  	s25 =	smov.u32 s13;
	s6 =	spop (drf);
	(drf) =	srem.u32 s14, s30  }
0x4dc: {  	s13 =	simm.s32 $0x0;
	s30 =	sld [smem:$0x7D1];
	s0 =	spop (drf)  }
0x4dd: {  	[smem:$0x7F0] =	sst s10;
	v37 =	vld.idx.msk [tilespmem:v7+s13+$0x0], $0xffff;
	s13 =	spop (v2sf)  }
0x4de: {  	(v2sf) =	vpush v4, $0xA;
	v9 =	vsel vm14, s5, v9;
	s5 =	sld [smem:$0x7D7];
	s7 =	spop (drf)  }
0x4df: {  	s8 =	smov.u32 s11;
	(drf) =	srem.u32 s30, s11;
	s11 =	spop (drf)  }
0x4e0: {  	v7 =	vadd.s32 v0, v7;
	[smem:$0x7F1] =	sst s13;
	s14 =	spop (v2sf)  }
0x4e1: {  	v7 =	vmul.u32 $0x6, v7;
	(drf) =	srem.u32 s2, s21;
	[smem:$0x7F2] =	sst s14  }
0x4e2: {  	(v2sf) =	vpush v4, $0xB;
	v41 =	vmov s0;
	s30 =	smov.u32 s16;
	(drf) =	srem.u32 s12, s16;
	s16 =	sld [smem:$0x7D4]  }
0x4e3: {  	v42 =	vsel vm0, s6, v41;
	[tilespmem:$0x84B0] =	vst v7;
	v38 =	vor.u32 $0x1, v7;
	v7 =	vadd.s32 $0x2, v7;
	s2 =	spop (v2sf);
	s14 =	sld [smem:$0x7D8]  }
0x4e4: {  	[tilespmem:$0x85B0] =	vst v7;
	v7 =	vsel vm1, s7, v42;
	[smem:$0x7F3] =	sst s2  }
0x4e5: {  	(v2sf) =	vpush v4, $0xC;
	s2 =	spop (drf);
	v43 =	vsel vm2, s11, v7;
	s11 =	sld [smem:$0x7DA]  }
0x4e6: {  	vm15 =	vlt.s32 v33, v3;
	(drf) =	srem.u32 s16, s29;
	s16 =	sld [smem:$0x7FC]  }
0x4e7: {  	v8 =	vsel vm15, v33, v9;
	(v2sf) =	vpush v4, $0xD;
	v10 =	vmul.u32 $0x3, v37;
	(drf) =	srem.u32 s3, s9;
	s3 =	spop (drf)  }
0x4e8: {  	[tilespmem:$0x8530] =	vst v38;
	v9 =	vsel vm3, s2, v43;
	(drf) =	srem.u32 s4, s18;
	s4 =	sld [smem:$0x7D9]  }
0x4e9: {  	(v2sf) =	vpush v4, $0xE;
	[tilespmem:$0x8AB0] =	vst v10;
	v39 =	vadd.s32 $0x1, v10;
	v9 =	vsel vm4, s3, v9;
	s3 =	sld [smem:$0x7DD]  }
0x4ea: {  	s10 =	smov.u32 s9;
	v40 =	vadd.s32 $0x2, v10;
	[tilespmem:$0x8B30] =	vst v39;
	(drf) =	srem.u32 s5, s28;
	s5 =	spop (drf)  }
0x4eb: {  	[tilespmem:$0x8BB0] =	vst v40;
	s9 =	simm.s32 $0x4010;
	v44 =	vor.u32 s16, v2;
	s16 =	sld [smem:$0x7DC];
	s12 =	spop (drf)  }
0x4ec: {  	v8 =	vld.idx.msk [tilespmem:v8+s9+$0x0], $0xffff;
	(drf) =	srem.u32 s14, s19;
	s14 =	sld [smem:$0x7DB]  }
0x4ed: {  	s1 =	smov.u32 s19;
	s19 =	spop (v2sf);
	v9 =	vsel vm5, s5, v9;
	s5 =	sld [smem:$0x7DE]  }
0x4ee: {  	s13 =	spop (drf);
	[smem:$0x7F4] =	sst s19;
	v9 =	vsel vm6, s12, v9  }
0x4ef: {  	s6 =	spop (drf);
	v9 =	vsel vm7, s13, v9;
	s13 =	sld [smem:$0x7E0]  }
0x4f0: {  	(v2sf) =	vpush v44, $0x0;
	s7 =	spop (drf);
	(drf) =	srem.u32 s4, s31  }
0x4f1: {  	s4 =	spop (v2sf);
	(drf) =	srem.u32 s11, s22  }
0x4f2: {  	v9 =	vsel vm8, s6, v9;
	[smem:$0x7F5] =	sst s4;
	s9 =	spop (drf)  }
0x4f3: {  	s6 =	simm.s32 $0x0;
	v9 =	vsel vm9, s7, v9;
	(drf) =	srem.u32 s14, s24;
	s11 =	spop (drf)  }
0x4f4: {  	v45 =	vld.idx.msk [tilespmem:v8+s6+$0x0], $0xffff;
	s6 =	spop (v2sf);
	v9 =	vsel vm10, s9, v9;
	s9 =	sld [smem:$0x7DF]  }
0x4f5: {  	s14 =	spop (drf);
	(drf) =	srem.u32 s16, s23  }
0x4f6: {  	(v2sf) =	vpush v44, $0xF;
	s7 =	spop (v2sf);
	s16 =	sld [smem:$0x7E1]  }
0x4f7: {  	s19 =	spop (drf);
	(drf) =	srem.u32 s3, s26  }
0x4f8: {  	[smem:$0x7F6] =	sst s7;
	s7 =	spop (v2sf)  }
0x4f9: {  	(drf) =	srem.u32 s5, s25;
	s5 =	sld [smem:$0x7E3]  }
0x4fa: {  	s3 =	smov.u32 s17;
	(drf) =	srem.u32 s9, s17;
	s17 =	sld [smem:$0x7E2]  }
0x4fb: {  	s4 =	smov.u32 s15;
	(v2sf) =	vpush v44, $0x1;
	v9 =	vsel vm11, s11, v9;
	(drf) =	srem.u32 s13, s15;
	s15 =	spop (drf)  }
0x4fc: {  	v9 =	vsel vm12, s14, v9;
	(drf) =	srem.u32 s16, s8;
	s11 =	spop (drf)  }
0x4fd: {  	(v2sf) =	vpush v44, $0x2;
	v9 =	vsel vm13, s19, v9;
	(drf) =	srem.u32 s17, s21;
	s19 =	spop (drf)  }
0x4fe: {  	s17 =	sld [smem:$0x7E4];
	s13 =	spop (drf)  }
0x4ff: {  	v8 =	vadd.s32 v0, v8;
	(v2sf) =	vpush v44, $0x3;
	s9 =	smov.u32 s8;
	v49 =	vmov s19;
	s19 =	sld [smem:$0x7E5];
	s8 =	spop (v2sf)  }
0x500: {  	v8 =	vmul.u32 $0x6, v8;
	s14 =	spop (drf);
	[smem:$0x7F7] =	sst s8  }
0x501: {  	(drf) =	srem.u32 s5, s30;
	s5 =	sld [smem:$0x7E6]  }
0x502: {  	[tilespmem:$0x84C0] =	vst v8;
	v46 =	vor.u32 $0x1, v8;
	v8 =	vadd.s32 $0x2, v8;
	v50 =	vsel vm0, s11, v49;
	s8 =	sld [smem:$0x7E7]  }
0x503: {  	[tilespmem:$0x85C0] =	vst v8;
	v9 =	vsel vm14, s15, v9;
	v8 =	vsel vm1, s13, v50;
	s15 =	spop (drf);
	(drf) =	srem.u32 s17, s29  }
0x504: {  	v8 =	vsel vm2, s14, v8;
	s14 =	sld [smem:$0x7E9];
	s16 =	spop (drf)  }
0x505: {  	vm15 =	vlt.s32 v34, v3;
	(drf) =	srem.u32 s19, s10;
	s13 =	spop (v2sf)  }
0x506: {  	s2 =	smov.u32 s10;
	v10 =	vmul.u32 $0x3, v45;
	v6 =	vsel vm15, v34, v9;
	v8 =	vsel vm3, s15, v8;
	s10 =	sld [smem:$0x7E8];
	s12 =	spop (drf)  }
0x507: {  	[tilespmem:$0x8540] =	vst v46;
	(drf) =	srem.u32 s5, s18;
	[smem:$0x7F8] =	sst s13;
	v8 =	vsel vm4, s16, v8  }
0x508: {  	s0 =	smov.u32 s30;
	[tilespmem:$0x8AC0] =	vst v10;
	v47 =	vadd.s32 $0x1, v10;
	(v2sf) =	vpush v44, $0x4;
	s17 =	spop (drf);
	v8 =	vsel vm5, s12, v8;
	s12 =	sld [smem:$0x7EC]  }
0x509: {  	v48 =	vadd.s32 $0x2, v10;
	[tilespmem:$0x8B40] =	vst v47;
	s5 =	smov.u32 s18;
	s18 =	spop (drf);
	(drf) =	srem.u32 s8, s28  }
0x50a: {  	[tilespmem:$0x8BC0] =	vst v48;
	s30 =	simm.s32 $0x4010;
	s15 =	spop (v2sf);
	v8 =	vsel vm6, s17, v8;
	s17 =	sld [smem:$0x7EA]  }
0x50b: {  	v6 =	vld.idx.msk [tilespmem:v6+s30+$0x0], $0xffff;
	s19 =	spop (drf);
	(drf) =	srem.u32 s10, s1  }
0x50c: {  	[smem:$0x7F9] =	sst s15;
	s16 =	spop (v2sf)  }
0x50d: {  	s10 =	sld [smem:$0x7EB];
	(drf) =	srem.u32 s14, s31  }
0x50e: {  	[smem:$0x7FA] =	sst s16;
	s8 =	spop (v2sf)  }
0x50f: {  	(drf) =	srem.u32 s17, s22;
	[smem:$0x7FB] =	sst s8  }
0x510: {  	(v2sf) =	vpush v44, $0x5;
	v8 =	vsel vm7, s18, v8;
	s17 =	sld [smem:$0x7ED];
	(drf) =	srem.u32 s10, s24  }
0x511: {  	(v2sf) =	vpush v44, $0x6;
	v8 =	vsel vm8, s19, v8;
	s11 =	spop (drf);
	s10 =	sld [smem:$0x7EE]  }
0x512: {  	s13 =	simm.s32 $0x0;
	(drf) =	srem.u32 s12, s23;
	v8 =	vsel vm9, s11, v8;
	s11 =	sld [smem:$0x7EF]  }
0x513: {  	(v2sf) =	vpush v44, $0x7;
	v51 =	vld.idx.msk [tilespmem:v6+s13+$0x0], $0xffff;
	s14 =	spop (drf);
	s13 =	sld [smem:$0x7F0]  }
0x514: {  	(drf) =	srem.u32 s17, s26;
	s18 =	spop (drf)  }
0x515: {  	v8 =	vsel vm10, s14, v8;
	s14 =	sld [smem:$0x7F1];
	s19 =	spop (drf)  }
0x516: {  	s30 =	smov.u32 s1;
	(drf) =	srem.u32 s10, s25;
	s1 =	spop (drf)  }
0x517: {  	v8 =	vsel vm11, s18, v8;
	s18 =	sld [smem:$0x7F2];
	s15 =	spop (v2sf)  }
0x518: {  	v8 =	vsel vm12, s19, v8;
	s19 =	sld [smem:$0x7F3];
	s8 =	spop (drf)  }
0x519: {  	(v2sf) =	vpush v44, $0x8;
	v6 =	vadd.s32 v0, v6;
	s17 =	spop (drf);
	(drf) =	srem.u32 s11, s3  }
0x51a: {  	v6 =	vmul.u32 $0x6, v6;
	v8 =	vsel vm13, s1, v8;
	s12 =	spop (drf);
	(drf) =	srem.u32 s13, s4  }
0x51b: {  	vm15 =	vlt.s32 v5, v3;
	s16 =	smov.u32 s3;
	(v2sf) =	vpush v44, $0x9;
	v8 =	vsel vm14, s8, v8;
	s8 =	spop (drf);
	(drf) =	srem.u32 s14, s9  }
0x51c: {  	v52 =	vor.u32 $0x1, v6;
	[tilespmem:$0x84D0] =	vst v6;
	v6 =	vadd.s32 $0x2, v6;
	s3 =	smov.u32 s9;
	v55 =	vmov s12;
	s12 =	sld [smem:$0x7F4];
	s9 =	spop (drf)  }
0x51d: {  	s10 =	smov.u32 s2;
	[tilespmem:$0x8550] =	vst v52;
	v9 =	vmul.u32 $0x3, v51;
	v5 =	vsel vm15, v5, v8;
	(drf) =	srem.u32 s18, s21;
	v56 =	vsel vm0, s17, v55;
	s17 =	sld [smem:$0x7F5]  }
0x51e: {  	[tilespmem:$0x85D0] =	vst v6;
	s11 =	smov.u32 s4;
	s4 =	spop (drf);
	(drf) =	srem.u32 s19, s0  }
0x51f: {  	v53 =	vadd.s32 $0x1, v9;
	[tilespmem:$0x8AD0] =	vst v9;
	s1 =	spop (v2sf);
	s13 =	simm.s32 $0x4010;
	(drf) =	srem.u32 s12, s29  }
0x520: {  	v54 =	vadd.s32 $0x2, v9;
	[tilespmem:$0x8B50] =	vst v53;
	s14 =	smov.u32 s0;
	s0 =	spop (v2sf);
	v6 =	vsel vm1, s8, v56;
	(drf) =	srem.u32 s17, s10  }
0x521: {  	[tilespmem:$0x8BD0] =	vst v54;
	v6 =	vsel vm2, s9, v6;
	s9 =	smov.u32 s5;
	(drf) =	srem.u32 s6, s5;
	s5 =	sld [smem:$0x7F6]  }
0x522: {  	s12 =	spop (v2sf);
	v5 =	vld.idx.msk [tilespmem:v5+s13+$0x0], $0xffff  }
0x523: {  	v6 =	vsel vm3, s4, v6;
	s6 =	spop (drf)  }
0x524: {  	(v2sf) =	vpush v44, $0xA;
	s8 =	smov.u32 s28;
	v6 =	vsel vm4, s6, v6;
	(drf) =	srem.u32 s5, s28;
	s28 =	spop (drf)  }
0x525: {  	(v2sf) =	vpush v44, $0xB;
	s2 =	spop (drf);
	v6 =	vsel vm5, s28, v6  }
0x526: {  	(v2sf) =	vpush v44, $0xC;
	s6 =	spop (drf);
	v6 =	vsel vm6, s2, v6  }
0x527: {  	s28 =	spop (drf);
	v6 =	vsel vm7, s6, v6  }
0x528: {  	s13 =	spop (v2sf);
	(v2sf) =	vpush v44, $0xD;
	v6 =	vsel vm8, s28, v6;
	s28 =	sld [smem:$0x7F7]  }
0x529: {  	(drf) =	srem.u32 s7, s30;
	s2 =	simm.s32 $0x0;
	s4 =	spop (drf)  }
0x52a: {  	v57 =	vld.idx.msk [tilespmem:v5+s2+$0x0], $0xffff;
	s2 =	spop (v2sf);
	(v2sf) =	vpush v44, $0xE  }
0x52b: {  	(drf) =	srem.u32 s28, s31;
	s31 =	sld [smem:$0x7F8]  }
0x52c: {  	s6 =	spop (drf);
	v6 =	vsel vm9, s4, v6  }
0x52d: {  	v6 =	vsel vm10, s6, v6;
	s6 =	spop (drf)  }
0x52e: {  	(drf) =	srem.u32 s31, s22;
	s22 =	sld [smem:$0x7F9]  }
0x52f: {  	v6 =	vsel vm11, s6, v6;
	s6 =	sld [smem:$0x7FA];
	s31 =	spop (drf)  }
0x530: {  	v6 =	vsel vm12, s31, v6;
	s31 =	sld [smem:$0x7FB]  }
0x531: {  	(drf) =	srem.u32 s22, s24;
	s24 =	spop (drf)  }
0x532: {  	(drf) =	srem.u32 s6, s23;
	s5 =	spop (drf)  }
0x533: {  	v5 =	vadd.s32 v0, v5;
	s6 =	spop (v2sf);
	(drf) =	srem.u32 s31, s26  }
0x534: {  	v5 =	vmul.u32 $0x6, v5;
	s4 =	spop (v2sf);
	(drf) =	srem.u32 s15, s25  }
0x535: {  	vm15 =	vlt.s32 v4, v3;
	v6 =	vsel vm13, s24, v6;
	(drf) =	srem.u32 s1, s16;
	s1 =	spop (v2sf)  }
0x536: {  	[tilespmem:$0x84E0] =	vst v5;
	v58 =	vor.u32 $0x1, v5;
	v8 =	vmul.u32 $0x3, v57;
	v6 =	vsel vm14, s5, v6;
	s16 =	spop (drf);
	(drf) =	srem.u32 s0, s11  }
0x537: {  	v5 =	vadd.s32 $0x2, v5;
	[tilespmem:$0x8560] =	vst v58;
	v4 =	vsel vm15, v4, v6;
	s0 =	spop (v2sf);
	(drf) =	srem.u32 s12, s3  }
0x538: {  	[tilespmem:$0x85E0] =	vst v5;
	v5 =	vadd.s32 $0x2, v8;
	(drf) =	srem.u32 s13, s21;
	s21 =	spop (drf)  }
0x539: {  	[tilespmem:$0x8BE0] =	vst v5;
	(drf) =	srem.u32 s2, s14;
	v5 =	vmov s21;
	s21 =	spop (v2sf)  }
0x53a: {  	[tilespmem:$0x8AE0] =	vst v8;
	v59 =	vadd.s32 $0x1, v8;
	s25 =	spop (drf);
	(drf) =	srem.u32 s6, s29;
	v5 =	vsel vm0, s16, v5  }
0x53b: {  	[tilespmem:$0x8B60] =	vst v59;
	s24 =	simm.s32 $0x4010;
	s31 =	spop (drf);
	(drf) =	srem.u32 s4, s10;
	v5 =	vsel vm1, s25, v5  }
0x53c: {  	v4 =	vld.idx.msk [tilespmem:v4+s24+$0x0], $0xffff;
	s12 =	spop (drf);
	(drf) =	srem.u32 s1, s9;
	v5 =	vsel vm2, s31, v5  }
0x53d: {  	s14 =	spop (drf);
	(drf) =	srem.u32 s0, s8;
	v5 =	vsel vm3, s12, v5  }
0x53e: {  	(drf) =	srem.u32 s21, s30;
	s24 =	spop (drf);
	v5 =	vsel vm4, s14, v5  }
0x53f: {  	s25 =	spop (drf);
	v5 =	vsel vm5, s24, v5  }
0x540: {  	s29 =	spop (drf);
	v5 =	vsel vm6, s25, v5  }
0x541: {  	s30 =	spop (drf);
	v5 =	vsel vm7, s29, v5  }
0x542: {  	s31 =	spop (drf);
	v5 =	vsel vm8, s30, v5  }
0x543: {  	s16 =	simm.s32 $0x0;
	s4 =	spop (drf);
	v5 =	vsel vm9, s31, v5  }
0x544: {  	v6 =	vld.idx.msk [tilespmem:v4+s16+$0x0], $0xffff;
	s8 =	spop (drf);
	v5 =	vsel vm10, s4, v5  }
0x545: {  	v4 =	vadd.s32 v0, v4;
	s9 =	spop (drf);
	v5 =	vsel vm11, s8, v5  }
0x546: {  	v4 =	vmul.u32 $0x6, v4;
	s10 =	spop (drf);
	v5 =	vsel vm12, s9, v5  }
0x547: {  	v5 =	vsel vm13, s10, v5;
	s12 =	spop (drf)  }
0x548: {  	vm15 =	vlt.s32 v44, v3;
	v60 =	vor.u32 $0x1, v4;
	[tilespmem:$0x84F0] =	vst v4;
	v5 =	vsel vm14, s12, v5  }
0x549: {  	v4 =	vadd.s32 $0x2, v4;
	[tilespmem:$0x8570] =	vst v60;
	v6 =	vmul.u32 $0x3, v6;
	v5 =	vsel vm15, v44, v5  }
0x54a: {  	[tilespmem:$0x85F0] =	vst v4  }
0x54b: {  	v61 =	vadd.s32 $0x1, v6;
	[tilespmem:$0x8AF0] =	vst v6  }
0x54c: {  	v4 =	vadd.s32 $0x2, v6;
	[tilespmem:$0x8B70] =	vst v61  }
0x54d: {  	s13 =	simm.s32 $0x4010;
	[tilespmem:$0x8BF0] =	vst v4  }
0x54e: {  	v4 =	vld.idx.msk [tilespmem:v5+s13+$0x0], $0xffff;
	_ =	sdelay $0x7  }
0x54f: {  	v5 =	vld.idx.msk [tilespmem:v4+s16+$0x0], $0xffff  }
0x550: {  	v4 =	vadd.s32 v0, v4  }
0x551: {  	v4 =	vmul.u32 $0x6, v4;
	_ =	sdelay $0x1  }
0x552: {  	[tilespmem:$0x8500] =	vst v4;
	v62 =	vor.u32 $0x1, v4  }
0x553: {  	v4 =	vadd.s32 $0x2, v4;
	[tilespmem:$0x8580] =	vst v62;
	v5 =	vmul.u32 $0x3, v5  }
0x554: {  	[tilespmem:$0x8600] =	vst v4  }
0x555: {  	[tilespmem:$0x8B00] =	vst v5;
	v63 =	vadd.s32 $0x1, v5  }
0x556: {  	s6 =	rddreg [dreg:$0x1c];
	v4 =	vadd.s32 $0x2, v5;
	[tilespmem:$0x8B80] =	vst v63  }
0x557: {  	s18 =	simm.s32 $0x8C10;
	s7 =	simm.s32 $0x80;
	s13 =	rddreg [dreg:$0x4];
	[tilespmem:$0x8C00] =	vst v4  }
0x558: {  	[tilespmem:s18], [sflag:$0x1] =	stream.indirect.gather [hbm4b:s6+s7], $0x1, s13, s7, $0xb8;
	[tilespmem:$0x9210] =	vst v63  }
0x559: {  	s17 =	simm.s32 $0x8C90;
	s14 =	rddreg [dreg:$0x5]  }
0x55a: {  	[tilespmem:s17], [sflag:$0x1] =	stream.indirect.gather [hbm4b:s6+s7], $0x1, s14, s7, $0xb8;
	[tilespmem:$0x9210] =	vst v63  }
0x55b: {  	s11 =	simm.s32 $0x8D10;
	s16 =	rddreg [dreg:$0x6]  }
0x55c: {  	[tilespmem:s11], [sflag:$0x1] =	stream.indirect.gather [hbm4b:s6+s7], $0x1, s16, s7, $0xb8;
	[tilespmem:$0x9210] =	vst v63  }
0x55d: {  	s28 =	simm.s32 $0x8D90;
	s21 =	rddreg [dreg:$0x7]  }
0x55e: {  	[tilespmem:s28], [sflag:$0x1] =	stream.indirect.gather [hbm4b:s6+s7], $0x1, s21, s7, $0xb8;
	[tilespmem:$0x9210] =	vst v63  }
0x55f: {  	s23 =	simm.s32 $0x8E10;
	s24 =	rddreg [dreg:$0x8]  }
0x560: {  	[tilespmem:s23], [sflag:$0x1] =	stream.indirect.gather [hbm4b:s6+s7], $0x1, s24, s7, $0xb8;
	[tilespmem:$0x9210] =	vst v63  }
0x561: {  	s26 =	simm.s32 $0x8E90;
	s25 =	rddreg [dreg:$0x9]  }
0x562: {  	[tilespmem:s26], [sflag:$0x1] =	stream.indirect.gather [hbm4b:s6+s7], $0x1, s25, s7, $0xb8;
	[tilespmem:$0x9210] =	vst v63  }
0x563: {  	s22 =	simm.s32 $0x8F10;
	s29 =	rddreg [dreg:$0xa]  }
0x564: {  	[tilespmem:s22], [sflag:$0x1] =	stream.indirect.gather [hbm4b:s6+s7], $0x1, s29, s7, $0xb8;
	[tilespmem:$0x9210] =	vst v63  }
0x565: {  	s15 =	simm.s32 $0x8F90;
	s30 =	rddreg [dreg:$0xb]  }
0x566: {  	[tilespmem:s15], [sflag:$0x1] =	stream.indirect.gather [hbm4b:s6+s7], $0x1, s30, s7, $0xb8;
	[tilespmem:$0x9210] =	vst v63  }
0x567: {  	s3 =	simm.s32 $0x9010;
	s31 =	rddreg [dreg:$0xc]  }
0x568: {  	[tilespmem:s3], [sflag:$0x1] =	stream.indirect.gather [hbm4b:s6+s7], $0x1, s31, s7, $0xb8;
	[tilespmem:$0x9210] =	vst v63  }
0x569: {  	s19 =	simm.s32 $0x9090;
	s2 =	rddreg [dreg:$0xd]  }
0x56a: {  	[tilespmem:s19], [sflag:$0x1] =	stream.indirect.gather [hbm4b:s6+s7], $0x1, s2, s7, $0xb8;
	[tilespmem:$0x9210] =	vst v63  }
0x56b: {  	s8 =	rddreg [dreg:$0xe];
	s10 =	simm.s32 $0x9110  }
0x56c: {  	[tilespmem:s10], [sflag:$0x1] =	stream.indirect.gather [hbm4b:s6+s7], $0x1, s8, s7, $0xb8;
	[tilespmem:$0x9210] =	vst v63  }
0x56d: {  	s20 =	simm.s32 $0x1;
	s9 =	rddreg [dreg:$0xf];
	s12 =	simm.s32 $0x9190  }
0x56e: {  	[tilespmem:s12], [sflag:$0x1] =	stream.indirect.gather [hbm4b:s6+s7], $0x1, s9, s7, $0xb8;
	[tilespmem:$0x9210] =	vst v63  }
0x56f: {  	s5 =	rddreg [dreg:$0x0];
	_ =	swait.ge [sflag:s20], $0x80  }
0x570: {  	[sflag:s20] =	ssyncset.done $0x0  }
0x571: {  	[sflag:s20] =	ssyncadd.s32 $0xFFFFFF80  }
0x572: {  	_ =	swait.ge [sflag:s20], $0x80  }
0x573: {  	[sflag:s20] =	ssyncset.done $0x0  }
0x574: {  	[sflag:s20] =	ssyncadd.s32 $0xFFFFFF80  }
0x575: {  	_ =	swait.ge [sflag:s20], $0x80  }
0x576: {  	[sflag:s20] =	ssyncset.done $0x0  }
0x577: {  	[sflag:s20] =	ssyncadd.s32 $0xFFFFFF80  }
0x578: {  	_ =	swait.ge [sflag:s20], $0x80  }
0x579: {  	[sflag:s20] =	ssyncset.done $0x0  }
0x57a: {  	[sflag:s20] =	ssyncadd.s32 $0xFFFFFF80  }
0x57b: {  	_ =	swait.ge [sflag:s20], $0x80  }
0x57c: {  	[sflag:s20] =	ssyncset.done $0x0  }
0x57d: {  	[sflag:s20] =	ssyncadd.s32 $0xFFFFFF80  }
0x57e: {  	_ =	swait.ge [sflag:s20], $0x80  }
0x57f: {  	[sflag:s20] =	ssyncset.done $0x0  }
0x580: {  	[sflag:s20] =	ssyncadd.s32 $0xFFFFFF80  }
0x581: {  	_ =	swait.ge [sflag:s20], $0x80  }
0x582: {  	[sflag:s20] =	ssyncset.done $0x0  }
0x583: {  	[sflag:s20] =	ssyncadd.s32 $0xFFFFFF80  }
0x584: {  	_ =	swait.ge [sflag:s20], $0x80  }
0x585: {  	[sflag:s20] =	ssyncset.done $0x0  }
0x586: {  	[sflag:s20] =	ssyncadd.s32 $0xFFFFFF80  }
0x587: {  	_ =	swait.ge [sflag:s20], $0x80  }
0x588: {  	[sflag:s20] =	ssyncset.done $0x0  }
0x589: {  	[sflag:s20] =	ssyncadd.s32 $0xFFFFFF80  }
0x58a: {  	_ =	swait.ge [sflag:s20], $0x80  }
0x58b: {  	[sflag:s20] =	ssyncset.done $0x0  }
0x58c: {  	[sflag:s20] =	ssyncadd.s32 $0xFFFFFF80  }
0x58d: {  	_ =	swait.ge [sflag:s20], $0x80  }
0x58e: {  	[sflag:s20] =	ssyncset.done $0x0  }
0x58f: {  	[sflag:s20] =	ssyncadd.s32 $0xFFFFFF80  }
0x590: {  	_ =	swait.ge [sflag:s20], $0x80  }
0x591: {  	[sflag:s20] =	ssyncset.done $0x0  }
0x592: {  	s13 =	rddreg [dreg:$0x10];
	[sflag:s20] =	ssyncadd.s32 $0xFFFFFF80  }
0x593: {  	[hbm4b:s5+s7] =	stream.indirect.scatter [tilespmem:s18], [sflag:$0x2], $0x1, s13, s7, $0xb8;
	[tilespmem:$0x9210] =	vst v63  }
0x594: {  	s14 =	rddreg [dreg:$0x11]  }
0x595: {  	[hbm4b:s5+s7] =	stream.indirect.scatter [tilespmem:s17], [sflag:$0x2], $0x1, s14, s7, $0xb8;
	[tilespmem:$0x9210] =	vst v63  }
0x596: {  	s16 =	rddreg [dreg:$0x12]  }
0x597: {  	[hbm4b:s5+s7] =	stream.indirect.scatter [tilespmem:s11], [sflag:$0x2], $0x1, s16, s7, $0xb8;
	[tilespmem:$0x9210] =	vst v63  }
0x598: {  	s17 =	rddreg [dreg:$0x13]  }
0x599: {  	[hbm4b:s5+s7] =	stream.indirect.scatter [tilespmem:s28], [sflag:$0x2], $0x1, s17, s7, $0xb8;
	[tilespmem:$0x9210] =	vst v63  }
0x59a: {  	s18 =	rddreg [dreg:$0x14]  }
0x59b: {  	[hbm4b:s5+s7] =	stream.indirect.scatter [tilespmem:s23], [sflag:$0x2], $0x1, s18, s7, $0xb8;
	[tilespmem:$0x9210] =	vst v63  }
0x59c: {  	s20 =	rddreg [dreg:$0x15]  }
0x59d: {  	[hbm4b:s5+s7] =	stream.indirect.scatter [tilespmem:s26], [sflag:$0x2], $0x1, s20, s7, $0xb8;
	[tilespmem:$0x9210] =	vst v63  }
0x59e: {  	s21 =	rddreg [dreg:$0x16]  }
0x59f: {  	[hbm4b:s5+s7] =	stream.indirect.scatter [tilespmem:s22], [sflag:$0x2], $0x1, s21, s7, $0xb8;
	[tilespmem:$0x9210] =	vst v63  }
0x5a0: {  	s23 =	rddreg [dreg:$0x17]  }
0x5a1: {  	[hbm4b:s5+s7] =	stream.indirect.scatter [tilespmem:s15], [sflag:$0x2], $0x1, s23, s7, $0xb8;
	[tilespmem:$0x9210] =	vst v63  }
0x5a2: {  	s24 =	rddreg [dreg:$0x18]  }
0x5a3: {  	[hbm4b:s5+s7] =	stream.indirect.scatter [tilespmem:s3], [sflag:$0x2], $0x1, s24, s7, $0xb8;
	[tilespmem:$0x9210] =	vst v63  }
0x5a4: {  	s25 =	rddreg [dreg:$0x19]  }
0x5a5: {  	[hbm4b:s5+s7] =	stream.indirect.scatter [tilespmem:s19], [sflag:$0x2], $0x1, s25, s7, $0xb8;
	[tilespmem:$0x9210] =	vst v63  }
0x5a6: {  	s26 =	rddreg [dreg:$0x1a]  }
0x5a7: {  	[hbm4b:s5+s7] =	stream.indirect.scatter [tilespmem:s10], [sflag:$0x2], $0x1, s26, s7, $0xb8;
	[tilespmem:$0x9210] =	vst v63  }
0x5a8: {  	s29 =	simm.s32 $0x2;
	s28 =	rddreg [dreg:$0x1b]  }
0x5a9: {  	[hbm4b:s5+s7] =	stream.indirect.scatter [tilespmem:s12], [sflag:$0x2], $0x1, s28, s7, $0xb8;
	[tilespmem:$0x9210] =	vst v63  }
0x5aa: {  	_ =	swait.ge [sflag:s29], $0x80  }
0x5ab: {  	[sflag:s29] =	ssyncset.done $0x0  }
0x5ac: {  	[sflag:s29] =	ssyncadd.s32 $0xFFFFFF80  }
0x5ad: {  	_ =	swait.ge [sflag:s29], $0x80  }
0x5ae: {  	[sflag:s29] =	ssyncset.done $0x0  }
0x5af: {  	[sflag:s29] =	ssyncadd.s32 $0xFFFFFF80  }
0x5b0: {  	_ =	swait.ge [sflag:s29], $0x80  }
0x5b1: {  	[sflag:s29] =	ssyncset.done $0x0  }
0x5b2: {  	[sflag:s29] =	ssyncadd.s32 $0xFFFFFF80  }
0x5b3: {  	_ =	swait.ge [sflag:s29], $0x80  }
0x5b4: {  	[sflag:s29] =	ssyncset.done $0x0  }
0x5b5: {  	[sflag:s29] =	ssyncadd.s32 $0xFFFFFF80  }
0x5b6: {  	_ =	swait.ge [sflag:s29], $0x80  }
0x5b7: {  	[sflag:s29] =	ssyncset.done $0x0  }
0x5b8: {  	[sflag:s29] =	ssyncadd.s32 $0xFFFFFF80  }
0x5b9: {  	_ =	swait.ge [sflag:s29], $0x80  }
0x5ba: {  	[sflag:s29] =	ssyncset.done $0x0  }
0x5bb: {  	[sflag:s29] =	ssyncadd.s32 $0xFFFFFF80  }
0x5bc: {  	_ =	swait.ge [sflag:s29], $0x80  }
0x5bd: {  	[sflag:s29] =	ssyncset.done $0x0  }
0x5be: {  	[sflag:s29] =	ssyncadd.s32 $0xFFFFFF80  }
0x5bf: {  	_ =	swait.ge [sflag:s29], $0x80  }
0x5c0: {  	[sflag:s29] =	ssyncset.done $0x0  }
0x5c1: {  	[sflag:s29] =	ssyncadd.s32 $0xFFFFFF80  }
0x5c2: {  	_ =	swait.ge [sflag:s29], $0x80  }
0x5c3: {  	[sflag:s29] =	ssyncset.done $0x0  }
0x5c4: {  	[sflag:s29] =	ssyncadd.s32 $0xFFFFFF80  }
0x5c5: {  	_ =	swait.ge [sflag:s29], $0x80  }
0x5c6: {  	[sflag:s29] =	ssyncset.done $0x0  }
0x5c7: {  	[sflag:s29] =	ssyncadd.s32 $0xFFFFFF80  }
0x5c8: {  	_ =	swait.ge [sflag:s29], $0x80  }
0x5c9: {  	[sflag:s29] =	ssyncset.done $0x0  }
0x5ca: {  	[sflag:s29] =	ssyncadd.s32 $0xFFFFFF80  }
0x5cb: {  	_ =	swait.ge [sflag:s29], $0x80  }
0x5cc: {  	s30 =	sld [smem:$0x7FC];
	_ =	sdelay $0x2  }
0x5cd: {  	p1 =	sne.s32 s30, $0x3FF0  }
.Ltmp4:
0x5ce: {  	_ = 	snop;
	(pc) =	sbr.rel @p1 .LBB2_5-.Ltmp4, $3  }
0x5cf: {  	s31 =	sld [smem:$0x7FC];
	_ =	sdelay $0x1  }
0x5d0: {  	[sflag:s29] =	ssyncset.done $0x0  }
0x5d1: {  	[sflag:s29] =	ssyncadd.s32 $0xFFFFFF80;
	s0 =	sadd.s32 $0x200, s31  }
.Ltmp5:
0x5d2: {  	_ = 	snop;
	(pc) =	sbr.rel .LBB2_6-.Ltmp5, $1  }
0x5d3: {  	_ =	sdelay $0x3  }
.LBB2_7:
0x5d4: {  	_ =	sfence.sel $0x180000  }
0x5d5: {  	[bflag:$0x0] =	sbarrier.arrive $0xFFFF  }
0x5d6: {  	_ =	strace $0x90000047  }
0x5d7: {  	s0 =	stileid.u32;
	[bflag:$0x2] =	sbarrier.arrive $0xFFFF  }
0x5d8: {  	p0 =	sne.s32 s0, $0x0;
	s0 =	rddreg [dreg:$0x3]  }
0x5d9: {  	s0 =	sadd.s32 @!p0 $0x100000, s0  }
0x5da: {  	[sflag:s0] =	ssyncadd.tile.s32 @!p0 $0x1;
	_ =	shalt  }
.Lfunc_end2:
_tile_overlayer_lowered:
.L_overlay_start_2:
0x5db: {  	(tag) =	ssettag $0x2  }
0x5dc: {  	s0 =	rddreg [dreg:$0x0];
	s2 =	stileid.u32  }
0x5dd: {  	s1 =	rddreg [dreg:$0x1];
	p0 =	sne.s32 s2, $0x0  }
0x5de: {  	s3 =	rddreg [dreg:$0x2];
	[bflag:$0x3] =	sbarrier.arrive $0xFFFF;
	s2 =	simm.s32 @!p0 $0x1C03  }
0x5df: {  	[timem:s3], [sflag:s2] =	dma.local @!p0 [hbm:s0], s1  }
0x5e0: {  	s0 =	simm.s32 @!p0 $0x3  }
0x5e1: {  	_ =	swait.ge @!p0 [sflag:s0], s1  }
0x5e2: {  	s1 =	ssub.s32 @!p0 $0x0, s1;
	[sflag:s0] =	ssyncset.done @!p0 $0x0  }
0x5e3: {  	[sflag:s0] =	ssyncadd.s32 @!p0 s1  }
0x5e4: {  	[bflag:$0x3] =	sbarrier.arrive $0xFFFF  }
0x5e5: {  	_ =	shalt  }

</sc_bundles>
